<compile_context>
chip_gen: v7x
topology: tpu7x:2x2x1
jax: 0.10.2.dev20260603
libtpu: 0.0.44.dev20260713+nightly
codegen_flags: <defaults>
</compile_context>

<pallas_src>
import functools

import jax
import jax.numpy as jnp
from jax import lax
from jax.experimental import pallas as pl
from jax.experimental.pallas import tpu as pltpu
from jax.experimental.pallas import tpu_sc as plsc

E = 65536
N = 2048
EDGE_DIM = 16
H = 8
KEYS = N * N
NC = 2
NS = 16
NW = NC * NS
RANGE = KEYS // NW
ZROWS = 512
KCH = 8192
MCAP = 8192
BM = 2048
NBMAX = MCAP // BM
SUBR = 16384
WELEMS = 8192
WR8 = WELEMS // 8
WR128 = WELEMS // 128
NWIN = RANGE * H // WELEMS


def _mlp_body(ei_ref, x_ref, w1_ref, b1_ref, w2_ref, b2_ref, eb_ref, key_ref):
    h = jnp.maximum(
        jnp.dot(x_ref[...], w1_ref[...], preferred_element_type=jnp.float32)
        + b1_ref[...], 0.0)
    eb_ref[...] = (
        jnp.dot(h, w2_ref[...], preferred_element_type=jnp.float32)
        + b2_ref[...])
    k = ei_ref[0, :] * N + ei_ref[1, :]
    key_ref[...] = k.reshape(key_ref.shape)


_G = 8
_EB = E // _G


_mlp_call = pl.pallas_call(
    _mlp_body,
    grid=(_G,),
    in_specs=[
        pl.BlockSpec((2, _EB), lambda g: (0, g)),
        pl.BlockSpec((_EB, EDGE_DIM), lambda g: (g, 0)),
        pl.BlockSpec((EDGE_DIM, EDGE_DIM), lambda g: (0, 0)),
        pl.BlockSpec((1, EDGE_DIM), lambda g: (0, 0)),
        pl.BlockSpec((EDGE_DIM, H), lambda g: (0, 0)),
        pl.BlockSpec((1, H), lambda g: (0, 0)),
    ],
    out_specs=[
        pl.BlockSpec((_EB, H), lambda g: (g, 0)),
        pl.BlockSpec((_EB // 128, 128), lambda g: (g, 0)),
    ],
    out_shape=[
        jax.ShapeDtypeStruct((E, H), jnp.float32),
        jax.ShapeDtypeStruct((E // 128, 128), jnp.int32),
    ],
)


_SH16 = 11


def _midx(pos):
    sh = jnp.full((16,), _SH16, jnp.int32)
    mskc = jnp.full((16,), BM - 1, jnp.int32)
    return [pos >> sh, pos & mskc]


def _sc_body(keys_hbm, ebias_hbm, zeros_hbm, scr_hbm, out_hbm,
             zbuf, kbuf, mkeys, mids, rows, tagv, kmask, wbuf, wtbuf,
             zsem, ksem, gsem, ssem, rsem, wsem):
    cid = lax.axis_index("c")
    sid = lax.axis_index("s")
    wid = sid * NC + cid
    lo = wid * RANGE
    hi = lo + RANGE

    pltpu.sync_copy(zeros_hbm, zbuf)

    def fire_zero(i, _):
        pltpu.make_async_copy(
            zbuf, scr_hbm.at[pl.ds(lo + i * ZROWS, ZROWS)], zsem).start()
        return 0

    lax.fori_loop(0, RANGE // ZROWS, fire_zero, 0)

    def drain_zero(i, _):
        pltpu.make_async_copy(
            zbuf, scr_hbm.at[pl.ds(lo + i * ZROWS, ZROWS)], zsem).wait()
        return 0

    iota = lax.broadcasted_iota(jnp.int32, (16,), 0)

    lo16 = jnp.full((16,), lo, jnp.int32)
    hi16 = jnp.full((16,), hi, jnp.int32)
    one16 = jnp.full((16,), 1, jnp.int32)
    cap16 = jnp.full((16,), MCAP - 1, jnp.int32)

    def read_chunk(c, buf):
        return pltpu.make_async_copy(
            keys_hbm.at[pl.ds(c * KCH, KCH)], buf, ksem)

    read_chunk(0, kbuf.at[0]).start()

    def scan_chunk(c, m):
        kb = kbuf.at[c & 1]
        read_chunk(c, kb).wait()

        @pl.when(c + 1 < E // KCH)
        def _():
            read_chunk(c + 1, kbuf.at[(c + 1) & 1]).start()

        cbase = c * KCH

        @plsc.parallel_loop(0, KCH // 16, unroll=4, carry=m)
        def scan_vreg(j, m):
            k16 = kb[pl.ds(j * 16, 16)]
            msk = (k16 >= lo16) & (k16 < hi16)
            c16 = jnp.cumsum(msk.astype(jnp.int32))
            m16 = jnp.full((16,), m, jnp.int32)
            pos = jnp.minimum(m16 + c16 - one16, cap16)
            e16 = jnp.full((16,), cbase + j * 16, jnp.int32) + iota
            plsc.store_scatter(mkeys, _midx(pos), k16, mask=msk)
            plsc.store_scatter(mids, _midx(pos), e16, mask=msk)
            return jnp.minimum(m + jnp.max(c16), MCAP)

        return scan_vreg

    m = lax.fori_loop(0, E // KCH, scan_chunk, jnp.int32(0))

    mm116 = jnp.full((16,), jnp.maximum(m - 1, 0), jnp.int32)
    zero16 = jnp.full((16,), 0, jnp.int32)
    sr16 = jnp.full((16,), SUBR, jnp.int32)
    nv = (m + 15) >> 4

    six16 = jnp.full((16,), 16, jnp.int32)

    def keep_vreg(v, _):
        pos16 = jnp.full((16,), v * 16, jnp.int32) + iota
        valid = pos16 <= mm116
        pos_c = jnp.minimum(pos16, mm116)
        kk = plsc.load_gather(mkeys, _midx(pos_c))
        keep = valid
        for sh in range(1, 16):
            shv = jnp.full((16,), sh, jnp.int32)
            ok = ((iota + shv) < six16) & ((pos16 + shv) <= mm116)
            rot = plsc.load_gather(
                mkeys, _midx(jnp.minimum(pos_c + shv, mm116)))
            keep = keep & ~((rot == kk) & ok)
        kmask[pl.ds(v * 16, 16)] = keep.astype(jnp.int32)
        return 0

    lax.fori_loop(0, nv, keep_vreg, 0)

    for s in range(RANGE // SUBR):
        sublo16 = jnp.full((16,), lo + s * SUBR, jnp.int32)
        subhi16 = sublo16 + sr16

        def tag_store(v, _):
            pos16 = jnp.full((16,), v * 16, jnp.int32) + iota
            valid = pos16 <= mm116
            pos_c = jnp.minimum(pos16, mm116)
            kk = plsc.load_gather(mkeys, _midx(pos_c))
            km16 = kmask[pl.ds(v * 16, 16)]
            insub = (valid & (kk >= sublo16) & (kk < subhi16)
                     & (km16 > zero16))
            kidx = jnp.minimum(jnp.maximum(kk - sublo16, zero16),
                               sr16 - one16)
            plsc.store_scatter(tagv, [kidx], pos16, mask=insub)
            return 0

        def id_rewrite(v, _):
            pos16 = jnp.full((16,), v * 16, jnp.int32) + iota
            valid = pos16 <= mm116
            pos_c = jnp.minimum(pos16, mm116)
            kk = plsc.load_gather(mkeys, _midx(pos_c))
            insub = valid & (kk >= sublo16) & (kk < subhi16)
            kidx = jnp.minimum(jnp.maximum(kk - sublo16, zero16),
                               sr16 - one16)
            w16 = plsc.load_gather(tagv, [kidx])
            w_c = jnp.minimum(jnp.maximum(w16, zero16), mm116)
            wid16 = plsc.load_gather(mids, _midx(w_c))
            plsc.store_scatter(mids, _midx(pos_c), wid16, mask=insub)
            return 0

        lax.fori_loop(0, nv, tag_store, 0)
        lax.fori_loop(0, nv, id_rewrite, 0)

    key_last = plsc.load_gather(mkeys, _midx(mm116))
    id_last = plsc.load_gather(mids, _midx(mm116))
    nb = (m + BM - 1) >> 11

    def pad_slot(j, _):
        posv = j * 16 + iota
        pmsk = posv >= m
        plsc.store_scatter(mkeys, _midx(posv), key_last, mask=pmsk)
        plsc.store_scatter(mids, _midx(posv), id_last, mask=pmsk)
        return 0

    lax.fori_loop(m >> 4, nb << 7, pad_slot, 0)

    lax.fori_loop(0, RANGE // ZROWS, drain_zero, 0)

    def do_batch(b, _):
        g = pltpu.make_async_copy(ebias_hbm.at[mids.at[b]], rows, gsem)
        g.start()
        g.wait()
        s = pltpu.make_async_copy(rows, scr_hbm.at[mkeys.at[b]], ssem)
        s.start()
        s.wait()
        return 0

    lax.fori_loop(0, nb, do_batch, 0)

    r8_0 = lo
    r128_0 = lo // 16
    patt16 = (iota & jnp.full((16,), 7, jnp.int32)) * jnp.full(
        (16,), 128, jnp.int32) + (iota >> jnp.full((16,), 3, jnp.int32))
    iod8 = iota >> jnp.full((16,), 3, jnp.int32)
    ioc7 = iota & jnp.full((16,), 7, jnp.int32)
    sh7 = jnp.full((16,), 7, jnp.int32)
    m127 = jnp.full((16,), 127, jnp.int32)

    def read_win(w, buf):
        return pltpu.make_async_copy(
            scr_hbm.at[pl.ds(r8_0 + w * WR8, WR8)], buf, rsem)

    def write_win(w, buf):
        return pltpu.make_async_copy(
            buf, out_hbm.at[pl.ds(r128_0 + w * WR128, WR128)], wsem)

    read_win(0, wbuf.at[0]).start()

    def do_window(w, _):
        wb = wbuf.at[w & 1]
        wt = wtbuf.at[w & 1]
        read_win(w, wb).wait()

        @pl.when(w + 1 < NWIN)
        def _():
            read_win(w + 1, wbuf.at[(w + 1) & 1]).start()

        @pl.when(w >= 2)
        def _():
            write_win(w - 2, wtbuf.at[w & 1]).wait()

        @plsc.parallel_loop(0, WELEMS // 16, unroll=8)
        def tx_vreg(v):
            r16 = jnp.full((16,), v * 2, jnp.int32) + iod8
            x16 = plsc.load_gather(wb, [r16, ioc7])
            base = (v >> 6) * 1024 + (v & 63) * 2
            idx16 = patt16 + jnp.full((16,), base, jnp.int32)
            plsc.store_scatter(wt, [idx16 >> sh7, idx16 & m127], x16)

        write_win(w, wt).start()
        return 0

    lax.fori_loop(0, NWIN, do_window, 0)
    write_win(NWIN - 2, wtbuf.at[NWIN & 1]).wait()
    write_win(NWIN - 1, wtbuf.at[(NWIN - 1) & 1]).wait()


_sc_call_cache = []


def _sc_call():
    if not _sc_call_cache:
        _sc_call_cache.append(_make_sc_call())
    return _sc_call_cache[0]


def _make_sc_call():
    return functools.partial(
        pl.kernel,
        out_type=[
            jax.ShapeDtypeStruct((KEYS, H), jnp.float32),
            jax.ShapeDtypeStruct((KEYS * H // 128, 128), jnp.float32),
        ],
        mesh=plsc.VectorSubcoreMesh(core_axis_name="c",
                                    subcore_axis_name="s",
                                    num_cores=NC, num_subcores=NS),
        compiler_params=pltpu.CompilerParams(
            needs_layout_passes=False, use_tc_tiling_on_sc=False),
        scratch_types=[
            pltpu.VMEM((ZROWS, H), jnp.float32),
            pltpu.VMEM((2, KCH), jnp.int32),
            pltpu.VMEM((NBMAX, BM), jnp.int32),
            pltpu.VMEM((NBMAX, BM), jnp.int32),
            pltpu.VMEM((BM, H), jnp.float32),
            pltpu.VMEM((SUBR,), jnp.int32),
            pltpu.VMEM((MCAP,), jnp.int32),
            pltpu.VMEM((2, WR8, H), jnp.float32),
            pltpu.VMEM((2, WR128, 128), jnp.float32),
            pltpu.SemaphoreType.DMA,
            pltpu.SemaphoreType.DMA,
            pltpu.SemaphoreType.DMA,
            pltpu.SemaphoreType.DMA,
            pltpu.SemaphoreType.DMA,
            pltpu.SemaphoreType.DMA,
        ],
    )(_sc_body)


def kernel(edge_index, edge_attr, num_nodes, W1, b1, W2, b2):
    ebias, keys2d = _mlp_call(
        edge_index, edge_attr, W1, b1.reshape(1, EDGE_DIM),
        W2, b2.reshape(1, H))
    keys = keys2d.reshape(E)
    zeros_in = jnp.zeros((ZROWS, H), jnp.float32)
    _, t_out = _sc_call()(keys, ebias, zeros_in)
    out4 = t_out.reshape(N, N // 128, H, 128)
    return out4.transpose(0, 1, 3, 2).reshape(N, N, H)

# --- scband reference (transcript-rebuilt; emitter-appended) ---
"""Pipeline reference for scband-edge-encoding-56530359550892 (READ-ONLY COPY).

The authoritative reference and input builder live on the scoring server;
editing this copy changes nothing except your own understanding.
"""

import jax, jax.numpy as jnp
import numpy as np

E = 65536
N = 2048
EDGE_DIM = 16
H = 8


def setup_inputs(seed: int = 0) -> dict:
    key = jax.random.key(seed)
    k1, k2, k3, k4 = jax.random.split(key, 4)
    edge_index = jax.random.randint(k1, (2, E), 0, N, dtype=jnp.int64 if jax.config.jax_enable_x64 else jnp.int32).astype(jnp.int32)
    edge_attr = jax.random.normal(k2, (E, EDGE_DIM), dtype=jnp.float32)
    # xavier_uniform init for the two Linear layers, zero biases (matches _init_weights)
    lim1 = float(np.sqrt(6.0 / (EDGE_DIM + 2 * H)))
    W1 = jax.random.uniform(k3, (EDGE_DIM, 2 * H), minval=-lim1, maxval=lim1, dtype=jnp.float32)
    b1 = jnp.zeros((2 * H,), dtype=jnp.float32)
    lim2 = float(np.sqrt(6.0 / (2 * H + H)))
    W2 = jax.random.uniform(k4, (2 * H, H), minval=-lim2, maxval=lim2, dtype=jnp.float32)
    b2 = jnp.zeros((H,), dtype=jnp.float32)
    return {"edge_index": edge_index, "edge_attr": edge_attr, "num_nodes": N,
            "W1": W1, "b1": b1, "W2": W2, "b2": b2}


def reference(edge_index, edge_attr, num_nodes, W1, b1, W2, b2):
    # edge_proj: Linear -> ReLU -> Linear
    h = jnp.maximum(edge_attr @ W1 + b1, 0.0)
    edge_bias = h @ W2 + b2  # (E, H)
    num_heads = W2.shape[1]
    zero = (jnp.asarray(num_nodes) * 0).astype(edge_bias.dtype)
    bias = jnp.zeros((N, N, num_heads), dtype=edge_bias.dtype) + zero
    # scatter-overwrite: bias[src, dst] = edge_bias
    src = edge_index[0]
    dst = edge_index[1]
    bias = bias.at[src, dst].set(edge_bias)
    return bias

if __name__ == "__main__":
    import jax
    _d = setup_inputs()
    print(jax.jit(kernel)(*tuple(_d.values())))

</pallas_src>

<mosaic_0001>
#map = affine_map<(d0, d1) -> (0)>
#map1 = affine_map<(d0, d1) -> (0, 0)>
module attributes {stable_mosaic.version = 14 : i64} {
  func.func @_sc_body(%arg0: i32, %arg1: i32, %arg2: memref<65536xi32, #tpu.memory_space<hbm>>, %arg3: memref<65536x8xf32, #tpu.memory_space<hbm>>, %arg4: memref<512x8xf32, #tpu.memory_space<hbm>>, %arg5: memref<4194304x8xf32, #tpu.memory_space<hbm>>, %arg6: memref<262144x128xf32, #tpu.memory_space<hbm>>, %arg7: memref<512x8xf32, #tpu.memory_space<vmem>>, %arg8: memref<2x8192xi32, #tpu.memory_space<vmem>>, %arg9: memref<4x2048xi32, #tpu.memory_space<vmem>>, %arg10: memref<4x2048xi32, #tpu.memory_space<vmem>>, %arg11: memref<2048x8xf32, #tpu.memory_space<vmem>>, %arg12: memref<16384xi32, #tpu.memory_space<vmem>>, %arg13: memref<8192xi32, #tpu.memory_space<vmem>>, %arg14: memref<2x1024x8xf32, #tpu.memory_space<vmem>>, %arg15: memref<2x64x128xf32, #tpu.memory_space<vmem>>, %arg16: memref<!tpu.dma_semaphore, #tpu.memory_space<semaphore_mem>>, %arg17: memref<!tpu.dma_semaphore, #tpu.memory_space<semaphore_mem>>, %arg18: memref<!tpu.dma_semaphore, #tpu.memory_space<semaphore_mem>>, %arg19: memref<!tpu.dma_semaphore, #tpu.memory_space<semaphore_mem>>, %arg20: memref<!tpu.dma_semaphore, #tpu.memory_space<semaphore_mem>>, %arg21: memref<!tpu.dma_semaphore, #tpu.memory_space<semaphore_mem>>) attributes {dimension_semantics = [#tpu.dimension_semantics<core_parallel>, #tpu.dimension_semantics<subcore_parallel>], iteration_bounds = array<i64: 2, 16>, scalar_prefetch = 0 : i64, scratch_operands = 15 : i64, tpu.core_type = #tpu.core_type<sc_vector_subcore>, window_params = [{transform_indices = #map}, {transform_indices = #map1}, {transform_indices = #map1}, {transform_indices = #map1}, {transform_indices = #map1}]} {
    %mul3A = arith.constant 2 : i32
    %mul3A_0 = arith.muli %arg1, %mul3A : i32
    %add3A = arith.addi %mul3A_0, %arg0 : i32
    %mul3A_1 = arith.constant 131072 : i32
    %mul3A_2 = arith.muli %add3A, %mul3A_1 : i32
    %add3A_3 = arith.constant 131072 : i32
    %add3A_4 = arith.addi %mul3A_2, %add3A_3 : i32
    "tpu.region"() ({
      %run_scoped3A = tpu.sem_alloc : memref<!tpu.dma_semaphore, #tpu.memory_space<semaphore_mem>>
      tpu.enqueue_dma source(%arg4 : memref<512x8xf32, #tpu.memory_space<hbm>>) target(%arg7 : memref<512x8xf32, #tpu.memory_space<vmem>>) target_semaphore(%run_scoped3A : memref<!tpu.dma_semaphore, #tpu.memory_space<semaphore_mem>>)
      tpu.wait_dma2 semaphore(%run_scoped3A : memref<!tpu.dma_semaphore, #tpu.memory_space<semaphore_mem>>) src(%arg4 : memref<512x8xf32, #tpu.memory_space<hbm>>) dst(%arg7 : memref<512x8xf32, #tpu.memory_space<vmem>>)
      tpu.yield
    }) : () -> ()
    %scan3A = arith.constant 0 : i32
    %scan3A_5 = arith.constant 0 : i32
    %scan3A_6 = arith.constant 256 : i32
    %scan3A_7 = arith.addi %scan3A_5, %scan3A_6 : i32
    %scan3A_8 = arith.constant 1 : i32
    %scan3A_9 = scf.for %scan3A_420 = %scan3A_5 to %scan3A_7 step %scan3A_8 iter_args(%scan3A_421 = %scan3A) -> (i32)  : i32 {
      %mul3A_422 = arith.constant 512 : i32
      %mul3A_423 = arith.muli %scan3A_420, %mul3A_422 : i32
      %add3A_424 = arith.addi %mul3A_2, %mul3A_423 : i32
      %dma_start3A_425 = arith.constant 0 : i32
      %dma_start3A_426 = tpu.memref_slice %arg5[%add3A_424, %dma_start3A_425] : memref<4194304x8xf32, #tpu.memory_space<hbm>> -> memref<512x8xf32, #tpu.memory_space<hbm>>
      %dma_start3A_427 = arith.constant 0 : i32
      %dma_start3A_428 = tpu.memref_slice %arg5[%add3A_424, %dma_start3A_427] : memref<4194304x8xf32, #tpu.memory_space<hbm>> -> memref<512x8xf32, #tpu.memory_space<hbm>>
      tpu.enqueue_dma source(%arg7 : memref<512x8xf32, #tpu.memory_space<vmem>>) target(%dma_start3A_428 : memref<512x8xf32, #tpu.memory_space<hbm>>) target_semaphore(%arg16 : memref<!tpu.dma_semaphore, #tpu.memory_space<semaphore_mem>>)
      %scan3A_429 = arith.constant 0 : i32
      scf.yield %scan3A_429 : i32
    }
    %scan3A_10 = arith.constant 256 : i32
    %iota3A = tpu.iota {dimensions = array<i32: 0>} : vector<16xi32>
    %broadcast_in_dim3A = vector.broadcast %mul3A_2 : i32 to vector<16xi32>
    %broadcast_in_dim3A_11 = vector.broadcast %add3A_4 : i32 to vector<16xi32>
    %broadcast_in_dim3A_12 = arith.constant 1 : i32
    %broadcast_in_dim3A_13 = vector.broadcast %broadcast_in_dim3A_12 : i32 to vector<16xi32>
    %broadcast_in_dim3A_14 = arith.constant 8191 : i32
    %broadcast_in_dim3A_15 = vector.broadcast %broadcast_in_dim3A_14 : i32 to vector<16xi32>
    %dma_start3A = arith.constant 0 : i32
    %dma_start3A_16 = arith.constant 0 : i32
    %dma_start3A_17 = tpu.memref_slice %arg8[%dma_start3A, %dma_start3A_16] : memref<2x8192xi32, #tpu.memory_space<vmem>> -> memref<1x8192xi32, #tpu.memory_space<vmem>>
    %dma_start3A_18 = tpu.memref_squeeze %dma_start3A_17 : memref<1x8192xi32, #tpu.memory_space<vmem>> -> memref<8192xi32, #tpu.memory_space<vmem>>
    %dma_start3A_19 = arith.constant 0 : i32
    %dma_start3A_20 = tpu.memref_slice %arg2[%dma_start3A_19] : memref<65536xi32, #tpu.memory_space<hbm>> -> memref<8192xi32, #tpu.memory_space<hbm>>
    %dma_start3A_21 = arith.constant 0 : i32
    %dma_start3A_22 = tpu.memref_slice %arg8[%dma_start3A, %dma_start3A_21] : memref<2x8192xi32, #tpu.memory_space<vmem>> -> memref<1x8192xi32, #tpu.memory_space<vmem>>
    %dma_start3A_23 = tpu.memref_squeeze %dma_start3A_22 : memref<1x8192xi32, #tpu.memory_space<vmem>> -> memref<8192xi32, #tpu.memory_space<vmem>>
    %dma_start3A_24 = arith.constant 0 : i32
    %dma_start3A_25 = tpu.memref_slice %arg2[%dma_start3A_24] : memref<65536xi32, #tpu.memory_space<hbm>> -> memref<8192xi32, #tpu.memory_space<hbm>>
    tpu.enqueue_dma source(%dma_start3A_25 : memref<8192xi32, #tpu.memory_space<hbm>>) target(%dma_start3A_23 : memref<8192xi32, #tpu.memory_space<vmem>>) target_semaphore(%arg17 : memref<!tpu.dma_semaphore, #tpu.memory_space<semaphore_mem>>)
    %scan3A_26 = arith.constant 0 : i32
    %scan3A_27 = arith.constant 0 : i32
    %scan3A_28 = arith.constant 8 : i32
    %scan3A_29 = arith.addi %scan3A_27, %scan3A_28 : i32
    %scan3A_30 = arith.constant 1 : i32
    %scan3A_31 = scf.for %scan3A_420 = %scan3A_27 to %scan3A_29 step %scan3A_30 iter_args(%scan3A_421 = %scan3A_26) -> (i32)  : i32 {
      %and3A_422 = arith.constant 1 : i32
      %and3A_423 = arith.andi %scan3A_420, %and3A_422 : i32
      %mul3A_424 = arith.constant 8192 : i32
      %mul3A_425 = arith.muli %scan3A_420, %mul3A_424 : i32
      %dma_wait3A_426 = arith.constant 0 : i32
      %dma_wait3A_427 = tpu.memref_slice %arg8[%and3A_423, %dma_wait3A_426] : memref<2x8192xi32, #tpu.memory_space<vmem>> -> memref<1x8192xi32, #tpu.memory_space<vmem>>
      %dma_wait3A_428 = tpu.memref_squeeze %dma_wait3A_427 : memref<1x8192xi32, #tpu.memory_space<vmem>> -> memref<8192xi32, #tpu.memory_space<vmem>>
      %dma_wait3A_429 = tpu.memref_slice %arg2[%mul3A_425] : memref<65536xi32, #tpu.memory_space<hbm>> -> memref<8192xi32, #tpu.memory_space<hbm>>
      %dma_wait3A_430 = arith.constant 0 : i32
      %dma_wait3A_431 = tpu.memref_slice %arg8[%and3A_423, %dma_wait3A_430] : memref<2x8192xi32, #tpu.memory_space<vmem>> -> memref<1x8192xi32, #tpu.memory_space<vmem>>
      %dma_wait3A_432 = tpu.memref_squeeze %dma_wait3A_431 : memref<1x8192xi32, #tpu.memory_space<vmem>> -> memref<8192xi32, #tpu.memory_space<vmem>>
      %dma_wait3A_433 = tpu.memref_slice %arg2[%mul3A_425] : memref<65536xi32, #tpu.memory_space<hbm>> -> memref<8192xi32, #tpu.memory_space<hbm>>
      tpu.wait_dma2 semaphore(%arg17 : memref<!tpu.dma_semaphore, #tpu.memory_space<semaphore_mem>>) src(%dma_wait3A_433 : memref<8192xi32, #tpu.memory_space<hbm>>) dst(%dma_wait3A_432 : memref<8192xi32, #tpu.memory_space<vmem>>)
      %add3A_434 = arith.constant 1 : i32
      %add3A_435 = arith.addi %scan3A_420, %add3A_434 : i32
      %lt3A = arith.constant 8 : i32
      %lt3A_436 = arith.cmpi slt, %add3A_435, %lt3A : i32
      %convert_element_type3A = arith.extui %lt3A_436 : i1 to i32
      %cond3A = arith.constant 0 : i32
      %cond3A_437 = arith.cmpi ne, %convert_element_type3A, %cond3A : i32
      scf.if %cond3A_437 {
        %add3A_443 = arith.constant 1 : i32
        %add3A_444 = arith.addi %scan3A_420, %add3A_443 : i32
        %add3A_445 = arith.constant 1 : i32
        %add3A_446 = arith.addi %scan3A_420, %add3A_445 : i32
        %and3A_447 = arith.constant 1 : i32
        %and3A_448 = arith.andi %add3A_446, %and3A_447 : i32
        %mul3A_449 = arith.constant 8192 : i32
        %mul3A_450 = arith.muli %add3A_444, %mul3A_449 : i32
        %dma_start3A_451 = arith.constant 0 : i32
        %dma_start3A_452 = tpu.memref_slice %arg8[%and3A_448, %dma_start3A_451] : memref<2x8192xi32, #tpu.memory_space<vmem>> -> memref<1x8192xi32, #tpu.memory_space<vmem>>
        %dma_start3A_453 = tpu.memref_squeeze %dma_start3A_452 : memref<1x8192xi32, #tpu.memory_space<vmem>> -> memref<8192xi32, #tpu.memory_space<vmem>>
        %dma_start3A_454 = tpu.memref_slice %arg2[%mul3A_450] : memref<65536xi32, #tpu.memory_space<hbm>> -> memref<8192xi32, #tpu.memory_space<hbm>>
        %dma_start3A_455 = arith.constant 0 : i32
        %dma_start3A_456 = tpu.memref_slice %arg8[%and3A_448, %dma_start3A_455] : memref<2x8192xi32, #tpu.memory_space<vmem>> -> memref<1x8192xi32, #tpu.memory_space<vmem>>
        %dma_start3A_457 = tpu.memref_squeeze %dma_start3A_456 : memref<1x8192xi32, #tpu.memory_space<vmem>> -> memref<8192xi32, #tpu.memory_space<vmem>>
        %dma_start3A_458 = tpu.memref_slice %arg2[%mul3A_450] : memref<65536xi32, #tpu.memory_space<hbm>> -> memref<8192xi32, #tpu.memory_space<hbm>>
        tpu.enqueue_dma source(%dma_start3A_458 : memref<8192xi32, #tpu.memory_space<hbm>>) target(%dma_start3A_457 : memref<8192xi32, #tpu.memory_space<vmem>>) target_semaphore(%arg17 : memref<!tpu.dma_semaphore, #tpu.memory_space<semaphore_mem>>)
      } else {
      }
      %mul3A_438 = arith.constant 8192 : i32
      %mul3A_439 = arith.muli %scan3A_420, %mul3A_438 : i32
      %parallel_loop3A = arith.constant 0 : i32
      %parallel_loop3A_440 = arith.constant 512 : i32
      %parallel_loop3A_441 = arith.constant 1 : i32
      %parallel_loop3A_442 = scf.for %parallel_loop3A_443 = %parallel_loop3A to %parallel_loop3A_440 step %parallel_loop3A_441 iter_args(%parallel_loop3A_444 = %scan3A_421) -> (i32)  : i32 {
        %parallel_loop3A_445 = arith.constant 16 : i32
        %parallel_loop3A_446 = arith.muli %parallel_loop3A_443, %parallel_loop3A_445 : i32
        %parallel_loop3A_447 = arith.constant 0 : i32
        %parallel_loop3A_448 = tpu.memref_slice %arg8[%and3A_423, %parallel_loop3A_447] : memref<2x8192xi32, #tpu.memory_space<vmem>> -> memref<1x8192xi32, #tpu.memory_space<vmem>>
        %parallel_loop3A_449 = tpu.memref_squeeze %parallel_loop3A_448 : memref<1x8192xi32, #tpu.memory_space<vmem>> -> memref<8192xi32, #tpu.memory_space<vmem>>
        %parallel_loop3A_450 = arith.index_cast %parallel_loop3A_446 : i32 to index
        %parallel_loop3A_451 = tpu.vector_load %parallel_loop3A_449[%parallel_loop3A_450] {strides = array<i32>} : memref<8192xi32, #tpu.memory_space<vmem>>, vector<16xi32>,
        %parallel_loop3A_452 = arith.cmpi sge, %parallel_loop3A_451, %broadcast_in_dim3A : vector<16xi32>
        %parallel_loop3A_453 = arith.cmpi slt, %parallel_loop3A_451, %broadcast_in_dim3A_11 : vector<16xi32>
        %parallel_loop3A_454 = arith.andi %parallel_loop3A_452, %parallel_loop3A_453 : vector<16xi1>
        %parallel_loop3A_455 = arith.extui %parallel_loop3A_454 : vector<16xi1> to vector<16xi32>
        %parallel_loop3A_456 = arith.constant true
        %parallel_loop3A_457 = vector.broadcast %parallel_loop3A_456 : i1 to vector<16xi1>
        %parallel_loop3A_458 = tpu.scan <sum>, %parallel_loop3A_455 masked %parallel_loop3A_457 : vector<16xi32>, vector<16xi1> -> vector<16xi32>
        %parallel_loop3A_459 = vector.broadcast %parallel_loop3A_444 : i32 to vector<16xi32>
        %parallel_loop3A_460 = arith.addi %parallel_loop3A_459, %parallel_loop3A_458 : vector<16xi32>
        %parallel_loop3A_461 = arith.subi %parallel_loop3A_460, %broadcast_in_dim3A_13 : vector<16xi32>
        %parallel_loop3A_462 = arith.minsi %parallel_loop3A_461, %broadcast_in_dim3A_15 : vector<16xi32>
        %parallel_loop3A_463 = arith.constant 16 : i32
        %parallel_loop3A_464 = arith.muli %parallel_loop3A_443, %parallel_loop3A_463 : i32
        %parallel_loop3A_465 = arith.addi %mul3A_439, %parallel_loop3A_464 : i32
        %parallel_loop3A_466 = vector.broadcast %parallel_loop3A_465 : i32 to vector<16xi32>
        %parallel_loop3A_467 = arith.addi %parallel_loop3A_466, %iota3A : vector<16xi32>
        %parallel_loop3A_468 = arith.constant 11 : i32
        %parallel_loop3A_469 = vector.broadcast %parallel_loop3A_468 : i32 to vector<16xi32>
        %parallel_loop3A_470 = arith.constant 2047 : i32
        %parallel_loop3A_471 = vector.broadcast %parallel_loop3A_470 : i32 to vector<16xi32>
        %parallel_loop3A_472 = arith.shrsi %parallel_loop3A_462, %parallel_loop3A_469 : vector<16xi32>
        %parallel_loop3A_473 = arith.andi %parallel_loop3A_462, %parallel_loop3A_471 : vector<16xi32>
        tpu.vector_store_idx %arg9[%parallel_loop3A_472, %parallel_loop3A_473], %parallel_loop3A_451 masked %parallel_loop3A_454 : memref<4x2048xi32, #tpu.memory_space<vmem>>[vector<16xi32>, vector<16xi32>], vector<16xi32>, vector<16xi1>
        %parallel_loop3A_474 = arith.constant 11 : i32
        %parallel_loop3A_475 = vector.broadcast %parallel_loop3A_474 : i32 to vector<16xi32>
        %parallel_loop3A_476 = arith.constant 2047 : i32
        %parallel_loop3A_477 = vector.broadcast %parallel_loop3A_476 : i32 to vector<16xi32>
        %parallel_loop3A_478 = arith.shrsi %parallel_loop3A_462, %parallel_loop3A_475 : vector<16xi32>
        %parallel_loop3A_479 = arith.andi %parallel_loop3A_462, %parallel_loop3A_477 : vector<16xi32>
        tpu.vector_store_idx %arg10[%parallel_loop3A_478, %parallel_loop3A_479], %parallel_loop3A_467 masked %parallel_loop3A_454 : memref<4x2048xi32, #tpu.memory_space<vmem>>[vector<16xi32>, vector<16xi32>], vector<16xi32>, vector<16xi1>
        %parallel_loop3A_480 = arith.constant true
        %parallel_loop3A_481 = vector.broadcast %parallel_loop3A_480 : i1 to vector<16xi1>
        %parallel_loop3A_482 = arith.constant -2147483648 : i32
        %parallel_loop3A_483 = vector.broadcast %parallel_loop3A_482 : i32 to vector<16xi32>
        %parallel_loop3A_484 = arith.xori %parallel_loop3A_458, %parallel_loop3A_483 : vector<16xi32>
        %parallel_loop3A_485 = tpu.scan <max>, %parallel_loop3A_484 masked %parallel_loop3A_481 : vector<16xi32>, vector<16xi1> -> vector<16xi32>
        %parallel_loop3A_486 = arith.xori %parallel_loop3A_485, %parallel_loop3A_483 : vector<16xi32>
        %parallel_loop3A_487 = vector.extract %parallel_loop3A_486[15] : i32 from vector<16xi32>
        %parallel_loop3A_488 = arith.addi %parallel_loop3A_444, %parallel_loop3A_487 : i32
        %parallel_loop3A_489 = arith.constant 8192 : i32
        %parallel_loop3A_490 = arith.minsi %parallel_loop3A_488, %parallel_loop3A_489 : i32
        scf.yield %parallel_loop3A_490 : i32
      } {sc.loop_unroll_factor = 4 : i64, sc.parallel_access}
      scf.yield %parallel_loop3A_442 : i32
    }
    %scan3A_32 = arith.constant 8 : i32
    %sub3A = arith.constant 1 : i32
    %sub3A_33 = arith.subi %scan3A_31, %sub3A : i32
    %max3A = arith.constant 0 : i32
    %max3A_34 = arith.maxsi %sub3A_33, %max3A : i32
    %broadcast_in_dim3A_35 = vector.broadcast %max3A_34 : i32 to vector<16xi32>
    %broadcast_in_dim3A_36 = arith.constant 0 : i32
    %broadcast_in_dim3A_37 = vector.broadcast %broadcast_in_dim3A_36 : i32 to vector<16xi32>
    %broadcast_in_dim3A_38 = arith.constant 16384 : i32
    %broadcast_in_dim3A_39 = vector.broadcast %broadcast_in_dim3A_38 : i32 to vector<16xi32>
    %add3A_40 = arith.constant 15 : i32
    %add3A_41 = arith.addi %scan3A_31, %add3A_40 : i32
    %shift_right_arithmetic3A = arith.constant 4 : i32
    %shift_right_arithmetic3A_42 = arith.shrsi %add3A_41, %shift_right_arithmetic3A : i32
    %broadcast_in_dim3A_43 = arith.constant 16 : i32
    %broadcast_in_dim3A_44 = vector.broadcast %broadcast_in_dim3A_43 : i32 to vector<16xi32>
    %while3A = arith.constant 0 : i32
    %while3A_45 = arith.constant 0 : i32
    %while3A_46 = arith.subi %shift_right_arithmetic3A_42, %while3A : i32
    %while3A_47 = arith.addi %while3A, %while3A_46 : i32
    %while3A_48 = arith.constant 1 : i32
    %while3A_49 = arith.divsi %while3A_46, %while3A_48 : i32
    %while3A_50 = arith.muli %while3A_49, %while3A_48 : i32
    %while3A_51 = arith.addi %while3A, %while3A_50 : i32
    %while3A_52 = arith.constant 1 : i32
    %while3A_53 = scf.for %while3A_420 = %while3A to %while3A_51 step %while3A_52 iter_args(%while3A_421 = %while3A_45) -> (i32)  : i32 {
      %mul3A_422 = arith.constant 16 : i32
      %mul3A_423 = arith.muli %while3A_420, %mul3A_422 : i32
      %broadcast_in_dim3A_424 = vector.broadcast %mul3A_423 : i32 to vector<16xi32>
      %add3A_425 = arith.addi %broadcast_in_dim3A_424, %iota3A : vector<16xi32>
      %le3A = arith.cmpi sle, %add3A_425, %broadcast_in_dim3A_35 : vector<16xi32>
      %min3A = arith.minsi %add3A_425, %broadcast_in_dim3A_35 : vector<16xi32>
      %broadcast_in_dim3A_426 = arith.constant 11 : i32
      %broadcast_in_dim3A_427 = vector.broadcast %broadcast_in_dim3A_426 : i32 to vector<16xi32>
      %broadcast_in_dim3A_428 = arith.constant 2047 : i32
      %broadcast_in_dim3A_429 = vector.broadcast %broadcast_in_dim3A_428 : i32 to vector<16xi32>
      %shift_right_arithmetic3A_430 = arith.shrsi %min3A, %broadcast_in_dim3A_427 : vector<16xi32>
      %and3A_431 = arith.andi %min3A, %broadcast_in_dim3A_429 : vector<16xi32>
      %gather3A_432 = tpu.vector_load_idx %arg9[%shift_right_arithmetic3A_430, %and3A_431] : memref<4x2048xi32, #tpu.memory_space<vmem>>[vector<16xi32>, vector<16xi32>], vector<16xi32>,
      %broadcast_in_dim3A_433 = arith.constant 1 : i32
      %broadcast_in_dim3A_434 = vector.broadcast %broadcast_in_dim3A_433 : i32 to vector<16xi32>
      %add3A_435 = arith.addi %iota3A, %broadcast_in_dim3A_434 : vector<16xi32>
      %lt3A = arith.cmpi slt, %add3A_435, %broadcast_in_dim3A_44 : vector<16xi32>
      %add3A_436 = arith.addi %add3A_425, %broadcast_in_dim3A_434 : vector<16xi32>
      %le3A_437 = arith.cmpi sle, %add3A_436, %broadcast_in_dim3A_35 : vector<16xi32>
      %and3A_438 = arith.andi %lt3A, %le3A_437 : vector<16xi1>
      %add3A_439 = arith.addi %min3A, %broadcast_in_dim3A_434 : vector<16xi32>
      %min3A_440 = arith.minsi %add3A_439, %broadcast_in_dim3A_35 : vector<16xi32>
      %broadcast_in_dim3A_441 = arith.constant 11 : i32
      %broadcast_in_dim3A_442 = vector.broadcast %broadcast_in_dim3A_441 : i32 to vector<16xi32>
      %broadcast_in_dim3A_443 = arith.constant 2047 : i32
      %broadcast_in_dim3A_444 = vector.broadcast %broadcast_in_dim3A_443 : i32 to vector<16xi32>
      %shift_right_arithmetic3A_445 = arith.shrsi %min3A_440, %broadcast_in_dim3A_442 : vector<16xi32>
      %and3A_446 = arith.andi %min3A_440, %broadcast_in_dim3A_444 : vector<16xi32>
      %gather3A_447 = tpu.vector_load_idx %arg9[%shift_right_arithmetic3A_445, %and3A_446] : memref<4x2048xi32, #tpu.memory_space<vmem>>[vector<16xi32>, vector<16xi32>], vector<16xi32>,
      %eq3A = arith.cmpi eq, %gather3A_447, %gather3A_432 : vector<16xi32>
      %and3A_448 = arith.andi %eq3A, %and3A_438 : vector<16xi1>
      %not3A = arith.constant dense<true> : vector<16xi1>
      %not3A_449 = arith.xori %and3A_448, %not3A : vector<16xi1>
      %and3A_450 = arith.andi %le3A, %not3A_449 : vector<16xi1>
      %broadcast_in_dim3A_451 = arith.constant 2 : i32
      %broadcast_in_dim3A_452 = vector.broadcast %broadcast_in_dim3A_451 : i32 to vector<16xi32>
      %add3A_453 = arith.addi %iota3A, %broadcast_in_dim3A_452 : vector<16xi32>
      %lt3A_454 = arith.cmpi slt, %add3A_453, %broadcast_in_dim3A_44 : vector<16xi32>
      %add3A_455 = arith.addi %add3A_425, %broadcast_in_dim3A_452 : vector<16xi32>
      %le3A_456 = arith.cmpi sle, %add3A_455, %broadcast_in_dim3A_35 : vector<16xi32>
      %and3A_457 = arith.andi %lt3A_454, %le3A_456 : vector<16xi1>
      %add3A_458 = arith.addi %min3A, %broadcast_in_dim3A_452 : vector<16xi32>
      %min3A_459 = arith.minsi %add3A_458, %broadcast_in_dim3A_35 : vector<16xi32>
      %broadcast_in_dim3A_460 = arith.constant 11 : i32
      %broadcast_in_dim3A_461 = vector.broadcast %broadcast_in_dim3A_460 : i32 to vector<16xi32>
      %broadcast_in_dim3A_462 = arith.constant 2047 : i32
      %broadcast_in_dim3A_463 = vector.broadcast %broadcast_in_dim3A_462 : i32 to vector<16xi32>
      %shift_right_arithmetic3A_464 = arith.shrsi %min3A_459, %broadcast_in_dim3A_461 : vector<16xi32>
      %and3A_465 = arith.andi %min3A_459, %broadcast_in_dim3A_463 : vector<16xi32>
      %gather3A_466 = tpu.vector_load_idx %arg9[%shift_right_arithmetic3A_464, %and3A_465] : memref<4x2048xi32, #tpu.memory_space<vmem>>[vector<16xi32>, vector<16xi32>], vector<16xi32>,
      %eq3A_467 = arith.cmpi eq, %gather3A_466, %gather3A_432 : vector<16xi32>
      %and3A_468 = arith.andi %eq3A_467, %and3A_457 : vector<16xi1>
      %not3A_469 = arith.constant dense<true> : vector<16xi1>
      %not3A_470 = arith.xori %and3A_468, %not3A_469 : vector<16xi1>
      %and3A_471 = arith.andi %and3A_450, %not3A_470 : vector<16xi1>
      %broadcast_in_dim3A_472 = arith.constant 3 : i32
      %broadcast_in_dim3A_473 = vector.broadcast %broadcast_in_dim3A_472 : i32 to vector<16xi32>
      %add3A_474 = arith.addi %iota3A, %broadcast_in_dim3A_473 : vector<16xi32>
      %lt3A_475 = arith.cmpi slt, %add3A_474, %broadcast_in_dim3A_44 : vector<16xi32>
      %add3A_476 = arith.addi %add3A_425, %broadcast_in_dim3A_473 : vector<16xi32>
      %le3A_477 = arith.cmpi sle, %add3A_476, %broadcast_in_dim3A_35 : vector<16xi32>
      %and3A_478 = arith.andi %lt3A_475, %le3A_477 : vector<16xi1>
      %add3A_479 = arith.addi %min3A, %broadcast_in_dim3A_473 : vector<16xi32>
      %min3A_480 = arith.minsi %add3A_479, %broadcast_in_dim3A_35 : vector<16xi32>
      %broadcast_in_dim3A_481 = arith.constant 11 : i32
      %broadcast_in_dim3A_482 = vector.broadcast %broadcast_in_dim3A_481 : i32 to vector<16xi32>
      %broadcast_in_dim3A_483 = arith.constant 2047 : i32
      %broadcast_in_dim3A_484 = vector.broadcast %broadcast_in_dim3A_483 : i32 to vector<16xi32>
      %shift_right_arithmetic3A_485 = arith.shrsi %min3A_480, %broadcast_in_dim3A_482 : vector<16xi32>
      %and3A_486 = arith.andi %min3A_480, %broadcast_in_dim3A_484 : vector<16xi32>
      %gather3A_487 = tpu.vector_load_idx %arg9[%shift_right_arithmetic3A_485, %and3A_486] : memref<4x2048xi32, #tpu.memory_space<vmem>>[vector<16xi32>, vector<16xi32>], vector<16xi32>,
      %eq3A_488 = arith.cmpi eq, %gather3A_487, %gather3A_432 : vector<16xi32>
      %and3A_489 = arith.andi %eq3A_488, %and3A_478 : vector<16xi1>
      %not3A_490 = arith.constant dense<true> : vector<16xi1>
      %not3A_491 = arith.xori %and3A_489, %not3A_490 : vector<16xi1>
      %and3A_492 = arith.andi %and3A_471, %not3A_491 : vector<16xi1>
      %broadcast_in_dim3A_493 = arith.constant 4 : i32
      %broadcast_in_dim3A_494 = vector.broadcast %broadcast_in_dim3A_493 : i32 to vector<16xi32>
      %add3A_495 = arith.addi %iota3A, %broadcast_in_dim3A_494 : vector<16xi32>
      %lt3A_496 = arith.cmpi slt, %add3A_495, %broadcast_in_dim3A_44 : vector<16xi32>
      %add3A_497 = arith.addi %add3A_425, %broadcast_in_dim3A_494 : vector<16xi32>
      %le3A_498 = arith.cmpi sle, %add3A_497, %broadcast_in_dim3A_35 : vector<16xi32>
      %and3A_499 = arith.andi %lt3A_496, %le3A_498 : vector<16xi1>
      %add3A_500 = arith.addi %min3A, %broadcast_in_dim3A_494 : vector<16xi32>
      %min3A_501 = arith.minsi %add3A_500, %broadcast_in_dim3A_35 : vector<16xi32>
      %broadcast_in_dim3A_502 = arith.constant 11 : i32
      %broadcast_in_dim3A_503 = vector.broadcast %broadcast_in_dim3A_502 : i32 to vector<16xi32>
      %broadcast_in_dim3A_504 = arith.constant 2047 : i32
      %broadcast_in_dim3A_505 = vector.broadcast %broadcast_in_dim3A_504 : i32 to vector<16xi32>
      %shift_right_arithmetic3A_506 = arith.shrsi %min3A_501, %broadcast_in_dim3A_503 : vector<16xi32>
      %and3A_507 = arith.andi %min3A_501, %broadcast_in_dim3A_505 : vector<16xi32>
      %gather3A_508 = tpu.vector_load_idx %arg9[%shift_right_arithmetic3A_506, %and3A_507] : memref<4x2048xi32, #tpu.memory_space<vmem>>[vector<16xi32>, vector<16xi32>], vector<16xi32>,
      %eq3A_509 = arith.cmpi eq, %gather3A_508, %gather3A_432 : vector<16xi32>
      %and3A_510 = arith.andi %eq3A_509, %and3A_499 : vector<16xi1>
      %not3A_511 = arith.constant dense<true> : vector<16xi1>
      %not3A_512 = arith.xori %and3A_510, %not3A_511 : vector<16xi1>
      %and3A_513 = arith.andi %and3A_492, %not3A_512 : vector<16xi1>
      %broadcast_in_dim3A_514 = arith.constant 5 : i32
      %broadcast_in_dim3A_515 = vector.broadcast %broadcast_in_dim3A_514 : i32 to vector<16xi32>
      %add3A_516 = arith.addi %iota3A, %broadcast_in_dim3A_515 : vector<16xi32>
      %lt3A_517 = arith.cmpi slt, %add3A_516, %broadcast_in_dim3A_44 : vector<16xi32>
      %add3A_518 = arith.addi %add3A_425, %broadcast_in_dim3A_515 : vector<16xi32>
      %le3A_519 = arith.cmpi sle, %add3A_518, %broadcast_in_dim3A_35 : vector<16xi32>
      %and3A_520 = arith.andi %lt3A_517, %le3A_519 : vector<16xi1>
      %add3A_521 = arith.addi %min3A, %broadcast_in_dim3A_515 : vector<16xi32>
      %min3A_522 = arith.minsi %add3A_521, %broadcast_in_dim3A_35 : vector<16xi32>
      %broadcast_in_dim3A_523 = arith.constant 11 : i32
      %broadcast_in_dim3A_524 = vector.broadcast %broadcast_in_dim3A_523 : i32 to vector<16xi32>
      %broadcast_in_dim3A_525 = arith.constant 2047 : i32
      %broadcast_in_dim3A_526 = vector.broadcast %broadcast_in_dim3A_525 : i32 to vector<16xi32>
      %shift_right_arithmetic3A_527 = arith.shrsi %min3A_522, %broadcast_in_dim3A_524 : vector<16xi32>
      %and3A_528 = arith.andi %min3A_522, %broadcast_in_dim3A_526 : vector<16xi32>
      %gather3A_529 = tpu.vector_load_idx %arg9[%shift_right_arithmetic3A_527, %and3A_528] : memref<4x2048xi32, #tpu.memory_space<vmem>>[vector<16xi32>, vector<16xi32>], vector<16xi32>,
      %eq3A_530 = arith.cmpi eq, %gather3A_529, %gather3A_432 : vector<16xi32>
      %and3A_531 = arith.andi %eq3A_530, %and3A_520 : vector<16xi1>
      %not3A_532 = arith.constant dense<true> : vector<16xi1>
      %not3A_533 = arith.xori %and3A_531, %not3A_532 : vector<16xi1>
      %and3A_534 = arith.andi %and3A_513, %not3A_533 : vector<16xi1>
      %broadcast_in_dim3A_535 = arith.constant 6 : i32
      %broadcast_in_dim3A_536 = vector.broadcast %broadcast_in_dim3A_535 : i32 to vector<16xi32>
      %add3A_537 = arith.addi %iota3A, %broadcast_in_dim3A_536 : vector<16xi32>
      %lt3A_538 = arith.cmpi slt, %add3A_537, %broadcast_in_dim3A_44 : vector<16xi32>
      %add3A_539 = arith.addi %add3A_425, %broadcast_in_dim3A_536 : vector<16xi32>
      %le3A_540 = arith.cmpi sle, %add3A_539, %broadcast_in_dim3A_35 : vector<16xi32>
      %and3A_541 = arith.andi %lt3A_538, %le3A_540 : vector<16xi1>
      %add3A_542 = arith.addi %min3A, %broadcast_in_dim3A_536 : vector<16xi32>
      %min3A_543 = arith.minsi %add3A_542, %broadcast_in_dim3A_35 : vector<16xi32>
      %broadcast_in_dim3A_544 = arith.constant 11 : i32
      %broadcast_in_dim3A_545 = vector.broadcast %broadcast_in_dim3A_544 : i32 to vector<16xi32>
      %broadcast_in_dim3A_546 = arith.constant 2047 : i32
      %broadcast_in_dim3A_547 = vector.broadcast %broadcast_in_dim3A_546 : i32 to vector<16xi32>
      %shift_right_arithmetic3A_548 = arith.shrsi %min3A_543, %broadcast_in_dim3A_545 : vector<16xi32>
      %and3A_549 = arith.andi %min3A_543, %broadcast_in_dim3A_547 : vector<16xi32>
      %gather3A_550 = tpu.vector_load_idx %arg9[%shift_right_arithmetic3A_548, %and3A_549] : memref<4x2048xi32, #tpu.memory_space<vmem>>[vector<16xi32>, vector<16xi32>], vector<16xi32>,
      %eq3A_551 = arith.cmpi eq, %gather3A_550, %gather3A_432 : vector<16xi32>
      %and3A_552 = arith.andi %eq3A_551, %and3A_541 : vector<16xi1>
      %not3A_553 = arith.constant dense<true> : vector<16xi1>
      %not3A_554 = arith.xori %and3A_552, %not3A_553 : vector<16xi1>
      %and3A_555 = arith.andi %and3A_534, %not3A_554 : vector<16xi1>
      %broadcast_in_dim3A_556 = arith.constant 7 : i32
      %broadcast_in_dim3A_557 = vector.broadcast %broadcast_in_dim3A_556 : i32 to vector<16xi32>
      %add3A_558 = arith.addi %iota3A, %broadcast_in_dim3A_557 : vector<16xi32>
      %lt3A_559 = arith.cmpi slt, %add3A_558, %broadcast_in_dim3A_44 : vector<16xi32>
      %add3A_560 = arith.addi %add3A_425, %broadcast_in_dim3A_557 : vector<16xi32>
      %le3A_561 = arith.cmpi sle, %add3A_560, %broadcast_in_dim3A_35 : vector<16xi32>
      %and3A_562 = arith.andi %lt3A_559, %le3A_561 : vector<16xi1>
      %add3A_563 = arith.addi %min3A, %broadcast_in_dim3A_557 : vector<16xi32>
      %min3A_564 = arith.minsi %add3A_563, %broadcast_in_dim3A_35 : vector<16xi32>
      %broadcast_in_dim3A_565 = arith.constant 11 : i32
      %broadcast_in_dim3A_566 = vector.broadcast %broadcast_in_dim3A_565 : i32 to vector<16xi32>
      %broadcast_in_dim3A_567 = arith.constant 2047 : i32
      %broadcast_in_dim3A_568 = vector.broadcast %broadcast_in_dim3A_567 : i32 to vector<16xi32>
      %shift_right_arithmetic3A_569 = arith.shrsi %min3A_564, %broadcast_in_dim3A_566 : vector<16xi32>
      %and3A_570 = arith.andi %min3A_564, %broadcast_in_dim3A_568 : vector<16xi32>
      %gather3A_571 = tpu.vector_load_idx %arg9[%shift_right_arithmetic3A_569, %and3A_570] : memref<4x2048xi32, #tpu.memory_space<vmem>>[vector<16xi32>, vector<16xi32>], vector<16xi32>,
      %eq3A_572 = arith.cmpi eq, %gather3A_571, %gather3A_432 : vector<16xi32>
      %and3A_573 = arith.andi %eq3A_572, %and3A_562 : vector<16xi1>
      %not3A_574 = arith.constant dense<true> : vector<16xi1>
      %not3A_575 = arith.xori %and3A_573, %not3A_574 : vector<16xi1>
      %and3A_576 = arith.andi %and3A_555, %not3A_575 : vector<16xi1>
      %broadcast_in_dim3A_577 = arith.constant 8 : i32
      %broadcast_in_dim3A_578 = vector.broadcast %broadcast_in_dim3A_577 : i32 to vector<16xi32>
      %add3A_579 = arith.addi %iota3A, %broadcast_in_dim3A_578 : vector<16xi32>
      %lt3A_580 = arith.cmpi slt, %add3A_579, %broadcast_in_dim3A_44 : vector<16xi32>
      %add3A_581 = arith.addi %add3A_425, %broadcast_in_dim3A_578 : vector<16xi32>
      %le3A_582 = arith.cmpi sle, %add3A_581, %broadcast_in_dim3A_35 : vector<16xi32>
      %and3A_583 = arith.andi %lt3A_580, %le3A_582 : vector<16xi1>
      %add3A_584 = arith.addi %min3A, %broadcast_in_dim3A_578 : vector<16xi32>
      %min3A_585 = arith.minsi %add3A_584, %broadcast_in_dim3A_35 : vector<16xi32>
      %broadcast_in_dim3A_586 = arith.constant 11 : i32
      %broadcast_in_dim3A_587 = vector.broadcast %broadcast_in_dim3A_586 : i32 to vector<16xi32>
      %broadcast_in_dim3A_588 = arith.constant 2047 : i32
      %broadcast_in_dim3A_589 = vector.broadcast %broadcast_in_dim3A_588 : i32 to vector<16xi32>
      %shift_right_arithmetic3A_590 = arith.shrsi %min3A_585, %broadcast_in_dim3A_587 : vector<16xi32>
      %and3A_591 = arith.andi %min3A_585, %broadcast_in_dim3A_589 : vector<16xi32>
      %gather3A_592 = tpu.vector_load_idx %arg9[%shift_right_arithmetic3A_590, %and3A_591] : memref<4x2048xi32, #tpu.memory_space<vmem>>[vector<16xi32>, vector<16xi32>], vector<16xi32>,
      %eq3A_593 = arith.cmpi eq, %gather3A_592, %gather3A_432 : vector<16xi32>
      %and3A_594 = arith.andi %eq3A_593, %and3A_583 : vector<16xi1>
      %not3A_595 = arith.constant dense<true> : vector<16xi1>
      %not3A_596 = arith.xori %and3A_594, %not3A_595 : vector<16xi1>
      %and3A_597 = arith.andi %and3A_576, %not3A_596 : vector<16xi1>
      %broadcast_in_dim3A_598 = arith.constant 9 : i32
      %broadcast_in_dim3A_599 = vector.broadcast %broadcast_in_dim3A_598 : i32 to vector<16xi32>
      %add3A_600 = arith.addi %iota3A, %broadcast_in_dim3A_599 : vector<16xi32>
      %lt3A_601 = arith.cmpi slt, %add3A_600, %broadcast_in_dim3A_44 : vector<16xi32>
      %add3A_602 = arith.addi %add3A_425, %broadcast_in_dim3A_599 : vector<16xi32>
      %le3A_603 = arith.cmpi sle, %add3A_602, %broadcast_in_dim3A_35 : vector<16xi32>
      %and3A_604 = arith.andi %lt3A_601, %le3A_603 : vector<16xi1>
      %add3A_605 = arith.addi %min3A, %broadcast_in_dim3A_599 : vector<16xi32>
      %min3A_606 = arith.minsi %add3A_605, %broadcast_in_dim3A_35 : vector<16xi32>
      %broadcast_in_dim3A_607 = arith.constant 11 : i32
      %broadcast_in_dim3A_608 = vector.broadcast %broadcast_in_dim3A_607 : i32 to vector<16xi32>
      %broadcast_in_dim3A_609 = arith.constant 2047 : i32
      %broadcast_in_dim3A_610 = vector.broadcast %broadcast_in_dim3A_609 : i32 to vector<16xi32>
      %shift_right_arithmetic3A_611 = arith.shrsi %min3A_606, %broadcast_in_dim3A_608 : vector<16xi32>
      %and3A_612 = arith.andi %min3A_606, %broadcast_in_dim3A_610 : vector<16xi32>
      %gather3A_613 = tpu.vector_load_idx %arg9[%shift_right_arithmetic3A_611, %and3A_612] : memref<4x2048xi32, #tpu.memory_space<vmem>>[vector<16xi32>, vector<16xi32>], vector<16xi32>,
      %eq3A_614 = arith.cmpi eq, %gather3A_613, %gather3A_432 : vector<16xi32>
      %and3A_615 = arith.andi %eq3A_614, %and3A_604 : vector<16xi1>
      %not3A_616 = arith.constant dense<true> : vector<16xi1>
      %not3A_617 = arith.xori %and3A_615, %not3A_616 : vector<16xi1>
      %and3A_618 = arith.andi %and3A_597, %not3A_617 : vector<16xi1>
      %broadcast_in_dim3A_619 = arith.constant 10 : i32
      %broadcast_in_dim3A_620 = vector.broadcast %broadcast_in_dim3A_619 : i32 to vector<16xi32>
      %add3A_621 = arith.addi %iota3A, %broadcast_in_dim3A_620 : vector<16xi32>
      %lt3A_622 = arith.cmpi slt, %add3A_621, %broadcast_in_dim3A_44 : vector<16xi32>
      %add3A_623 = arith.addi %add3A_425, %broadcast_in_dim3A_620 : vector<16xi32>
      %le3A_624 = arith.cmpi sle, %add3A_623, %broadcast_in_dim3A_35 : vector<16xi32>
      %and3A_625 = arith.andi %lt3A_622, %le3A_624 : vector<16xi1>
      %add3A_626 = arith.addi %min3A, %broadcast_in_dim3A_620 : vector<16xi32>
      %min3A_627 = arith.minsi %add3A_626, %broadcast_in_dim3A_35 : vector<16xi32>
      %broadcast_in_dim3A_628 = arith.constant 11 : i32
      %broadcast_in_dim3A_629 = vector.broadcast %broadcast_in_dim3A_628 : i32 to vector<16xi32>
      %broadcast_in_dim3A_630 = arith.constant 2047 : i32
      %broadcast_in_dim3A_631 = vector.broadcast %broadcast_in_dim3A_630 : i32 to vector<16xi32>
      %shift_right_arithmetic3A_632 = arith.shrsi %min3A_627, %broadcast_in_dim3A_629 : vector<16xi32>
      %and3A_633 = arith.andi %min3A_627, %broadcast_in_dim3A_631 : vector<16xi32>
      %gather3A_634 = tpu.vector_load_idx %arg9[%shift_right_arithmetic3A_632, %and3A_633] : memref<4x2048xi32, #tpu.memory_space<vmem>>[vector<16xi32>, vector<16xi32>], vector<16xi32>,
      %eq3A_635 = arith.cmpi eq, %gather3A_634, %gather3A_432 : vector<16xi32>
      %and3A_636 = arith.andi %eq3A_635, %and3A_625 : vector<16xi1>
      %not3A_637 = arith.constant dense<true> : vector<16xi1>
      %not3A_638 = arith.xori %and3A_636, %not3A_637 : vector<16xi1>
      %and3A_639 = arith.andi %and3A_618, %not3A_638 : vector<16xi1>
      %broadcast_in_dim3A_640 = arith.constant 11 : i32
      %broadcast_in_dim3A_641 = vector.broadcast %broadcast_in_dim3A_640 : i32 to vector<16xi32>
      %add3A_642 = arith.addi %iota3A, %broadcast_in_dim3A_641 : vector<16xi32>
      %lt3A_643 = arith.cmpi slt, %add3A_642, %broadcast_in_dim3A_44 : vector<16xi32>
      %add3A_644 = arith.addi %add3A_425, %broadcast_in_dim3A_641 : vector<16xi32>
      %le3A_645 = arith.cmpi sle, %add3A_644, %broadcast_in_dim3A_35 : vector<16xi32>
      %and3A_646 = arith.andi %lt3A_643, %le3A_645 : vector<16xi1>
      %add3A_647 = arith.addi %min3A, %broadcast_in_dim3A_641 : vector<16xi32>
      %min3A_648 = arith.minsi %add3A_647, %broadcast_in_dim3A_35 : vector<16xi32>
      %broadcast_in_dim3A_649 = arith.constant 11 : i32
      %broadcast_in_dim3A_650 = vector.broadcast %broadcast_in_dim3A_649 : i32 to vector<16xi32>
      %broadcast_in_dim3A_651 = arith.constant 2047 : i32
      %broadcast_in_dim3A_652 = vector.broadcast %broadcast_in_dim3A_651 : i32 to vector<16xi32>
      %shift_right_arithmetic3A_653 = arith.shrsi %min3A_648, %broadcast_in_dim3A_650 : vector<16xi32>
      %and3A_654 = arith.andi %min3A_648, %broadcast_in_dim3A_652 : vector<16xi32>
      %gather3A_655 = tpu.vector_load_idx %arg9[%shift_right_arithmetic3A_653, %and3A_654] : memref<4x2048xi32, #tpu.memory_space<vmem>>[vector<16xi32>, vector<16xi32>], vector<16xi32>,
      %eq3A_656 = arith.cmpi eq, %gather3A_655, %gather3A_432 : vector<16xi32>
      %and3A_657 = arith.andi %eq3A_656, %and3A_646 : vector<16xi1>
      %not3A_658 = arith.constant dense<true> : vector<16xi1>
      %not3A_659 = arith.xori %and3A_657, %not3A_658 : vector<16xi1>
      %and3A_660 = arith.andi %and3A_639, %not3A_659 : vector<16xi1>
      %broadcast_in_dim3A_661 = arith.constant 12 : i32
      %broadcast_in_dim3A_662 = vector.broadcast %broadcast_in_dim3A_661 : i32 to vector<16xi32>
      %add3A_663 = arith.addi %iota3A, %broadcast_in_dim3A_662 : vector<16xi32>
      %lt3A_664 = arith.cmpi slt, %add3A_663, %broadcast_in_dim3A_44 : vector<16xi32>
      %add3A_665 = arith.addi %add3A_425, %broadcast_in_dim3A_662 : vector<16xi32>
      %le3A_666 = arith.cmpi sle, %add3A_665, %broadcast_in_dim3A_35 : vector<16xi32>
      %and3A_667 = arith.andi %lt3A_664, %le3A_666 : vector<16xi1>
      %add3A_668 = arith.addi %min3A, %broadcast_in_dim3A_662 : vector<16xi32>
      %min3A_669 = arith.minsi %add3A_668, %broadcast_in_dim3A_35 : vector<16xi32>
      %broadcast_in_dim3A_670 = arith.constant 11 : i32
      %broadcast_in_dim3A_671 = vector.broadcast %broadcast_in_dim3A_670 : i32 to vector<16xi32>
      %broadcast_in_dim3A_672 = arith.constant 2047 : i32
      %broadcast_in_dim3A_673 = vector.broadcast %broadcast_in_dim3A_672 : i32 to vector<16xi32>
      %shift_right_arithmetic3A_674 = arith.shrsi %min3A_669, %broadcast_in_dim3A_671 : vector<16xi32>
      %and3A_675 = arith.andi %min3A_669, %broadcast_in_dim3A_673 : vector<16xi32>
      %gather3A_676 = tpu.vector_load_idx %arg9[%shift_right_arithmetic3A_674, %and3A_675] : memref<4x2048xi32, #tpu.memory_space<vmem>>[vector<16xi32>, vector<16xi32>], vector<16xi32>,
      %eq3A_677 = arith.cmpi eq, %gather3A_676, %gather3A_432 : vector<16xi32>
      %and3A_678 = arith.andi %eq3A_677, %and3A_667 : vector<16xi1>
      %not3A_679 = arith.constant dense<true> : vector<16xi1>
      %not3A_680 = arith.xori %and3A_678, %not3A_679 : vector<16xi1>
      %and3A_681 = arith.andi %and3A_660, %not3A_680 : vector<16xi1>
      %broadcast_in_dim3A_682 = arith.constant 13 : i32
      %broadcast_in_dim3A_683 = vector.broadcast %broadcast_in_dim3A_682 : i32 to vector<16xi32>
      %add3A_684 = arith.addi %iota3A, %broadcast_in_dim3A_683 : vector<16xi32>
      %lt3A_685 = arith.cmpi slt, %add3A_684, %broadcast_in_dim3A_44 : vector<16xi32>
      %add3A_686 = arith.addi %add3A_425, %broadcast_in_dim3A_683 : vector<16xi32>
      %le3A_687 = arith.cmpi sle, %add3A_686, %broadcast_in_dim3A_35 : vector<16xi32>
      %and3A_688 = arith.andi %lt3A_685, %le3A_687 : vector<16xi1>
      %add3A_689 = arith.addi %min3A, %broadcast_in_dim3A_683 : vector<16xi32>
      %min3A_690 = arith.minsi %add3A_689, %broadcast_in_dim3A_35 : vector<16xi32>
      %broadcast_in_dim3A_691 = arith.constant 11 : i32
      %broadcast_in_dim3A_692 = vector.broadcast %broadcast_in_dim3A_691 : i32 to vector<16xi32>
      %broadcast_in_dim3A_693 = arith.constant 2047 : i32
      %broadcast_in_dim3A_694 = vector.broadcast %broadcast_in_dim3A_693 : i32 to vector<16xi32>
      %shift_right_arithmetic3A_695 = arith.shrsi %min3A_690, %broadcast_in_dim3A_692 : vector<16xi32>
      %and3A_696 = arith.andi %min3A_690, %broadcast_in_dim3A_694 : vector<16xi32>
      %gather3A_697 = tpu.vector_load_idx %arg9[%shift_right_arithmetic3A_695, %and3A_696] : memref<4x2048xi32, #tpu.memory_space<vmem>>[vector<16xi32>, vector<16xi32>], vector<16xi32>,
      %eq3A_698 = arith.cmpi eq, %gather3A_697, %gather3A_432 : vector<16xi32>
      %and3A_699 = arith.andi %eq3A_698, %and3A_688 : vector<16xi1>
      %not3A_700 = arith.constant dense<true> : vector<16xi1>
      %not3A_701 = arith.xori %and3A_699, %not3A_700 : vector<16xi1>
      %and3A_702 = arith.andi %and3A_681, %not3A_701 : vector<16xi1>
      %broadcast_in_dim3A_703 = arith.constant 14 : i32
      %broadcast_in_dim3A_704 = vector.broadcast %broadcast_in_dim3A_703 : i32 to vector<16xi32>
      %add3A_705 = arith.addi %iota3A, %broadcast_in_dim3A_704 : vector<16xi32>
      %lt3A_706 = arith.cmpi slt, %add3A_705, %broadcast_in_dim3A_44 : vector<16xi32>
      %add3A_707 = arith.addi %add3A_425, %broadcast_in_dim3A_704 : vector<16xi32>
      %le3A_708 = arith.cmpi sle, %add3A_707, %broadcast_in_dim3A_35 : vector<16xi32>
      %and3A_709 = arith.andi %lt3A_706, %le3A_708 : vector<16xi1>
      %add3A_710 = arith.addi %min3A, %broadcast_in_dim3A_704 : vector<16xi32>
      %min3A_711 = arith.minsi %add3A_710, %broadcast_in_dim3A_35 : vector<16xi32>
      %broadcast_in_dim3A_712 = arith.constant 11 : i32
      %broadcast_in_dim3A_713 = vector.broadcast %broadcast_in_dim3A_712 : i32 to vector<16xi32>
      %broadcast_in_dim3A_714 = arith.constant 2047 : i32
      %broadcast_in_dim3A_715 = vector.broadcast %broadcast_in_dim3A_714 : i32 to vector<16xi32>
      %shift_right_arithmetic3A_716 = arith.shrsi %min3A_711, %broadcast_in_dim3A_713 : vector<16xi32>
      %and3A_717 = arith.andi %min3A_711, %broadcast_in_dim3A_715 : vector<16xi32>
      %gather3A_718 = tpu.vector_load_idx %arg9[%shift_right_arithmetic3A_716, %and3A_717] : memref<4x2048xi32, #tpu.memory_space<vmem>>[vector<16xi32>, vector<16xi32>], vector<16xi32>,
      %eq3A_719 = arith.cmpi eq, %gather3A_718, %gather3A_432 : vector<16xi32>
      %and3A_720 = arith.andi %eq3A_719, %and3A_709 : vector<16xi1>
      %not3A_721 = arith.constant dense<true> : vector<16xi1>
      %not3A_722 = arith.xori %and3A_720, %not3A_721 : vector<16xi1>
      %and3A_723 = arith.andi %and3A_702, %not3A_722 : vector<16xi1>
      %broadcast_in_dim3A_724 = arith.constant 15 : i32
      %broadcast_in_dim3A_725 = vector.broadcast %broadcast_in_dim3A_724 : i32 to vector<16xi32>
      %add3A_726 = arith.addi %iota3A, %broadcast_in_dim3A_725 : vector<16xi32>
      %lt3A_727 = arith.cmpi slt, %add3A_726, %broadcast_in_dim3A_44 : vector<16xi32>
      %add3A_728 = arith.addi %add3A_425, %broadcast_in_dim3A_725 : vector<16xi32>
      %le3A_729 = arith.cmpi sle, %add3A_728, %broadcast_in_dim3A_35 : vector<16xi32>
      %and3A_730 = arith.andi %lt3A_727, %le3A_729 : vector<16xi1>
      %add3A_731 = arith.addi %min3A, %broadcast_in_dim3A_725 : vector<16xi32>
      %min3A_732 = arith.minsi %add3A_731, %broadcast_in_dim3A_35 : vector<16xi32>
      %broadcast_in_dim3A_733 = arith.constant 11 : i32
      %broadcast_in_dim3A_734 = vector.broadcast %broadcast_in_dim3A_733 : i32 to vector<16xi32>
      %broadcast_in_dim3A_735 = arith.constant 2047 : i32
      %broadcast_in_dim3A_736 = vector.broadcast %broadcast_in_dim3A_735 : i32 to vector<16xi32>
      %shift_right_arithmetic3A_737 = arith.shrsi %min3A_732, %broadcast_in_dim3A_734 : vector<16xi32>
      %and3A_738 = arith.andi %min3A_732, %broadcast_in_dim3A_736 : vector<16xi32>
      %gather3A_739 = tpu.vector_load_idx %arg9[%shift_right_arithmetic3A_737, %and3A_738] : memref<4x2048xi32, #tpu.memory_space<vmem>>[vector<16xi32>, vector<16xi32>], vector<16xi32>,
      %eq3A_740 = arith.cmpi eq, %gather3A_739, %gather3A_432 : vector<16xi32>
      %and3A_741 = arith.andi %eq3A_740, %and3A_730 : vector<16xi1>
      %not3A_742 = arith.constant dense<true> : vector<16xi1>
      %not3A_743 = arith.xori %and3A_741, %not3A_742 : vector<16xi1>
      %and3A_744 = arith.andi %and3A_723, %not3A_743 : vector<16xi1>
      %convert_element_type3A = arith.extui %and3A_744 : vector<16xi1> to vector<16xi32>
      %mul3A_745 = arith.constant 16 : i32
      %mul3A_746 = arith.muli %while3A_420, %mul3A_745 : i32
      %swap3A = arith.index_cast %mul3A_746 : i32 to index
      %swap3A_747 = tpu.vector_load %arg13[%swap3A] {strides = array<i32>} : memref<8192xi32, #tpu.memory_space<vmem>>, vector<16xi32>,
      tpu.vector_store %arg13[%swap3A], %convert_element_type3A {strides = array<i32>} : memref<8192xi32, #tpu.memory_space<vmem>>, vector<16xi32>,
      %while3A_748 = arith.constant 0 : i32
      scf.yield %while3A_748 : i32
    }
    %while3A_54 = arith.constant 1 : i32
    %while3A_55 = scf.for %while3A_420 = %while3A_51 to %while3A_47 step %while3A_54 iter_args(%while3A_421 = %while3A_53) -> (i32)  : i32 {
      %mul3A_422 = arith.constant 16 : i32
      %mul3A_423 = arith.muli %while3A_420, %mul3A_422 : i32
      %broadcast_in_dim3A_424 = vector.broadcast %mul3A_423 : i32 to vector<16xi32>
      %add3A_425 = arith.addi %broadcast_in_dim3A_424, %iota3A : vector<16xi32>
      %le3A = arith.cmpi sle, %add3A_425, %broadcast_in_dim3A_35 : vector<16xi32>
      %min3A = arith.minsi %add3A_425, %broadcast_in_dim3A_35 : vector<16xi32>
      %broadcast_in_dim3A_426 = arith.constant 11 : i32
      %broadcast_in_dim3A_427 = vector.broadcast %broadcast_in_dim3A_426 : i32 to vector<16xi32>
      %broadcast_in_dim3A_428 = arith.constant 2047 : i32
      %broadcast_in_dim3A_429 = vector.broadcast %broadcast_in_dim3A_428 : i32 to vector<16xi32>
      %shift_right_arithmetic3A_430 = arith.shrsi %min3A, %broadcast_in_dim3A_427 : vector<16xi32>
      %and3A_431 = arith.andi %min3A, %broadcast_in_dim3A_429 : vector<16xi32>
      %gather3A_432 = tpu.vector_load_idx %arg9[%shift_right_arithmetic3A_430, %and3A_431] : memref<4x2048xi32, #tpu.memory_space<vmem>>[vector<16xi32>, vector<16xi32>], vector<16xi32>,
      %broadcast_in_dim3A_433 = arith.constant 1 : i32
      %broadcast_in_dim3A_434 = vector.broadcast %broadcast_in_dim3A_433 : i32 to vector<16xi32>
      %add3A_435 = arith.addi %iota3A, %broadcast_in_dim3A_434 : vector<16xi32>
      %lt3A = arith.cmpi slt, %add3A_435, %broadcast_in_dim3A_44 : vector<16xi32>
      %add3A_436 = arith.addi %add3A_425, %broadcast_in_dim3A_434 : vector<16xi32>
      %le3A_437 = arith.cmpi sle, %add3A_436, %broadcast_in_dim3A_35 : vector<16xi32>
      %and3A_438 = arith.andi %lt3A, %le3A_437 : vector<16xi1>
      %add3A_439 = arith.addi %min3A, %broadcast_in_dim3A_434 : vector<16xi32>
      %min3A_440 = arith.minsi %add3A_439, %broadcast_in_dim3A_35 : vector<16xi32>
      %broadcast_in_dim3A_441 = arith.constant 11 : i32
      %broadcast_in_dim3A_442 = vector.broadcast %broadcast_in_dim3A_441 : i32 to vector<16xi32>
      %broadcast_in_dim3A_443 = arith.constant 2047 : i32
      %broadcast_in_dim3A_444 = vector.broadcast %broadcast_in_dim3A_443 : i32 to vector<16xi32>
      %shift_right_arithmetic3A_445 = arith.shrsi %min3A_440, %broadcast_in_dim3A_442 : vector<16xi32>
      %and3A_446 = arith.andi %min3A_440, %broadcast_in_dim3A_444 : vector<16xi32>
      %gather3A_447 = tpu.vector_load_idx %arg9[%shift_right_arithmetic3A_445, %and3A_446] : memref<4x2048xi32, #tpu.memory_space<vmem>>[vector<16xi32>, vector<16xi32>], vector<16xi32>,
      %eq3A = arith.cmpi eq, %gather3A_447, %gather3A_432 : vector<16xi32>
      %and3A_448 = arith.andi %eq3A, %and3A_438 : vector<16xi1>
      %not3A = arith.constant dense<true> : vector<16xi1>
      %not3A_449 = arith.xori %and3A_448, %not3A : vector<16xi1>
      %and3A_450 = arith.andi %le3A, %not3A_449 : vector<16xi1>
      %broadcast_in_dim3A_451 = arith.constant 2 : i32
      %broadcast_in_dim3A_452 = vector.broadcast %broadcast_in_dim3A_451 : i32 to vector<16xi32>
      %add3A_453 = arith.addi %iota3A, %broadcast_in_dim3A_452 : vector<16xi32>
      %lt3A_454 = arith.cmpi slt, %add3A_453, %broadcast_in_dim3A_44 : vector<16xi32>
      %add3A_455 = arith.addi %add3A_425, %broadcast_in_dim3A_452 : vector<16xi32>
      %le3A_456 = arith.cmpi sle, %add3A_455, %broadcast_in_dim3A_35 : vector<16xi32>
      %and3A_457 = arith.andi %lt3A_454, %le3A_456 : vector<16xi1>
      %add3A_458 = arith.addi %min3A, %broadcast_in_dim3A_452 : vector<16xi32>
      %min3A_459 = arith.minsi %add3A_458, %broadcast_in_dim3A_35 : vector<16xi32>
      %broadcast_in_dim3A_460 = arith.constant 11 : i32
      %broadcast_in_dim3A_461 = vector.broadcast %broadcast_in_dim3A_460 : i32 to vector<16xi32>
      %broadcast_in_dim3A_462 = arith.constant 2047 : i32
      %broadcast_in_dim3A_463 = vector.broadcast %broadcast_in_dim3A_462 : i32 to vector<16xi32>
      %shift_right_arithmetic3A_464 = arith.shrsi %min3A_459, %broadcast_in_dim3A_461 : vector<16xi32>
      %and3A_465 = arith.andi %min3A_459, %broadcast_in_dim3A_463 : vector<16xi32>
      %gather3A_466 = tpu.vector_load_idx %arg9[%shift_right_arithmetic3A_464, %and3A_465] : memref<4x2048xi32, #tpu.memory_space<vmem>>[vector<16xi32>, vector<16xi32>], vector<16xi32>,
      %eq3A_467 = arith.cmpi eq, %gather3A_466, %gather3A_432 : vector<16xi32>
      %and3A_468 = arith.andi %eq3A_467, %and3A_457 : vector<16xi1>
      %not3A_469 = arith.constant dense<true> : vector<16xi1>
      %not3A_470 = arith.xori %and3A_468, %not3A_469 : vector<16xi1>
      %and3A_471 = arith.andi %and3A_450, %not3A_470 : vector<16xi1>
      %broadcast_in_dim3A_472 = arith.constant 3 : i32
      %broadcast_in_dim3A_473 = vector.broadcast %broadcast_in_dim3A_472 : i32 to vector<16xi32>
      %add3A_474 = arith.addi %iota3A, %broadcast_in_dim3A_473 : vector<16xi32>
      %lt3A_475 = arith.cmpi slt, %add3A_474, %broadcast_in_dim3A_44 : vector<16xi32>
      %add3A_476 = arith.addi %add3A_425, %broadcast_in_dim3A_473 : vector<16xi32>
      %le3A_477 = arith.cmpi sle, %add3A_476, %broadcast_in_dim3A_35 : vector<16xi32>
      %and3A_478 = arith.andi %lt3A_475, %le3A_477 : vector<16xi1>
      %add3A_479 = arith.addi %min3A, %broadcast_in_dim3A_473 : vector<16xi32>
      %min3A_480 = arith.minsi %add3A_479, %broadcast_in_dim3A_35 : vector<16xi32>
      %broadcast_in_dim3A_481 = arith.constant 11 : i32
      %broadcast_in_dim3A_482 = vector.broadcast %broadcast_in_dim3A_481 : i32 to vector<16xi32>
      %broadcast_in_dim3A_483 = arith.constant 2047 : i32
      %broadcast_in_dim3A_484 = vector.broadcast %broadcast_in_dim3A_483 : i32 to vector<16xi32>
      %shift_right_arithmetic3A_485 = arith.shrsi %min3A_480, %broadcast_in_dim3A_482 : vector<16xi32>
      %and3A_486 = arith.andi %min3A_480, %broadcast_in_dim3A_484 : vector<16xi32>
      %gather3A_487 = tpu.vector_load_idx %arg9[%shift_right_arithmetic3A_485, %and3A_486] : memref<4x2048xi32, #tpu.memory_space<vmem>>[vector<16xi32>, vector<16xi32>], vector<16xi32>,
      %eq3A_488 = arith.cmpi eq, %gather3A_487, %gather3A_432 : vector<16xi32>
      %and3A_489 = arith.andi %eq3A_488, %and3A_478 : vector<16xi1>
      %not3A_490 = arith.constant dense<true> : vector<16xi1>
      %not3A_491 = arith.xori %and3A_489, %not3A_490 : vector<16xi1>
      %and3A_492 = arith.andi %and3A_471, %not3A_491 : vector<16xi1>
      %broadcast_in_dim3A_493 = arith.constant 4 : i32
      %broadcast_in_dim3A_494 = vector.broadcast %broadcast_in_dim3A_493 : i32 to vector<16xi32>
      %add3A_495 = arith.addi %iota3A, %broadcast_in_dim3A_494 : vector<16xi32>
      %lt3A_496 = arith.cmpi slt, %add3A_495, %broadcast_in_dim3A_44 : vector<16xi32>
      %add3A_497 = arith.addi %add3A_425, %broadcast_in_dim3A_494 : vector<16xi32>
      %le3A_498 = arith.cmpi sle, %add3A_497, %broadcast_in_dim3A_35 : vector<16xi32>
      %and3A_499 = arith.andi %lt3A_496, %le3A_498 : vector<16xi1>
      %add3A_500 = arith.addi %min3A, %broadcast_in_dim3A_494 : vector<16xi32>
      %min3A_501 = arith.minsi %add3A_500, %broadcast_in_dim3A_35 : vector<16xi32>
      %broadcast_in_dim3A_502 = arith.constant 11 : i32
      %broadcast_in_dim3A_503 = vector.broadcast %broadcast_in_dim3A_502 : i32 to vector<16xi32>
      %broadcast_in_dim3A_504 = arith.constant 2047 : i32
      %broadcast_in_dim3A_505 = vector.broadcast %broadcast_in_dim3A_504 : i32 to vector<16xi32>
      %shift_right_arithmetic3A_506 = arith.shrsi %min3A_501, %broadcast_in_dim3A_503 : vector<16xi32>
      %and3A_507 = arith.andi %min3A_501, %broadcast_in_dim3A_505 : vector<16xi32>
      %gather3A_508 = tpu.vector_load_idx %arg9[%shift_right_arithmetic3A_506, %and3A_507] : memref<4x2048xi32, #tpu.memory_space<vmem>>[vector<16xi32>, vector<16xi32>], vector<16xi32>,
      %eq3A_509 = arith.cmpi eq, %gather3A_508, %gather3A_432 : vector<16xi32>
      %and3A_510 = arith.andi %eq3A_509, %and3A_499 : vector<16xi1>
      %not3A_511 = arith.constant dense<true> : vector<16xi1>
      %not3A_512 = arith.xori %and3A_510, %not3A_511 : vector<16xi1>
      %and3A_513 = arith.andi %and3A_492, %not3A_512 : vector<16xi1>
      %broadcast_in_dim3A_514 = arith.constant 5 : i32
      %broadcast_in_dim3A_515 = vector.broadcast %broadcast_in_dim3A_514 : i32 to vector<16xi32>
      %add3A_516 = arith.addi %iota3A, %broadcast_in_dim3A_515 : vector<16xi32>
      %lt3A_517 = arith.cmpi slt, %add3A_516, %broadcast_in_dim3A_44 : vector<16xi32>
      %add3A_518 = arith.addi %add3A_425, %broadcast_in_dim3A_515 : vector<16xi32>
      %le3A_519 = arith.cmpi sle, %add3A_518, %broadcast_in_dim3A_35 : vector<16xi32>
      %and3A_520 = arith.andi %lt3A_517, %le3A_519 : vector<16xi1>
      %add3A_521 = arith.addi %min3A, %broadcast_in_dim3A_515 : vector<16xi32>
      %min3A_522 = arith.minsi %add3A_521, %broadcast_in_dim3A_35 : vector<16xi32>
      %broadcast_in_dim3A_523 = arith.constant 11 : i32
      %broadcast_in_dim3A_524 = vector.broadcast %broadcast_in_dim3A_523 : i32 to vector<16xi32>
      %broadcast_in_dim3A_525 = arith.constant 2047 : i32
      %broadcast_in_dim3A_526 = vector.broadcast %broadcast_in_dim3A_525 : i32 to vector<16xi32>
      %shift_right_arithmetic3A_527 = arith.shrsi %min3A_522, %broadcast_in_dim3A_524 : vector<16xi32>
      %and3A_528 = arith.andi %min3A_522, %broadcast_in_dim3A_526 : vector<16xi32>
      %gather3A_529 = tpu.vector_load_idx %arg9[%shift_right_arithmetic3A_527, %and3A_528] : memref<4x2048xi32, #tpu.memory_space<vmem>>[vector<16xi32>, vector<16xi32>], vector<16xi32>,
      %eq3A_530 = arith.cmpi eq, %gather3A_529, %gather3A_432 : vector<16xi32>
      %and3A_531 = arith.andi %eq3A_530, %and3A_520 : vector<16xi1>
      %not3A_532 = arith.constant dense<true> : vector<16xi1>
      %not3A_533 = arith.xori %and3A_531, %not3A_532 : vector<16xi1>
      %and3A_534 = arith.andi %and3A_513, %not3A_533 : vector<16xi1>
      %broadcast_in_dim3A_535 = arith.constant 6 : i32
      %broadcast_in_dim3A_536 = vector.broadcast %broadcast_in_dim3A_535 : i32 to vector<16xi32>
      %add3A_537 = arith.addi %iota3A, %broadcast_in_dim3A_536 : vector<16xi32>
      %lt3A_538 = arith.cmpi slt, %add3A_537, %broadcast_in_dim3A_44 : vector<16xi32>
      %add3A_539 = arith.addi %add3A_425, %broadcast_in_dim3A_536 : vector<16xi32>
      %le3A_540 = arith.cmpi sle, %add3A_539, %broadcast_in_dim3A_35 : vector<16xi32>
      %and3A_541 = arith.andi %lt3A_538, %le3A_540 : vector<16xi1>
      %add3A_542 = arith.addi %min3A, %broadcast_in_dim3A_536 : vector<16xi32>
      %min3A_543 = arith.minsi %add3A_542, %broadcast_in_dim3A_35 : vector<16xi32>
      %broadcast_in_dim3A_544 = arith.constant 11 : i32
      %broadcast_in_dim3A_545 = vector.broadcast %broadcast_in_dim3A_544 : i32 to vector<16xi32>
      %broadcast_in_dim3A_546 = arith.constant 2047 : i32
      %broadcast_in_dim3A_547 = vector.broadcast %broadcast_in_dim3A_546 : i32 to vector<16xi32>
      %shift_right_arithmetic3A_548 = arith.shrsi %min3A_543, %broadcast_in_dim3A_545 : vector<16xi32>
      %and3A_549 = arith.andi %min3A_543, %broadcast_in_dim3A_547 : vector<16xi32>
      %gather3A_550 = tpu.vector_load_idx %arg9[%shift_right_arithmetic3A_548, %and3A_549] : memref<4x2048xi32, #tpu.memory_space<vmem>>[vector<16xi32>, vector<16xi32>], vector<16xi32>,
      %eq3A_551 = arith.cmpi eq, %gather3A_550, %gather3A_432 : vector<16xi32>
      %and3A_552 = arith.andi %eq3A_551, %and3A_541 : vector<16xi1>
      %not3A_553 = arith.constant dense<true> : vector<16xi1>
      %not3A_554 = arith.xori %and3A_552, %not3A_553 : vector<16xi1>
      %and3A_555 = arith.andi %and3A_534, %not3A_554 : vector<16xi1>
      %broadcast_in_dim3A_556 = arith.constant 7 : i32
      %broadcast_in_dim3A_557 = vector.broadcast %broadcast_in_dim3A_556 : i32 to vector<16xi32>
      %add3A_558 = arith.addi %iota3A, %broadcast_in_dim3A_557 : vector<16xi32>
      %lt3A_559 = arith.cmpi slt, %add3A_558, %broadcast_in_dim3A_44 : vector<16xi32>
      %add3A_560 = arith.addi %add3A_425, %broadcast_in_dim3A_557 : vector<16xi32>
      %le3A_561 = arith.cmpi sle, %add3A_560, %broadcast_in_dim3A_35 : vector<16xi32>
      %and3A_562 = arith.andi %lt3A_559, %le3A_561 : vector<16xi1>
      %add3A_563 = arith.addi %min3A, %broadcast_in_dim3A_557 : vector<16xi32>
      %min3A_564 = arith.minsi %add3A_563, %broadcast_in_dim3A_35 : vector<16xi32>
      %broadcast_in_dim3A_565 = arith.constant 11 : i32
      %broadcast_in_dim3A_566 = vector.broadcast %broadcast_in_dim3A_565 : i32 to vector<16xi32>
      %broadcast_in_dim3A_567 = arith.constant 2047 : i32
      %broadcast_in_dim3A_568 = vector.broadcast %broadcast_in_dim3A_567 : i32 to vector<16xi32>
      %shift_right_arithmetic3A_569 = arith.shrsi %min3A_564, %broadcast_in_dim3A_566 : vector<16xi32>
      %and3A_570 = arith.andi %min3A_564, %broadcast_in_dim3A_568 : vector<16xi32>
      %gather3A_571 = tpu.vector_load_idx %arg9[%shift_right_arithmetic3A_569, %and3A_570] : memref<4x2048xi32, #tpu.memory_space<vmem>>[vector<16xi32>, vector<16xi32>], vector<16xi32>,
      %eq3A_572 = arith.cmpi eq, %gather3A_571, %gather3A_432 : vector<16xi32>
      %and3A_573 = arith.andi %eq3A_572, %and3A_562 : vector<16xi1>
      %not3A_574 = arith.constant dense<true> : vector<16xi1>
      %not3A_575 = arith.xori %and3A_573, %not3A_574 : vector<16xi1>
      %and3A_576 = arith.andi %and3A_555, %not3A_575 : vector<16xi1>
      %broadcast_in_dim3A_577 = arith.constant 8 : i32
      %broadcast_in_dim3A_578 = vector.broadcast %broadcast_in_dim3A_577 : i32 to vector<16xi32>
      %add3A_579 = arith.addi %iota3A, %broadcast_in_dim3A_578 : vector<16xi32>
      %lt3A_580 = arith.cmpi slt, %add3A_579, %broadcast_in_dim3A_44 : vector<16xi32>
      %add3A_581 = arith.addi %add3A_425, %broadcast_in_dim3A_578 : vector<16xi32>
      %le3A_582 = arith.cmpi sle, %add3A_581, %broadcast_in_dim3A_35 : vector<16xi32>
      %and3A_583 = arith.andi %lt3A_580, %le3A_582 : vector<16xi1>
      %add3A_584 = arith.addi %min3A, %broadcast_in_dim3A_578 : vector<16xi32>
      %min3A_585 = arith.minsi %add3A_584, %broadcast_in_dim3A_35 : vector<16xi32>
      %broadcast_in_dim3A_586 = arith.constant 11 : i32
      %broadcast_in_dim3A_587 = vector.broadcast %broadcast_in_dim3A_586 : i32 to vector<16xi32>
      %broadcast_in_dim3A_588 = arith.constant 2047 : i32
      %broadcast_in_dim3A_589 = vector.broadcast %broadcast_in_dim3A_588 : i32 to vector<16xi32>
      %shift_right_arithmetic3A_590 = arith.shrsi %min3A_585, %broadcast_in_dim3A_587 : vector<16xi32>
      %and3A_591 = arith.andi %min3A_585, %broadcast_in_dim3A_589 : vector<16xi32>
      %gather3A_592 = tpu.vector_load_idx %arg9[%shift_right_arithmetic3A_590, %and3A_591] : memref<4x2048xi32, #tpu.memory_space<vmem>>[vector<16xi32>, vector<16xi32>], vector<16xi32>,
      %eq3A_593 = arith.cmpi eq, %gather3A_592, %gather3A_432 : vector<16xi32>
      %and3A_594 = arith.andi %eq3A_593, %and3A_583 : vector<16xi1>
      %not3A_595 = arith.constant dense<true> : vector<16xi1>
      %not3A_596 = arith.xori %and3A_594, %not3A_595 : vector<16xi1>
      %and3A_597 = arith.andi %and3A_576, %not3A_596 : vector<16xi1>
      %broadcast_in_dim3A_598 = arith.constant 9 : i32
      %broadcast_in_dim3A_599 = vector.broadcast %broadcast_in_dim3A_598 : i32 to vector<16xi32>
      %add3A_600 = arith.addi %iota3A, %broadcast_in_dim3A_599 : vector<16xi32>
      %lt3A_601 = arith.cmpi slt, %add3A_600, %broadcast_in_dim3A_44 : vector<16xi32>
      %add3A_602 = arith.addi %add3A_425, %broadcast_in_dim3A_599 : vector<16xi32>
      %le3A_603 = arith.cmpi sle, %add3A_602, %broadcast_in_dim3A_35 : vector<16xi32>
      %and3A_604 = arith.andi %lt3A_601, %le3A_603 : vector<16xi1>
      %add3A_605 = arith.addi %min3A, %broadcast_in_dim3A_599 : vector<16xi32>
      %min3A_606 = arith.minsi %add3A_605, %broadcast_in_dim3A_35 : vector<16xi32>
      %broadcast_in_dim3A_607 = arith.constant 11 : i32
      %broadcast_in_dim3A_608 = vector.broadcast %broadcast_in_dim3A_607 : i32 to vector<16xi32>
      %broadcast_in_dim3A_609 = arith.constant 2047 : i32
      %broadcast_in_dim3A_610 = vector.broadcast %broadcast_in_dim3A_609 : i32 to vector<16xi32>
      %shift_right_arithmetic3A_611 = arith.shrsi %min3A_606, %broadcast_in_dim3A_608 : vector<16xi32>
      %and3A_612 = arith.andi %min3A_606, %broadcast_in_dim3A_610 : vector<16xi32>
      %gather3A_613 = tpu.vector_load_idx %arg9[%shift_right_arithmetic3A_611, %and3A_612] : memref<4x2048xi32, #tpu.memory_space<vmem>>[vector<16xi32>, vector<16xi32>], vector<16xi32>,
      %eq3A_614 = arith.cmpi eq, %gather3A_613, %gather3A_432 : vector<16xi32>
      %and3A_615 = arith.andi %eq3A_614, %and3A_604 : vector<16xi1>
      %not3A_616 = arith.constant dense<true> : vector<16xi1>
      %not3A_617 = arith.xori %and3A_615, %not3A_616 : vector<16xi1>
      %and3A_618 = arith.andi %and3A_597, %not3A_617 : vector<16xi1>
      %broadcast_in_dim3A_619 = arith.constant 10 : i32
      %broadcast_in_dim3A_620 = vector.broadcast %broadcast_in_dim3A_619 : i32 to vector<16xi32>
      %add3A_621 = arith.addi %iota3A, %broadcast_in_dim3A_620 : vector<16xi32>
      %lt3A_622 = arith.cmpi slt, %add3A_621, %broadcast_in_dim3A_44 : vector<16xi32>
      %add3A_623 = arith.addi %add3A_425, %broadcast_in_dim3A_620 : vector<16xi32>
      %le3A_624 = arith.cmpi sle, %add3A_623, %broadcast_in_dim3A_35 : vector<16xi32>
      %and3A_625 = arith.andi %lt3A_622, %le3A_624 : vector<16xi1>
      %add3A_626 = arith.addi %min3A, %broadcast_in_dim3A_620 : vector<16xi32>
      %min3A_627 = arith.minsi %add3A_626, %broadcast_in_dim3A_35 : vector<16xi32>
      %broadcast_in_dim3A_628 = arith.constant 11 : i32
      %broadcast_in_dim3A_629 = vector.broadcast %broadcast_in_dim3A_628 : i32 to vector<16xi32>
      %broadcast_in_dim3A_630 = arith.constant 2047 : i32
      %broadcast_in_dim3A_631 = vector.broadcast %broadcast_in_dim3A_630 : i32 to vector<16xi32>
      %shift_right_arithmetic3A_632 = arith.shrsi %min3A_627, %broadcast_in_dim3A_629 : vector<16xi32>
      %and3A_633 = arith.andi %min3A_627, %broadcast_in_dim3A_631 : vector<16xi32>
      %gather3A_634 = tpu.vector_load_idx %arg9[%shift_right_arithmetic3A_632, %and3A_633] : memref<4x2048xi32, #tpu.memory_space<vmem>>[vector<16xi32>, vector<16xi32>], vector<16xi32>,
      %eq3A_635 = arith.cmpi eq, %gather3A_634, %gather3A_432 : vector<16xi32>
      %and3A_636 = arith.andi %eq3A_635, %and3A_625 : vector<16xi1>
      %not3A_637 = arith.constant dense<true> : vector<16xi1>
      %not3A_638 = arith.xori %and3A_636, %not3A_637 : vector<16xi1>
      %and3A_639 = arith.andi %and3A_618, %not3A_638 : vector<16xi1>
      %broadcast_in_dim3A_640 = arith.constant 11 : i32
      %broadcast_in_dim3A_641 = vector.broadcast %broadcast_in_dim3A_640 : i32 to vector<16xi32>
      %add3A_642 = arith.addi %iota3A, %broadcast_in_dim3A_641 : vector<16xi32>
      %lt3A_643 = arith.cmpi slt, %add3A_642, %broadcast_in_dim3A_44 : vector<16xi32>
      %add3A_644 = arith.addi %add3A_425, %broadcast_in_dim3A_641 : vector<16xi32>
      %le3A_645 = arith.cmpi sle, %add3A_644, %broadcast_in_dim3A_35 : vector<16xi32>
      %and3A_646 = arith.andi %lt3A_643, %le3A_645 : vector<16xi1>
      %add3A_647 = arith.addi %min3A, %broadcast_in_dim3A_641 : vector<16xi32>
      %min3A_648 = arith.minsi %add3A_647, %broadcast_in_dim3A_35 : vector<16xi32>
      %broadcast_in_dim3A_649 = arith.constant 11 : i32
      %broadcast_in_dim3A_650 = vector.broadcast %broadcast_in_dim3A_649 : i32 to vector<16xi32>
      %broadcast_in_dim3A_651 = arith.constant 2047 : i32
      %broadcast_in_dim3A_652 = vector.broadcast %broadcast_in_dim3A_651 : i32 to vector<16xi32>
      %shift_right_arithmetic3A_653 = arith.shrsi %min3A_648, %broadcast_in_dim3A_650 : vector<16xi32>
      %and3A_654 = arith.andi %min3A_648, %broadcast_in_dim3A_652 : vector<16xi32>
      %gather3A_655 = tpu.vector_load_idx %arg9[%shift_right_arithmetic3A_653, %and3A_654] : memref<4x2048xi32, #tpu.memory_space<vmem>>[vector<16xi32>, vector<16xi32>], vector<16xi32>,
      %eq3A_656 = arith.cmpi eq, %gather3A_655, %gather3A_432 : vector<16xi32>
      %and3A_657 = arith.andi %eq3A_656, %and3A_646 : vector<16xi1>
      %not3A_658 = arith.constant dense<true> : vector<16xi1>
      %not3A_659 = arith.xori %and3A_657, %not3A_658 : vector<16xi1>
      %and3A_660 = arith.andi %and3A_639, %not3A_659 : vector<16xi1>
      %broadcast_in_dim3A_661 = arith.constant 12 : i32
      %broadcast_in_dim3A_662 = vector.broadcast %broadcast_in_dim3A_661 : i32 to vector<16xi32>
      %add3A_663 = arith.addi %iota3A, %broadcast_in_dim3A_662 : vector<16xi32>
      %lt3A_664 = arith.cmpi slt, %add3A_663, %broadcast_in_dim3A_44 : vector<16xi32>
      %add3A_665 = arith.addi %add3A_425, %broadcast_in_dim3A_662 : vector<16xi32>
      %le3A_666 = arith.cmpi sle, %add3A_665, %broadcast_in_dim3A_35 : vector<16xi32>
      %and3A_667 = arith.andi %lt3A_664, %le3A_666 : vector<16xi1>
      %add3A_668 = arith.addi %min3A, %broadcast_in_dim3A_662 : vector<16xi32>
      %min3A_669 = arith.minsi %add3A_668, %broadcast_in_dim3A_35 : vector<16xi32>
      %broadcast_in_dim3A_670 = arith.constant 11 : i32
      %broadcast_in_dim3A_671 = vector.broadcast %broadcast_in_dim3A_670 : i32 to vector<16xi32>
      %broadcast_in_dim3A_672 = arith.constant 2047 : i32
      %broadcast_in_dim3A_673 = vector.broadcast %broadcast_in_dim3A_672 : i32 to vector<16xi32>
      %shift_right_arithmetic3A_674 = arith.shrsi %min3A_669, %broadcast_in_dim3A_671 : vector<16xi32>
      %and3A_675 = arith.andi %min3A_669, %broadcast_in_dim3A_673 : vector<16xi32>
      %gather3A_676 = tpu.vector_load_idx %arg9[%shift_right_arithmetic3A_674, %and3A_675] : memref<4x2048xi32, #tpu.memory_space<vmem>>[vector<16xi32>, vector<16xi32>], vector<16xi32>,
      %eq3A_677 = arith.cmpi eq, %gather3A_676, %gather3A_432 : vector<16xi32>
      %and3A_678 = arith.andi %eq3A_677, %and3A_667 : vector<16xi1>
      %not3A_679 = arith.constant dense<true> : vector<16xi1>
      %not3A_680 = arith.xori %and3A_678, %not3A_679 : vector<16xi1>
      %and3A_681 = arith.andi %and3A_660, %not3A_680 : vector<16xi1>
      %broadcast_in_dim3A_682 = arith.constant 13 : i32
      %broadcast_in_dim3A_683 = vector.broadcast %broadcast_in_dim3A_682 : i32 to vector<16xi32>
      %add3A_684 = arith.addi %iota3A, %broadcast_in_dim3A_683 : vector<16xi32>
      %lt3A_685 = arith.cmpi slt, %add3A_684, %broadcast_in_dim3A_44 : vector<16xi32>
      %add3A_686 = arith.addi %add3A_425, %broadcast_in_dim3A_683 : vector<16xi32>
      %le3A_687 = arith.cmpi sle, %add3A_686, %broadcast_in_dim3A_35 : vector<16xi32>
      %and3A_688 = arith.andi %lt3A_685, %le3A_687 : vector<16xi1>
      %add3A_689 = arith.addi %min3A, %broadcast_in_dim3A_683 : vector<16xi32>
      %min3A_690 = arith.minsi %add3A_689, %broadcast_in_dim3A_35 : vector<16xi32>
      %broadcast_in_dim3A_691 = arith.constant 11 : i32
      %broadcast_in_dim3A_692 = vector.broadcast %broadcast_in_dim3A_691 : i32 to vector<16xi32>
      %broadcast_in_dim3A_693 = arith.constant 2047 : i32
      %broadcast_in_dim3A_694 = vector.broadcast %broadcast_in_dim3A_693 : i32 to vector<16xi32>
      %shift_right_arithmetic3A_695 = arith.shrsi %min3A_690, %broadcast_in_dim3A_692 : vector<16xi32>
      %and3A_696 = arith.andi %min3A_690, %broadcast_in_dim3A_694 : vector<16xi32>
      %gather3A_697 = tpu.vector_load_idx %arg9[%shift_right_arithmetic3A_695, %and3A_696] : memref<4x2048xi32, #tpu.memory_space<vmem>>[vector<16xi32>, vector<16xi32>], vector<16xi32>,
      %eq3A_698 = arith.cmpi eq, %gather3A_697, %gather3A_432 : vector<16xi32>
      %and3A_699 = arith.andi %eq3A_698, %and3A_688 : vector<16xi1>
      %not3A_700 = arith.constant dense<true> : vector<16xi1>
      %not3A_701 = arith.xori %and3A_699, %not3A_700 : vector<16xi1>
      %and3A_702 = arith.andi %and3A_681, %not3A_701 : vector<16xi1>
      %broadcast_in_dim3A_703 = arith.constant 14 : i32
      %broadcast_in_dim3A_704 = vector.broadcast %broadcast_in_dim3A_703 : i32 to vector<16xi32>
      %add3A_705 = arith.addi %iota3A, %broadcast_in_dim3A_704 : vector<16xi32>
      %lt3A_706 = arith.cmpi slt, %add3A_705, %broadcast_in_dim3A_44 : vector<16xi32>
      %add3A_707 = arith.addi %add3A_425, %broadcast_in_dim3A_704 : vector<16xi32>
      %le3A_708 = arith.cmpi sle, %add3A_707, %broadcast_in_dim3A_35 : vector<16xi32>
      %and3A_709 = arith.andi %lt3A_706, %le3A_708 : vector<16xi1>
      %add3A_710 = arith.addi %min3A, %broadcast_in_dim3A_704 : vector<16xi32>
      %min3A_711 = arith.minsi %add3A_710, %broadcast_in_dim3A_35 : vector<16xi32>
      %broadcast_in_dim3A_712 = arith.constant 11 : i32
      %broadcast_in_dim3A_713 = vector.broadcast %broadcast_in_dim3A_712 : i32 to vector<16xi32>
      %broadcast_in_dim3A_714 = arith.constant 2047 : i32
      %broadcast_in_dim3A_715 = vector.broadcast %broadcast_in_dim3A_714 : i32 to vector<16xi32>
      %shift_right_arithmetic3A_716 = arith.shrsi %min3A_711, %broadcast_in_dim3A_713 : vector<16xi32>
      %and3A_717 = arith.andi %min3A_711, %broadcast_in_dim3A_715 : vector<16xi32>
      %gather3A_718 = tpu.vector_load_idx %arg9[%shift_right_arithmetic3A_716, %and3A_717] : memref<4x2048xi32, #tpu.memory_space<vmem>>[vector<16xi32>, vector<16xi32>], vector<16xi32>,
      %eq3A_719 = arith.cmpi eq, %gather3A_718, %gather3A_432 : vector<16xi32>
      %and3A_720 = arith.andi %eq3A_719, %and3A_709 : vector<16xi1>
      %not3A_721 = arith.constant dense<true> : vector<16xi1>
      %not3A_722 = arith.xori %and3A_720, %not3A_721 : vector<16xi1>
      %and3A_723 = arith.andi %and3A_702, %not3A_722 : vector<16xi1>
      %broadcast_in_dim3A_724 = arith.constant 15 : i32
      %broadcast_in_dim3A_725 = vector.broadcast %broadcast_in_dim3A_724 : i32 to vector<16xi32>
      %add3A_726 = arith.addi %iota3A, %broadcast_in_dim3A_725 : vector<16xi32>
      %lt3A_727 = arith.cmpi slt, %add3A_726, %broadcast_in_dim3A_44 : vector<16xi32>
      %add3A_728 = arith.addi %add3A_425, %broadcast_in_dim3A_725 : vector<16xi32>
      %le3A_729 = arith.cmpi sle, %add3A_728, %broadcast_in_dim3A_35 : vector<16xi32>
      %and3A_730 = arith.andi %lt3A_727, %le3A_729 : vector<16xi1>
      %add3A_731 = arith.addi %min3A, %broadcast_in_dim3A_725 : vector<16xi32>
      %min3A_732 = arith.minsi %add3A_731, %broadcast_in_dim3A_35 : vector<16xi32>
      %broadcast_in_dim3A_733 = arith.constant 11 : i32
      %broadcast_in_dim3A_734 = vector.broadcast %broadcast_in_dim3A_733 : i32 to vector<16xi32>
      %broadcast_in_dim3A_735 = arith.constant 2047 : i32
      %broadcast_in_dim3A_736 = vector.broadcast %broadcast_in_dim3A_735 : i32 to vector<16xi32>
      %shift_right_arithmetic3A_737 = arith.shrsi %min3A_732, %broadcast_in_dim3A_734 : vector<16xi32>
      %and3A_738 = arith.andi %min3A_732, %broadcast_in_dim3A_736 : vector<16xi32>
      %gather3A_739 = tpu.vector_load_idx %arg9[%shift_right_arithmetic3A_737, %and3A_738] : memref<4x2048xi32, #tpu.memory_space<vmem>>[vector<16xi32>, vector<16xi32>], vector<16xi32>,
      %eq3A_740 = arith.cmpi eq, %gather3A_739, %gather3A_432 : vector<16xi32>
      %and3A_741 = arith.andi %eq3A_740, %and3A_730 : vector<16xi1>
      %not3A_742 = arith.constant dense<true> : vector<16xi1>
      %not3A_743 = arith.xori %and3A_741, %not3A_742 : vector<16xi1>
      %and3A_744 = arith.andi %and3A_723, %not3A_743 : vector<16xi1>
      %convert_element_type3A = arith.extui %and3A_744 : vector<16xi1> to vector<16xi32>
      %mul3A_745 = arith.constant 16 : i32
      %mul3A_746 = arith.muli %while3A_420, %mul3A_745 : i32
      %swap3A = arith.index_cast %mul3A_746 : i32 to index
      %swap3A_747 = tpu.vector_load %arg13[%swap3A] {strides = array<i32>} : memref<8192xi32, #tpu.memory_space<vmem>>, vector<16xi32>,
      tpu.vector_store %arg13[%swap3A], %convert_element_type3A {strides = array<i32>} : memref<8192xi32, #tpu.memory_space<vmem>>, vector<16xi32>,
      %while3A_748 = arith.constant 0 : i32
      scf.yield %while3A_748 : i32
    }
    %add3A_56 = arith.constant 0 : i32
    %add3A_57 = arith.addi %mul3A_2, %add3A_56 : i32
    %broadcast_in_dim3A_58 = vector.broadcast %add3A_57 : i32 to vector<16xi32>
    %add3A_59 = arith.addi %broadcast_in_dim3A_58, %broadcast_in_dim3A_39 : vector<16xi32>
    %while3A_60 = arith.constant 0 : i32
    %while3A_61 = arith.constant 0 : i32
    %while3A_62 = arith.subi %shift_right_arithmetic3A_42, %while3A_60 : i32
    %while3A_63 = arith.addi %while3A_60, %while3A_62 : i32
    %while3A_64 = arith.constant 1 : i32
    %while3A_65 = arith.divsi %while3A_62, %while3A_64 : i32
    %while3A_66 = arith.muli %while3A_65, %while3A_64 : i32
    %while3A_67 = arith.addi %while3A_60, %while3A_66 : i32
    %while3A_68 = arith.constant 1 : i32
    %while3A_69 = scf.for %while3A_420 = %while3A_60 to %while3A_67 step %while3A_68 iter_args(%while3A_421 = %while3A_61) -> (i32)  : i32 {
      %mul3A_422 = arith.constant 16 : i32
      %mul3A_423 = arith.muli %while3A_420, %mul3A_422 : i32
      %broadcast_in_dim3A_424 = vector.broadcast %mul3A_423 : i32 to vector<16xi32>
      %add3A_425 = arith.addi %broadcast_in_dim3A_424, %iota3A : vector<16xi32>
      %le3A = arith.cmpi sle, %add3A_425, %broadcast_in_dim3A_35 : vector<16xi32>
      %min3A = arith.minsi %add3A_425, %broadcast_in_dim3A_35 : vector<16xi32>
      %broadcast_in_dim3A_426 = arith.constant 11 : i32
      %broadcast_in_dim3A_427 = vector.broadcast %broadcast_in_dim3A_426 : i32 to vector<16xi32>
      %broadcast_in_dim3A_428 = arith.constant 2047 : i32
      %broadcast_in_dim3A_429 = vector.broadcast %broadcast_in_dim3A_428 : i32 to vector<16xi32>
      %shift_right_arithmetic3A_430 = arith.shrsi %min3A, %broadcast_in_dim3A_427 : vector<16xi32>
      %and3A_431 = arith.andi %min3A, %broadcast_in_dim3A_429 : vector<16xi32>
      %gather3A_432 = tpu.vector_load_idx %arg9[%shift_right_arithmetic3A_430, %and3A_431] : memref<4x2048xi32, #tpu.memory_space<vmem>>[vector<16xi32>, vector<16xi32>], vector<16xi32>,
      %mul3A_433 = arith.constant 16 : i32
      %mul3A_434 = arith.muli %while3A_420, %mul3A_433 : i32
      %get3A = arith.index_cast %mul3A_434 : i32 to index
      %get3A_435 = tpu.vector_load %arg13[%get3A] {strides = array<i32>} : memref<8192xi32, #tpu.memory_space<vmem>>, vector<16xi32>,
      %ge3A = arith.cmpi sge, %gather3A_432, %broadcast_in_dim3A_58 : vector<16xi32>
      %and3A_436 = arith.andi %le3A, %ge3A : vector<16xi1>
      %lt3A = arith.cmpi slt, %gather3A_432, %add3A_59 : vector<16xi32>
      %and3A_437 = arith.andi %and3A_436, %lt3A : vector<16xi1>
      %gt3A = arith.cmpi sgt, %get3A_435, %broadcast_in_dim3A_37 : vector<16xi32>
      %and3A_438 = arith.andi %and3A_437, %gt3A : vector<16xi1>
      %sub3A_439 = arith.subi %gather3A_432, %broadcast_in_dim3A_58 : vector<16xi32>
      %max3A_440 = arith.maxsi %sub3A_439, %broadcast_in_dim3A_37 : vector<16xi32>
      %sub3A_441 = arith.subi %broadcast_in_dim3A_39, %broadcast_in_dim3A_13 : vector<16xi32>
      %min3A_442 = arith.minsi %max3A_440, %sub3A_441 : vector<16xi32>
      tpu.vector_store_idx %arg12[%min3A_442], %add3A_425 masked %and3A_438 : memref<16384xi32, #tpu.memory_space<vmem>>[vector<16xi32>], vector<16xi32>, vector<16xi1>
      %while3A_443 = arith.constant 0 : i32
      scf.yield %while3A_443 : i32
    }
    %while3A_70 = arith.constant 1 : i32
    %while3A_71 = scf.for %while3A_420 = %while3A_67 to %while3A_63 step %while3A_70 iter_args(%while3A_421 = %while3A_69) -> (i32)  : i32 {
      %mul3A_422 = arith.constant 16 : i32
      %mul3A_423 = arith.muli %while3A_420, %mul3A_422 : i32
      %broadcast_in_dim3A_424 = vector.broadcast %mul3A_423 : i32 to vector<16xi32>
      %add3A_425 = arith.addi %broadcast_in_dim3A_424, %iota3A : vector<16xi32>
      %le3A = arith.cmpi sle, %add3A_425, %broadcast_in_dim3A_35 : vector<16xi32>
      %min3A = arith.minsi %add3A_425, %broadcast_in_dim3A_35 : vector<16xi32>
      %broadcast_in_dim3A_426 = arith.constant 11 : i32
      %broadcast_in_dim3A_427 = vector.broadcast %broadcast_in_dim3A_426 : i32 to vector<16xi32>
      %broadcast_in_dim3A_428 = arith.constant 2047 : i32
      %broadcast_in_dim3A_429 = vector.broadcast %broadcast_in_dim3A_428 : i32 to vector<16xi32>
      %shift_right_arithmetic3A_430 = arith.shrsi %min3A, %broadcast_in_dim3A_427 : vector<16xi32>
      %and3A_431 = arith.andi %min3A, %broadcast_in_dim3A_429 : vector<16xi32>
      %gather3A_432 = tpu.vector_load_idx %arg9[%shift_right_arithmetic3A_430, %and3A_431] : memref<4x2048xi32, #tpu.memory_space<vmem>>[vector<16xi32>, vector<16xi32>], vector<16xi32>,
      %mul3A_433 = arith.constant 16 : i32
      %mul3A_434 = arith.muli %while3A_420, %mul3A_433 : i32
      %get3A = arith.index_cast %mul3A_434 : i32 to index
      %get3A_435 = tpu.vector_load %arg13[%get3A] {strides = array<i32>} : memref<8192xi32, #tpu.memory_space<vmem>>, vector<16xi32>,
      %ge3A = arith.cmpi sge, %gather3A_432, %broadcast_in_dim3A_58 : vector<16xi32>
      %and3A_436 = arith.andi %le3A, %ge3A : vector<16xi1>
      %lt3A = arith.cmpi slt, %gather3A_432, %add3A_59 : vector<16xi32>
      %and3A_437 = arith.andi %and3A_436, %lt3A : vector<16xi1>
      %gt3A = arith.cmpi sgt, %get3A_435, %broadcast_in_dim3A_37 : vector<16xi32>
      %and3A_438 = arith.andi %and3A_437, %gt3A : vector<16xi1>
      %sub3A_439 = arith.subi %gather3A_432, %broadcast_in_dim3A_58 : vector<16xi32>
      %max3A_440 = arith.maxsi %sub3A_439, %broadcast_in_dim3A_37 : vector<16xi32>
      %sub3A_441 = arith.subi %broadcast_in_dim3A_39, %broadcast_in_dim3A_13 : vector<16xi32>
      %min3A_442 = arith.minsi %max3A_440, %sub3A_441 : vector<16xi32>
      tpu.vector_store_idx %arg12[%min3A_442], %add3A_425 masked %and3A_438 : memref<16384xi32, #tpu.memory_space<vmem>>[vector<16xi32>], vector<16xi32>, vector<16xi1>
      %while3A_443 = arith.constant 0 : i32
      scf.yield %while3A_443 : i32
    }
    %while3A_72 = arith.constant 0 : i32
    %while3A_73 = arith.constant 0 : i32
    %while3A_74 = arith.subi %shift_right_arithmetic3A_42, %while3A_72 : i32
    %while3A_75 = arith.addi %while3A_72, %while3A_74 : i32
    %while3A_76 = arith.constant 1 : i32
    %while3A_77 = arith.divsi %while3A_74, %while3A_76 : i32
    %while3A_78 = arith.muli %while3A_77, %while3A_76 : i32
    %while3A_79 = arith.addi %while3A_72, %while3A_78 : i32
    %while3A_80 = arith.constant 1 : i32
    %while3A_81 = scf.for %while3A_420 = %while3A_72 to %while3A_79 step %while3A_80 iter_args(%while3A_421 = %while3A_73) -> (i32)  : i32 {
      %mul3A_422 = arith.constant 16 : i32
      %mul3A_423 = arith.muli %while3A_420, %mul3A_422 : i32
      %broadcast_in_dim3A_424 = vector.broadcast %mul3A_423 : i32 to vector<16xi32>
      %add3A_425 = arith.addi %broadcast_in_dim3A_424, %iota3A : vector<16xi32>
      %le3A = arith.cmpi sle, %add3A_425, %broadcast_in_dim3A_35 : vector<16xi32>
      %min3A = arith.minsi %add3A_425, %broadcast_in_dim3A_35 : vector<16xi32>
      %broadcast_in_dim3A_426 = arith.constant 11 : i32
      %broadcast_in_dim3A_427 = vector.broadcast %broadcast_in_dim3A_426 : i32 to vector<16xi32>
      %broadcast_in_dim3A_428 = arith.constant 2047 : i32
      %broadcast_in_dim3A_429 = vector.broadcast %broadcast_in_dim3A_428 : i32 to vector<16xi32>
      %shift_right_arithmetic3A_430 = arith.shrsi %min3A, %broadcast_in_dim3A_427 : vector<16xi32>
      %and3A_431 = arith.andi %min3A, %broadcast_in_dim3A_429 : vector<16xi32>
      %gather3A_432 = tpu.vector_load_idx %arg9[%shift_right_arithmetic3A_430, %and3A_431] : memref<4x2048xi32, #tpu.memory_space<vmem>>[vector<16xi32>, vector<16xi32>], vector<16xi32>,
      %ge3A = arith.cmpi sge, %gather3A_432, %broadcast_in_dim3A_58 : vector<16xi32>
      %and3A_433 = arith.andi %le3A, %ge3A : vector<16xi1>
      %lt3A = arith.cmpi slt, %gather3A_432, %add3A_59 : vector<16xi32>
      %and3A_434 = arith.andi %and3A_433, %lt3A : vector<16xi1>
      %sub3A_435 = arith.subi %gather3A_432, %broadcast_in_dim3A_58 : vector<16xi32>
      %max3A_436 = arith.maxsi %sub3A_435, %broadcast_in_dim3A_37 : vector<16xi32>
      %sub3A_437 = arith.subi %broadcast_in_dim3A_39, %broadcast_in_dim3A_13 : vector<16xi32>
      %min3A_438 = arith.minsi %max3A_436, %sub3A_437 : vector<16xi32>
      %gather3A_439 = tpu.vector_load_idx %arg12[%min3A_438] : memref<16384xi32, #tpu.memory_space<vmem>>[vector<16xi32>], vector<16xi32>,
      %max3A_440 = arith.maxsi %gather3A_439, %broadcast_in_dim3A_37 : vector<16xi32>
      %min3A_441 = arith.minsi %max3A_440, %broadcast_in_dim3A_35 : vector<16xi32>
      %broadcast_in_dim3A_442 = arith.constant 11 : i32
      %broadcast_in_dim3A_443 = vector.broadcast %broadcast_in_dim3A_442 : i32 to vector<16xi32>
      %broadcast_in_dim3A_444 = arith.constant 2047 : i32
      %broadcast_in_dim3A_445 = vector.broadcast %broadcast_in_dim3A_444 : i32 to vector<16xi32>
      %shift_right_arithmetic3A_446 = arith.shrsi %min3A_441, %broadcast_in_dim3A_443 : vector<16xi32>
      %and3A_447 = arith.andi %min3A_441, %broadcast_in_dim3A_445 : vector<16xi32>
      %gather3A_448 = tpu.vector_load_idx %arg10[%shift_right_arithmetic3A_446, %and3A_447] : memref<4x2048xi32, #tpu.memory_space<vmem>>[vector<16xi32>, vector<16xi32>], vector<16xi32>,
      %broadcast_in_dim3A_449 = arith.constant 11 : i32
      %broadcast_in_dim3A_450 = vector.broadcast %broadcast_in_dim3A_449 : i32 to vector<16xi32>
      %broadcast_in_dim3A_451 = arith.constant 2047 : i32
      %broadcast_in_dim3A_452 = vector.broadcast %broadcast_in_dim3A_451 : i32 to vector<16xi32>
      %shift_right_arithmetic3A_453 = arith.shrsi %min3A, %broadcast_in_dim3A_450 : vector<16xi32>
      %and3A_454 = arith.andi %min3A, %broadcast_in_dim3A_452 : vector<16xi32>
      tpu.vector_store_idx %arg10[%shift_right_arithmetic3A_453, %and3A_454], %gather3A_448 masked %and3A_434 : memref<4x2048xi32, #tpu.memory_space<vmem>>[vector<16xi32>, vector<16xi32>], vector<16xi32>, vector<16xi1>
      %while3A_455 = arith.constant 0 : i32
      scf.yield %while3A_455 : i32
    }
    %while3A_82 = arith.constant 1 : i32
    %while3A_83 = scf.for %while3A_420 = %while3A_79 to %while3A_75 step %while3A_82 iter_args(%while3A_421 = %while3A_81) -> (i32)  : i32 {
      %mul3A_422 = arith.constant 16 : i32
      %mul3A_423 = arith.muli %while3A_420, %mul3A_422 : i32
      %broadcast_in_dim3A_424 = vector.broadcast %mul3A_423 : i32 to vector<16xi32>
      %add3A_425 = arith.addi %broadcast_in_dim3A_424, %iota3A : vector<16xi32>
      %le3A = arith.cmpi sle, %add3A_425, %broadcast_in_dim3A_35 : vector<16xi32>
      %min3A = arith.minsi %add3A_425, %broadcast_in_dim3A_35 : vector<16xi32>
      %broadcast_in_dim3A_426 = arith.constant 11 : i32
      %broadcast_in_dim3A_427 = vector.broadcast %broadcast_in_dim3A_426 : i32 to vector<16xi32>
      %broadcast_in_dim3A_428 = arith.constant 2047 : i32
      %broadcast_in_dim3A_429 = vector.broadcast %broadcast_in_dim3A_428 : i32 to vector<16xi32>
      %shift_right_arithmetic3A_430 = arith.shrsi %min3A, %broadcast_in_dim3A_427 : vector<16xi32>
      %and3A_431 = arith.andi %min3A, %broadcast_in_dim3A_429 : vector<16xi32>
      %gather3A_432 = tpu.vector_load_idx %arg9[%shift_right_arithmetic3A_430, %and3A_431] : memref<4x2048xi32, #tpu.memory_space<vmem>>[vector<16xi32>, vector<16xi32>], vector<16xi32>,
      %ge3A = arith.cmpi sge, %gather3A_432, %broadcast_in_dim3A_58 : vector<16xi32>
      %and3A_433 = arith.andi %le3A, %ge3A : vector<16xi1>
      %lt3A = arith.cmpi slt, %gather3A_432, %add3A_59 : vector<16xi32>
      %and3A_434 = arith.andi %and3A_433, %lt3A : vector<16xi1>
      %sub3A_435 = arith.subi %gather3A_432, %broadcast_in_dim3A_58 : vector<16xi32>
      %max3A_436 = arith.maxsi %sub3A_435, %broadcast_in_dim3A_37 : vector<16xi32>
      %sub3A_437 = arith.subi %broadcast_in_dim3A_39, %broadcast_in_dim3A_13 : vector<16xi32>
      %min3A_438 = arith.minsi %max3A_436, %sub3A_437 : vector<16xi32>
      %gather3A_439 = tpu.vector_load_idx %arg12[%min3A_438] : memref<16384xi32, #tpu.memory_space<vmem>>[vector<16xi32>], vector<16xi32>,
      %max3A_440 = arith.maxsi %gather3A_439, %broadcast_in_dim3A_37 : vector<16xi32>
      %min3A_441 = arith.minsi %max3A_440, %broadcast_in_dim3A_35 : vector<16xi32>
      %broadcast_in_dim3A_442 = arith.constant 11 : i32
      %broadcast_in_dim3A_443 = vector.broadcast %broadcast_in_dim3A_442 : i32 to vector<16xi32>
      %broadcast_in_dim3A_444 = arith.constant 2047 : i32
      %broadcast_in_dim3A_445 = vector.broadcast %broadcast_in_dim3A_444 : i32 to vector<16xi32>
      %shift_right_arithmetic3A_446 = arith.shrsi %min3A_441, %broadcast_in_dim3A_443 : vector<16xi32>
      %and3A_447 = arith.andi %min3A_441, %broadcast_in_dim3A_445 : vector<16xi32>
      %gather3A_448 = tpu.vector_load_idx %arg10[%shift_right_arithmetic3A_446, %and3A_447] : memref<4x2048xi32, #tpu.memory_space<vmem>>[vector<16xi32>, vector<16xi32>], vector<16xi32>,
      %broadcast_in_dim3A_449 = arith.constant 11 : i32
      %broadcast_in_dim3A_450 = vector.broadcast %broadcast_in_dim3A_449 : i32 to vector<16xi32>
      %broadcast_in_dim3A_451 = arith.constant 2047 : i32
      %broadcast_in_dim3A_452 = vector.broadcast %broadcast_in_dim3A_451 : i32 to vector<16xi32>
      %shift_right_arithmetic3A_453 = arith.shrsi %min3A, %broadcast_in_dim3A_450 : vector<16xi32>
      %and3A_454 = arith.andi %min3A, %broadcast_in_dim3A_452 : vector<16xi32>
      tpu.vector_store_idx %arg10[%shift_right_arithmetic3A_453, %and3A_454], %gather3A_448 masked %and3A_434 : memref<4x2048xi32, #tpu.memory_space<vmem>>[vector<16xi32>, vector<16xi32>], vector<16xi32>, vector<16xi1>
      %while3A_455 = arith.constant 0 : i32
      scf.yield %while3A_455 : i32
    }
    %add3A_84 = arith.constant 16384 : i32
    %add3A_85 = arith.addi %mul3A_2, %add3A_84 : i32
    %broadcast_in_dim3A_86 = vector.broadcast %add3A_85 : i32 to vector<16xi32>
    %add3A_87 = arith.addi %broadcast_in_dim3A_86, %broadcast_in_dim3A_39 : vector<16xi32>
    %while3A_88 = arith.constant 0 : i32
    %while3A_89 = arith.constant 0 : i32
    %while3A_90 = arith.subi %shift_right_arithmetic3A_42, %while3A_88 : i32
    %while3A_91 = arith.addi %while3A_88, %while3A_90 : i32
    %while3A_92 = arith.constant 1 : i32
    %while3A_93 = arith.divsi %while3A_90, %while3A_92 : i32
    %while3A_94 = arith.muli %while3A_93, %while3A_92 : i32
    %while3A_95 = arith.addi %while3A_88, %while3A_94 : i32
    %while3A_96 = arith.constant 1 : i32
    %while3A_97 = scf.for %while3A_420 = %while3A_88 to %while3A_95 step %while3A_96 iter_args(%while3A_421 = %while3A_89) -> (i32)  : i32 {
      %mul3A_422 = arith.constant 16 : i32
      %mul3A_423 = arith.muli %while3A_420, %mul3A_422 : i32
      %broadcast_in_dim3A_424 = vector.broadcast %mul3A_423 : i32 to vector<16xi32>
      %add3A_425 = arith.addi %broadcast_in_dim3A_424, %iota3A : vector<16xi32>
      %le3A = arith.cmpi sle, %add3A_425, %broadcast_in_dim3A_35 : vector<16xi32>
      %min3A = arith.minsi %add3A_425, %broadcast_in_dim3A_35 : vector<16xi32>
      %broadcast_in_dim3A_426 = arith.constant 11 : i32
      %broadcast_in_dim3A_427 = vector.broadcast %broadcast_in_dim3A_426 : i32 to vector<16xi32>
      %broadcast_in_dim3A_428 = arith.constant 2047 : i32
      %broadcast_in_dim3A_429 = vector.broadcast %broadcast_in_dim3A_428 : i32 to vector<16xi32>
      %shift_right_arithmetic3A_430 = arith.shrsi %min3A, %broadcast_in_dim3A_427 : vector<16xi32>
      %and3A_431 = arith.andi %min3A, %broadcast_in_dim3A_429 : vector<16xi32>
      %gather3A_432 = tpu.vector_load_idx %arg9[%shift_right_arithmetic3A_430, %and3A_431] : memref<4x2048xi32, #tpu.memory_space<vmem>>[vector<16xi32>, vector<16xi32>], vector<16xi32>,
      %mul3A_433 = arith.constant 16 : i32
      %mul3A_434 = arith.muli %while3A_420, %mul3A_433 : i32
      %get3A = arith.index_cast %mul3A_434 : i32 to index
      %get3A_435 = tpu.vector_load %arg13[%get3A] {strides = array<i32>} : memref<8192xi32, #tpu.memory_space<vmem>>, vector<16xi32>,
      %ge3A = arith.cmpi sge, %gather3A_432, %broadcast_in_dim3A_86 : vector<16xi32>
      %and3A_436 = arith.andi %le3A, %ge3A : vector<16xi1>
      %lt3A = arith.cmpi slt, %gather3A_432, %add3A_87 : vector<16xi32>
      %and3A_437 = arith.andi %and3A_436, %lt3A : vector<16xi1>
      %gt3A = arith.cmpi sgt, %get3A_435, %broadcast_in_dim3A_37 : vector<16xi32>
      %and3A_438 = arith.andi %and3A_437, %gt3A : vector<16xi1>
      %sub3A_439 = arith.subi %gather3A_432, %broadcast_in_dim3A_86 : vector<16xi32>
      %max3A_440 = arith.maxsi %sub3A_439, %broadcast_in_dim3A_37 : vector<16xi32>
      %sub3A_441 = arith.subi %broadcast_in_dim3A_39, %broadcast_in_dim3A_13 : vector<16xi32>
      %min3A_442 = arith.minsi %max3A_440, %sub3A_441 : vector<16xi32>
      tpu.vector_store_idx %arg12[%min3A_442], %add3A_425 masked %and3A_438 : memref<16384xi32, #tpu.memory_space<vmem>>[vector<16xi32>], vector<16xi32>, vector<16xi1>
      %while3A_443 = arith.constant 0 : i32
      scf.yield %while3A_443 : i32
    }
    %while3A_98 = arith.constant 1 : i32
    %while3A_99 = scf.for %while3A_420 = %while3A_95 to %while3A_91 step %while3A_98 iter_args(%while3A_421 = %while3A_97) -> (i32)  : i32 {
      %mul3A_422 = arith.constant 16 : i32
      %mul3A_423 = arith.muli %while3A_420, %mul3A_422 : i32
      %broadcast_in_dim3A_424 = vector.broadcast %mul3A_423 : i32 to vector<16xi32>
      %add3A_425 = arith.addi %broadcast_in_dim3A_424, %iota3A : vector<16xi32>
      %le3A = arith.cmpi sle, %add3A_425, %broadcast_in_dim3A_35 : vector<16xi32>
      %min3A = arith.minsi %add3A_425, %broadcast_in_dim3A_35 : vector<16xi32>
      %broadcast_in_dim3A_426 = arith.constant 11 : i32
      %broadcast_in_dim3A_427 = vector.broadcast %broadcast_in_dim3A_426 : i32 to vector<16xi32>
      %broadcast_in_dim3A_428 = arith.constant 2047 : i32
      %broadcast_in_dim3A_429 = vector.broadcast %broadcast_in_dim3A_428 : i32 to vector<16xi32>
      %shift_right_arithmetic3A_430 = arith.shrsi %min3A, %broadcast_in_dim3A_427 : vector<16xi32>
      %and3A_431 = arith.andi %min3A, %broadcast_in_dim3A_429 : vector<16xi32>
      %gather3A_432 = tpu.vector_load_idx %arg9[%shift_right_arithmetic3A_430, %and3A_431] : memref<4x2048xi32, #tpu.memory_space<vmem>>[vector<16xi32>, vector<16xi32>], vector<16xi32>,
      %mul3A_433 = arith.constant 16 : i32
      %mul3A_434 = arith.muli %while3A_420, %mul3A_433 : i32
      %get3A = arith.index_cast %mul3A_434 : i32 to index
      %get3A_435 = tpu.vector_load %arg13[%get3A] {strides = array<i32>} : memref<8192xi32, #tpu.memory_space<vmem>>, vector<16xi32>,
      %ge3A = arith.cmpi sge, %gather3A_432, %broadcast_in_dim3A_86 : vector<16xi32>
      %and3A_436 = arith.andi %le3A, %ge3A : vector<16xi1>
      %lt3A = arith.cmpi slt, %gather3A_432, %add3A_87 : vector<16xi32>
      %and3A_437 = arith.andi %and3A_436, %lt3A : vector<16xi1>
      %gt3A = arith.cmpi sgt, %get3A_435, %broadcast_in_dim3A_37 : vector<16xi32>
      %and3A_438 = arith.andi %and3A_437, %gt3A : vector<16xi1>
      %sub3A_439 = arith.subi %gather3A_432, %broadcast_in_dim3A_86 : vector<16xi32>
      %max3A_440 = arith.maxsi %sub3A_439, %broadcast_in_dim3A_37 : vector<16xi32>
      %sub3A_441 = arith.subi %broadcast_in_dim3A_39, %broadcast_in_dim3A_13 : vector<16xi32>
      %min3A_442 = arith.minsi %max3A_440, %sub3A_441 : vector<16xi32>
      tpu.vector_store_idx %arg12[%min3A_442], %add3A_425 masked %and3A_438 : memref<16384xi32, #tpu.memory_space<vmem>>[vector<16xi32>], vector<16xi32>, vector<16xi1>
      %while3A_443 = arith.constant 0 : i32
      scf.yield %while3A_443 : i32
    }
    %while3A_100 = arith.constant 0 : i32
    %while3A_101 = arith.constant 0 : i32
    %while3A_102 = arith.subi %shift_right_arithmetic3A_42, %while3A_100 : i32
    %while3A_103 = arith.addi %while3A_100, %while3A_102 : i32
    %while3A_104 = arith.constant 1 : i32
    %while3A_105 = arith.divsi %while3A_102, %while3A_104 : i32
    %while3A_106 = arith.muli %while3A_105, %while3A_104 : i32
    %while3A_107 = arith.addi %while3A_100, %while3A_106 : i32
    %while3A_108 = arith.constant 1 : i32
    %while3A_109 = scf.for %while3A_420 = %while3A_100 to %while3A_107 step %while3A_108 iter_args(%while3A_421 = %while3A_101) -> (i32)  : i32 {
      %mul3A_422 = arith.constant 16 : i32
      %mul3A_423 = arith.muli %while3A_420, %mul3A_422 : i32
      %broadcast_in_dim3A_424 = vector.broadcast %mul3A_423 : i32 to vector<16xi32>
      %add3A_425 = arith.addi %broadcast_in_dim3A_424, %iota3A : vector<16xi32>
      %le3A = arith.cmpi sle, %add3A_425, %broadcast_in_dim3A_35 : vector<16xi32>
      %min3A = arith.minsi %add3A_425, %broadcast_in_dim3A_35 : vector<16xi32>
      %broadcast_in_dim3A_426 = arith.constant 11 : i32
      %broadcast_in_dim3A_427 = vector.broadcast %broadcast_in_dim3A_426 : i32 to vector<16xi32>
      %broadcast_in_dim3A_428 = arith.constant 2047 : i32
      %broadcast_in_dim3A_429 = vector.broadcast %broadcast_in_dim3A_428 : i32 to vector<16xi32>
      %shift_right_arithmetic3A_430 = arith.shrsi %min3A, %broadcast_in_dim3A_427 : vector<16xi32>
      %and3A_431 = arith.andi %min3A, %broadcast_in_dim3A_429 : vector<16xi32>
      %gather3A_432 = tpu.vector_load_idx %arg9[%shift_right_arithmetic3A_430, %and3A_431] : memref<4x2048xi32, #tpu.memory_space<vmem>>[vector<16xi32>, vector<16xi32>], vector<16xi32>,
      %ge3A = arith.cmpi sge, %gather3A_432, %broadcast_in_dim3A_86 : vector<16xi32>
      %and3A_433 = arith.andi %le3A, %ge3A : vector<16xi1>
      %lt3A = arith.cmpi slt, %gather3A_432, %add3A_87 : vector<16xi32>
      %and3A_434 = arith.andi %and3A_433, %lt3A : vector<16xi1>
      %sub3A_435 = arith.subi %gather3A_432, %broadcast_in_dim3A_86 : vector<16xi32>
      %max3A_436 = arith.maxsi %sub3A_435, %broadcast_in_dim3A_37 : vector<16xi32>
      %sub3A_437 = arith.subi %broadcast_in_dim3A_39, %broadcast_in_dim3A_13 : vector<16xi32>
      %min3A_438 = arith.minsi %max3A_436, %sub3A_437 : vector<16xi32>
      %gather3A_439 = tpu.vector_load_idx %arg12[%min3A_438] : memref<16384xi32, #tpu.memory_space<vmem>>[vector<16xi32>], vector<16xi32>,
      %max3A_440 = arith.maxsi %gather3A_439, %broadcast_in_dim3A_37 : vector<16xi32>
      %min3A_441 = arith.minsi %max3A_440, %broadcast_in_dim3A_35 : vector<16xi32>
      %broadcast_in_dim3A_442 = arith.constant 11 : i32
      %broadcast_in_dim3A_443 = vector.broadcast %broadcast_in_dim3A_442 : i32 to vector<16xi32>
      %broadcast_in_dim3A_444 = arith.constant 2047 : i32
      %broadcast_in_dim3A_445 = vector.broadcast %broadcast_in_dim3A_444 : i32 to vector<16xi32>
      %shift_right_arithmetic3A_446 = arith.shrsi %min3A_441, %broadcast_in_dim3A_443 : vector<16xi32>
      %and3A_447 = arith.andi %min3A_441, %broadcast_in_dim3A_445 : vector<16xi32>
      %gather3A_448 = tpu.vector_load_idx %arg10[%shift_right_arithmetic3A_446, %and3A_447] : memref<4x2048xi32, #tpu.memory_space<vmem>>[vector<16xi32>, vector<16xi32>], vector<16xi32>,
      %broadcast_in_dim3A_449 = arith.constant 11 : i32
      %broadcast_in_dim3A_450 = vector.broadcast %broadcast_in_dim3A_449 : i32 to vector<16xi32>
      %broadcast_in_dim3A_451 = arith.constant 2047 : i32
      %broadcast_in_dim3A_452 = vector.broadcast %broadcast_in_dim3A_451 : i32 to vector<16xi32>
      %shift_right_arithmetic3A_453 = arith.shrsi %min3A, %broadcast_in_dim3A_450 : vector<16xi32>
      %and3A_454 = arith.andi %min3A, %broadcast_in_dim3A_452 : vector<16xi32>
      tpu.vector_store_idx %arg10[%shift_right_arithmetic3A_453, %and3A_454], %gather3A_448 masked %and3A_434 : memref<4x2048xi32, #tpu.memory_space<vmem>>[vector<16xi32>, vector<16xi32>], vector<16xi32>, vector<16xi1>
      %while3A_455 = arith.constant 0 : i32
      scf.yield %while3A_455 : i32
    }
    %while3A_110 = arith.constant 1 : i32
    %while3A_111 = scf.for %while3A_420 = %while3A_107 to %while3A_103 step %while3A_110 iter_args(%while3A_421 = %while3A_109) -> (i32)  : i32 {
      %mul3A_422 = arith.constant 16 : i32
      %mul3A_423 = arith.muli %while3A_420, %mul3A_422 : i32
      %broadcast_in_dim3A_424 = vector.broadcast %mul3A_423 : i32 to vector<16xi32>
      %add3A_425 = arith.addi %broadcast_in_dim3A_424, %iota3A : vector<16xi32>
      %le3A = arith.cmpi sle, %add3A_425, %broadcast_in_dim3A_35 : vector<16xi32>
      %min3A = arith.minsi %add3A_425, %broadcast_in_dim3A_35 : vector<16xi32>
      %broadcast_in_dim3A_426 = arith.constant 11 : i32
      %broadcast_in_dim3A_427 = vector.broadcast %broadcast_in_dim3A_426 : i32 to vector<16xi32>
      %broadcast_in_dim3A_428 = arith.constant 2047 : i32
      %broadcast_in_dim3A_429 = vector.broadcast %broadcast_in_dim3A_428 : i32 to vector<16xi32>
      %shift_right_arithmetic3A_430 = arith.shrsi %min3A, %broadcast_in_dim3A_427 : vector<16xi32>
      %and3A_431 = arith.andi %min3A, %broadcast_in_dim3A_429 : vector<16xi32>
      %gather3A_432 = tpu.vector_load_idx %arg9[%shift_right_arithmetic3A_430, %and3A_431] : memref<4x2048xi32, #tpu.memory_space<vmem>>[vector<16xi32>, vector<16xi32>], vector<16xi32>,
      %ge3A = arith.cmpi sge, %gather3A_432, %broadcast_in_dim3A_86 : vector<16xi32>
      %and3A_433 = arith.andi %le3A, %ge3A : vector<16xi1>
      %lt3A = arith.cmpi slt, %gather3A_432, %add3A_87 : vector<16xi32>
      %and3A_434 = arith.andi %and3A_433, %lt3A : vector<16xi1>
      %sub3A_435 = arith.subi %gather3A_432, %broadcast_in_dim3A_86 : vector<16xi32>
      %max3A_436 = arith.maxsi %sub3A_435, %broadcast_in_dim3A_37 : vector<16xi32>
      %sub3A_437 = arith.subi %broadcast_in_dim3A_39, %broadcast_in_dim3A_13 : vector<16xi32>
      %min3A_438 = arith.minsi %max3A_436, %sub3A_437 : vector<16xi32>
      %gather3A_439 = tpu.vector_load_idx %arg12[%min3A_438] : memref<16384xi32, #tpu.memory_space<vmem>>[vector<16xi32>], vector<16xi32>,
      %max3A_440 = arith.maxsi %gather3A_439, %broadcast_in_dim3A_37 : vector<16xi32>
      %min3A_441 = arith.minsi %max3A_440, %broadcast_in_dim3A_35 : vector<16xi32>
      %broadcast_in_dim3A_442 = arith.constant 11 : i32
      %broadcast_in_dim3A_443 = vector.broadcast %broadcast_in_dim3A_442 : i32 to vector<16xi32>
      %broadcast_in_dim3A_444 = arith.constant 2047 : i32
      %broadcast_in_dim3A_445 = vector.broadcast %broadcast_in_dim3A_444 : i32 to vector<16xi32>
      %shift_right_arithmetic3A_446 = arith.shrsi %min3A_441, %broadcast_in_dim3A_443 : vector<16xi32>
      %and3A_447 = arith.andi %min3A_441, %broadcast_in_dim3A_445 : vector<16xi32>
      %gather3A_448 = tpu.vector_load_idx %arg10[%shift_right_arithmetic3A_446, %and3A_447] : memref<4x2048xi32, #tpu.memory_space<vmem>>[vector<16xi32>, vector<16xi32>], vector<16xi32>,
      %broadcast_in_dim3A_449 = arith.constant 11 : i32
      %broadcast_in_dim3A_450 = vector.broadcast %broadcast_in_dim3A_449 : i32 to vector<16xi32>
      %broadcast_in_dim3A_451 = arith.constant 2047 : i32
      %broadcast_in_dim3A_452 = vector.broadcast %broadcast_in_dim3A_451 : i32 to vector<16xi32>
      %shift_right_arithmetic3A_453 = arith.shrsi %min3A, %broadcast_in_dim3A_450 : vector<16xi32>
      %and3A_454 = arith.andi %min3A, %broadcast_in_dim3A_452 : vector<16xi32>
      tpu.vector_store_idx %arg10[%shift_right_arithmetic3A_453, %and3A_454], %gather3A_448 masked %and3A_434 : memref<4x2048xi32, #tpu.memory_space<vmem>>[vector<16xi32>, vector<16xi32>], vector<16xi32>, vector<16xi1>
      %while3A_455 = arith.constant 0 : i32
      scf.yield %while3A_455 : i32
    }
    %add3A_112 = arith.constant 32768 : i32
    %add3A_113 = arith.addi %mul3A_2, %add3A_112 : i32
    %broadcast_in_dim3A_114 = vector.broadcast %add3A_113 : i32 to vector<16xi32>
    %add3A_115 = arith.addi %broadcast_in_dim3A_114, %broadcast_in_dim3A_39 : vector<16xi32>
    %while3A_116 = arith.constant 0 : i32
    %while3A_117 = arith.constant 0 : i32
    %while3A_118 = arith.subi %shift_right_arithmetic3A_42, %while3A_116 : i32
    %while3A_119 = arith.addi %while3A_116, %while3A_118 : i32
    %while3A_120 = arith.constant 1 : i32
    %while3A_121 = arith.divsi %while3A_118, %while3A_120 : i32
    %while3A_122 = arith.muli %while3A_121, %while3A_120 : i32
    %while3A_123 = arith.addi %while3A_116, %while3A_122 : i32
    %while3A_124 = arith.constant 1 : i32
    %while3A_125 = scf.for %while3A_420 = %while3A_116 to %while3A_123 step %while3A_124 iter_args(%while3A_421 = %while3A_117) -> (i32)  : i32 {
      %mul3A_422 = arith.constant 16 : i32
      %mul3A_423 = arith.muli %while3A_420, %mul3A_422 : i32
      %broadcast_in_dim3A_424 = vector.broadcast %mul3A_423 : i32 to vector<16xi32>
      %add3A_425 = arith.addi %broadcast_in_dim3A_424, %iota3A : vector<16xi32>
      %le3A = arith.cmpi sle, %add3A_425, %broadcast_in_dim3A_35 : vector<16xi32>
      %min3A = arith.minsi %add3A_425, %broadcast_in_dim3A_35 : vector<16xi32>
      %broadcast_in_dim3A_426 = arith.constant 11 : i32
      %broadcast_in_dim3A_427 = vector.broadcast %broadcast_in_dim3A_426 : i32 to vector<16xi32>
      %broadcast_in_dim3A_428 = arith.constant 2047 : i32
      %broadcast_in_dim3A_429 = vector.broadcast %broadcast_in_dim3A_428 : i32 to vector<16xi32>
      %shift_right_arithmetic3A_430 = arith.shrsi %min3A, %broadcast_in_dim3A_427 : vector<16xi32>
      %and3A_431 = arith.andi %min3A, %broadcast_in_dim3A_429 : vector<16xi32>
      %gather3A_432 = tpu.vector_load_idx %arg9[%shift_right_arithmetic3A_430, %and3A_431] : memref<4x2048xi32, #tpu.memory_space<vmem>>[vector<16xi32>, vector<16xi32>], vector<16xi32>,
      %mul3A_433 = arith.constant 16 : i32
      %mul3A_434 = arith.muli %while3A_420, %mul3A_433 : i32
      %get3A = arith.index_cast %mul3A_434 : i32 to index
      %get3A_435 = tpu.vector_load %arg13[%get3A] {strides = array<i32>} : memref<8192xi32, #tpu.memory_space<vmem>>, vector<16xi32>,
      %ge3A = arith.cmpi sge, %gather3A_432, %broadcast_in_dim3A_114 : vector<16xi32>
      %and3A_436 = arith.andi %le3A, %ge3A : vector<16xi1>
      %lt3A = arith.cmpi slt, %gather3A_432, %add3A_115 : vector<16xi32>
      %and3A_437 = arith.andi %and3A_436, %lt3A : vector<16xi1>
      %gt3A = arith.cmpi sgt, %get3A_435, %broadcast_in_dim3A_37 : vector<16xi32>
      %and3A_438 = arith.andi %and3A_437, %gt3A : vector<16xi1>
      %sub3A_439 = arith.subi %gather3A_432, %broadcast_in_dim3A_114 : vector<16xi32>
      %max3A_440 = arith.maxsi %sub3A_439, %broadcast_in_dim3A_37 : vector<16xi32>
      %sub3A_441 = arith.subi %broadcast_in_dim3A_39, %broadcast_in_dim3A_13 : vector<16xi32>
      %min3A_442 = arith.minsi %max3A_440, %sub3A_441 : vector<16xi32>
      tpu.vector_store_idx %arg12[%min3A_442], %add3A_425 masked %and3A_438 : memref<16384xi32, #tpu.memory_space<vmem>>[vector<16xi32>], vector<16xi32>, vector<16xi1>
      %while3A_443 = arith.constant 0 : i32
      scf.yield %while3A_443 : i32
    }
    %while3A_126 = arith.constant 1 : i32
    %while3A_127 = scf.for %while3A_420 = %while3A_123 to %while3A_119 step %while3A_126 iter_args(%while3A_421 = %while3A_125) -> (i32)  : i32 {
      %mul3A_422 = arith.constant 16 : i32
      %mul3A_423 = arith.muli %while3A_420, %mul3A_422 : i32
      %broadcast_in_dim3A_424 = vector.broadcast %mul3A_423 : i32 to vector<16xi32>
      %add3A_425 = arith.addi %broadcast_in_dim3A_424, %iota3A : vector<16xi32>
      %le3A = arith.cmpi sle, %add3A_425, %broadcast_in_dim3A_35 : vector<16xi32>
      %min3A = arith.minsi %add3A_425, %broadcast_in_dim3A_35 : vector<16xi32>
      %broadcast_in_dim3A_426 = arith.constant 11 : i32
      %broadcast_in_dim3A_427 = vector.broadcast %broadcast_in_dim3A_426 : i32 to vector<16xi32>
      %broadcast_in_dim3A_428 = arith.constant 2047 : i32
      %broadcast_in_dim3A_429 = vector.broadcast %broadcast_in_dim3A_428 : i32 to vector<16xi32>
      %shift_right_arithmetic3A_430 = arith.shrsi %min3A, %broadcast_in_dim3A_427 : vector<16xi32>
      %and3A_431 = arith.andi %min3A, %broadcast_in_dim3A_429 : vector<16xi32>
      %gather3A_432 = tpu.vector_load_idx %arg9[%shift_right_arithmetic3A_430, %and3A_431] : memref<4x2048xi32, #tpu.memory_space<vmem>>[vector<16xi32>, vector<16xi32>], vector<16xi32>,
      %mul3A_433 = arith.constant 16 : i32
      %mul3A_434 = arith.muli %while3A_420, %mul3A_433 : i32
      %get3A = arith.index_cast %mul3A_434 : i32 to index
      %get3A_435 = tpu.vector_load %arg13[%get3A] {strides = array<i32>} : memref<8192xi32, #tpu.memory_space<vmem>>, vector<16xi32>,
      %ge3A = arith.cmpi sge, %gather3A_432, %broadcast_in_dim3A_114 : vector<16xi32>
      %and3A_436 = arith.andi %le3A, %ge3A : vector<16xi1>
      %lt3A = arith.cmpi slt, %gather3A_432, %add3A_115 : vector<16xi32>
      %and3A_437 = arith.andi %and3A_436, %lt3A : vector<16xi1>
      %gt3A = arith.cmpi sgt, %get3A_435, %broadcast_in_dim3A_37 : vector<16xi32>
      %and3A_438 = arith.andi %and3A_437, %gt3A : vector<16xi1>
      %sub3A_439 = arith.subi %gather3A_432, %broadcast_in_dim3A_114 : vector<16xi32>
      %max3A_440 = arith.maxsi %sub3A_439, %broadcast_in_dim3A_37 : vector<16xi32>
      %sub3A_441 = arith.subi %broadcast_in_dim3A_39, %broadcast_in_dim3A_13 : vector<16xi32>
      %min3A_442 = arith.minsi %max3A_440, %sub3A_441 : vector<16xi32>
      tpu.vector_store_idx %arg12[%min3A_442], %add3A_425 masked %and3A_438 : memref<16384xi32, #tpu.memory_space<vmem>>[vector<16xi32>], vector<16xi32>, vector<16xi1>
      %while3A_443 = arith.constant 0 : i32
      scf.yield %while3A_443 : i32
    }
    %while3A_128 = arith.constant 0 : i32
    %while3A_129 = arith.constant 0 : i32
    %while3A_130 = arith.subi %shift_right_arithmetic3A_42, %while3A_128 : i32
    %while3A_131 = arith.addi %while3A_128, %while3A_130 : i32
    %while3A_132 = arith.constant 1 : i32
    %while3A_133 = arith.divsi %while3A_130, %while3A_132 : i32
    %while3A_134 = arith.muli %while3A_133, %while3A_132 : i32
    %while3A_135 = arith.addi %while3A_128, %while3A_134 : i32
    %while3A_136 = arith.constant 1 : i32
    %while3A_137 = scf.for %while3A_420 = %while3A_128 to %while3A_135 step %while3A_136 iter_args(%while3A_421 = %while3A_129) -> (i32)  : i32 {
      %mul3A_422 = arith.constant 16 : i32
      %mul3A_423 = arith.muli %while3A_420, %mul3A_422 : i32
      %broadcast_in_dim3A_424 = vector.broadcast %mul3A_423 : i32 to vector<16xi32>
      %add3A_425 = arith.addi %broadcast_in_dim3A_424, %iota3A : vector<16xi32>
      %le3A = arith.cmpi sle, %add3A_425, %broadcast_in_dim3A_35 : vector<16xi32>
      %min3A = arith.minsi %add3A_425, %broadcast_in_dim3A_35 : vector<16xi32>
      %broadcast_in_dim3A_426 = arith.constant 11 : i32
      %broadcast_in_dim3A_427 = vector.broadcast %broadcast_in_dim3A_426 : i32 to vector<16xi32>
      %broadcast_in_dim3A_428 = arith.constant 2047 : i32
      %broadcast_in_dim3A_429 = vector.broadcast %broadcast_in_dim3A_428 : i32 to vector<16xi32>
      %shift_right_arithmetic3A_430 = arith.shrsi %min3A, %broadcast_in_dim3A_427 : vector<16xi32>
      %and3A_431 = arith.andi %min3A, %broadcast_in_dim3A_429 : vector<16xi32>
      %gather3A_432 = tpu.vector_load_idx %arg9[%shift_right_arithmetic3A_430, %and3A_431] : memref<4x2048xi32, #tpu.memory_space<vmem>>[vector<16xi32>, vector<16xi32>], vector<16xi32>,
      %ge3A = arith.cmpi sge, %gather3A_432, %broadcast_in_dim3A_114 : vector<16xi32>
      %and3A_433 = arith.andi %le3A, %ge3A : vector<16xi1>
      %lt3A = arith.cmpi slt, %gather3A_432, %add3A_115 : vector<16xi32>
      %and3A_434 = arith.andi %and3A_433, %lt3A : vector<16xi1>
      %sub3A_435 = arith.subi %gather3A_432, %broadcast_in_dim3A_114 : vector<16xi32>
      %max3A_436 = arith.maxsi %sub3A_435, %broadcast_in_dim3A_37 : vector<16xi32>
      %sub3A_437 = arith.subi %broadcast_in_dim3A_39, %broadcast_in_dim3A_13 : vector<16xi32>
      %min3A_438 = arith.minsi %max3A_436, %sub3A_437 : vector<16xi32>
      %gather3A_439 = tpu.vector_load_idx %arg12[%min3A_438] : memref<16384xi32, #tpu.memory_space<vmem>>[vector<16xi32>], vector<16xi32>,
      %max3A_440 = arith.maxsi %gather3A_439, %broadcast_in_dim3A_37 : vector<16xi32>
      %min3A_441 = arith.minsi %max3A_440, %broadcast_in_dim3A_35 : vector<16xi32>
      %broadcast_in_dim3A_442 = arith.constant 11 : i32
      %broadcast_in_dim3A_443 = vector.broadcast %broadcast_in_dim3A_442 : i32 to vector<16xi32>
      %broadcast_in_dim3A_444 = arith.constant 2047 : i32
      %broadcast_in_dim3A_445 = vector.broadcast %broadcast_in_dim3A_444 : i32 to vector<16xi32>
      %shift_right_arithmetic3A_446 = arith.shrsi %min3A_441, %broadcast_in_dim3A_443 : vector<16xi32>
      %and3A_447 = arith.andi %min3A_441, %broadcast_in_dim3A_445 : vector<16xi32>
      %gather3A_448 = tpu.vector_load_idx %arg10[%shift_right_arithmetic3A_446, %and3A_447] : memref<4x2048xi32, #tpu.memory_space<vmem>>[vector<16xi32>, vector<16xi32>], vector<16xi32>,
      %broadcast_in_dim3A_449 = arith.constant 11 : i32
      %broadcast_in_dim3A_450 = vector.broadcast %broadcast_in_dim3A_449 : i32 to vector<16xi32>
      %broadcast_in_dim3A_451 = arith.constant 2047 : i32
      %broadcast_in_dim3A_452 = vector.broadcast %broadcast_in_dim3A_451 : i32 to vector<16xi32>
      %shift_right_arithmetic3A_453 = arith.shrsi %min3A, %broadcast_in_dim3A_450 : vector<16xi32>
      %and3A_454 = arith.andi %min3A, %broadcast_in_dim3A_452 : vector<16xi32>
      tpu.vector_store_idx %arg10[%shift_right_arithmetic3A_453, %and3A_454], %gather3A_448 masked %and3A_434 : memref<4x2048xi32, #tpu.memory_space<vmem>>[vector<16xi32>, vector<16xi32>], vector<16xi32>, vector<16xi1>
      %while3A_455 = arith.constant 0 : i32
      scf.yield %while3A_455 : i32
    }
    %while3A_138 = arith.constant 1 : i32
    %while3A_139 = scf.for %while3A_420 = %while3A_135 to %while3A_131 step %while3A_138 iter_args(%while3A_421 = %while3A_137) -> (i32)  : i32 {
      %mul3A_422 = arith.constant 16 : i32
      %mul3A_423 = arith.muli %while3A_420, %mul3A_422 : i32
      %broadcast_in_dim3A_424 = vector.broadcast %mul3A_423 : i32 to vector<16xi32>
      %add3A_425 = arith.addi %broadcast_in_dim3A_424, %iota3A : vector<16xi32>
      %le3A = arith.cmpi sle, %add3A_425, %broadcast_in_dim3A_35 : vector<16xi32>
      %min3A = arith.minsi %add3A_425, %broadcast_in_dim3A_35 : vector<16xi32>
      %broadcast_in_dim3A_426 = arith.constant 11 : i32
      %broadcast_in_dim3A_427 = vector.broadcast %broadcast_in_dim3A_426 : i32 to vector<16xi32>
      %broadcast_in_dim3A_428 = arith.constant 2047 : i32
      %broadcast_in_dim3A_429 = vector.broadcast %broadcast_in_dim3A_428 : i32 to vector<16xi32>
      %shift_right_arithmetic3A_430 = arith.shrsi %min3A, %broadcast_in_dim3A_427 : vector<16xi32>
      %and3A_431 = arith.andi %min3A, %broadcast_in_dim3A_429 : vector<16xi32>
      %gather3A_432 = tpu.vector_load_idx %arg9[%shift_right_arithmetic3A_430, %and3A_431] : memref<4x2048xi32, #tpu.memory_space<vmem>>[vector<16xi32>, vector<16xi32>], vector<16xi32>,
      %ge3A = arith.cmpi sge, %gather3A_432, %broadcast_in_dim3A_114 : vector<16xi32>
      %and3A_433 = arith.andi %le3A, %ge3A : vector<16xi1>
      %lt3A = arith.cmpi slt, %gather3A_432, %add3A_115 : vector<16xi32>
      %and3A_434 = arith.andi %and3A_433, %lt3A : vector<16xi1>
      %sub3A_435 = arith.subi %gather3A_432, %broadcast_in_dim3A_114 : vector<16xi32>
      %max3A_436 = arith.maxsi %sub3A_435, %broadcast_in_dim3A_37 : vector<16xi32>
      %sub3A_437 = arith.subi %broadcast_in_dim3A_39, %broadcast_in_dim3A_13 : vector<16xi32>
      %min3A_438 = arith.minsi %max3A_436, %sub3A_437 : vector<16xi32>
      %gather3A_439 = tpu.vector_load_idx %arg12[%min3A_438] : memref<16384xi32, #tpu.memory_space<vmem>>[vector<16xi32>], vector<16xi32>,
      %max3A_440 = arith.maxsi %gather3A_439, %broadcast_in_dim3A_37 : vector<16xi32>
      %min3A_441 = arith.minsi %max3A_440, %broadcast_in_dim3A_35 : vector<16xi32>
      %broadcast_in_dim3A_442 = arith.constant 11 : i32
      %broadcast_in_dim3A_443 = vector.broadcast %broadcast_in_dim3A_442 : i32 to vector<16xi32>
      %broadcast_in_dim3A_444 = arith.constant 2047 : i32
      %broadcast_in_dim3A_445 = vector.broadcast %broadcast_in_dim3A_444 : i32 to vector<16xi32>
      %shift_right_arithmetic3A_446 = arith.shrsi %min3A_441, %broadcast_in_dim3A_443 : vector<16xi32>
      %and3A_447 = arith.andi %min3A_441, %broadcast_in_dim3A_445 : vector<16xi32>
      %gather3A_448 = tpu.vector_load_idx %arg10[%shift_right_arithmetic3A_446, %and3A_447] : memref<4x2048xi32, #tpu.memory_space<vmem>>[vector<16xi32>, vector<16xi32>], vector<16xi32>,
      %broadcast_in_dim3A_449 = arith.constant 11 : i32
      %broadcast_in_dim3A_450 = vector.broadcast %broadcast_in_dim3A_449 : i32 to vector<16xi32>
      %broadcast_in_dim3A_451 = arith.constant 2047 : i32
      %broadcast_in_dim3A_452 = vector.broadcast %broadcast_in_dim3A_451 : i32 to vector<16xi32>
      %shift_right_arithmetic3A_453 = arith.shrsi %min3A, %broadcast_in_dim3A_450 : vector<16xi32>
      %and3A_454 = arith.andi %min3A, %broadcast_in_dim3A_452 : vector<16xi32>
      tpu.vector_store_idx %arg10[%shift_right_arithmetic3A_453, %and3A_454], %gather3A_448 masked %and3A_434 : memref<4x2048xi32, #tpu.memory_space<vmem>>[vector<16xi32>, vector<16xi32>], vector<16xi32>, vector<16xi1>
      %while3A_455 = arith.constant 0 : i32
      scf.yield %while3A_455 : i32
    }
    %add3A_140 = arith.constant 49152 : i32
    %add3A_141 = arith.addi %mul3A_2, %add3A_140 : i32
    %broadcast_in_dim3A_142 = vector.broadcast %add3A_141 : i32 to vector<16xi32>
    %add3A_143 = arith.addi %broadcast_in_dim3A_142, %broadcast_in_dim3A_39 : vector<16xi32>
    %while3A_144 = arith.constant 0 : i32
    %while3A_145 = arith.constant 0 : i32
    %while3A_146 = arith.subi %shift_right_arithmetic3A_42, %while3A_144 : i32
    %while3A_147 = arith.addi %while3A_144, %while3A_146 : i32
    %while3A_148 = arith.constant 1 : i32
    %while3A_149 = arith.divsi %while3A_146, %while3A_148 : i32
    %while3A_150 = arith.muli %while3A_149, %while3A_148 : i32
    %while3A_151 = arith.addi %while3A_144, %while3A_150 : i32
    %while3A_152 = arith.constant 1 : i32
    %while3A_153 = scf.for %while3A_420 = %while3A_144 to %while3A_151 step %while3A_152 iter_args(%while3A_421 = %while3A_145) -> (i32)  : i32 {
      %mul3A_422 = arith.constant 16 : i32
      %mul3A_423 = arith.muli %while3A_420, %mul3A_422 : i32
      %broadcast_in_dim3A_424 = vector.broadcast %mul3A_423 : i32 to vector<16xi32>
      %add3A_425 = arith.addi %broadcast_in_dim3A_424, %iota3A : vector<16xi32>
      %le3A = arith.cmpi sle, %add3A_425, %broadcast_in_dim3A_35 : vector<16xi32>
      %min3A = arith.minsi %add3A_425, %broadcast_in_dim3A_35 : vector<16xi32>
      %broadcast_in_dim3A_426 = arith.constant 11 : i32
      %broadcast_in_dim3A_427 = vector.broadcast %broadcast_in_dim3A_426 : i32 to vector<16xi32>
      %broadcast_in_dim3A_428 = arith.constant 2047 : i32
      %broadcast_in_dim3A_429 = vector.broadcast %broadcast_in_dim3A_428 : i32 to vector<16xi32>
      %shift_right_arithmetic3A_430 = arith.shrsi %min3A, %broadcast_in_dim3A_427 : vector<16xi32>
      %and3A_431 = arith.andi %min3A, %broadcast_in_dim3A_429 : vector<16xi32>
      %gather3A_432 = tpu.vector_load_idx %arg9[%shift_right_arithmetic3A_430, %and3A_431] : memref<4x2048xi32, #tpu.memory_space<vmem>>[vector<16xi32>, vector<16xi32>], vector<16xi32>,
      %mul3A_433 = arith.constant 16 : i32
      %mul3A_434 = arith.muli %while3A_420, %mul3A_433 : i32
      %get3A = arith.index_cast %mul3A_434 : i32 to index
      %get3A_435 = tpu.vector_load %arg13[%get3A] {strides = array<i32>} : memref<8192xi32, #tpu.memory_space<vmem>>, vector<16xi32>,
      %ge3A = arith.cmpi sge, %gather3A_432, %broadcast_in_dim3A_142 : vector<16xi32>
      %and3A_436 = arith.andi %le3A, %ge3A : vector<16xi1>
      %lt3A = arith.cmpi slt, %gather3A_432, %add3A_143 : vector<16xi32>
      %and3A_437 = arith.andi %and3A_436, %lt3A : vector<16xi1>
      %gt3A = arith.cmpi sgt, %get3A_435, %broadcast_in_dim3A_37 : vector<16xi32>
      %and3A_438 = arith.andi %and3A_437, %gt3A : vector<16xi1>
      %sub3A_439 = arith.subi %gather3A_432, %broadcast_in_dim3A_142 : vector<16xi32>
      %max3A_440 = arith.maxsi %sub3A_439, %broadcast_in_dim3A_37 : vector<16xi32>
      %sub3A_441 = arith.subi %broadcast_in_dim3A_39, %broadcast_in_dim3A_13 : vector<16xi32>
      %min3A_442 = arith.minsi %max3A_440, %sub3A_441 : vector<16xi32>
      tpu.vector_store_idx %arg12[%min3A_442], %add3A_425 masked %and3A_438 : memref<16384xi32, #tpu.memory_space<vmem>>[vector<16xi32>], vector<16xi32>, vector<16xi1>
      %while3A_443 = arith.constant 0 : i32
      scf.yield %while3A_443 : i32
    }
    %while3A_154 = arith.constant 1 : i32
    %while3A_155 = scf.for %while3A_420 = %while3A_151 to %while3A_147 step %while3A_154 iter_args(%while3A_421 = %while3A_153) -> (i32)  : i32 {
      %mul3A_422 = arith.constant 16 : i32
      %mul3A_423 = arith.muli %while3A_420, %mul3A_422 : i32
      %broadcast_in_dim3A_424 = vector.broadcast %mul3A_423 : i32 to vector<16xi32>
      %add3A_425 = arith.addi %broadcast_in_dim3A_424, %iota3A : vector<16xi32>
      %le3A = arith.cmpi sle, %add3A_425, %broadcast_in_dim3A_35 : vector<16xi32>
      %min3A = arith.minsi %add3A_425, %broadcast_in_dim3A_35 : vector<16xi32>
      %broadcast_in_dim3A_426 = arith.constant 11 : i32
      %broadcast_in_dim3A_427 = vector.broadcast %broadcast_in_dim3A_426 : i32 to vector<16xi32>
      %broadcast_in_dim3A_428 = arith.constant 2047 : i32
      %broadcast_in_dim3A_429 = vector.broadcast %broadcast_in_dim3A_428 : i32 to vector<16xi32>
      %shift_right_arithmetic3A_430 = arith.shrsi %min3A, %broadcast_in_dim3A_427 : vector<16xi32>
      %and3A_431 = arith.andi %min3A, %broadcast_in_dim3A_429 : vector<16xi32>
      %gather3A_432 = tpu.vector_load_idx %arg9[%shift_right_arithmetic3A_430, %and3A_431] : memref<4x2048xi32, #tpu.memory_space<vmem>>[vector<16xi32>, vector<16xi32>], vector<16xi32>,
      %mul3A_433 = arith.constant 16 : i32
      %mul3A_434 = arith.muli %while3A_420, %mul3A_433 : i32
      %get3A = arith.index_cast %mul3A_434 : i32 to index
      %get3A_435 = tpu.vector_load %arg13[%get3A] {strides = array<i32>} : memref<8192xi32, #tpu.memory_space<vmem>>, vector<16xi32>,
      %ge3A = arith.cmpi sge, %gather3A_432, %broadcast_in_dim3A_142 : vector<16xi32>
      %and3A_436 = arith.andi %le3A, %ge3A : vector<16xi1>
      %lt3A = arith.cmpi slt, %gather3A_432, %add3A_143 : vector<16xi32>
      %and3A_437 = arith.andi %and3A_436, %lt3A : vector<16xi1>
      %gt3A = arith.cmpi sgt, %get3A_435, %broadcast_in_dim3A_37 : vector<16xi32>
      %and3A_438 = arith.andi %and3A_437, %gt3A : vector<16xi1>
      %sub3A_439 = arith.subi %gather3A_432, %broadcast_in_dim3A_142 : vector<16xi32>
      %max3A_440 = arith.maxsi %sub3A_439, %broadcast_in_dim3A_37 : vector<16xi32>
      %sub3A_441 = arith.subi %broadcast_in_dim3A_39, %broadcast_in_dim3A_13 : vector<16xi32>
      %min3A_442 = arith.minsi %max3A_440, %sub3A_441 : vector<16xi32>
      tpu.vector_store_idx %arg12[%min3A_442], %add3A_425 masked %and3A_438 : memref<16384xi32, #tpu.memory_space<vmem>>[vector<16xi32>], vector<16xi32>, vector<16xi1>
      %while3A_443 = arith.constant 0 : i32
      scf.yield %while3A_443 : i32
    }
    %while3A_156 = arith.constant 0 : i32
    %while3A_157 = arith.constant 0 : i32
    %while3A_158 = arith.subi %shift_right_arithmetic3A_42, %while3A_156 : i32
    %while3A_159 = arith.addi %while3A_156, %while3A_158 : i32
    %while3A_160 = arith.constant 1 : i32
    %while3A_161 = arith.divsi %while3A_158, %while3A_160 : i32
    %while3A_162 = arith.muli %while3A_161, %while3A_160 : i32
    %while3A_163 = arith.addi %while3A_156, %while3A_162 : i32
    %while3A_164 = arith.constant 1 : i32
    %while3A_165 = scf.for %while3A_420 = %while3A_156 to %while3A_163 step %while3A_164 iter_args(%while3A_421 = %while3A_157) -> (i32)  : i32 {
      %mul3A_422 = arith.constant 16 : i32
      %mul3A_423 = arith.muli %while3A_420, %mul3A_422 : i32
      %broadcast_in_dim3A_424 = vector.broadcast %mul3A_423 : i32 to vector<16xi32>
      %add3A_425 = arith.addi %broadcast_in_dim3A_424, %iota3A : vector<16xi32>
      %le3A = arith.cmpi sle, %add3A_425, %broadcast_in_dim3A_35 : vector<16xi32>
      %min3A = arith.minsi %add3A_425, %broadcast_in_dim3A_35 : vector<16xi32>
      %broadcast_in_dim3A_426 = arith.constant 11 : i32
      %broadcast_in_dim3A_427 = vector.broadcast %broadcast_in_dim3A_426 : i32 to vector<16xi32>
      %broadcast_in_dim3A_428 = arith.constant 2047 : i32
      %broadcast_in_dim3A_429 = vector.broadcast %broadcast_in_dim3A_428 : i32 to vector<16xi32>
      %shift_right_arithmetic3A_430 = arith.shrsi %min3A, %broadcast_in_dim3A_427 : vector<16xi32>
      %and3A_431 = arith.andi %min3A, %broadcast_in_dim3A_429 : vector<16xi32>
      %gather3A_432 = tpu.vector_load_idx %arg9[%shift_right_arithmetic3A_430, %and3A_431] : memref<4x2048xi32, #tpu.memory_space<vmem>>[vector<16xi32>, vector<16xi32>], vector<16xi32>,
      %ge3A = arith.cmpi sge, %gather3A_432, %broadcast_in_dim3A_142 : vector<16xi32>
      %and3A_433 = arith.andi %le3A, %ge3A : vector<16xi1>
      %lt3A = arith.cmpi slt, %gather3A_432, %add3A_143 : vector<16xi32>
      %and3A_434 = arith.andi %and3A_433, %lt3A : vector<16xi1>
      %sub3A_435 = arith.subi %gather3A_432, %broadcast_in_dim3A_142 : vector<16xi32>
      %max3A_436 = arith.maxsi %sub3A_435, %broadcast_in_dim3A_37 : vector<16xi32>
      %sub3A_437 = arith.subi %broadcast_in_dim3A_39, %broadcast_in_dim3A_13 : vector<16xi32>
      %min3A_438 = arith.minsi %max3A_436, %sub3A_437 : vector<16xi32>
      %gather3A_439 = tpu.vector_load_idx %arg12[%min3A_438] : memref<16384xi32, #tpu.memory_space<vmem>>[vector<16xi32>], vector<16xi32>,
      %max3A_440 = arith.maxsi %gather3A_439, %broadcast_in_dim3A_37 : vector<16xi32>
      %min3A_441 = arith.minsi %max3A_440, %broadcast_in_dim3A_35 : vector<16xi32>
      %broadcast_in_dim3A_442 = arith.constant 11 : i32
      %broadcast_in_dim3A_443 = vector.broadcast %broadcast_in_dim3A_442 : i32 to vector<16xi32>
      %broadcast_in_dim3A_444 = arith.constant 2047 : i32
      %broadcast_in_dim3A_445 = vector.broadcast %broadcast_in_dim3A_444 : i32 to vector<16xi32>
      %shift_right_arithmetic3A_446 = arith.shrsi %min3A_441, %broadcast_in_dim3A_443 : vector<16xi32>
      %and3A_447 = arith.andi %min3A_441, %broadcast_in_dim3A_445 : vector<16xi32>
      %gather3A_448 = tpu.vector_load_idx %arg10[%shift_right_arithmetic3A_446, %and3A_447] : memref<4x2048xi32, #tpu.memory_space<vmem>>[vector<16xi32>, vector<16xi32>], vector<16xi32>,
      %broadcast_in_dim3A_449 = arith.constant 11 : i32
      %broadcast_in_dim3A_450 = vector.broadcast %broadcast_in_dim3A_449 : i32 to vector<16xi32>
      %broadcast_in_dim3A_451 = arith.constant 2047 : i32
      %broadcast_in_dim3A_452 = vector.broadcast %broadcast_in_dim3A_451 : i32 to vector<16xi32>
      %shift_right_arithmetic3A_453 = arith.shrsi %min3A, %broadcast_in_dim3A_450 : vector<16xi32>
      %and3A_454 = arith.andi %min3A, %broadcast_in_dim3A_452 : vector<16xi32>
      tpu.vector_store_idx %arg10[%shift_right_arithmetic3A_453, %and3A_454], %gather3A_448 masked %and3A_434 : memref<4x2048xi32, #tpu.memory_space<vmem>>[vector<16xi32>, vector<16xi32>], vector<16xi32>, vector<16xi1>
      %while3A_455 = arith.constant 0 : i32
      scf.yield %while3A_455 : i32
    }
    %while3A_166 = arith.constant 1 : i32
    %while3A_167 = scf.for %while3A_420 = %while3A_163 to %while3A_159 step %while3A_166 iter_args(%while3A_421 = %while3A_165) -> (i32)  : i32 {
      %mul3A_422 = arith.constant 16 : i32
      %mul3A_423 = arith.muli %while3A_420, %mul3A_422 : i32
      %broadcast_in_dim3A_424 = vector.broadcast %mul3A_423 : i32 to vector<16xi32>
      %add3A_425 = arith.addi %broadcast_in_dim3A_424, %iota3A : vector<16xi32>
      %le3A = arith.cmpi sle, %add3A_425, %broadcast_in_dim3A_35 : vector<16xi32>
      %min3A = arith.minsi %add3A_425, %broadcast_in_dim3A_35 : vector<16xi32>
      %broadcast_in_dim3A_426 = arith.constant 11 : i32
      %broadcast_in_dim3A_427 = vector.broadcast %broadcast_in_dim3A_426 : i32 to vector<16xi32>
      %broadcast_in_dim3A_428 = arith.constant 2047 : i32
      %broadcast_in_dim3A_429 = vector.broadcast %broadcast_in_dim3A_428 : i32 to vector<16xi32>
      %shift_right_arithmetic3A_430 = arith.shrsi %min3A, %broadcast_in_dim3A_427 : vector<16xi32>
      %and3A_431 = arith.andi %min3A, %broadcast_in_dim3A_429 : vector<16xi32>
      %gather3A_432 = tpu.vector_load_idx %arg9[%shift_right_arithmetic3A_430, %and3A_431] : memref<4x2048xi32, #tpu.memory_space<vmem>>[vector<16xi32>, vector<16xi32>], vector<16xi32>,
      %ge3A = arith.cmpi sge, %gather3A_432, %broadcast_in_dim3A_142 : vector<16xi32>
      %and3A_433 = arith.andi %le3A, %ge3A : vector<16xi1>
      %lt3A = arith.cmpi slt, %gather3A_432, %add3A_143 : vector<16xi32>
      %and3A_434 = arith.andi %and3A_433, %lt3A : vector<16xi1>
      %sub3A_435 = arith.subi %gather3A_432, %broadcast_in_dim3A_142 : vector<16xi32>
      %max3A_436 = arith.maxsi %sub3A_435, %broadcast_in_dim3A_37 : vector<16xi32>
      %sub3A_437 = arith.subi %broadcast_in_dim3A_39, %broadcast_in_dim3A_13 : vector<16xi32>
      %min3A_438 = arith.minsi %max3A_436, %sub3A_437 : vector<16xi32>
      %gather3A_439 = tpu.vector_load_idx %arg12[%min3A_438] : memref<16384xi32, #tpu.memory_space<vmem>>[vector<16xi32>], vector<16xi32>,
      %max3A_440 = arith.maxsi %gather3A_439, %broadcast_in_dim3A_37 : vector<16xi32>
      %min3A_441 = arith.minsi %max3A_440, %broadcast_in_dim3A_35 : vector<16xi32>
      %broadcast_in_dim3A_442 = arith.constant 11 : i32
      %broadcast_in_dim3A_443 = vector.broadcast %broadcast_in_dim3A_442 : i32 to vector<16xi32>
      %broadcast_in_dim3A_444 = arith.constant 2047 : i32
      %broadcast_in_dim3A_445 = vector.broadcast %broadcast_in_dim3A_444 : i32 to vector<16xi32>
      %shift_right_arithmetic3A_446 = arith.shrsi %min3A_441, %broadcast_in_dim3A_443 : vector<16xi32>
      %and3A_447 = arith.andi %min3A_441, %broadcast_in_dim3A_445 : vector<16xi32>
      %gather3A_448 = tpu.vector_load_idx %arg10[%shift_right_arithmetic3A_446, %and3A_447] : memref<4x2048xi32, #tpu.memory_space<vmem>>[vector<16xi32>, vector<16xi32>], vector<16xi32>,
      %broadcast_in_dim3A_449 = arith.constant 11 : i32
      %broadcast_in_dim3A_450 = vector.broadcast %broadcast_in_dim3A_449 : i32 to vector<16xi32>
      %broadcast_in_dim3A_451 = arith.constant 2047 : i32
      %broadcast_in_dim3A_452 = vector.broadcast %broadcast_in_dim3A_451 : i32 to vector<16xi32>
      %shift_right_arithmetic3A_453 = arith.shrsi %min3A, %broadcast_in_dim3A_450 : vector<16xi32>
      %and3A_454 = arith.andi %min3A, %broadcast_in_dim3A_452 : vector<16xi32>
      tpu.vector_store_idx %arg10[%shift_right_arithmetic3A_453, %and3A_454], %gather3A_448 masked %and3A_434 : memref<4x2048xi32, #tpu.memory_space<vmem>>[vector<16xi32>, vector<16xi32>], vector<16xi32>, vector<16xi1>
      %while3A_455 = arith.constant 0 : i32
      scf.yield %while3A_455 : i32
    }
    %add3A_168 = arith.constant 65536 : i32
    %add3A_169 = arith.addi %mul3A_2, %add3A_168 : i32
    %broadcast_in_dim3A_170 = vector.broadcast %add3A_169 : i32 to vector<16xi32>
    %add3A_171 = arith.addi %broadcast_in_dim3A_170, %broadcast_in_dim3A_39 : vector<16xi32>
    %while3A_172 = arith.constant 0 : i32
    %while3A_173 = arith.constant 0 : i32
    %while3A_174 = arith.subi %shift_right_arithmetic3A_42, %while3A_172 : i32
    %while3A_175 = arith.addi %while3A_172, %while3A_174 : i32
    %while3A_176 = arith.constant 1 : i32
    %while3A_177 = arith.divsi %while3A_174, %while3A_176 : i32
    %while3A_178 = arith.muli %while3A_177, %while3A_176 : i32
    %while3A_179 = arith.addi %while3A_172, %while3A_178 : i32
    %while3A_180 = arith.constant 1 : i32
    %while3A_181 = scf.for %while3A_420 = %while3A_172 to %while3A_179 step %while3A_180 iter_args(%while3A_421 = %while3A_173) -> (i32)  : i32 {
      %mul3A_422 = arith.constant 16 : i32
      %mul3A_423 = arith.muli %while3A_420, %mul3A_422 : i32
      %broadcast_in_dim3A_424 = vector.broadcast %mul3A_423 : i32 to vector<16xi32>
      %add3A_425 = arith.addi %broadcast_in_dim3A_424, %iota3A : vector<16xi32>
      %le3A = arith.cmpi sle, %add3A_425, %broadcast_in_dim3A_35 : vector<16xi32>
      %min3A = arith.minsi %add3A_425, %broadcast_in_dim3A_35 : vector<16xi32>
      %broadcast_in_dim3A_426 = arith.constant 11 : i32
      %broadcast_in_dim3A_427 = vector.broadcast %broadcast_in_dim3A_426 : i32 to vector<16xi32>
      %broadcast_in_dim3A_428 = arith.constant 2047 : i32
      %broadcast_in_dim3A_429 = vector.broadcast %broadcast_in_dim3A_428 : i32 to vector<16xi32>
      %shift_right_arithmetic3A_430 = arith.shrsi %min3A, %broadcast_in_dim3A_427 : vector<16xi32>
      %and3A_431 = arith.andi %min3A, %broadcast_in_dim3A_429 : vector<16xi32>
      %gather3A_432 = tpu.vector_load_idx %arg9[%shift_right_arithmetic3A_430, %and3A_431] : memref<4x2048xi32, #tpu.memory_space<vmem>>[vector<16xi32>, vector<16xi32>], vector<16xi32>,
      %mul3A_433 = arith.constant 16 : i32
      %mul3A_434 = arith.muli %while3A_420, %mul3A_433 : i32
      %get3A = arith.index_cast %mul3A_434 : i32 to index
      %get3A_435 = tpu.vector_load %arg13[%get3A] {strides = array<i32>} : memref<8192xi32, #tpu.memory_space<vmem>>, vector<16xi32>,
      %ge3A = arith.cmpi sge, %gather3A_432, %broadcast_in_dim3A_170 : vector<16xi32>
      %and3A_436 = arith.andi %le3A, %ge3A : vector<16xi1>
      %lt3A = arith.cmpi slt, %gather3A_432, %add3A_171 : vector<16xi32>
      %and3A_437 = arith.andi %and3A_436, %lt3A : vector<16xi1>
      %gt3A = arith.cmpi sgt, %get3A_435, %broadcast_in_dim3A_37 : vector<16xi32>
      %and3A_438 = arith.andi %and3A_437, %gt3A : vector<16xi1>
      %sub3A_439 = arith.subi %gather3A_432, %broadcast_in_dim3A_170 : vector<16xi32>
      %max3A_440 = arith.maxsi %sub3A_439, %broadcast_in_dim3A_37 : vector<16xi32>
      %sub3A_441 = arith.subi %broadcast_in_dim3A_39, %broadcast_in_dim3A_13 : vector<16xi32>
      %min3A_442 = arith.minsi %max3A_440, %sub3A_441 : vector<16xi32>
      tpu.vector_store_idx %arg12[%min3A_442], %add3A_425 masked %and3A_438 : memref<16384xi32, #tpu.memory_space<vmem>>[vector<16xi32>], vector<16xi32>, vector<16xi1>
      %while3A_443 = arith.constant 0 : i32
      scf.yield %while3A_443 : i32
    }
    %while3A_182 = arith.constant 1 : i32
    %while3A_183 = scf.for %while3A_420 = %while3A_179 to %while3A_175 step %while3A_182 iter_args(%while3A_421 = %while3A_181) -> (i32)  : i32 {
      %mul3A_422 = arith.constant 16 : i32
      %mul3A_423 = arith.muli %while3A_420, %mul3A_422 : i32
      %broadcast_in_dim3A_424 = vector.broadcast %mul3A_423 : i32 to vector<16xi32>
      %add3A_425 = arith.addi %broadcast_in_dim3A_424, %iota3A : vector<16xi32>
      %le3A = arith.cmpi sle, %add3A_425, %broadcast_in_dim3A_35 : vector<16xi32>
      %min3A = arith.minsi %add3A_425, %broadcast_in_dim3A_35 : vector<16xi32>
      %broadcast_in_dim3A_426 = arith.constant 11 : i32
      %broadcast_in_dim3A_427 = vector.broadcast %broadcast_in_dim3A_426 : i32 to vector<16xi32>
      %broadcast_in_dim3A_428 = arith.constant 2047 : i32
      %broadcast_in_dim3A_429 = vector.broadcast %broadcast_in_dim3A_428 : i32 to vector<16xi32>
      %shift_right_arithmetic3A_430 = arith.shrsi %min3A, %broadcast_in_dim3A_427 : vector<16xi32>
      %and3A_431 = arith.andi %min3A, %broadcast_in_dim3A_429 : vector<16xi32>
      %gather3A_432 = tpu.vector_load_idx %arg9[%shift_right_arithmetic3A_430, %and3A_431] : memref<4x2048xi32, #tpu.memory_space<vmem>>[vector<16xi32>, vector<16xi32>], vector<16xi32>,
      %mul3A_433 = arith.constant 16 : i32
      %mul3A_434 = arith.muli %while3A_420, %mul3A_433 : i32
      %get3A = arith.index_cast %mul3A_434 : i32 to index
      %get3A_435 = tpu.vector_load %arg13[%get3A] {strides = array<i32>} : memref<8192xi32, #tpu.memory_space<vmem>>, vector<16xi32>,
      %ge3A = arith.cmpi sge, %gather3A_432, %broadcast_in_dim3A_170 : vector<16xi32>
      %and3A_436 = arith.andi %le3A, %ge3A : vector<16xi1>
      %lt3A = arith.cmpi slt, %gather3A_432, %add3A_171 : vector<16xi32>
      %and3A_437 = arith.andi %and3A_436, %lt3A : vector<16xi1>
      %gt3A = arith.cmpi sgt, %get3A_435, %broadcast_in_dim3A_37 : vector<16xi32>
      %and3A_438 = arith.andi %and3A_437, %gt3A : vector<16xi1>
      %sub3A_439 = arith.subi %gather3A_432, %broadcast_in_dim3A_170 : vector<16xi32>
      %max3A_440 = arith.maxsi %sub3A_439, %broadcast_in_dim3A_37 : vector<16xi32>
      %sub3A_441 = arith.subi %broadcast_in_dim3A_39, %broadcast_in_dim3A_13 : vector<16xi32>
      %min3A_442 = arith.minsi %max3A_440, %sub3A_441 : vector<16xi32>
      tpu.vector_store_idx %arg12[%min3A_442], %add3A_425 masked %and3A_438 : memref<16384xi32, #tpu.memory_space<vmem>>[vector<16xi32>], vector<16xi32>, vector<16xi1>
      %while3A_443 = arith.constant 0 : i32
      scf.yield %while3A_443 : i32
    }
    %while3A_184 = arith.constant 0 : i32
    %while3A_185 = arith.constant 0 : i32
    %while3A_186 = arith.subi %shift_right_arithmetic3A_42, %while3A_184 : i32
    %while3A_187 = arith.addi %while3A_184, %while3A_186 : i32
    %while3A_188 = arith.constant 1 : i32
    %while3A_189 = arith.divsi %while3A_186, %while3A_188 : i32
    %while3A_190 = arith.muli %while3A_189, %while3A_188 : i32
    %while3A_191 = arith.addi %while3A_184, %while3A_190 : i32
    %while3A_192 = arith.constant 1 : i32
    %while3A_193 = scf.for %while3A_420 = %while3A_184 to %while3A_191 step %while3A_192 iter_args(%while3A_421 = %while3A_185) -> (i32)  : i32 {
      %mul3A_422 = arith.constant 16 : i32
      %mul3A_423 = arith.muli %while3A_420, %mul3A_422 : i32
      %broadcast_in_dim3A_424 = vector.broadcast %mul3A_423 : i32 to vector<16xi32>
      %add3A_425 = arith.addi %broadcast_in_dim3A_424, %iota3A : vector<16xi32>
      %le3A = arith.cmpi sle, %add3A_425, %broadcast_in_dim3A_35 : vector<16xi32>
      %min3A = arith.minsi %add3A_425, %broadcast_in_dim3A_35 : vector<16xi32>
      %broadcast_in_dim3A_426 = arith.constant 11 : i32
      %broadcast_in_dim3A_427 = vector.broadcast %broadcast_in_dim3A_426 : i32 to vector<16xi32>
      %broadcast_in_dim3A_428 = arith.constant 2047 : i32
      %broadcast_in_dim3A_429 = vector.broadcast %broadcast_in_dim3A_428 : i32 to vector<16xi32>
      %shift_right_arithmetic3A_430 = arith.shrsi %min3A, %broadcast_in_dim3A_427 : vector<16xi32>
      %and3A_431 = arith.andi %min3A, %broadcast_in_dim3A_429 : vector<16xi32>
      %gather3A_432 = tpu.vector_load_idx %arg9[%shift_right_arithmetic3A_430, %and3A_431] : memref<4x2048xi32, #tpu.memory_space<vmem>>[vector<16xi32>, vector<16xi32>], vector<16xi32>,
      %ge3A = arith.cmpi sge, %gather3A_432, %broadcast_in_dim3A_170 : vector<16xi32>
      %and3A_433 = arith.andi %le3A, %ge3A : vector<16xi1>
      %lt3A = arith.cmpi slt, %gather3A_432, %add3A_171 : vector<16xi32>
      %and3A_434 = arith.andi %and3A_433, %lt3A : vector<16xi1>
      %sub3A_435 = arith.subi %gather3A_432, %broadcast_in_dim3A_170 : vector<16xi32>
      %max3A_436 = arith.maxsi %sub3A_435, %broadcast_in_dim3A_37 : vector<16xi32>
      %sub3A_437 = arith.subi %broadcast_in_dim3A_39, %broadcast_in_dim3A_13 : vector<16xi32>
      %min3A_438 = arith.minsi %max3A_436, %sub3A_437 : vector<16xi32>
      %gather3A_439 = tpu.vector_load_idx %arg12[%min3A_438] : memref<16384xi32, #tpu.memory_space<vmem>>[vector<16xi32>], vector<16xi32>,
      %max3A_440 = arith.maxsi %gather3A_439, %broadcast_in_dim3A_37 : vector<16xi32>
      %min3A_441 = arith.minsi %max3A_440, %broadcast_in_dim3A_35 : vector<16xi32>
      %broadcast_in_dim3A_442 = arith.constant 11 : i32
      %broadcast_in_dim3A_443 = vector.broadcast %broadcast_in_dim3A_442 : i32 to vector<16xi32>
      %broadcast_in_dim3A_444 = arith.constant 2047 : i32
      %broadcast_in_dim3A_445 = vector.broadcast %broadcast_in_dim3A_444 : i32 to vector<16xi32>
      %shift_right_arithmetic3A_446 = arith.shrsi %min3A_441, %broadcast_in_dim3A_443 : vector<16xi32>
      %and3A_447 = arith.andi %min3A_441, %broadcast_in_dim3A_445 : vector<16xi32>
      %gather3A_448 = tpu.vector_load_idx %arg10[%shift_right_arithmetic3A_446, %and3A_447] : memref<4x2048xi32, #tpu.memory_space<vmem>>[vector<16xi32>, vector<16xi32>], vector<16xi32>,
      %broadcast_in_dim3A_449 = arith.constant 11 : i32
      %broadcast_in_dim3A_450 = vector.broadcast %broadcast_in_dim3A_449 : i32 to vector<16xi32>
      %broadcast_in_dim3A_451 = arith.constant 2047 : i32
      %broadcast_in_dim3A_452 = vector.broadcast %broadcast_in_dim3A_451 : i32 to vector<16xi32>
      %shift_right_arithmetic3A_453 = arith.shrsi %min3A, %broadcast_in_dim3A_450 : vector<16xi32>
      %and3A_454 = arith.andi %min3A, %broadcast_in_dim3A_452 : vector<16xi32>
      tpu.vector_store_idx %arg10[%shift_right_arithmetic3A_453, %and3A_454], %gather3A_448 masked %and3A_434 : memref<4x2048xi32, #tpu.memory_space<vmem>>[vector<16xi32>, vector<16xi32>], vector<16xi32>, vector<16xi1>
      %while3A_455 = arith.constant 0 : i32
      scf.yield %while3A_455 : i32
    }
    %while3A_194 = arith.constant 1 : i32
    %while3A_195 = scf.for %while3A_420 = %while3A_191 to %while3A_187 step %while3A_194 iter_args(%while3A_421 = %while3A_193) -> (i32)  : i32 {
      %mul3A_422 = arith.constant 16 : i32
      %mul3A_423 = arith.muli %while3A_420, %mul3A_422 : i32
      %broadcast_in_dim3A_424 = vector.broadcast %mul3A_423 : i32 to vector<16xi32>
      %add3A_425 = arith.addi %broadcast_in_dim3A_424, %iota3A : vector<16xi32>
      %le3A = arith.cmpi sle, %add3A_425, %broadcast_in_dim3A_35 : vector<16xi32>
      %min3A = arith.minsi %add3A_425, %broadcast_in_dim3A_35 : vector<16xi32>
      %broadcast_in_dim3A_426 = arith.constant 11 : i32
      %broadcast_in_dim3A_427 = vector.broadcast %broadcast_in_dim3A_426 : i32 to vector<16xi32>
      %broadcast_in_dim3A_428 = arith.constant 2047 : i32
      %broadcast_in_dim3A_429 = vector.broadcast %broadcast_in_dim3A_428 : i32 to vector<16xi32>
      %shift_right_arithmetic3A_430 = arith.shrsi %min3A, %broadcast_in_dim3A_427 : vector<16xi32>
      %and3A_431 = arith.andi %min3A, %broadcast_in_dim3A_429 : vector<16xi32>
      %gather3A_432 = tpu.vector_load_idx %arg9[%shift_right_arithmetic3A_430, %and3A_431] : memref<4x2048xi32, #tpu.memory_space<vmem>>[vector<16xi32>, vector<16xi32>], vector<16xi32>,
      %ge3A = arith.cmpi sge, %gather3A_432, %broadcast_in_dim3A_170 : vector<16xi32>
      %and3A_433 = arith.andi %le3A, %ge3A : vector<16xi1>
      %lt3A = arith.cmpi slt, %gather3A_432, %add3A_171 : vector<16xi32>
      %and3A_434 = arith.andi %and3A_433, %lt3A : vector<16xi1>
      %sub3A_435 = arith.subi %gather3A_432, %broadcast_in_dim3A_170 : vector<16xi32>
      %max3A_436 = arith.maxsi %sub3A_435, %broadcast_in_dim3A_37 : vector<16xi32>
      %sub3A_437 = arith.subi %broadcast_in_dim3A_39, %broadcast_in_dim3A_13 : vector<16xi32>
      %min3A_438 = arith.minsi %max3A_436, %sub3A_437 : vector<16xi32>
      %gather3A_439 = tpu.vector_load_idx %arg12[%min3A_438] : memref<16384xi32, #tpu.memory_space<vmem>>[vector<16xi32>], vector<16xi32>,
      %max3A_440 = arith.maxsi %gather3A_439, %broadcast_in_dim3A_37 : vector<16xi32>
      %min3A_441 = arith.minsi %max3A_440, %broadcast_in_dim3A_35 : vector<16xi32>
      %broadcast_in_dim3A_442 = arith.constant 11 : i32
      %broadcast_in_dim3A_443 = vector.broadcast %broadcast_in_dim3A_442 : i32 to vector<16xi32>
      %broadcast_in_dim3A_444 = arith.constant 2047 : i32
      %broadcast_in_dim3A_445 = vector.broadcast %broadcast_in_dim3A_444 : i32 to vector<16xi32>
      %shift_right_arithmetic3A_446 = arith.shrsi %min3A_441, %broadcast_in_dim3A_443 : vector<16xi32>
      %and3A_447 = arith.andi %min3A_441, %broadcast_in_dim3A_445 : vector<16xi32>
      %gather3A_448 = tpu.vector_load_idx %arg10[%shift_right_arithmetic3A_446, %and3A_447] : memref<4x2048xi32, #tpu.memory_space<vmem>>[vector<16xi32>, vector<16xi32>], vector<16xi32>,
      %broadcast_in_dim3A_449 = arith.constant 11 : i32
      %broadcast_in_dim3A_450 = vector.broadcast %broadcast_in_dim3A_449 : i32 to vector<16xi32>
      %broadcast_in_dim3A_451 = arith.constant 2047 : i32
      %broadcast_in_dim3A_452 = vector.broadcast %broadcast_in_dim3A_451 : i32 to vector<16xi32>
      %shift_right_arithmetic3A_453 = arith.shrsi %min3A, %broadcast_in_dim3A_450 : vector<16xi32>
      %and3A_454 = arith.andi %min3A, %broadcast_in_dim3A_452 : vector<16xi32>
      tpu.vector_store_idx %arg10[%shift_right_arithmetic3A_453, %and3A_454], %gather3A_448 masked %and3A_434 : memref<4x2048xi32, #tpu.memory_space<vmem>>[vector<16xi32>, vector<16xi32>], vector<16xi32>, vector<16xi1>
      %while3A_455 = arith.constant 0 : i32
      scf.yield %while3A_455 : i32
    }
    %add3A_196 = arith.constant 81920 : i32
    %add3A_197 = arith.addi %mul3A_2, %add3A_196 : i32
    %broadcast_in_dim3A_198 = vector.broadcast %add3A_197 : i32 to vector<16xi32>
    %add3A_199 = arith.addi %broadcast_in_dim3A_198, %broadcast_in_dim3A_39 : vector<16xi32>
    %while3A_200 = arith.constant 0 : i32
    %while3A_201 = arith.constant 0 : i32
    %while3A_202 = arith.subi %shift_right_arithmetic3A_42, %while3A_200 : i32
    %while3A_203 = arith.addi %while3A_200, %while3A_202 : i32
    %while3A_204 = arith.constant 1 : i32
    %while3A_205 = arith.divsi %while3A_202, %while3A_204 : i32
    %while3A_206 = arith.muli %while3A_205, %while3A_204 : i32
    %while3A_207 = arith.addi %while3A_200, %while3A_206 : i32
    %while3A_208 = arith.constant 1 : i32
    %while3A_209 = scf.for %while3A_420 = %while3A_200 to %while3A_207 step %while3A_208 iter_args(%while3A_421 = %while3A_201) -> (i32)  : i32 {
      %mul3A_422 = arith.constant 16 : i32
      %mul3A_423 = arith.muli %while3A_420, %mul3A_422 : i32
      %broadcast_in_dim3A_424 = vector.broadcast %mul3A_423 : i32 to vector<16xi32>
      %add3A_425 = arith.addi %broadcast_in_dim3A_424, %iota3A : vector<16xi32>
      %le3A = arith.cmpi sle, %add3A_425, %broadcast_in_dim3A_35 : vector<16xi32>
      %min3A = arith.minsi %add3A_425, %broadcast_in_dim3A_35 : vector<16xi32>
      %broadcast_in_dim3A_426 = arith.constant 11 : i32
      %broadcast_in_dim3A_427 = vector.broadcast %broadcast_in_dim3A_426 : i32 to vector<16xi32>
      %broadcast_in_dim3A_428 = arith.constant 2047 : i32
      %broadcast_in_dim3A_429 = vector.broadcast %broadcast_in_dim3A_428 : i32 to vector<16xi32>
      %shift_right_arithmetic3A_430 = arith.shrsi %min3A, %broadcast_in_dim3A_427 : vector<16xi32>
      %and3A_431 = arith.andi %min3A, %broadcast_in_dim3A_429 : vector<16xi32>
      %gather3A_432 = tpu.vector_load_idx %arg9[%shift_right_arithmetic3A_430, %and3A_431] : memref<4x2048xi32, #tpu.memory_space<vmem>>[vector<16xi32>, vector<16xi32>], vector<16xi32>,
      %mul3A_433 = arith.constant 16 : i32
      %mul3A_434 = arith.muli %while3A_420, %mul3A_433 : i32
      %get3A = arith.index_cast %mul3A_434 : i32 to index
      %get3A_435 = tpu.vector_load %arg13[%get3A] {strides = array<i32>} : memref<8192xi32, #tpu.memory_space<vmem>>, vector<16xi32>,
      %ge3A = arith.cmpi sge, %gather3A_432, %broadcast_in_dim3A_198 : vector<16xi32>
      %and3A_436 = arith.andi %le3A, %ge3A : vector<16xi1>
      %lt3A = arith.cmpi slt, %gather3A_432, %add3A_199 : vector<16xi32>
      %and3A_437 = arith.andi %and3A_436, %lt3A : vector<16xi1>
      %gt3A = arith.cmpi sgt, %get3A_435, %broadcast_in_dim3A_37 : vector<16xi32>
      %and3A_438 = arith.andi %and3A_437, %gt3A : vector<16xi1>
      %sub3A_439 = arith.subi %gather3A_432, %broadcast_in_dim3A_198 : vector<16xi32>
      %max3A_440 = arith.maxsi %sub3A_439, %broadcast_in_dim3A_37 : vector<16xi32>
      %sub3A_441 = arith.subi %broadcast_in_dim3A_39, %broadcast_in_dim3A_13 : vector<16xi32>
      %min3A_442 = arith.minsi %max3A_440, %sub3A_441 : vector<16xi32>
      tpu.vector_store_idx %arg12[%min3A_442], %add3A_425 masked %and3A_438 : memref<16384xi32, #tpu.memory_space<vmem>>[vector<16xi32>], vector<16xi32>, vector<16xi1>
      %while3A_443 = arith.constant 0 : i32
      scf.yield %while3A_443 : i32
    }
    %while3A_210 = arith.constant 1 : i32
    %while3A_211 = scf.for %while3A_420 = %while3A_207 to %while3A_203 step %while3A_210 iter_args(%while3A_421 = %while3A_209) -> (i32)  : i32 {
      %mul3A_422 = arith.constant 16 : i32
      %mul3A_423 = arith.muli %while3A_420, %mul3A_422 : i32
      %broadcast_in_dim3A_424 = vector.broadcast %mul3A_423 : i32 to vector<16xi32>
      %add3A_425 = arith.addi %broadcast_in_dim3A_424, %iota3A : vector<16xi32>
      %le3A = arith.cmpi sle, %add3A_425, %broadcast_in_dim3A_35 : vector<16xi32>
      %min3A = arith.minsi %add3A_425, %broadcast_in_dim3A_35 : vector<16xi32>
      %broadcast_in_dim3A_426 = arith.constant 11 : i32
      %broadcast_in_dim3A_427 = vector.broadcast %broadcast_in_dim3A_426 : i32 to vector<16xi32>
      %broadcast_in_dim3A_428 = arith.constant 2047 : i32
      %broadcast_in_dim3A_429 = vector.broadcast %broadcast_in_dim3A_428 : i32 to vector<16xi32>
      %shift_right_arithmetic3A_430 = arith.shrsi %min3A, %broadcast_in_dim3A_427 : vector<16xi32>
      %and3A_431 = arith.andi %min3A, %broadcast_in_dim3A_429 : vector<16xi32>
      %gather3A_432 = tpu.vector_load_idx %arg9[%shift_right_arithmetic3A_430, %and3A_431] : memref<4x2048xi32, #tpu.memory_space<vmem>>[vector<16xi32>, vector<16xi32>], vector<16xi32>,
      %mul3A_433 = arith.constant 16 : i32
      %mul3A_434 = arith.muli %while3A_420, %mul3A_433 : i32
      %get3A = arith.index_cast %mul3A_434 : i32 to index
      %get3A_435 = tpu.vector_load %arg13[%get3A] {strides = array<i32>} : memref<8192xi32, #tpu.memory_space<vmem>>, vector<16xi32>,
      %ge3A = arith.cmpi sge, %gather3A_432, %broadcast_in_dim3A_198 : vector<16xi32>
      %and3A_436 = arith.andi %le3A, %ge3A : vector<16xi1>
      %lt3A = arith.cmpi slt, %gather3A_432, %add3A_199 : vector<16xi32>
      %and3A_437 = arith.andi %and3A_436, %lt3A : vector<16xi1>
      %gt3A = arith.cmpi sgt, %get3A_435, %broadcast_in_dim3A_37 : vector<16xi32>
      %and3A_438 = arith.andi %and3A_437, %gt3A : vector<16xi1>
      %sub3A_439 = arith.subi %gather3A_432, %broadcast_in_dim3A_198 : vector<16xi32>
      %max3A_440 = arith.maxsi %sub3A_439, %broadcast_in_dim3A_37 : vector<16xi32>
      %sub3A_441 = arith.subi %broadcast_in_dim3A_39, %broadcast_in_dim3A_13 : vector<16xi32>
      %min3A_442 = arith.minsi %max3A_440, %sub3A_441 : vector<16xi32>
      tpu.vector_store_idx %arg12[%min3A_442], %add3A_425 masked %and3A_438 : memref<16384xi32, #tpu.memory_space<vmem>>[vector<16xi32>], vector<16xi32>, vector<16xi1>
      %while3A_443 = arith.constant 0 : i32
      scf.yield %while3A_443 : i32
    }
    %while3A_212 = arith.constant 0 : i32
    %while3A_213 = arith.constant 0 : i32
    %while3A_214 = arith.subi %shift_right_arithmetic3A_42, %while3A_212 : i32
    %while3A_215 = arith.addi %while3A_212, %while3A_214 : i32
    %while3A_216 = arith.constant 1 : i32
    %while3A_217 = arith.divsi %while3A_214, %while3A_216 : i32
    %while3A_218 = arith.muli %while3A_217, %while3A_216 : i32
    %while3A_219 = arith.addi %while3A_212, %while3A_218 : i32
    %while3A_220 = arith.constant 1 : i32
    %while3A_221 = scf.for %while3A_420 = %while3A_212 to %while3A_219 step %while3A_220 iter_args(%while3A_421 = %while3A_213) -> (i32)  : i32 {
      %mul3A_422 = arith.constant 16 : i32
      %mul3A_423 = arith.muli %while3A_420, %mul3A_422 : i32
      %broadcast_in_dim3A_424 = vector.broadcast %mul3A_423 : i32 to vector<16xi32>
      %add3A_425 = arith.addi %broadcast_in_dim3A_424, %iota3A : vector<16xi32>
      %le3A = arith.cmpi sle, %add3A_425, %broadcast_in_dim3A_35 : vector<16xi32>
      %min3A = arith.minsi %add3A_425, %broadcast_in_dim3A_35 : vector<16xi32>
      %broadcast_in_dim3A_426 = arith.constant 11 : i32
      %broadcast_in_dim3A_427 = vector.broadcast %broadcast_in_dim3A_426 : i32 to vector<16xi32>
      %broadcast_in_dim3A_428 = arith.constant 2047 : i32
      %broadcast_in_dim3A_429 = vector.broadcast %broadcast_in_dim3A_428 : i32 to vector<16xi32>
      %shift_right_arithmetic3A_430 = arith.shrsi %min3A, %broadcast_in_dim3A_427 : vector<16xi32>
      %and3A_431 = arith.andi %min3A, %broadcast_in_dim3A_429 : vector<16xi32>
      %gather3A_432 = tpu.vector_load_idx %arg9[%shift_right_arithmetic3A_430, %and3A_431] : memref<4x2048xi32, #tpu.memory_space<vmem>>[vector<16xi32>, vector<16xi32>], vector<16xi32>,
      %ge3A = arith.cmpi sge, %gather3A_432, %broadcast_in_dim3A_198 : vector<16xi32>
      %and3A_433 = arith.andi %le3A, %ge3A : vector<16xi1>
      %lt3A = arith.cmpi slt, %gather3A_432, %add3A_199 : vector<16xi32>
      %and3A_434 = arith.andi %and3A_433, %lt3A : vector<16xi1>
      %sub3A_435 = arith.subi %gather3A_432, %broadcast_in_dim3A_198 : vector<16xi32>
      %max3A_436 = arith.maxsi %sub3A_435, %broadcast_in_dim3A_37 : vector<16xi32>
      %sub3A_437 = arith.subi %broadcast_in_dim3A_39, %broadcast_in_dim3A_13 : vector<16xi32>
      %min3A_438 = arith.minsi %max3A_436, %sub3A_437 : vector<16xi32>
      %gather3A_439 = tpu.vector_load_idx %arg12[%min3A_438] : memref<16384xi32, #tpu.memory_space<vmem>>[vector<16xi32>], vector<16xi32>,
      %max3A_440 = arith.maxsi %gather3A_439, %broadcast_in_dim3A_37 : vector<16xi32>
      %min3A_441 = arith.minsi %max3A_440, %broadcast_in_dim3A_35 : vector<16xi32>
      %broadcast_in_dim3A_442 = arith.constant 11 : i32
      %broadcast_in_dim3A_443 = vector.broadcast %broadcast_in_dim3A_442 : i32 to vector<16xi32>
      %broadcast_in_dim3A_444 = arith.constant 2047 : i32
      %broadcast_in_dim3A_445 = vector.broadcast %broadcast_in_dim3A_444 : i32 to vector<16xi32>
      %shift_right_arithmetic3A_446 = arith.shrsi %min3A_441, %broadcast_in_dim3A_443 : vector<16xi32>
      %and3A_447 = arith.andi %min3A_441, %broadcast_in_dim3A_445 : vector<16xi32>
      %gather3A_448 = tpu.vector_load_idx %arg10[%shift_right_arithmetic3A_446, %and3A_447] : memref<4x2048xi32, #tpu.memory_space<vmem>>[vector<16xi32>, vector<16xi32>], vector<16xi32>,
      %broadcast_in_dim3A_449 = arith.constant 11 : i32
      %broadcast_in_dim3A_450 = vector.broadcast %broadcast_in_dim3A_449 : i32 to vector<16xi32>
      %broadcast_in_dim3A_451 = arith.constant 2047 : i32
      %broadcast_in_dim3A_452 = vector.broadcast %broadcast_in_dim3A_451 : i32 to vector<16xi32>
      %shift_right_arithmetic3A_453 = arith.shrsi %min3A, %broadcast_in_dim3A_450 : vector<16xi32>
      %and3A_454 = arith.andi %min3A, %broadcast_in_dim3A_452 : vector<16xi32>
      tpu.vector_store_idx %arg10[%shift_right_arithmetic3A_453, %and3A_454], %gather3A_448 masked %and3A_434 : memref<4x2048xi32, #tpu.memory_space<vmem>>[vector<16xi32>, vector<16xi32>], vector<16xi32>, vector<16xi1>
      %while3A_455 = arith.constant 0 : i32
      scf.yield %while3A_455 : i32
    }
    %while3A_222 = arith.constant 1 : i32
    %while3A_223 = scf.for %while3A_420 = %while3A_219 to %while3A_215 step %while3A_222 iter_args(%while3A_421 = %while3A_221) -> (i32)  : i32 {
      %mul3A_422 = arith.constant 16 : i32
      %mul3A_423 = arith.muli %while3A_420, %mul3A_422 : i32
      %broadcast_in_dim3A_424 = vector.broadcast %mul3A_423 : i32 to vector<16xi32>
      %add3A_425 = arith.addi %broadcast_in_dim3A_424, %iota3A : vector<16xi32>
      %le3A = arith.cmpi sle, %add3A_425, %broadcast_in_dim3A_35 : vector<16xi32>
      %min3A = arith.minsi %add3A_425, %broadcast_in_dim3A_35 : vector<16xi32>
      %broadcast_in_dim3A_426 = arith.constant 11 : i32
      %broadcast_in_dim3A_427 = vector.broadcast %broadcast_in_dim3A_426 : i32 to vector<16xi32>
      %broadcast_in_dim3A_428 = arith.constant 2047 : i32
      %broadcast_in_dim3A_429 = vector.broadcast %broadcast_in_dim3A_428 : i32 to vector<16xi32>
      %shift_right_arithmetic3A_430 = arith.shrsi %min3A, %broadcast_in_dim3A_427 : vector<16xi32>
      %and3A_431 = arith.andi %min3A, %broadcast_in_dim3A_429 : vector<16xi32>
      %gather3A_432 = tpu.vector_load_idx %arg9[%shift_right_arithmetic3A_430, %and3A_431] : memref<4x2048xi32, #tpu.memory_space<vmem>>[vector<16xi32>, vector<16xi32>], vector<16xi32>,
      %ge3A = arith.cmpi sge, %gather3A_432, %broadcast_in_dim3A_198 : vector<16xi32>
      %and3A_433 = arith.andi %le3A, %ge3A : vector<16xi1>
      %lt3A = arith.cmpi slt, %gather3A_432, %add3A_199 : vector<16xi32>
      %and3A_434 = arith.andi %and3A_433, %lt3A : vector<16xi1>
      %sub3A_435 = arith.subi %gather3A_432, %broadcast_in_dim3A_198 : vector<16xi32>
      %max3A_436 = arith.maxsi %sub3A_435, %broadcast_in_dim3A_37 : vector<16xi32>
      %sub3A_437 = arith.subi %broadcast_in_dim3A_39, %broadcast_in_dim3A_13 : vector<16xi32>
      %min3A_438 = arith.minsi %max3A_436, %sub3A_437 : vector<16xi32>
      %gather3A_439 = tpu.vector_load_idx %arg12[%min3A_438] : memref<16384xi32, #tpu.memory_space<vmem>>[vector<16xi32>], vector<16xi32>,
      %max3A_440 = arith.maxsi %gather3A_439, %broadcast_in_dim3A_37 : vector<16xi32>
      %min3A_441 = arith.minsi %max3A_440, %broadcast_in_dim3A_35 : vector<16xi32>
      %broadcast_in_dim3A_442 = arith.constant 11 : i32
      %broadcast_in_dim3A_443 = vector.broadcast %broadcast_in_dim3A_442 : i32 to vector<16xi32>
      %broadcast_in_dim3A_444 = arith.constant 2047 : i32
      %broadcast_in_dim3A_445 = vector.broadcast %broadcast_in_dim3A_444 : i32 to vector<16xi32>
      %shift_right_arithmetic3A_446 = arith.shrsi %min3A_441, %broadcast_in_dim3A_443 : vector<16xi32>
      %and3A_447 = arith.andi %min3A_441, %broadcast_in_dim3A_445 : vector<16xi32>
      %gather3A_448 = tpu.vector_load_idx %arg10[%shift_right_arithmetic3A_446, %and3A_447] : memref<4x2048xi32, #tpu.memory_space<vmem>>[vector<16xi32>, vector<16xi32>], vector<16xi32>,
      %broadcast_in_dim3A_449 = arith.constant 11 : i32
      %broadcast_in_dim3A_450 = vector.broadcast %broadcast_in_dim3A_449 : i32 to vector<16xi32>
      %broadcast_in_dim3A_451 = arith.constant 2047 : i32
      %broadcast_in_dim3A_452 = vector.broadcast %broadcast_in_dim3A_451 : i32 to vector<16xi32>
      %shift_right_arithmetic3A_453 = arith.shrsi %min3A, %broadcast_in_dim3A_450 : vector<16xi32>
      %and3A_454 = arith.andi %min3A, %broadcast_in_dim3A_452 : vector<16xi32>
      tpu.vector_store_idx %arg10[%shift_right_arithmetic3A_453, %and3A_454], %gather3A_448 masked %and3A_434 : memref<4x2048xi32, #tpu.memory_space<vmem>>[vector<16xi32>, vector<16xi32>], vector<16xi32>, vector<16xi1>
      %while3A_455 = arith.constant 0 : i32
      scf.yield %while3A_455 : i32
    }
    %add3A_224 = arith.constant 98304 : i32
    %add3A_225 = arith.addi %mul3A_2, %add3A_224 : i32
    %broadcast_in_dim3A_226 = vector.broadcast %add3A_225 : i32 to vector<16xi32>
    %add3A_227 = arith.addi %broadcast_in_dim3A_226, %broadcast_in_dim3A_39 : vector<16xi32>
    %while3A_228 = arith.constant 0 : i32
    %while3A_229 = arith.constant 0 : i32
    %while3A_230 = arith.subi %shift_right_arithmetic3A_42, %while3A_228 : i32
    %while3A_231 = arith.addi %while3A_228, %while3A_230 : i32
    %while3A_232 = arith.constant 1 : i32
    %while3A_233 = arith.divsi %while3A_230, %while3A_232 : i32
    %while3A_234 = arith.muli %while3A_233, %while3A_232 : i32
    %while3A_235 = arith.addi %while3A_228, %while3A_234 : i32
    %while3A_236 = arith.constant 1 : i32
    %while3A_237 = scf.for %while3A_420 = %while3A_228 to %while3A_235 step %while3A_236 iter_args(%while3A_421 = %while3A_229) -> (i32)  : i32 {
      %mul3A_422 = arith.constant 16 : i32
      %mul3A_423 = arith.muli %while3A_420, %mul3A_422 : i32
      %broadcast_in_dim3A_424 = vector.broadcast %mul3A_423 : i32 to vector<16xi32>
      %add3A_425 = arith.addi %broadcast_in_dim3A_424, %iota3A : vector<16xi32>
      %le3A = arith.cmpi sle, %add3A_425, %broadcast_in_dim3A_35 : vector<16xi32>
      %min3A = arith.minsi %add3A_425, %broadcast_in_dim3A_35 : vector<16xi32>
      %broadcast_in_dim3A_426 = arith.constant 11 : i32
      %broadcast_in_dim3A_427 = vector.broadcast %broadcast_in_dim3A_426 : i32 to vector<16xi32>
      %broadcast_in_dim3A_428 = arith.constant 2047 : i32
      %broadcast_in_dim3A_429 = vector.broadcast %broadcast_in_dim3A_428 : i32 to vector<16xi32>
      %shift_right_arithmetic3A_430 = arith.shrsi %min3A, %broadcast_in_dim3A_427 : vector<16xi32>
      %and3A_431 = arith.andi %min3A, %broadcast_in_dim3A_429 : vector<16xi32>
      %gather3A_432 = tpu.vector_load_idx %arg9[%shift_right_arithmetic3A_430, %and3A_431] : memref<4x2048xi32, #tpu.memory_space<vmem>>[vector<16xi32>, vector<16xi32>], vector<16xi32>,
      %mul3A_433 = arith.constant 16 : i32
      %mul3A_434 = arith.muli %while3A_420, %mul3A_433 : i32
      %get3A = arith.index_cast %mul3A_434 : i32 to index
      %get3A_435 = tpu.vector_load %arg13[%get3A] {strides = array<i32>} : memref<8192xi32, #tpu.memory_space<vmem>>, vector<16xi32>,
      %ge3A = arith.cmpi sge, %gather3A_432, %broadcast_in_dim3A_226 : vector<16xi32>
      %and3A_436 = arith.andi %le3A, %ge3A : vector<16xi1>
      %lt3A = arith.cmpi slt, %gather3A_432, %add3A_227 : vector<16xi32>
      %and3A_437 = arith.andi %and3A_436, %lt3A : vector<16xi1>
      %gt3A = arith.cmpi sgt, %get3A_435, %broadcast_in_dim3A_37 : vector<16xi32>
      %and3A_438 = arith.andi %and3A_437, %gt3A : vector<16xi1>
      %sub3A_439 = arith.subi %gather3A_432, %broadcast_in_dim3A_226 : vector<16xi32>
      %max3A_440 = arith.maxsi %sub3A_439, %broadcast_in_dim3A_37 : vector<16xi32>
      %sub3A_441 = arith.subi %broadcast_in_dim3A_39, %broadcast_in_dim3A_13 : vector<16xi32>
      %min3A_442 = arith.minsi %max3A_440, %sub3A_441 : vector<16xi32>
      tpu.vector_store_idx %arg12[%min3A_442], %add3A_425 masked %and3A_438 : memref<16384xi32, #tpu.memory_space<vmem>>[vector<16xi32>], vector<16xi32>, vector<16xi1>
      %while3A_443 = arith.constant 0 : i32
      scf.yield %while3A_443 : i32
    }
    %while3A_238 = arith.constant 1 : i32
    %while3A_239 = scf.for %while3A_420 = %while3A_235 to %while3A_231 step %while3A_238 iter_args(%while3A_421 = %while3A_237) -> (i32)  : i32 {
      %mul3A_422 = arith.constant 16 : i32
      %mul3A_423 = arith.muli %while3A_420, %mul3A_422 : i32
      %broadcast_in_dim3A_424 = vector.broadcast %mul3A_423 : i32 to vector<16xi32>
      %add3A_425 = arith.addi %broadcast_in_dim3A_424, %iota3A : vector<16xi32>
      %le3A = arith.cmpi sle, %add3A_425, %broadcast_in_dim3A_35 : vector<16xi32>
      %min3A = arith.minsi %add3A_425, %broadcast_in_dim3A_35 : vector<16xi32>
      %broadcast_in_dim3A_426 = arith.constant 11 : i32
      %broadcast_in_dim3A_427 = vector.broadcast %broadcast_in_dim3A_426 : i32 to vector<16xi32>
      %broadcast_in_dim3A_428 = arith.constant 2047 : i32
      %broadcast_in_dim3A_429 = vector.broadcast %broadcast_in_dim3A_428 : i32 to vector<16xi32>
      %shift_right_arithmetic3A_430 = arith.shrsi %min3A, %broadcast_in_dim3A_427 : vector<16xi32>
      %and3A_431 = arith.andi %min3A, %broadcast_in_dim3A_429 : vector<16xi32>
      %gather3A_432 = tpu.vector_load_idx %arg9[%shift_right_arithmetic3A_430, %and3A_431] : memref<4x2048xi32, #tpu.memory_space<vmem>>[vector<16xi32>, vector<16xi32>], vector<16xi32>,
      %mul3A_433 = arith.constant 16 : i32
      %mul3A_434 = arith.muli %while3A_420, %mul3A_433 : i32
      %get3A = arith.index_cast %mul3A_434 : i32 to index
      %get3A_435 = tpu.vector_load %arg13[%get3A] {strides = array<i32>} : memref<8192xi32, #tpu.memory_space<vmem>>, vector<16xi32>,
      %ge3A = arith.cmpi sge, %gather3A_432, %broadcast_in_dim3A_226 : vector<16xi32>
      %and3A_436 = arith.andi %le3A, %ge3A : vector<16xi1>
      %lt3A = arith.cmpi slt, %gather3A_432, %add3A_227 : vector<16xi32>
      %and3A_437 = arith.andi %and3A_436, %lt3A : vector<16xi1>
      %gt3A = arith.cmpi sgt, %get3A_435, %broadcast_in_dim3A_37 : vector<16xi32>
      %and3A_438 = arith.andi %and3A_437, %gt3A : vector<16xi1>
      %sub3A_439 = arith.subi %gather3A_432, %broadcast_in_dim3A_226 : vector<16xi32>
      %max3A_440 = arith.maxsi %sub3A_439, %broadcast_in_dim3A_37 : vector<16xi32>
      %sub3A_441 = arith.subi %broadcast_in_dim3A_39, %broadcast_in_dim3A_13 : vector<16xi32>
      %min3A_442 = arith.minsi %max3A_440, %sub3A_441 : vector<16xi32>
      tpu.vector_store_idx %arg12[%min3A_442], %add3A_425 masked %and3A_438 : memref<16384xi32, #tpu.memory_space<vmem>>[vector<16xi32>], vector<16xi32>, vector<16xi1>
      %while3A_443 = arith.constant 0 : i32
      scf.yield %while3A_443 : i32
    }
    %while3A_240 = arith.constant 0 : i32
    %while3A_241 = arith.constant 0 : i32
    %while3A_242 = arith.subi %shift_right_arithmetic3A_42, %while3A_240 : i32
    %while3A_243 = arith.addi %while3A_240, %while3A_242 : i32
    %while3A_244 = arith.constant 1 : i32
    %while3A_245 = arith.divsi %while3A_242, %while3A_244 : i32
    %while3A_246 = arith.muli %while3A_245, %while3A_244 : i32
    %while3A_247 = arith.addi %while3A_240, %while3A_246 : i32
    %while3A_248 = arith.constant 1 : i32
    %while3A_249 = scf.for %while3A_420 = %while3A_240 to %while3A_247 step %while3A_248 iter_args(%while3A_421 = %while3A_241) -> (i32)  : i32 {
      %mul3A_422 = arith.constant 16 : i32
      %mul3A_423 = arith.muli %while3A_420, %mul3A_422 : i32
      %broadcast_in_dim3A_424 = vector.broadcast %mul3A_423 : i32 to vector<16xi32>
      %add3A_425 = arith.addi %broadcast_in_dim3A_424, %iota3A : vector<16xi32>
      %le3A = arith.cmpi sle, %add3A_425, %broadcast_in_dim3A_35 : vector<16xi32>
      %min3A = arith.minsi %add3A_425, %broadcast_in_dim3A_35 : vector<16xi32>
      %broadcast_in_dim3A_426 = arith.constant 11 : i32
      %broadcast_in_dim3A_427 = vector.broadcast %broadcast_in_dim3A_426 : i32 to vector<16xi32>
      %broadcast_in_dim3A_428 = arith.constant 2047 : i32
      %broadcast_in_dim3A_429 = vector.broadcast %broadcast_in_dim3A_428 : i32 to vector<16xi32>
      %shift_right_arithmetic3A_430 = arith.shrsi %min3A, %broadcast_in_dim3A_427 : vector<16xi32>
      %and3A_431 = arith.andi %min3A, %broadcast_in_dim3A_429 : vector<16xi32>
      %gather3A_432 = tpu.vector_load_idx %arg9[%shift_right_arithmetic3A_430, %and3A_431] : memref<4x2048xi32, #tpu.memory_space<vmem>>[vector<16xi32>, vector<16xi32>], vector<16xi32>,
      %ge3A = arith.cmpi sge, %gather3A_432, %broadcast_in_dim3A_226 : vector<16xi32>
      %and3A_433 = arith.andi %le3A, %ge3A : vector<16xi1>
      %lt3A = arith.cmpi slt, %gather3A_432, %add3A_227 : vector<16xi32>
      %and3A_434 = arith.andi %and3A_433, %lt3A : vector<16xi1>
      %sub3A_435 = arith.subi %gather3A_432, %broadcast_in_dim3A_226 : vector<16xi32>
      %max3A_436 = arith.maxsi %sub3A_435, %broadcast_in_dim3A_37 : vector<16xi32>
      %sub3A_437 = arith.subi %broadcast_in_dim3A_39, %broadcast_in_dim3A_13 : vector<16xi32>
      %min3A_438 = arith.minsi %max3A_436, %sub3A_437 : vector<16xi32>
      %gather3A_439 = tpu.vector_load_idx %arg12[%min3A_438] : memref<16384xi32, #tpu.memory_space<vmem>>[vector<16xi32>], vector<16xi32>,
      %max3A_440 = arith.maxsi %gather3A_439, %broadcast_in_dim3A_37 : vector<16xi32>
      %min3A_441 = arith.minsi %max3A_440, %broadcast_in_dim3A_35 : vector<16xi32>
      %broadcast_in_dim3A_442 = arith.constant 11 : i32
      %broadcast_in_dim3A_443 = vector.broadcast %broadcast_in_dim3A_442 : i32 to vector<16xi32>
      %broadcast_in_dim3A_444 = arith.constant 2047 : i32
      %broadcast_in_dim3A_445 = vector.broadcast %broadcast_in_dim3A_444 : i32 to vector<16xi32>
      %shift_right_arithmetic3A_446 = arith.shrsi %min3A_441, %broadcast_in_dim3A_443 : vector<16xi32>
      %and3A_447 = arith.andi %min3A_441, %broadcast_in_dim3A_445 : vector<16xi32>
      %gather3A_448 = tpu.vector_load_idx %arg10[%shift_right_arithmetic3A_446, %and3A_447] : memref<4x2048xi32, #tpu.memory_space<vmem>>[vector<16xi32>, vector<16xi32>], vector<16xi32>,
      %broadcast_in_dim3A_449 = arith.constant 11 : i32
      %broadcast_in_dim3A_450 = vector.broadcast %broadcast_in_dim3A_449 : i32 to vector<16xi32>
      %broadcast_in_dim3A_451 = arith.constant 2047 : i32
      %broadcast_in_dim3A_452 = vector.broadcast %broadcast_in_dim3A_451 : i32 to vector<16xi32>
      %shift_right_arithmetic3A_453 = arith.shrsi %min3A, %broadcast_in_dim3A_450 : vector<16xi32>
      %and3A_454 = arith.andi %min3A, %broadcast_in_dim3A_452 : vector<16xi32>
      tpu.vector_store_idx %arg10[%shift_right_arithmetic3A_453, %and3A_454], %gather3A_448 masked %and3A_434 : memref<4x2048xi32, #tpu.memory_space<vmem>>[vector<16xi32>, vector<16xi32>], vector<16xi32>, vector<16xi1>
      %while3A_455 = arith.constant 0 : i32
      scf.yield %while3A_455 : i32
    }
    %while3A_250 = arith.constant 1 : i32
    %while3A_251 = scf.for %while3A_420 = %while3A_247 to %while3A_243 step %while3A_250 iter_args(%while3A_421 = %while3A_249) -> (i32)  : i32 {
      %mul3A_422 = arith.constant 16 : i32
      %mul3A_423 = arith.muli %while3A_420, %mul3A_422 : i32
      %broadcast_in_dim3A_424 = vector.broadcast %mul3A_423 : i32 to vector<16xi32>
      %add3A_425 = arith.addi %broadcast_in_dim3A_424, %iota3A : vector<16xi32>
      %le3A = arith.cmpi sle, %add3A_425, %broadcast_in_dim3A_35 : vector<16xi32>
      %min3A = arith.minsi %add3A_425, %broadcast_in_dim3A_35 : vector<16xi32>
      %broadcast_in_dim3A_426 = arith.constant 11 : i32
      %broadcast_in_dim3A_427 = vector.broadcast %broadcast_in_dim3A_426 : i32 to vector<16xi32>
      %broadcast_in_dim3A_428 = arith.constant 2047 : i32
      %broadcast_in_dim3A_429 = vector.broadcast %broadcast_in_dim3A_428 : i32 to vector<16xi32>
      %shift_right_arithmetic3A_430 = arith.shrsi %min3A, %broadcast_in_dim3A_427 : vector<16xi32>
      %and3A_431 = arith.andi %min3A, %broadcast_in_dim3A_429 : vector<16xi32>
      %gather3A_432 = tpu.vector_load_idx %arg9[%shift_right_arithmetic3A_430, %and3A_431] : memref<4x2048xi32, #tpu.memory_space<vmem>>[vector<16xi32>, vector<16xi32>], vector<16xi32>,
      %ge3A = arith.cmpi sge, %gather3A_432, %broadcast_in_dim3A_226 : vector<16xi32>
      %and3A_433 = arith.andi %le3A, %ge3A : vector<16xi1>
      %lt3A = arith.cmpi slt, %gather3A_432, %add3A_227 : vector<16xi32>
      %and3A_434 = arith.andi %and3A_433, %lt3A : vector<16xi1>
      %sub3A_435 = arith.subi %gather3A_432, %broadcast_in_dim3A_226 : vector<16xi32>
      %max3A_436 = arith.maxsi %sub3A_435, %broadcast_in_dim3A_37 : vector<16xi32>
      %sub3A_437 = arith.subi %broadcast_in_dim3A_39, %broadcast_in_dim3A_13 : vector<16xi32>
      %min3A_438 = arith.minsi %max3A_436, %sub3A_437 : vector<16xi32>
      %gather3A_439 = tpu.vector_load_idx %arg12[%min3A_438] : memref<16384xi32, #tpu.memory_space<vmem>>[vector<16xi32>], vector<16xi32>,
      %max3A_440 = arith.maxsi %gather3A_439, %broadcast_in_dim3A_37 : vector<16xi32>
      %min3A_441 = arith.minsi %max3A_440, %broadcast_in_dim3A_35 : vector<16xi32>
      %broadcast_in_dim3A_442 = arith.constant 11 : i32
      %broadcast_in_dim3A_443 = vector.broadcast %broadcast_in_dim3A_442 : i32 to vector<16xi32>
      %broadcast_in_dim3A_444 = arith.constant 2047 : i32
      %broadcast_in_dim3A_445 = vector.broadcast %broadcast_in_dim3A_444 : i32 to vector<16xi32>
      %shift_right_arithmetic3A_446 = arith.shrsi %min3A_441, %broadcast_in_dim3A_443 : vector<16xi32>
      %and3A_447 = arith.andi %min3A_441, %broadcast_in_dim3A_445 : vector<16xi32>
      %gather3A_448 = tpu.vector_load_idx %arg10[%shift_right_arithmetic3A_446, %and3A_447] : memref<4x2048xi32, #tpu.memory_space<vmem>>[vector<16xi32>, vector<16xi32>], vector<16xi32>,
      %broadcast_in_dim3A_449 = arith.constant 11 : i32
      %broadcast_in_dim3A_450 = vector.broadcast %broadcast_in_dim3A_449 : i32 to vector<16xi32>
      %broadcast_in_dim3A_451 = arith.constant 2047 : i32
      %broadcast_in_dim3A_452 = vector.broadcast %broadcast_in_dim3A_451 : i32 to vector<16xi32>
      %shift_right_arithmetic3A_453 = arith.shrsi %min3A, %broadcast_in_dim3A_450 : vector<16xi32>
      %and3A_454 = arith.andi %min3A, %broadcast_in_dim3A_452 : vector<16xi32>
      tpu.vector_store_idx %arg10[%shift_right_arithmetic3A_453, %and3A_454], %gather3A_448 masked %and3A_434 : memref<4x2048xi32, #tpu.memory_space<vmem>>[vector<16xi32>, vector<16xi32>], vector<16xi32>, vector<16xi1>
      %while3A_455 = arith.constant 0 : i32
      scf.yield %while3A_455 : i32
    }
    %add3A_252 = arith.constant 114688 : i32
    %add3A_253 = arith.addi %mul3A_2, %add3A_252 : i32
    %broadcast_in_dim3A_254 = vector.broadcast %add3A_253 : i32 to vector<16xi32>
    %add3A_255 = arith.addi %broadcast_in_dim3A_254, %broadcast_in_dim3A_39 : vector<16xi32>
    %while3A_256 = arith.constant 0 : i32
    %while3A_257 = arith.constant 0 : i32
    %while3A_258 = arith.subi %shift_right_arithmetic3A_42, %while3A_256 : i32
    %while3A_259 = arith.addi %while3A_256, %while3A_258 : i32
    %while3A_260 = arith.constant 1 : i32
    %while3A_261 = arith.divsi %while3A_258, %while3A_260 : i32
    %while3A_262 = arith.muli %while3A_261, %while3A_260 : i32
    %while3A_263 = arith.addi %while3A_256, %while3A_262 : i32
    %while3A_264 = arith.constant 1 : i32
    %while3A_265 = scf.for %while3A_420 = %while3A_256 to %while3A_263 step %while3A_264 iter_args(%while3A_421 = %while3A_257) -> (i32)  : i32 {
      %mul3A_422 = arith.constant 16 : i32
      %mul3A_423 = arith.muli %while3A_420, %mul3A_422 : i32
      %broadcast_in_dim3A_424 = vector.broadcast %mul3A_423 : i32 to vector<16xi32>
      %add3A_425 = arith.addi %broadcast_in_dim3A_424, %iota3A : vector<16xi32>
      %le3A = arith.cmpi sle, %add3A_425, %broadcast_in_dim3A_35 : vector<16xi32>
      %min3A = arith.minsi %add3A_425, %broadcast_in_dim3A_35 : vector<16xi32>
      %broadcast_in_dim3A_426 = arith.constant 11 : i32
      %broadcast_in_dim3A_427 = vector.broadcast %broadcast_in_dim3A_426 : i32 to vector<16xi32>
      %broadcast_in_dim3A_428 = arith.constant 2047 : i32
      %broadcast_in_dim3A_429 = vector.broadcast %broadcast_in_dim3A_428 : i32 to vector<16xi32>
      %shift_right_arithmetic3A_430 = arith.shrsi %min3A, %broadcast_in_dim3A_427 : vector<16xi32>
      %and3A_431 = arith.andi %min3A, %broadcast_in_dim3A_429 : vector<16xi32>
      %gather3A_432 = tpu.vector_load_idx %arg9[%shift_right_arithmetic3A_430, %and3A_431] : memref<4x2048xi32, #tpu.memory_space<vmem>>[vector<16xi32>, vector<16xi32>], vector<16xi32>,
      %mul3A_433 = arith.constant 16 : i32
      %mul3A_434 = arith.muli %while3A_420, %mul3A_433 : i32
      %get3A = arith.index_cast %mul3A_434 : i32 to index
      %get3A_435 = tpu.vector_load %arg13[%get3A] {strides = array<i32>} : memref<8192xi32, #tpu.memory_space<vmem>>, vector<16xi32>,
      %ge3A = arith.cmpi sge, %gather3A_432, %broadcast_in_dim3A_254 : vector<16xi32>
      %and3A_436 = arith.andi %le3A, %ge3A : vector<16xi1>
      %lt3A = arith.cmpi slt, %gather3A_432, %add3A_255 : vector<16xi32>
      %and3A_437 = arith.andi %and3A_436, %lt3A : vector<16xi1>
      %gt3A = arith.cmpi sgt, %get3A_435, %broadcast_in_dim3A_37 : vector<16xi32>
      %and3A_438 = arith.andi %and3A_437, %gt3A : vector<16xi1>
      %sub3A_439 = arith.subi %gather3A_432, %broadcast_in_dim3A_254 : vector<16xi32>
      %max3A_440 = arith.maxsi %sub3A_439, %broadcast_in_dim3A_37 : vector<16xi32>
      %sub3A_441 = arith.subi %broadcast_in_dim3A_39, %broadcast_in_dim3A_13 : vector<16xi32>
      %min3A_442 = arith.minsi %max3A_440, %sub3A_441 : vector<16xi32>
      tpu.vector_store_idx %arg12[%min3A_442], %add3A_425 masked %and3A_438 : memref<16384xi32, #tpu.memory_space<vmem>>[vector<16xi32>], vector<16xi32>, vector<16xi1>
      %while3A_443 = arith.constant 0 : i32
      scf.yield %while3A_443 : i32
    }
    %while3A_266 = arith.constant 1 : i32
    %while3A_267 = scf.for %while3A_420 = %while3A_263 to %while3A_259 step %while3A_266 iter_args(%while3A_421 = %while3A_265) -> (i32)  : i32 {
      %mul3A_422 = arith.constant 16 : i32
      %mul3A_423 = arith.muli %while3A_420, %mul3A_422 : i32
      %broadcast_in_dim3A_424 = vector.broadcast %mul3A_423 : i32 to vector<16xi32>
      %add3A_425 = arith.addi %broadcast_in_dim3A_424, %iota3A : vector<16xi32>
      %le3A = arith.cmpi sle, %add3A_425, %broadcast_in_dim3A_35 : vector<16xi32>
      %min3A = arith.minsi %add3A_425, %broadcast_in_dim3A_35 : vector<16xi32>
      %broadcast_in_dim3A_426 = arith.constant 11 : i32
      %broadcast_in_dim3A_427 = vector.broadcast %broadcast_in_dim3A_426 : i32 to vector<16xi32>
      %broadcast_in_dim3A_428 = arith.constant 2047 : i32
      %broadcast_in_dim3A_429 = vector.broadcast %broadcast_in_dim3A_428 : i32 to vector<16xi32>
      %shift_right_arithmetic3A_430 = arith.shrsi %min3A, %broadcast_in_dim3A_427 : vector<16xi32>
      %and3A_431 = arith.andi %min3A, %broadcast_in_dim3A_429 : vector<16xi32>
      %gather3A_432 = tpu.vector_load_idx %arg9[%shift_right_arithmetic3A_430, %and3A_431] : memref<4x2048xi32, #tpu.memory_space<vmem>>[vector<16xi32>, vector<16xi32>], vector<16xi32>,
      %mul3A_433 = arith.constant 16 : i32
      %mul3A_434 = arith.muli %while3A_420, %mul3A_433 : i32
      %get3A = arith.index_cast %mul3A_434 : i32 to index
      %get3A_435 = tpu.vector_load %arg13[%get3A] {strides = array<i32>} : memref<8192xi32, #tpu.memory_space<vmem>>, vector<16xi32>,
      %ge3A = arith.cmpi sge, %gather3A_432, %broadcast_in_dim3A_254 : vector<16xi32>
      %and3A_436 = arith.andi %le3A, %ge3A : vector<16xi1>
      %lt3A = arith.cmpi slt, %gather3A_432, %add3A_255 : vector<16xi32>
      %and3A_437 = arith.andi %and3A_436, %lt3A : vector<16xi1>
      %gt3A = arith.cmpi sgt, %get3A_435, %broadcast_in_dim3A_37 : vector<16xi32>
      %and3A_438 = arith.andi %and3A_437, %gt3A : vector<16xi1>
      %sub3A_439 = arith.subi %gather3A_432, %broadcast_in_dim3A_254 : vector<16xi32>
      %max3A_440 = arith.maxsi %sub3A_439, %broadcast_in_dim3A_37 : vector<16xi32>
      %sub3A_441 = arith.subi %broadcast_in_dim3A_39, %broadcast_in_dim3A_13 : vector<16xi32>
      %min3A_442 = arith.minsi %max3A_440, %sub3A_441 : vector<16xi32>
      tpu.vector_store_idx %arg12[%min3A_442], %add3A_425 masked %and3A_438 : memref<16384xi32, #tpu.memory_space<vmem>>[vector<16xi32>], vector<16xi32>, vector<16xi1>
      %while3A_443 = arith.constant 0 : i32
      scf.yield %while3A_443 : i32
    }
    %while3A_268 = arith.constant 0 : i32
    %while3A_269 = arith.constant 0 : i32
    %while3A_270 = arith.subi %shift_right_arithmetic3A_42, %while3A_268 : i32
    %while3A_271 = arith.addi %while3A_268, %while3A_270 : i32
    %while3A_272 = arith.constant 1 : i32
    %while3A_273 = arith.divsi %while3A_270, %while3A_272 : i32
    %while3A_274 = arith.muli %while3A_273, %while3A_272 : i32
    %while3A_275 = arith.addi %while3A_268, %while3A_274 : i32
    %while3A_276 = arith.constant 1 : i32
    %while3A_277 = scf.for %while3A_420 = %while3A_268 to %while3A_275 step %while3A_276 iter_args(%while3A_421 = %while3A_269) -> (i32)  : i32 {
      %mul3A_422 = arith.constant 16 : i32
      %mul3A_423 = arith.muli %while3A_420, %mul3A_422 : i32
      %broadcast_in_dim3A_424 = vector.broadcast %mul3A_423 : i32 to vector<16xi32>
      %add3A_425 = arith.addi %broadcast_in_dim3A_424, %iota3A : vector<16xi32>
      %le3A = arith.cmpi sle, %add3A_425, %broadcast_in_dim3A_35 : vector<16xi32>
      %min3A = arith.minsi %add3A_425, %broadcast_in_dim3A_35 : vector<16xi32>
      %broadcast_in_dim3A_426 = arith.constant 11 : i32
      %broadcast_in_dim3A_427 = vector.broadcast %broadcast_in_dim3A_426 : i32 to vector<16xi32>
      %broadcast_in_dim3A_428 = arith.constant 2047 : i32
      %broadcast_in_dim3A_429 = vector.broadcast %broadcast_in_dim3A_428 : i32 to vector<16xi32>
      %shift_right_arithmetic3A_430 = arith.shrsi %min3A, %broadcast_in_dim3A_427 : vector<16xi32>
      %and3A_431 = arith.andi %min3A, %broadcast_in_dim3A_429 : vector<16xi32>
      %gather3A_432 = tpu.vector_load_idx %arg9[%shift_right_arithmetic3A_430, %and3A_431] : memref<4x2048xi32, #tpu.memory_space<vmem>>[vector<16xi32>, vector<16xi32>], vector<16xi32>,
      %ge3A = arith.cmpi sge, %gather3A_432, %broadcast_in_dim3A_254 : vector<16xi32>
      %and3A_433 = arith.andi %le3A, %ge3A : vector<16xi1>
      %lt3A = arith.cmpi slt, %gather3A_432, %add3A_255 : vector<16xi32>
      %and3A_434 = arith.andi %and3A_433, %lt3A : vector<16xi1>
      %sub3A_435 = arith.subi %gather3A_432, %broadcast_in_dim3A_254 : vector<16xi32>
      %max3A_436 = arith.maxsi %sub3A_435, %broadcast_in_dim3A_37 : vector<16xi32>
      %sub3A_437 = arith.subi %broadcast_in_dim3A_39, %broadcast_in_dim3A_13 : vector<16xi32>
      %min3A_438 = arith.minsi %max3A_436, %sub3A_437 : vector<16xi32>
      %gather3A_439 = tpu.vector_load_idx %arg12[%min3A_438] : memref<16384xi32, #tpu.memory_space<vmem>>[vector<16xi32>], vector<16xi32>,
      %max3A_440 = arith.maxsi %gather3A_439, %broadcast_in_dim3A_37 : vector<16xi32>
      %min3A_441 = arith.minsi %max3A_440, %broadcast_in_dim3A_35 : vector<16xi32>
      %broadcast_in_dim3A_442 = arith.constant 11 : i32
      %broadcast_in_dim3A_443 = vector.broadcast %broadcast_in_dim3A_442 : i32 to vector<16xi32>
      %broadcast_in_dim3A_444 = arith.constant 2047 : i32
      %broadcast_in_dim3A_445 = vector.broadcast %broadcast_in_dim3A_444 : i32 to vector<16xi32>
      %shift_right_arithmetic3A_446 = arith.shrsi %min3A_441, %broadcast_in_dim3A_443 : vector<16xi32>
      %and3A_447 = arith.andi %min3A_441, %broadcast_in_dim3A_445 : vector<16xi32>
      %gather3A_448 = tpu.vector_load_idx %arg10[%shift_right_arithmetic3A_446, %and3A_447] : memref<4x2048xi32, #tpu.memory_space<vmem>>[vector<16xi32>, vector<16xi32>], vector<16xi32>,
      %broadcast_in_dim3A_449 = arith.constant 11 : i32
      %broadcast_in_dim3A_450 = vector.broadcast %broadcast_in_dim3A_449 : i32 to vector<16xi32>
      %broadcast_in_dim3A_451 = arith.constant 2047 : i32
      %broadcast_in_dim3A_452 = vector.broadcast %broadcast_in_dim3A_451 : i32 to vector<16xi32>
      %shift_right_arithmetic3A_453 = arith.shrsi %min3A, %broadcast_in_dim3A_450 : vector<16xi32>
      %and3A_454 = arith.andi %min3A, %broadcast_in_dim3A_452 : vector<16xi32>
      tpu.vector_store_idx %arg10[%shift_right_arithmetic3A_453, %and3A_454], %gather3A_448 masked %and3A_434 : memref<4x2048xi32, #tpu.memory_space<vmem>>[vector<16xi32>, vector<16xi32>], vector<16xi32>, vector<16xi1>
      %while3A_455 = arith.constant 0 : i32
      scf.yield %while3A_455 : i32
    }
    %while3A_278 = arith.constant 1 : i32
    %while3A_279 = scf.for %while3A_420 = %while3A_275 to %while3A_271 step %while3A_278 iter_args(%while3A_421 = %while3A_277) -> (i32)  : i32 {
      %mul3A_422 = arith.constant 16 : i32
      %mul3A_423 = arith.muli %while3A_420, %mul3A_422 : i32
      %broadcast_in_dim3A_424 = vector.broadcast %mul3A_423 : i32 to vector<16xi32>
      %add3A_425 = arith.addi %broadcast_in_dim3A_424, %iota3A : vector<16xi32>
      %le3A = arith.cmpi sle, %add3A_425, %broadcast_in_dim3A_35 : vector<16xi32>
      %min3A = arith.minsi %add3A_425, %broadcast_in_dim3A_35 : vector<16xi32>
      %broadcast_in_dim3A_426 = arith.constant 11 : i32
      %broadcast_in_dim3A_427 = vector.broadcast %broadcast_in_dim3A_426 : i32 to vector<16xi32>
      %broadcast_in_dim3A_428 = arith.constant 2047 : i32
      %broadcast_in_dim3A_429 = vector.broadcast %broadcast_in_dim3A_428 : i32 to vector<16xi32>
      %shift_right_arithmetic3A_430 = arith.shrsi %min3A, %broadcast_in_dim3A_427 : vector<16xi32>
      %and3A_431 = arith.andi %min3A, %broadcast_in_dim3A_429 : vector<16xi32>
      %gather3A_432 = tpu.vector_load_idx %arg9[%shift_right_arithmetic3A_430, %and3A_431] : memref<4x2048xi32, #tpu.memory_space<vmem>>[vector<16xi32>, vector<16xi32>], vector<16xi32>,
      %ge3A = arith.cmpi sge, %gather3A_432, %broadcast_in_dim3A_254 : vector<16xi32>
      %and3A_433 = arith.andi %le3A, %ge3A : vector<16xi1>
      %lt3A = arith.cmpi slt, %gather3A_432, %add3A_255 : vector<16xi32>
      %and3A_434 = arith.andi %and3A_433, %lt3A : vector<16xi1>
      %sub3A_435 = arith.subi %gather3A_432, %broadcast_in_dim3A_254 : vector<16xi32>
      %max3A_436 = arith.maxsi %sub3A_435, %broadcast_in_dim3A_37 : vector<16xi32>
      %sub3A_437 = arith.subi %broadcast_in_dim3A_39, %broadcast_in_dim3A_13 : vector<16xi32>
      %min3A_438 = arith.minsi %max3A_436, %sub3A_437 : vector<16xi32>
      %gather3A_439 = tpu.vector_load_idx %arg12[%min3A_438] : memref<16384xi32, #tpu.memory_space<vmem>>[vector<16xi32>], vector<16xi32>,
      %max3A_440 = arith.maxsi %gather3A_439, %broadcast_in_dim3A_37 : vector<16xi32>
      %min3A_441 = arith.minsi %max3A_440, %broadcast_in_dim3A_35 : vector<16xi32>
      %broadcast_in_dim3A_442 = arith.constant 11 : i32
      %broadcast_in_dim3A_443 = vector.broadcast %broadcast_in_dim3A_442 : i32 to vector<16xi32>
      %broadcast_in_dim3A_444 = arith.constant 2047 : i32
      %broadcast_in_dim3A_445 = vector.broadcast %broadcast_in_dim3A_444 : i32 to vector<16xi32>
      %shift_right_arithmetic3A_446 = arith.shrsi %min3A_441, %broadcast_in_dim3A_443 : vector<16xi32>
      %and3A_447 = arith.andi %min3A_441, %broadcast_in_dim3A_445 : vector<16xi32>
      %gather3A_448 = tpu.vector_load_idx %arg10[%shift_right_arithmetic3A_446, %and3A_447] : memref<4x2048xi32, #tpu.memory_space<vmem>>[vector<16xi32>, vector<16xi32>], vector<16xi32>,
      %broadcast_in_dim3A_449 = arith.constant 11 : i32
      %broadcast_in_dim3A_450 = vector.broadcast %broadcast_in_dim3A_449 : i32 to vector<16xi32>
      %broadcast_in_dim3A_451 = arith.constant 2047 : i32
      %broadcast_in_dim3A_452 = vector.broadcast %broadcast_in_dim3A_451 : i32 to vector<16xi32>
      %shift_right_arithmetic3A_453 = arith.shrsi %min3A, %broadcast_in_dim3A_450 : vector<16xi32>
      %and3A_454 = arith.andi %min3A, %broadcast_in_dim3A_452 : vector<16xi32>
      tpu.vector_store_idx %arg10[%shift_right_arithmetic3A_453, %and3A_454], %gather3A_448 masked %and3A_434 : memref<4x2048xi32, #tpu.memory_space<vmem>>[vector<16xi32>, vector<16xi32>], vector<16xi32>, vector<16xi1>
      %while3A_455 = arith.constant 0 : i32
      scf.yield %while3A_455 : i32
    }
    %broadcast_in_dim3A_280 = arith.constant 11 : i32
    %broadcast_in_dim3A_281 = vector.broadcast %broadcast_in_dim3A_280 : i32 to vector<16xi32>
    %broadcast_in_dim3A_282 = arith.constant 2047 : i32
    %broadcast_in_dim3A_283 = vector.broadcast %broadcast_in_dim3A_282 : i32 to vector<16xi32>
    %shift_right_arithmetic3A_284 = arith.shrsi %broadcast_in_dim3A_35, %broadcast_in_dim3A_281 : vector<16xi32>
    %and3A = arith.andi %broadcast_in_dim3A_35, %broadcast_in_dim3A_283 : vector<16xi32>
    %gather3A = tpu.vector_load_idx %arg9[%shift_right_arithmetic3A_284, %and3A] : memref<4x2048xi32, #tpu.memory_space<vmem>>[vector<16xi32>, vector<16xi32>], vector<16xi32>,
    %broadcast_in_dim3A_285 = arith.constant 11 : i32
    %broadcast_in_dim3A_286 = vector.broadcast %broadcast_in_dim3A_285 : i32 to vector<16xi32>
    %broadcast_in_dim3A_287 = arith.constant 2047 : i32
    %broadcast_in_dim3A_288 = vector.broadcast %broadcast_in_dim3A_287 : i32 to vector<16xi32>
    %shift_right_arithmetic3A_289 = arith.shrsi %broadcast_in_dim3A_35, %broadcast_in_dim3A_286 : vector<16xi32>
    %and3A_290 = arith.andi %broadcast_in_dim3A_35, %broadcast_in_dim3A_288 : vector<16xi32>
    %gather3A_291 = tpu.vector_load_idx %arg10[%shift_right_arithmetic3A_289, %and3A_290] : memref<4x2048xi32, #tpu.memory_space<vmem>>[vector<16xi32>, vector<16xi32>], vector<16xi32>,
    %add3A_292 = arith.constant 2048 : i32
    %add3A_293 = arith.addi %scan3A_31, %add3A_292 : i32
    %sub3A_294 = arith.constant 1 : i32
    %sub3A_295 = arith.subi %add3A_293, %sub3A_294 : i32
    %shift_right_arithmetic3A_296 = arith.constant 11 : i32
    %shift_right_arithmetic3A_297 = arith.shrsi %sub3A_295, %shift_right_arithmetic3A_296 : i32
    %shift_right_arithmetic3A_298 = arith.constant 4 : i32
    %shift_right_arithmetic3A_299 = arith.shrsi %scan3A_31, %shift_right_arithmetic3A_298 : i32
    %shift_left3A = arith.constant 7 : i32
    %shift_left3A_300 = arith.shli %shift_right_arithmetic3A_297, %shift_left3A : i32
    %while3A_301 = arith.constant 0 : i32
    %while3A_302 = arith.subi %shift_left3A_300, %shift_right_arithmetic3A_299 : i32
    %while3A_303 = arith.addi %shift_right_arithmetic3A_299, %while3A_302 : i32
    %while3A_304 = arith.constant 1 : i32
    %while3A_305 = arith.divsi %while3A_302, %while3A_304 : i32
    %while3A_306 = arith.muli %while3A_305, %while3A_304 : i32
    %while3A_307 = arith.addi %shift_right_arithmetic3A_299, %while3A_306 : i32
    %while3A_308 = arith.constant 1 : i32
    %while3A_309 = scf.for %while3A_420 = %shift_right_arithmetic3A_299 to %while3A_307 step %while3A_308 iter_args(%while3A_421 = %while3A_301) -> (i32)  : i32 {
      %mul3A_422 = arith.constant 16 : i32
      %mul3A_423 = arith.muli %while3A_420, %mul3A_422 : i32
      %add3A_424 = vector.broadcast %mul3A_423 : i32 to vector<16xi32>
      %add3A_425 = arith.addi %add3A_424, %iota3A : vector<16xi32>
      %ge3A = vector.broadcast %scan3A_31 : i32 to vector<16xi32>
      %ge3A_426 = arith.cmpi sge, %add3A_425, %ge3A : vector<16xi32>
      %broadcast_in_dim3A_427 = arith.constant 11 : i32
      %broadcast_in_dim3A_428 = vector.broadcast %broadcast_in_dim3A_427 : i32 to vector<16xi32>
      %broadcast_in_dim3A_429 = arith.constant 2047 : i32
      %broadcast_in_dim3A_430 = vector.broadcast %broadcast_in_dim3A_429 : i32 to vector<16xi32>
      %shift_right_arithmetic3A_431 = arith.shrsi %add3A_425, %broadcast_in_dim3A_428 : vector<16xi32>
      %and3A_432 = arith.andi %add3A_425, %broadcast_in_dim3A_430 : vector<16xi32>
      tpu.vector_store_idx %arg9[%shift_right_arithmetic3A_431, %and3A_432], %gather3A masked %ge3A_426 : memref<4x2048xi32, #tpu.memory_space<vmem>>[vector<16xi32>, vector<16xi32>], vector<16xi32>, vector<16xi1>
      %broadcast_in_dim3A_433 = arith.constant 11 : i32
      %broadcast_in_dim3A_434 = vector.broadcast %broadcast_in_dim3A_433 : i32 to vector<16xi32>
      %broadcast_in_dim3A_435 = arith.constant 2047 : i32
      %broadcast_in_dim3A_436 = vector.broadcast %broadcast_in_dim3A_435 : i32 to vector<16xi32>
      %shift_right_arithmetic3A_437 = arith.shrsi %add3A_425, %broadcast_in_dim3A_434 : vector<16xi32>
      %and3A_438 = arith.andi %add3A_425, %broadcast_in_dim3A_436 : vector<16xi32>
      tpu.vector_store_idx %arg10[%shift_right_arithmetic3A_437, %and3A_438], %gather3A_291 masked %ge3A_426 : memref<4x2048xi32, #tpu.memory_space<vmem>>[vector<16xi32>, vector<16xi32>], vector<16xi32>, vector<16xi1>
      %while3A_439 = arith.constant 0 : i32
      scf.yield %while3A_439 : i32
    }
    %while3A_310 = arith.constant 1 : i32
    %while3A_311 = scf.for %while3A_420 = %while3A_307 to %while3A_303 step %while3A_310 iter_args(%while3A_421 = %while3A_309) -> (i32)  : i32 {
      %mul3A_422 = arith.constant 16 : i32
      %mul3A_423 = arith.muli %while3A_420, %mul3A_422 : i32
      %add3A_424 = vector.broadcast %mul3A_423 : i32 to vector<16xi32>
      %add3A_425 = arith.addi %add3A_424, %iota3A : vector<16xi32>
      %ge3A = vector.broadcast %scan3A_31 : i32 to vector<16xi32>
      %ge3A_426 = arith.cmpi sge, %add3A_425, %ge3A : vector<16xi32>
      %broadcast_in_dim3A_427 = arith.constant 11 : i32
      %broadcast_in_dim3A_428 = vector.broadcast %broadcast_in_dim3A_427 : i32 to vector<16xi32>
      %broadcast_in_dim3A_429 = arith.constant 2047 : i32
      %broadcast_in_dim3A_430 = vector.broadcast %broadcast_in_dim3A_429 : i32 to vector<16xi32>
      %shift_right_arithmetic3A_431 = arith.shrsi %add3A_425, %broadcast_in_dim3A_428 : vector<16xi32>
      %and3A_432 = arith.andi %add3A_425, %broadcast_in_dim3A_430 : vector<16xi32>
      tpu.vector_store_idx %arg9[%shift_right_arithmetic3A_431, %and3A_432], %gather3A masked %ge3A_426 : memref<4x2048xi32, #tpu.memory_space<vmem>>[vector<16xi32>, vector<16xi32>], vector<16xi32>, vector<16xi1>
      %broadcast_in_dim3A_433 = arith.constant 11 : i32
      %broadcast_in_dim3A_434 = vector.broadcast %broadcast_in_dim3A_433 : i32 to vector<16xi32>
      %broadcast_in_dim3A_435 = arith.constant 2047 : i32
      %broadcast_in_dim3A_436 = vector.broadcast %broadcast_in_dim3A_435 : i32 to vector<16xi32>
      %shift_right_arithmetic3A_437 = arith.shrsi %add3A_425, %broadcast_in_dim3A_434 : vector<16xi32>
      %and3A_438 = arith.andi %add3A_425, %broadcast_in_dim3A_436 : vector<16xi32>
      tpu.vector_store_idx %arg10[%shift_right_arithmetic3A_437, %and3A_438], %gather3A_291 masked %ge3A_426 : memref<4x2048xi32, #tpu.memory_space<vmem>>[vector<16xi32>, vector<16xi32>], vector<16xi32>, vector<16xi1>
      %while3A_439 = arith.constant 0 : i32
      scf.yield %while3A_439 : i32
    }
    %scan3A_312 = arith.constant 0 : i32
    %scan3A_313 = arith.constant 0 : i32
    %scan3A_314 = arith.constant 256 : i32
    %scan3A_315 = arith.addi %scan3A_313, %scan3A_314 : i32
    %scan3A_316 = arith.constant 1 : i32
    %scan3A_317 = scf.for %scan3A_420 = %scan3A_313 to %scan3A_315 step %scan3A_316 iter_args(%scan3A_421 = %scan3A_312) -> (i32)  : i32 {
      %mul3A_422 = arith.constant 512 : i32
      %mul3A_423 = arith.muli %scan3A_420, %mul3A_422 : i32
      %add3A_424 = arith.addi %mul3A_2, %mul3A_423 : i32
      %dma_wait3A_425 = arith.constant 0 : i32
      %dma_wait3A_426 = tpu.memref_slice %arg5[%add3A_424, %dma_wait3A_425] : memref<4194304x8xf32, #tpu.memory_space<hbm>> -> memref<512x8xf32, #tpu.memory_space<hbm>>
      %dma_wait3A_427 = arith.constant 0 : i32
      %dma_wait3A_428 = tpu.memref_slice %arg5[%add3A_424, %dma_wait3A_427] : memref<4194304x8xf32, #tpu.memory_space<hbm>> -> memref<512x8xf32, #tpu.memory_space<hbm>>
      tpu.wait_dma2 semaphore(%arg16 : memref<!tpu.dma_semaphore, #tpu.memory_space<semaphore_mem>>) src(%arg7 : memref<512x8xf32, #tpu.memory_space<vmem>>) dst(%dma_wait3A_428 : memref<512x8xf32, #tpu.memory_space<hbm>>)
      %scan3A_429 = arith.constant 0 : i32
      scf.yield %scan3A_429 : i32
    }
    %scan3A_318 = arith.constant 256 : i32
    %while3A_319 = arith.constant 0 : i32
    %while3A_320 = arith.constant 0 : i32
    %while3A_321 = arith.subi %shift_right_arithmetic3A_297, %while3A_319 : i32
    %while3A_322 = arith.addi %while3A_319, %while3A_321 : i32
    %while3A_323 = arith.constant 1 : i32
    %while3A_324 = arith.divsi %while3A_321, %while3A_323 : i32
    %while3A_325 = arith.muli %while3A_324, %while3A_323 : i32
    %while3A_326 = arith.addi %while3A_319, %while3A_325 : i32
    %while3A_327 = arith.constant 1 : i32
    %while3A_328 = scf.for %while3A_420 = %while3A_319 to %while3A_326 step %while3A_327 iter_args(%while3A_421 = %while3A_320) -> (i32)  : i32 {
      %dma_start3A_422 = arith.constant 0 : i32
      %dma_start3A_423 = tpu.memref_slice %arg10[%while3A_420, %dma_start3A_422] : memref<4x2048xi32, #tpu.memory_space<vmem>> -> memref<1x2048xi32, #tpu.memory_space<vmem>>
      %dma_start3A_424 = tpu.memref_squeeze %dma_start3A_423 : memref<1x2048xi32, #tpu.memory_space<vmem>> -> memref<2048xi32, #tpu.memory_space<vmem>>
      %dma_start3A_425 = arith.constant 0 : i32
      %dma_start3A_426 = arith.constant 0 : i32
      %dma_start3A_427 = tpu.memref_slice %arg3[%dma_start3A_425, %dma_start3A_426] : memref<65536x8xf32, #tpu.memory_space<hbm>> -> memref<65536x8xf32, #tpu.memory_space<hbm>>
      tpu.enqueue_indirect_dma source(%dma_start3A_427 : memref<65536x8xf32, #tpu.memory_space<hbm>>) target(%arg11 : memref<2048x8xf32, #tpu.memory_space<vmem>>) offsets(%dma_start3A_424 : memref<2048xi32, #tpu.memory_space<vmem>>) semaphore(%arg18 : memref<!tpu.dma_semaphore, #tpu.memory_space<semaphore_mem>>)
      %dma_wait3A_428 = arith.constant 0 : i32
      %dma_wait3A_429 = tpu.memref_slice %arg10[%while3A_420, %dma_wait3A_428] : memref<4x2048xi32, #tpu.memory_space<vmem>> -> memref<1x2048xi32, #tpu.memory_space<vmem>>
      %dma_wait3A_430 = tpu.memref_squeeze %dma_wait3A_429 : memref<1x2048xi32, #tpu.memory_space<vmem>> -> memref<2048xi32, #tpu.memory_space<vmem>>
      %dma_wait3A_431 = arith.constant 0 : i32
      %dma_wait3A_432 = arith.constant 0 : i32
      %dma_wait3A_433 = tpu.memref_slice %arg3[%dma_wait3A_431, %dma_wait3A_432] : memref<65536x8xf32, #tpu.memory_space<hbm>> -> memref<65536x8xf32, #tpu.memory_space<hbm>>
      tpu.wait_indirect_dma semaphore(%arg18 : memref<!tpu.dma_semaphore, #tpu.memory_space<semaphore_mem>>) src(%dma_wait3A_433 : memref<65536x8xf32, #tpu.memory_space<hbm>>) dst(%arg11 : memref<2048x8xf32, #tpu.memory_space<vmem>>)
      %dma_start3A_434 = arith.constant 0 : i32
      %dma_start3A_435 = tpu.memref_slice %arg9[%while3A_420, %dma_start3A_434] : memref<4x2048xi32, #tpu.memory_space<vmem>> -> memref<1x2048xi32, #tpu.memory_space<vmem>>
      %dma_start3A_436 = tpu.memref_squeeze %dma_start3A_435 : memref<1x2048xi32, #tpu.memory_space<vmem>> -> memref<2048xi32, #tpu.memory_space<vmem>>
      %dma_start3A_437 = arith.constant 0 : i32
      %dma_start3A_438 = arith.constant 0 : i32
      %dma_start3A_439 = tpu.memref_slice %arg5[%dma_start3A_437, %dma_start3A_438] : memref<4194304x8xf32, #tpu.memory_space<hbm>> -> memref<4194304x8xf32, #tpu.memory_space<hbm>>
      tpu.enqueue_indirect_dma source(%arg11 : memref<2048x8xf32, #tpu.memory_space<vmem>>) target(%dma_start3A_439 : memref<4194304x8xf32, #tpu.memory_space<hbm>>) offsets(%dma_start3A_436 : memref<2048xi32, #tpu.memory_space<vmem>>) semaphore(%arg19 : memref<!tpu.dma_semaphore, #tpu.memory_space<semaphore_mem>>)
      %dma_wait3A_440 = arith.constant 0 : i32
      %dma_wait3A_441 = tpu.memref_slice %arg9[%while3A_420, %dma_wait3A_440] : memref<4x2048xi32, #tpu.memory_space<vmem>> -> memref<1x2048xi32, #tpu.memory_space<vmem>>
      %dma_wait3A_442 = tpu.memref_squeeze %dma_wait3A_441 : memref<1x2048xi32, #tpu.memory_space<vmem>> -> memref<2048xi32, #tpu.memory_space<vmem>>
      %dma_wait3A_443 = arith.constant 0 : i32
      %dma_wait3A_444 = arith.constant 0 : i32
      %dma_wait3A_445 = tpu.memref_slice %arg5[%dma_wait3A_443, %dma_wait3A_444] : memref<4194304x8xf32, #tpu.memory_space<hbm>> -> memref<4194304x8xf32, #tpu.memory_space<hbm>>
      tpu.wait_indirect_dma semaphore(%arg19 : memref<!tpu.dma_semaphore, #tpu.memory_space<semaphore_mem>>) src(%arg11 : memref<2048x8xf32, #tpu.memory_space<vmem>>) dst(%dma_wait3A_445 : memref<4194304x8xf32, #tpu.memory_space<hbm>>)
      %while3A_446 = arith.constant 0 : i32
      scf.yield %while3A_446 : i32
    }
    %while3A_329 = arith.constant 1 : i32
    %while3A_330 = scf.for %while3A_420 = %while3A_326 to %while3A_322 step %while3A_329 iter_args(%while3A_421 = %while3A_328) -> (i32)  : i32 {
      %dma_start3A_422 = arith.constant 0 : i32
      %dma_start3A_423 = tpu.memref_slice %arg10[%while3A_420, %dma_start3A_422] : memref<4x2048xi32, #tpu.memory_space<vmem>> -> memref<1x2048xi32, #tpu.memory_space<vmem>>
      %dma_start3A_424 = tpu.memref_squeeze %dma_start3A_423 : memref<1x2048xi32, #tpu.memory_space<vmem>> -> memref<2048xi32, #tpu.memory_space<vmem>>
      %dma_start3A_425 = arith.constant 0 : i32
      %dma_start3A_426 = arith.constant 0 : i32
      %dma_start3A_427 = tpu.memref_slice %arg3[%dma_start3A_425, %dma_start3A_426] : memref<65536x8xf32, #tpu.memory_space<hbm>> -> memref<65536x8xf32, #tpu.memory_space<hbm>>
      tpu.enqueue_indirect_dma source(%dma_start3A_427 : memref<65536x8xf32, #tpu.memory_space<hbm>>) target(%arg11 : memref<2048x8xf32, #tpu.memory_space<vmem>>) offsets(%dma_start3A_424 : memref<2048xi32, #tpu.memory_space<vmem>>) semaphore(%arg18 : memref<!tpu.dma_semaphore, #tpu.memory_space<semaphore_mem>>)
      %dma_wait3A_428 = arith.constant 0 : i32
      %dma_wait3A_429 = tpu.memref_slice %arg10[%while3A_420, %dma_wait3A_428] : memref<4x2048xi32, #tpu.memory_space<vmem>> -> memref<1x2048xi32, #tpu.memory_space<vmem>>
      %dma_wait3A_430 = tpu.memref_squeeze %dma_wait3A_429 : memref<1x2048xi32, #tpu.memory_space<vmem>> -> memref<2048xi32, #tpu.memory_space<vmem>>
      %dma_wait3A_431 = arith.constant 0 : i32
      %dma_wait3A_432 = arith.constant 0 : i32
      %dma_wait3A_433 = tpu.memref_slice %arg3[%dma_wait3A_431, %dma_wait3A_432] : memref<65536x8xf32, #tpu.memory_space<hbm>> -> memref<65536x8xf32, #tpu.memory_space<hbm>>
      tpu.wait_indirect_dma semaphore(%arg18 : memref<!tpu.dma_semaphore, #tpu.memory_space<semaphore_mem>>) src(%dma_wait3A_433 : memref<65536x8xf32, #tpu.memory_space<hbm>>) dst(%arg11 : memref<2048x8xf32, #tpu.memory_space<vmem>>)
      %dma_start3A_434 = arith.constant 0 : i32
      %dma_start3A_435 = tpu.memref_slice %arg9[%while3A_420, %dma_start3A_434] : memref<4x2048xi32, #tpu.memory_space<vmem>> -> memref<1x2048xi32, #tpu.memory_space<vmem>>
      %dma_start3A_436 = tpu.memref_squeeze %dma_start3A_435 : memref<1x2048xi32, #tpu.memory_space<vmem>> -> memref<2048xi32, #tpu.memory_space<vmem>>
      %dma_start3A_437 = arith.constant 0 : i32
      %dma_start3A_438 = arith.constant 0 : i32
      %dma_start3A_439 = tpu.memref_slice %arg5[%dma_start3A_437, %dma_start3A_438] : memref<4194304x8xf32, #tpu.memory_space<hbm>> -> memref<4194304x8xf32, #tpu.memory_space<hbm>>
      tpu.enqueue_indirect_dma source(%arg11 : memref<2048x8xf32, #tpu.memory_space<vmem>>) target(%dma_start3A_439 : memref<4194304x8xf32, #tpu.memory_space<hbm>>) offsets(%dma_start3A_436 : memref<2048xi32, #tpu.memory_space<vmem>>) semaphore(%arg19 : memref<!tpu.dma_semaphore, #tpu.memory_space<semaphore_mem>>)
      %dma_wait3A_440 = arith.constant 0 : i32
      %dma_wait3A_441 = tpu.memref_slice %arg9[%while3A_420, %dma_wait3A_440] : memref<4x2048xi32, #tpu.memory_space<vmem>> -> memref<1x2048xi32, #tpu.memory_space<vmem>>
      %dma_wait3A_442 = tpu.memref_squeeze %dma_wait3A_441 : memref<1x2048xi32, #tpu.memory_space<vmem>> -> memref<2048xi32, #tpu.memory_space<vmem>>
      %dma_wait3A_443 = arith.constant 0 : i32
      %dma_wait3A_444 = arith.constant 0 : i32
      %dma_wait3A_445 = tpu.memref_slice %arg5[%dma_wait3A_443, %dma_wait3A_444] : memref<4194304x8xf32, #tpu.memory_space<hbm>> -> memref<4194304x8xf32, #tpu.memory_space<hbm>>
      tpu.wait_indirect_dma semaphore(%arg19 : memref<!tpu.dma_semaphore, #tpu.memory_space<semaphore_mem>>) src(%arg11 : memref<2048x8xf32, #tpu.memory_space<vmem>>) dst(%dma_wait3A_445 : memref<4194304x8xf32, #tpu.memory_space<hbm>>)
      %while3A_446 = arith.constant 0 : i32
      scf.yield %while3A_446 : i32
    }
    %jit3A = arith.constant 16 : i32
    %div3A = arith.divsi %mul3A_2, %jit3A : i32
    %sign3A = arith.constant 0 : i32
    %sign3A_331 = arith.cmpi sgt, %mul3A_2, %sign3A : i32
    %sign3A_332 = arith.extui %sign3A_331 : i1 to i32
    %sign3A_333 = arith.constant 0 : i32
    %sign3A_334 = arith.cmpi slt, %mul3A_2, %sign3A_333 : i32
    %sign3A_335 = arith.extui %sign3A_334 : i1 to i32
    %sign3A_336 = arith.subi %sign3A_332, %sign3A_335 : i32
    %sign3A_337 = arith.constant 0 : i32
    %sign3A_338 = arith.cmpi sgt, %jit3A, %sign3A_337 : i32
    %sign3A_339 = arith.extui %sign3A_338 : i1 to i32
    %sign3A_340 = arith.constant 0 : i32
    %sign3A_341 = arith.cmpi slt, %jit3A, %sign3A_340 : i32
    %sign3A_342 = arith.extui %sign3A_341 : i1 to i32
    %sign3A_343 = arith.subi %sign3A_339, %sign3A_342 : i32
    %ne3A = arith.cmpi ne, %sign3A_336, %sign3A_343 : i32
    %rem3A = arith.remsi %mul3A_2, %jit3A : i32
    %ne3A_344 = arith.constant 0 : i32
    %ne3A_345 = arith.cmpi ne, %rem3A, %ne3A_344 : i32
    %and3A_346 = arith.andi %ne3A, %ne3A_345 : i1
    %sub3A_347 = arith.constant 1 : i32
    %sub3A_348 = arith.subi %div3A, %sub3A_347 : i32
    %select_n3A = arith.select %and3A_346, %sub3A_348, %div3A : i32
    %broadcast_in_dim3A_349 = arith.constant 7 : i32
    %broadcast_in_dim3A_350 = vector.broadcast %broadcast_in_dim3A_349 : i32 to vector<16xi32>
    %and3A_351 = arith.andi %iota3A, %broadcast_in_dim3A_350 : vector<16xi32>
    %broadcast_in_dim3A_352 = arith.constant 128 : i32
    %broadcast_in_dim3A_353 = vector.broadcast %broadcast_in_dim3A_352 : i32 to vector<16xi32>
    %mul3A_354 = arith.muli %and3A_351, %broadcast_in_dim3A_353 : vector<16xi32>
    %broadcast_in_dim3A_355 = arith.constant 3 : i32
    %broadcast_in_dim3A_356 = vector.broadcast %broadcast_in_dim3A_355 : i32 to vector<16xi32>
    %shift_right_arithmetic3A_357 = arith.shrsi %iota3A, %broadcast_in_dim3A_356 : vector<16xi32>
    %add3A_358 = arith.addi %mul3A_354, %shift_right_arithmetic3A_357 : vector<16xi32>
    %broadcast_in_dim3A_359 = arith.constant 3 : i32
    %broadcast_in_dim3A_360 = vector.broadcast %broadcast_in_dim3A_359 : i32 to vector<16xi32>
    %shift_right_arithmetic3A_361 = arith.shrsi %iota3A, %broadcast_in_dim3A_360 : vector<16xi32>
    %broadcast_in_dim3A_362 = arith.constant 7 : i32
    %broadcast_in_dim3A_363 = vector.broadcast %broadcast_in_dim3A_362 : i32 to vector<16xi32>
    %and3A_364 = arith.andi %iota3A, %broadcast_in_dim3A_363 : vector<16xi32>
    %broadcast_in_dim3A_365 = arith.constant 7 : i32
    %broadcast_in_dim3A_366 = vector.broadcast %broadcast_in_dim3A_365 : i32 to vector<16xi32>
    %broadcast_in_dim3A_367 = arith.constant 127 : i32
    %broadcast_in_dim3A_368 = vector.broadcast %broadcast_in_dim3A_367 : i32 to vector<16xi32>
    %add3A_369 = arith.constant 0 : i32
    %add3A_370 = arith.addi %mul3A_2, %add3A_369 : i32
    %dma_start3A_371 = arith.constant 0 : i32
    %dma_start3A_372 = arith.constant 0 : i32
    %dma_start3A_373 = arith.constant 0 : i32
    %dma_start3A_374 = tpu.memref_slice %arg14[%dma_start3A_371, %dma_start3A_372, %dma_start3A_373] : memref<2x1024x8xf32, #tpu.memory_space<vmem>> -> memref<1x1024x8xf32, #tpu.memory_space<vmem>>
    %dma_start3A_375 = tpu.memref_squeeze %dma_start3A_374 : memref<1x1024x8xf32, #tpu.memory_space<vmem>> -> memref<1024x8xf32, #tpu.memory_space<vmem>>
    %dma_start3A_376 = arith.constant 0 : i32
    %dma_start3A_377 = tpu.memref_slice %arg5[%add3A_370, %dma_start3A_376] : memref<4194304x8xf32, #tpu.memory_space<hbm>> -> memref<1024x8xf32, #tpu.memory_space<hbm>>
    %dma_start3A_378 = arith.constant 0 : i32
    %dma_start3A_379 = arith.constant 0 : i32
    %dma_start3A_380 = tpu.memref_slice %arg14[%dma_start3A_371, %dma_start3A_378, %dma_start3A_379] : memref<2x1024x8xf32, #tpu.memory_space<vmem>> -> memref<1x1024x8xf32, #tpu.memory_space<vmem>>
    %dma_start3A_381 = tpu.memref_squeeze %dma_start3A_380 : memref<1x1024x8xf32, #tpu.memory_space<vmem>> -> memref<1024x8xf32, #tpu.memory_space<vmem>>
    %dma_start3A_382 = arith.constant 0 : i32
    %dma_start3A_383 = tpu.memref_slice %arg5[%add3A_370, %dma_start3A_382] : memref<4194304x8xf32, #tpu.memory_space<hbm>> -> memref<1024x8xf32, #tpu.memory_space<hbm>>
    tpu.enqueue_dma source(%dma_start3A_383 : memref<1024x8xf32, #tpu.memory_space<hbm>>) target(%dma_start3A_381 : memref<1024x8xf32, #tpu.memory_space<vmem>>) target_semaphore(%arg20 : memref<!tpu.dma_semaphore, #tpu.memory_space<semaphore_mem>>)
    %scan3A_384 = arith.constant 0 : i32
    %scan3A_385 = arith.constant 0 : i32
    %scan3A_386 = arith.constant 128 : i32
    %scan3A_387 = arith.addi %scan3A_385, %scan3A_386 : i32
    %scan3A_388 = arith.constant 1 : i32
    %scan3A_389 = scf.for %scan3A_420 = %scan3A_385 to %scan3A_387 step %scan3A_388 iter_args(%scan3A_421 = %scan3A_384) -> (i32)  : i32 {
      %and3A_422 = arith.constant 1 : i32
      %and3A_423 = arith.andi %scan3A_420, %and3A_422 : i32
      %and3A_424 = arith.constant 1 : i32
      %and3A_425 = arith.andi %scan3A_420, %and3A_424 : i32
      %mul3A_426 = arith.constant 1024 : i32
      %mul3A_427 = arith.muli %scan3A_420, %mul3A_426 : i32
      %add3A_428 = arith.addi %mul3A_2, %mul3A_427 : i32
      %dma_wait3A_429 = arith.constant 0 : i32
      %dma_wait3A_430 = arith.constant 0 : i32
      %dma_wait3A_431 = tpu.memref_slice %arg14[%and3A_423, %dma_wait3A_429, %dma_wait3A_430] : memref<2x1024x8xf32, #tpu.memory_space<vmem>> -> memref<1x1024x8xf32, #tpu.memory_space<vmem>>
      %dma_wait3A_432 = tpu.memref_squeeze %dma_wait3A_431 : memref<1x1024x8xf32, #tpu.memory_space<vmem>> -> memref<1024x8xf32, #tpu.memory_space<vmem>>
      %dma_wait3A_433 = arith.constant 0 : i32
      %dma_wait3A_434 = tpu.memref_slice %arg5[%add3A_428, %dma_wait3A_433] : memref<4194304x8xf32, #tpu.memory_space<hbm>> -> memref<1024x8xf32, #tpu.memory_space<hbm>>
      %dma_wait3A_435 = arith.constant 0 : i32
      %dma_wait3A_436 = arith.constant 0 : i32
      %dma_wait3A_437 = tpu.memref_slice %arg14[%and3A_423, %dma_wait3A_435, %dma_wait3A_436] : memref<2x1024x8xf32, #tpu.memory_space<vmem>> -> memref<1x1024x8xf32, #tpu.memory_space<vmem>>
      %dma_wait3A_438 = tpu.memref_squeeze %dma_wait3A_437 : memref<1x1024x8xf32, #tpu.memory_space<vmem>> -> memref<1024x8xf32, #tpu.memory_space<vmem>>
      %dma_wait3A_439 = arith.constant 0 : i32
      %dma_wait3A_440 = tpu.memref_slice %arg5[%add3A_428, %dma_wait3A_439] : memref<4194304x8xf32, #tpu.memory_space<hbm>> -> memref<1024x8xf32, #tpu.memory_space<hbm>>
      tpu.wait_dma2 semaphore(%arg20 : memref<!tpu.dma_semaphore, #tpu.memory_space<semaphore_mem>>) src(%dma_wait3A_440 : memref<1024x8xf32, #tpu.memory_space<hbm>>) dst(%dma_wait3A_438 : memref<1024x8xf32, #tpu.memory_space<vmem>>)
      %add3A_441 = arith.constant 1 : i32
      %add3A_442 = arith.addi %scan3A_420, %add3A_441 : i32
      %lt3A = arith.constant 128 : i32
      %lt3A_443 = arith.cmpi slt, %add3A_442, %lt3A : i32
      %convert_element_type3A = arith.extui %lt3A_443 : i1 to i32
      %cond3A = arith.constant 0 : i32
      %cond3A_444 = arith.cmpi ne, %convert_element_type3A, %cond3A : i32
      scf.if %cond3A_444 {
        %add3A_467 = arith.constant 1 : i32
        %add3A_468 = arith.addi %scan3A_420, %add3A_467 : i32
        %add3A_469 = arith.constant 1 : i32
        %add3A_470 = arith.addi %scan3A_420, %add3A_469 : i32
        %and3A_471 = arith.constant 1 : i32
        %and3A_472 = arith.andi %add3A_470, %and3A_471 : i32
        %mul3A_473 = arith.constant 1024 : i32
        %mul3A_474 = arith.muli %add3A_468, %mul3A_473 : i32
        %add3A_475 = arith.addi %mul3A_2, %mul3A_474 : i32
        %dma_start3A_476 = arith.constant 0 : i32
        %dma_start3A_477 = arith.constant 0 : i32
        %dma_start3A_478 = tpu.memref_slice %arg14[%and3A_472, %dma_start3A_476, %dma_start3A_477] : memref<2x1024x8xf32, #tpu.memory_space<vmem>> -> memref<1x1024x8xf32, #tpu.memory_space<vmem>>
        %dma_start3A_479 = tpu.memref_squeeze %dma_start3A_478 : memref<1x1024x8xf32, #tpu.memory_space<vmem>> -> memref<1024x8xf32, #tpu.memory_space<vmem>>
        %dma_start3A_480 = arith.constant 0 : i32
        %dma_start3A_481 = tpu.memref_slice %arg5[%add3A_475, %dma_start3A_480] : memref<4194304x8xf32, #tpu.memory_space<hbm>> -> memref<1024x8xf32, #tpu.memory_space<hbm>>
        %dma_start3A_482 = arith.constant 0 : i32
        %dma_start3A_483 = arith.constant 0 : i32
        %dma_start3A_484 = tpu.memref_slice %arg14[%and3A_472, %dma_start3A_482, %dma_start3A_483] : memref<2x1024x8xf32, #tpu.memory_space<vmem>> -> memref<1x1024x8xf32, #tpu.memory_space<vmem>>
        %dma_start3A_485 = tpu.memref_squeeze %dma_start3A_484 : memref<1x1024x8xf32, #tpu.memory_space<vmem>> -> memref<1024x8xf32, #tpu.memory_space<vmem>>
        %dma_start3A_486 = arith.constant 0 : i32
        %dma_start3A_487 = tpu.memref_slice %arg5[%add3A_475, %dma_start3A_486] : memref<4194304x8xf32, #tpu.memory_space<hbm>> -> memref<1024x8xf32, #tpu.memory_space<hbm>>
        tpu.enqueue_dma source(%dma_start3A_487 : memref<1024x8xf32, #tpu.memory_space<hbm>>) target(%dma_start3A_485 : memref<1024x8xf32, #tpu.memory_space<vmem>>) target_semaphore(%arg20 : memref<!tpu.dma_semaphore, #tpu.memory_space<semaphore_mem>>)
      } else {
      }
      %ge3A = arith.constant 2 : i32
      %ge3A_445 = arith.cmpi sge, %scan3A_420, %ge3A : i32
      %convert_element_type3A_446 = arith.extui %ge3A_445 : i1 to i32
      %cond3A_447 = arith.constant 0 : i32
      %cond3A_448 = arith.cmpi ne, %convert_element_type3A_446, %cond3A_447 : i32
      scf.if %cond3A_448 {
        %sub3A_467 = arith.constant 2 : i32
        %sub3A_468 = arith.subi %scan3A_420, %sub3A_467 : i32
        %and3A_469 = arith.constant 1 : i32
        %and3A_470 = arith.andi %scan3A_420, %and3A_469 : i32
        %mul3A_471 = arith.constant 64 : i32
        %mul3A_472 = arith.muli %sub3A_468, %mul3A_471 : i32
        %add3A_473 = arith.addi %select_n3A, %mul3A_472 : i32
        %dma_wait3A_474 = arith.constant 0 : i32
        %dma_wait3A_475 = arith.constant 0 : i32
        %dma_wait3A_476 = tpu.memref_slice %arg15[%and3A_470, %dma_wait3A_474, %dma_wait3A_475] : memref<2x64x128xf32, #tpu.memory_space<vmem>> -> memref<1x64x128xf32, #tpu.memory_space<vmem>>
        %dma_wait3A_477 = tpu.memref_squeeze %dma_wait3A_476 : memref<1x64x128xf32, #tpu.memory_space<vmem>> -> memref<64x128xf32, #tpu.memory_space<vmem>>
        %dma_wait3A_478 = arith.constant 0 : i32
        %dma_wait3A_479 = tpu.memref_slice %arg6[%add3A_473, %dma_wait3A_478] : memref<262144x128xf32, #tpu.memory_space<hbm>> -> memref<64x128xf32, #tpu.memory_space<hbm>>
        %dma_wait3A_480 = arith.constant 0 : i32
        %dma_wait3A_481 = tpu.memref_slice %arg6[%add3A_473, %dma_wait3A_480] : memref<262144x128xf32, #tpu.memory_space<hbm>> -> memref<64x128xf32, #tpu.memory_space<hbm>>
        %dma_wait3A_482 = arith.constant 0 : i32
        %dma_wait3A_483 = arith.constant 0 : i32
        %dma_wait3A_484 = tpu.memref_slice %arg15[%and3A_470, %dma_wait3A_482, %dma_wait3A_483] : memref<2x64x128xf32, #tpu.memory_space<vmem>> -> memref<1x64x128xf32, #tpu.memory_space<vmem>>
        %dma_wait3A_485 = tpu.memref_squeeze %dma_wait3A_484 : memref<1x64x128xf32, #tpu.memory_space<vmem>> -> memref<64x128xf32, #tpu.memory_space<vmem>>
        tpu.wait_dma2 semaphore(%arg21 : memref<!tpu.dma_semaphore, #tpu.memory_space<semaphore_mem>>) src(%dma_wait3A_485 : memref<64x128xf32, #tpu.memory_space<vmem>>) dst(%dma_wait3A_481 : memref<64x128xf32, #tpu.memory_space<hbm>>)
      } else {
      }
      %parallel_loop3A = arith.constant 0 : i32
      %parallel_loop3A_449 = arith.constant 512 : i32
      %parallel_loop3A_450 = arith.constant 1 : i32
      scf.for %parallel_loop3A_467 = %parallel_loop3A to %parallel_loop3A_449 step %parallel_loop3A_450  : i32 {
        %parallel_loop3A_468 = arith.constant 2 : i32
        %parallel_loop3A_469 = arith.muli %parallel_loop3A_467, %parallel_loop3A_468 : i32
        %parallel_loop3A_470 = vector.broadcast %parallel_loop3A_469 : i32 to vector<16xi32>
        %parallel_loop3A_471 = arith.addi %parallel_loop3A_470, %shift_right_arithmetic3A_361 : vector<16xi32>
        %parallel_loop3A_472 = arith.constant 0 : i32
        %parallel_loop3A_473 = arith.constant 0 : i32
        %parallel_loop3A_474 = tpu.memref_slice %arg14[%and3A_423, %parallel_loop3A_472, %parallel_loop3A_473] : memref<2x1024x8xf32, #tpu.memory_space<vmem>> -> memref<1x1024x8xf32, #tpu.memory_space<vmem>>
        %parallel_loop3A_475 = tpu.memref_squeeze %parallel_loop3A_474 : memref<1x1024x8xf32, #tpu.memory_space<vmem>> -> memref<1024x8xf32, #tpu.memory_space<vmem>>
        %parallel_loop3A_476 = tpu.vector_load_idx %parallel_loop3A_475[%parallel_loop3A_471, %and3A_364] : memref<1024x8xf32, #tpu.memory_space<vmem>>[vector<16xi32>, vector<16xi32>], vector<16xf32>,
        %parallel_loop3A_477 = arith.constant 6 : i32
        %parallel_loop3A_478 = arith.shrsi %parallel_loop3A_467, %parallel_loop3A_477 : i32
        %parallel_loop3A_479 = arith.constant 1024 : i32
        %parallel_loop3A_480 = arith.muli %parallel_loop3A_478, %parallel_loop3A_479 : i32
        %parallel_loop3A_481 = arith.constant 63 : i32
        %parallel_loop3A_482 = arith.andi %parallel_loop3A_467, %parallel_loop3A_481 : i32
        %parallel_loop3A_483 = arith.constant 2 : i32
        %parallel_loop3A_484 = arith.muli %parallel_loop3A_482, %parallel_loop3A_483 : i32
        %parallel_loop3A_485 = arith.addi %parallel_loop3A_480, %parallel_loop3A_484 : i32
        %parallel_loop3A_486 = vector.broadcast %parallel_loop3A_485 : i32 to vector<16xi32>
        %parallel_loop3A_487 = arith.addi %add3A_358, %parallel_loop3A_486 : vector<16xi32>
        %parallel_loop3A_488 = arith.shrsi %parallel_loop3A_487, %broadcast_in_dim3A_366 : vector<16xi32>
        %parallel_loop3A_489 = arith.andi %parallel_loop3A_487, %broadcast_in_dim3A_368 : vector<16xi32>
        %parallel_loop3A_490 = arith.constant 0 : i32
        %parallel_loop3A_491 = arith.constant 0 : i32
        %parallel_loop3A_492 = tpu.memref_slice %arg15[%and3A_425, %parallel_loop3A_490, %parallel_loop3A_491] : memref<2x64x128xf32, #tpu.memory_space<vmem>> -> memref<1x64x128xf32, #tpu.memory_space<vmem>>
        %parallel_loop3A_493 = tpu.memref_squeeze %parallel_loop3A_492 : memref<1x64x128xf32, #tpu.memory_space<vmem>> -> memref<64x128xf32, #tpu.memory_space<vmem>>
        tpu.vector_store_idx %parallel_loop3A_493[%parallel_loop3A_488, %parallel_loop3A_489], %parallel_loop3A_476 : memref<64x128xf32, #tpu.memory_space<vmem>>[vector<16xi32>, vector<16xi32>], vector<16xf32>,
      } {sc.loop_unroll_factor = 8 : i64, sc.parallel_access}
      %mul3A_451 = arith.constant 64 : i32
      %mul3A_452 = arith.muli %scan3A_420, %mul3A_451 : i32
      %add3A_453 = arith.addi %select_n3A, %mul3A_452 : i32
      %dma_start3A_454 = arith.constant 0 : i32
      %dma_start3A_455 = arith.constant 0 : i32
      %dma_start3A_456 = tpu.memref_slice %arg15[%and3A_425, %dma_start3A_454, %dma_start3A_455] : memref<2x64x128xf32, #tpu.memory_space<vmem>> -> memref<1x64x128xf32, #tpu.memory_space<vmem>>
      %dma_start3A_457 = tpu.memref_squeeze %dma_start3A_456 : memref<1x64x128xf32, #tpu.memory_space<vmem>> -> memref<64x128xf32, #tpu.memory_space<vmem>>
      %dma_start3A_458 = arith.constant 0 : i32
      %dma_start3A_459 = tpu.memref_slice %arg6[%add3A_453, %dma_start3A_458] : memref<262144x128xf32, #tpu.memory_space<hbm>> -> memref<64x128xf32, #tpu.memory_space<hbm>>
      %dma_start3A_460 = arith.constant 0 : i32
      %dma_start3A_461 = tpu.memref_slice %arg6[%add3A_453, %dma_start3A_460] : memref<262144x128xf32, #tpu.memory_space<hbm>> -> memref<64x128xf32, #tpu.memory_space<hbm>>
      %dma_start3A_462 = arith.constant 0 : i32
      %dma_start3A_463 = arith.constant 0 : i32
      %dma_start3A_464 = tpu.memref_slice %arg15[%and3A_425, %dma_start3A_462, %dma_start3A_463] : memref<2x64x128xf32, #tpu.memory_space<vmem>> -> memref<1x64x128xf32, #tpu.memory_space<vmem>>
      %dma_start3A_465 = tpu.memref_squeeze %dma_start3A_464 : memref<1x64x128xf32, #tpu.memory_space<vmem>> -> memref<64x128xf32, #tpu.memory_space<vmem>>
      tpu.enqueue_dma source(%dma_start3A_465 : memref<64x128xf32, #tpu.memory_space<vmem>>) target(%dma_start3A_461 : memref<64x128xf32, #tpu.memory_space<hbm>>) target_semaphore(%arg21 : memref<!tpu.dma_semaphore, #tpu.memory_space<semaphore_mem>>)
      %scan3A_466 = arith.constant 0 : i32
      scf.yield %scan3A_466 : i32
    }
    %scan3A_390 = arith.constant 128 : i32
    %add3A_391 = arith.constant 8064 : i32
    %add3A_392 = arith.addi %select_n3A, %add3A_391 : i32
    %dma_wait3A = arith.constant 0 : i32
    %dma_wait3A_393 = arith.constant 0 : i32
    %dma_wait3A_394 = arith.constant 0 : i32
    %dma_wait3A_395 = tpu.memref_slice %arg15[%dma_wait3A, %dma_wait3A_393, %dma_wait3A_394] : memref<2x64x128xf32, #tpu.memory_space<vmem>> -> memref<1x64x128xf32, #tpu.memory_space<vmem>>
    %dma_wait3A_396 = tpu.memref_squeeze %dma_wait3A_395 : memref<1x64x128xf32, #tpu.memory_space<vmem>> -> memref<64x128xf32, #tpu.memory_space<vmem>>
    %dma_wait3A_397 = arith.constant 0 : i32
    %dma_wait3A_398 = tpu.memref_slice %arg6[%add3A_392, %dma_wait3A_397] : memref<262144x128xf32, #tpu.memory_space<hbm>> -> memref<64x128xf32, #tpu.memory_space<hbm>>
    %dma_wait3A_399 = arith.constant 0 : i32
    %dma_wait3A_400 = tpu.memref_slice %arg6[%add3A_392, %dma_wait3A_399] : memref<262144x128xf32, #tpu.memory_space<hbm>> -> memref<64x128xf32, #tpu.memory_space<hbm>>
    %dma_wait3A_401 = arith.constant 0 : i32
    %dma_wait3A_402 = arith.constant 0 : i32
    %dma_wait3A_403 = tpu.memref_slice %arg15[%dma_wait3A, %dma_wait3A_401, %dma_wait3A_402] : memref<2x64x128xf32, #tpu.memory_space<vmem>> -> memref<1x64x128xf32, #tpu.memory_space<vmem>>
    %dma_wait3A_404 = tpu.memref_squeeze %dma_wait3A_403 : memref<1x64x128xf32, #tpu.memory_space<vmem>> -> memref<64x128xf32, #tpu.memory_space<vmem>>
    tpu.wait_dma2 semaphore(%arg21 : memref<!tpu.dma_semaphore, #tpu.memory_space<semaphore_mem>>) src(%dma_wait3A_404 : memref<64x128xf32, #tpu.memory_space<vmem>>) dst(%dma_wait3A_400 : memref<64x128xf32, #tpu.memory_space<hbm>>)
    %add3A_405 = arith.constant 8128 : i32
    %add3A_406 = arith.addi %select_n3A, %add3A_405 : i32
    %dma_wait3A_407 = arith.constant 1 : i32
    %dma_wait3A_408 = arith.constant 0 : i32
    %dma_wait3A_409 = arith.constant 0 : i32
    %dma_wait3A_410 = tpu.memref_slice %arg15[%dma_wait3A_407, %dma_wait3A_408, %dma_wait3A_409] : memref<2x64x128xf32, #tpu.memory_space<vmem>> -> memref<1x64x128xf32, #tpu.memory_space<vmem>>
    %dma_wait3A_411 = tpu.memref_squeeze %dma_wait3A_410 : memref<1x64x128xf32, #tpu.memory_space<vmem>> -> memref<64x128xf32, #tpu.memory_space<vmem>>
    %dma_wait3A_412 = arith.constant 0 : i32
    %dma_wait3A_413 = tpu.memref_slice %arg6[%add3A_406, %dma_wait3A_412] : memref<262144x128xf32, #tpu.memory_space<hbm>> -> memref<64x128xf32, #tpu.memory_space<hbm>>
    %dma_wait3A_414 = arith.constant 0 : i32
    %dma_wait3A_415 = tpu.memref_slice %arg6[%add3A_406, %dma_wait3A_414] : memref<262144x128xf32, #tpu.memory_space<hbm>> -> memref<64x128xf32, #tpu.memory_space<hbm>>
    %dma_wait3A_416 = arith.constant 0 : i32
    %dma_wait3A_417 = arith.constant 0 : i32
    %dma_wait3A_418 = tpu.memref_slice %arg15[%dma_wait3A_407, %dma_wait3A_416, %dma_wait3A_417] : memref<2x64x128xf32, #tpu.memory_space<vmem>> -> memref<1x64x128xf32, #tpu.memory_space<vmem>>
    %dma_wait3A_419 = tpu.memref_squeeze %dma_wait3A_418 : memref<1x64x128xf32, #tpu.memory_space<vmem>> -> memref<64x128xf32, #tpu.memory_space<vmem>>
    tpu.wait_dma2 semaphore(%arg21 : memref<!tpu.dma_semaphore, #tpu.memory_space<semaphore_mem>>) src(%dma_wait3A_419 : memref<64x128xf32, #tpu.memory_space<vmem>>) dst(%dma_wait3A_415 : memref<64x128xf32, #tpu.memory_space<hbm>>)
    return
  }
}

module attributes {stable_mosaic.version = 14 : i64} {
  func.func @_mlp_body(%arg0: i32, %arg1: memref<2x8192xi32, #tpu.memory_space<vmem>>, %arg2: memref<8192x16xf32, #tpu.memory_space<vmem>>, %arg3: memref<16x16xf32, #tpu.memory_space<vmem>>, %arg4: memref<1x16xf32, #tpu.memory_space<vmem>>, %arg5: memref<16x8xf32, #tpu.memory_space<vmem>>, %arg6: memref<1x8xf32, #tpu.memory_space<vmem>>, %arg7: memref<8192x8xf32, #tpu.memory_space<vmem>>, %arg8: memref<64x128xi32, #tpu.memory_space<vmem>>) attributes {dimension_semantics = [#tpu.dimension_semantics<arbitrary>], iteration_bounds = array<i64: 8>, scalar_prefetch = 0 : i64, scratch_operands = 0 : i64, tpu.core_type = #tpu.core_type<tc>, window_params = [{transform_indices = @transform_0, window_bounds = array<i64: 2, 8192>}, {transform_indices = @transform_1, window_bounds = array<i64: 8192, 16>}, {pipeline_mode = #tpu.pipeline_mode<synchronous>, transform_indices = @transform_2, window_bounds = array<i64: 16, 16>}, {pipeline_mode = #tpu.pipeline_mode<synchronous>, transform_indices = @transform_3, window_bounds = array<i64: 1, 16>}, {pipeline_mode = #tpu.pipeline_mode<synchronous>, transform_indices = @transform_4, window_bounds = array<i64: 16, 8>}, {pipeline_mode = #tpu.pipeline_mode<synchronous>, transform_indices = @transform_5, window_bounds = array<i64: 1, 8>}, {transform_indices = @transform_6, window_bounds = array<i64: 8192, 8>}, {transform_indices = @transform_7, window_bounds = array<i64: 64, 128>}]} {
    %get3A = arith.constant 0 : index
    %get3A_0 = arith.constant 0 : index
    %get3A_1 = vector.load %arg2[%get3A, %get3A_0] : memref<8192x16xf32, #tpu.memory_space<vmem>>, vector<8192x16xf32>
    %get3A_2 = arith.constant 0 : index
    %get3A_3 = arith.constant 0 : index
    %get3A_4 = vector.load %arg3[%get3A_2, %get3A_3] : memref<16x16xf32, #tpu.memory_space<vmem>>, vector<16x16xf32>
    %dot_general3A = arith.constant dense<0.000000e+00> : vector<8192x16xf32>
    %dot_general3A_5 = tpu.matmul %get3A_1, %get3A_4, %dot_general3A {dimension_numbers = #tpu.dot_dimension_numbers<[1], [0], [0], [1], [0, 0, 1, 1], [], []>, transpose_lhs_hint = false} : vector<8192x16xf32>, vector<16x16xf32>, vector<8192x16xf32> -> vector<8192x16xf32>
    %get3A_6 = arith.constant 0 : index
    %get3A_7 = arith.constant 0 : index
    %get3A_8 = vector.load %arg4[%get3A_6, %get3A_7] : memref<1x16xf32, #tpu.memory_space<vmem>>, vector<1x16xf32>
    %add3A = vector.broadcast %get3A_8 : vector<1x16xf32> to vector<8192x16xf32>
    %add3A_9 = arith.addf %dot_general3A_5, %add3A : vector<8192x16xf32>
    %max3A = arith.constant 0.000000e+00 : f32
    %max3A_10 = vector.broadcast %max3A : f32 to vector<8192x16xf32>
    %max3A_11 = arith.maximumf %add3A_9, %max3A_10 : vector<8192x16xf32>
    %get3A_12 = arith.constant 0 : index
    %get3A_13 = arith.constant 0 : index
    %get3A_14 = vector.load %arg5[%get3A_12, %get3A_13] : memref<16x8xf32, #tpu.memory_space<vmem>>, vector<16x8xf32>
    %dot_general3A_15 = arith.constant dense<0.000000e+00> : vector<8192x8xf32>
    %dot_general3A_16 = tpu.matmul %max3A_11, %get3A_14, %dot_general3A_15 {dimension_numbers = #tpu.dot_dimension_numbers<[1], [0], [0], [1], [0, 0, 1, 1], [], []>, transpose_lhs_hint = false} : vector<8192x16xf32>, vector<16x8xf32>, vector<8192x8xf32> -> vector<8192x8xf32>
    %get3A_17 = arith.constant 0 : index
    %get3A_18 = arith.constant 0 : index
    %get3A_19 = vector.load %arg6[%get3A_17, %get3A_18] : memref<1x8xf32, #tpu.memory_space<vmem>>, vector<1x8xf32>
    %add3A_20 = vector.broadcast %get3A_19 : vector<1x8xf32> to vector<8192x8xf32>
    %add3A_21 = arith.addf %dot_general3A_16, %add3A_20 : vector<8192x8xf32>
    %swap3A = arith.constant 0 : index
    %swap3A_22 = arith.constant 0 : index
    %swap3A_23 = vector.load %arg7[%swap3A, %swap3A_22] : memref<8192x8xf32, #tpu.memory_space<vmem>>, vector<8192x8xf32>
    tpu.vector_store %arg7[%swap3A, %swap3A_22], %add3A_21 {strides = array<i32>} : memref<8192x8xf32, #tpu.memory_space<vmem>>, vector<8192x8xf32>,
    %get3A_24 = arith.constant 0 : index
    %get3A_25 = arith.constant 0 : index
    %get3A_26 = vector.load %arg1[%get3A_24, %get3A_25] : memref<2x8192xi32, #tpu.memory_space<vmem>>, vector<1x8192xi32>
    %get3A_27 = vector.shape_cast %get3A_26 : vector<1x8192xi32> to vector<8192xi32>
    %mul3A = arith.constant 2048 : i32
    %mul3A_28 = vector.broadcast %mul3A : i32 to vector<8192xi32>
    %mul3A_29 = arith.muli %get3A_27, %mul3A_28 : vector<8192xi32>
    %get3A_30 = arith.constant 1 : index
    %get3A_31 = arith.constant 0 : index
    %get3A_32 = vector.load %arg1[%get3A_30, %get3A_31] : memref<2x8192xi32, #tpu.memory_space<vmem>>, vector<1x8192xi32>
    %get3A_33 = vector.shape_cast %get3A_32 : vector<1x8192xi32> to vector<8192xi32>
    %add3A_34 = arith.addi %mul3A_29, %get3A_33 : vector<8192xi32>
    %reshape3A = vector.shape_cast %add3A_34 : vector<8192xi32> to vector<64x128xi32>
    %swap3A_35 = arith.constant 0 : index
    %swap3A_36 = arith.constant 0 : index
    %swap3A_37 = vector.load %arg8[%swap3A_35, %swap3A_36] : memref<64x128xi32, #tpu.memory_space<vmem>>, vector<64x128xi32>
    tpu.vector_store %arg8[%swap3A_35, %swap3A_36], %reshape3A {strides = array<i32>} : memref<64x128xi32, #tpu.memory_space<vmem>>, vector<64x128xi32>,
    return
  }
  func.func @transform_0(%arg0: i32) -> (i32, i32) {
    %c0_i32 = arith.constant 0 : i32
    %c0_i32_0 = arith.constant 0 : i32
    return %c0_i32, %arg0 : i32, i32
  }
  func.func @transform_1(%arg0: i32) -> (i32, i32) {
    %c0_i32 = arith.constant 0 : i32
    %c0_i32_0 = arith.constant 0 : i32
    return %arg0, %c0_i32 : i32, i32
  }
  func.func @transform_2(%arg0: i32) -> (i32, i32) {
    %c0_i32 = arith.constant 0 : i32
    %c0_i32_0 = arith.constant 0 : i32
    %c0_i32_1 = arith.constant 0 : i32
    return %c0_i32, %c0_i32_0 : i32, i32
  }
  func.func @transform_3(%arg0: i32) -> (i32, i32) {
    %c0_i32 = arith.constant 0 : i32
    %c0_i32_0 = arith.constant 0 : i32
    %c0_i32_1 = arith.constant 0 : i32
    return %c0_i32, %c0_i32_0 : i32, i32
  }
  func.func @transform_4(%arg0: i32) -> (i32, i32) {
    %c0_i32 = arith.constant 0 : i32
    %c0_i32_0 = arith.constant 0 : i32
    %c0_i32_1 = arith.constant 0 : i32
    return %c0_i32, %c0_i32_0 : i32, i32
  }
  func.func @transform_5(%arg0: i32) -> (i32, i32) {
    %c0_i32 = arith.constant 0 : i32
    %c0_i32_0 = arith.constant 0 : i32
    %c0_i32_1 = arith.constant 0 : i32
    return %c0_i32, %c0_i32_0 : i32, i32
  }
  func.func @transform_6(%arg0: i32) -> (i32, i32) {
    %c0_i32 = arith.constant 0 : i32
    %c0_i32_0 = arith.constant 0 : i32
    return %arg0, %c0_i32 : i32, i32
  }
  func.func @transform_7(%arg0: i32) -> (i32, i32) {
    %c0_i32 = arith.constant 0 : i32
    %c0_i32_0 = arith.constant 0 : i32
    return %arg0, %c0_i32 : i32, i32
  }
}

</mosaic_0001>

<sc_bundles>
// kernel: kernel.4.cloned.1.call-start
scs
__scs_entry_jumppad:
0x0: {  	(pc) =	sbr.rel $0x88, $3  }
0x1: {  	(tag) =	ssettag $0x0;
	lr =	simm.s32 $0x1  }
0x2: {  	[smem:$0x3F9B] =	sst lr;
	_ =	strace $0xD0000000  }
0x3: {  	_ = 	snop  }
0x4: {  	_ = 	snop  }
0x5: {  	_ = 	snop  }
0x6: {  	_ = 	snop  }
0x7: {  	_ = 	snop  }
__scs_overlays_trampoline_lowered:
0x8: {  	[smem:$0x3FAA] =	sst s0  }
0x9: {  	[smem:$0x3FAB] =	sst s1  }
0xa: {  	[smem:$0x3FAC] =	sst s2  }
0xb: {  	[smem:$0x3FAD] =	sst s3  }
0xc: {  	[smem:$0x3FAE] =	sst s4  }
0xd: {  	[smem:$0x3FAF] =	sst s5  }
0xe: {  	[smem:$0x3FB0] =	sst s6  }
0xf: {  	[smem:$0x3FB1] =	sst s7  }
0x10: {  	[smem:$0x3FB2] =	sst s8  }
0x11: {  	[smem:$0x3FB3] =	sst s9;
	s0 =	simm.s32 @!p0 $0x0  }
0x12: {  	s1 =	sld [smem:$0x3F99];
	s0 =	simm.s32 @p0 $0x1  }
0x13: {  	[smem:$0x3FB4] =	sst s0;
	s0 =	simm.s32 @!p1 $0x0  }
0x14: {  	s2 =	sld [smem:$0x3F98];
	s0 =	simm.s32 @p1 $0x1  }
0x15: {  	[smem:$0x3FB5] =	sst s0;
	s0 =	simm.s32 @!p2 $0x0  }
0x16: {  	s3 =	sld [smem:$0x3FDB];
	s0 =	simm.s32 @p2 $0x1  }
0x17: {  	s4 =	simm.s32 $0x1BF5;
	[smem:$0x3FB7] =	sst s0  }
0x18: {  	s0 =	sld [smem:$0x3F9A];
	_ =	swait.ge [sflag:s4], $0x0  }
0x19: {  	s7 =	sld [smem:$0x3F9B]  }
0x1a: {  	s8 =	sadd.s32 $0xFFFFE003, lr  }
0x1b: {  	s9 =	sadd.s32 $0xFFFFFEF7, lr;
	s5 =	simm.s32 $0xFFFFFFFF;
	p2 =	slt.u32 s8, $0xFFFFF086  }
0x1c: {  	p1 =	slt.u32 s9, $0xF7A;
	s5 =	simm.s32 @!p2 $0x0  }
0x1d: {  	s5 =	simm.s32 @p1 $0x1;
	p0 =	seq.s32 s7, s2  }
0x1e: {  	s7 =	smul.u32 @!p0 $0xF7A, s2;
	p2 =	seq.s32 @!p0 s5, $0x0  }
0x1f: {  	s9 =	smul.u32 $0xF7A, s1;
	s8 =	simm.s32 @!p0 $0x1BF5;
	p2 =	por !p2, p0  }
0x20: {  	[sflag:s8] =	ssyncset.s32 @!p0 $0xFFFFF086;
	s6 =	sadd.s32 @!p0 s3, s7;
	s7 =	simm.s32 @!p0 $0x108  }
0x21: {  	s3 =	sadd.s32 s3, s9;
	s6 =	sadd.s32 @!p0 $0x88, s6;
	s7 =	simm.s32 @p2 $0x1082  }
0x22: {  	[simem:s7], [sflag:s8] =	dma.local @!p0 [hbm:s6], $0xF7A  }
0x23: {  	s9 =	sor.u32 $0xD0000000, s2;
	s6 =	simm.s32 $0x108;
	_ =	swait.ge @!p0 [sflag:s8], $0x0  }
0x24: {  	s3 =	sadd.s32 $0x88, s3;
	s6 =	simm.s32 @!p1 $0x1082;
	[sflag:s4] =	ssyncset.s32 $0xFFFFF086  }
0x25: {  	[simem:s6], [sflag:s4] =	dma.local [hbm:s3], $0xF7A  }
0x26: {  	[smem:$0x3F9B] =	sst s1;
	(tag) =	ssettag s2;
	_ =	strace s9  }
0x27: {  	s1 =	sld [smem:$0x3FAB]  }
0x28: {  	s2 =	sld [smem:$0x3FAC]  }
0x29: {  	s4 =	sld [smem:$0x3FAE]  }
0x2a: {  	p0 =	seq.s32 s5, $0x0;
	s5 =	sld [smem:$0x3FAF]  }
0x2b: {  	s6 =	sld [smem:$0x3FB0]  }
0x2c: {  	s7 =	sld [smem:$0x3FB1]  }
0x2d: {  	s3 =	simm.s32 $0x108;
	s8 =	sld [smem:$0x3FB2]  }
0x2e: {  	s3 =	simm.s32 @!p0 $0x1082;
	s9 =	sld [smem:$0x3FB3]  }
0x2f: {  	lr =	sadd.s32 s0, s3;
	s0 =	sld [smem:$0x3FAA]  }
0x30: {  	s3 =	sld [smem:$0x3FAD]  }
0x31: {  	[smem:$0x3FB6] =	sst s10  }
0x32: {  	s10 =	sld [smem:$0x3FB4];
	_ =	sdelay $0x3  }
0x33: {  	p0 =	seq.s32 s10, $0x1;
	s10 =	sld [smem:$0x3FB6];
	_ =	sdelay $0x3  }
0x34: {  	[smem:$0x3FB6] =	sst s10  }
0x35: {  	s10 =	sld [smem:$0x3FB5];
	_ =	sdelay $0x3  }
0x36: {  	p1 =	seq.s32 s10, $0x1;
	s10 =	sld [smem:$0x3FB6];
	_ =	sdelay $0x3  }
0x37: {  	[smem:$0x3FB6] =	sst s10  }
0x38: {  	s10 =	sld [smem:$0x3FB7]  }
0x39: {  	_ = 	snop;
	(pc) =	sbr.ind lr, $3  }
0x3a: {  	_ = 	snop  }
0x3b: {  	_ = 	snop  }
0x3c: {  	p2 =	seq.s32 s10, $0x1;
	s10 =	sld [smem:$0x3FB6]  }
0x3d: {  	_ =	shalt  }
0x3e: {  	_ =	shalt  }
0x3f: {  	_ =	shalt  }
0x40: {  	_ =	shalt  }
0x41: {  	_ =	shalt  }
0x42: {  	_ =	shalt  }
0x43: {  	_ =	shalt  }
0x44: {  	_ =	shalt  }
0x45: {  	_ =	shalt  }
0x46: {  	_ =	shalt  }
0x47: {  	_ =	shalt  }
0x48: {  	_ =	shalt  }
0x49: {  	_ =	shalt  }
0x4a: {  	_ =	shalt  }
0x4b: {  	_ =	shalt  }
0x4c: {  	_ =	shalt  }
0x4d: {  	_ =	shalt  }
0x4e: {  	_ =	shalt  }
0x4f: {  	_ =	shalt  }
0x50: {  	_ =	shalt  }
0x51: {  	_ =	shalt  }
0x52: {  	_ =	shalt  }
0x53: {  	_ =	shalt  }
0x54: {  	_ =	shalt  }
0x55: {  	_ =	shalt  }
0x56: {  	_ =	shalt  }
0x57: {  	_ =	shalt  }
0x58: {  	_ =	shalt  }
0x59: {  	_ =	shalt  }
0x5a: {  	_ =	shalt  }
0x5b: {  	_ =	shalt  }
0x5c: {  	_ =	shalt  }
0x5d: {  	_ =	shalt  }
0x5e: {  	_ =	shalt  }
0x5f: {  	_ =	shalt  }
0x60: {  	_ =	shalt  }
0x61: {  	_ =	shalt  }
0x62: {  	_ =	shalt  }
0x63: {  	_ =	shalt  }
0x64: {  	_ =	shalt  }
0x65: {  	_ =	shalt  }
0x66: {  	_ =	shalt  }
0x67: {  	_ =	shalt  }
0x68: {  	_ =	shalt  }
0x69: {  	_ =	shalt  }
0x6a: {  	_ =	shalt  }
0x6b: {  	_ =	shalt  }
0x6c: {  	_ =	shalt  }
0x6d: {  	_ =	shalt  }
0x6e: {  	_ =	shalt  }
0x6f: {  	_ =	shalt  }
0x70: {  	_ =	shalt  }
0x71: {  	_ =	shalt  }
0x72: {  	_ =	shalt  }
0x73: {  	_ =	shalt  }
0x74: {  	_ =	shalt  }
0x75: {  	_ =	shalt  }
0x76: {  	_ =	shalt  }
0x77: {  	_ =	shalt  }
0x78: {  	_ =	shalt  }
0x79: {  	_ =	shalt  }
0x7a: {  	_ =	shalt  }
0x7b: {  	_ =	shalt  }
0x7c: {  	_ =	shalt  }
0x7d: {  	_ =	shalt  }
0x7e: {  	_ =	shalt  }
0x7f: {  	_ =	shalt  }
0x80: {  	_ =	shalt  }
0x81: {  	_ =	shalt  }
0x82: {  	_ =	shalt  }
0x83: {  	_ =	shalt  }
0x84: {  	_ =	shalt  }
0x85: {  	_ =	shalt  }
0x86: {  	_ =	shalt  }
0x87: {  	_ =	shalt  }
.Lfunc_end0:
.L_simem_size_0:
called_computation_lowered:
.L_overlay_start_0:
0x88: {  	s2 =	sld [smem:$0x3FD9]  }
0x89: {  	s3 =	sld [smem:$0x3FFE];
	_ =	sdelay $0x1  }
0x8a: {  	s1 =	srdreg.scid  }
0x8b: {  	s0 =	sand.u32 $0x1, s1  }
0x8c: {  	s17 =	sshll.u32 s0, $0xA;
	s2 =	sadd.s32 s3, s2  }
0x8d: {  	s2 =	sadd.s32 s2, s17  }
0x8e: {  	[smem:$0x3FC2] =	sst s2  }
0x8f: {  	_ = 	snop  }
0x90: {  	s2 =	sld [smem:$0x3FD0];
	(tm) =	ssettm $0x1  }
0x91: {  	s18 =	sld [smem:$0x3FFB];
	_ =	sdelay $0x3  }
0x92: {  	_ =	strace s18  }
0x93: {  	s3 =	sld [smem:$0x3FFC];
	_ =	sdelay $0x3  }
0x94: {  	_ =	strace s3  }
0x95: {  	s3 =	sld [smem:$0x3FFD];
	_ =	sdelay $0x3  }
0x96: {  	_ =	strace s3  }
0x97: {  	_ =	strace $0x8FFFFFFF  }
0x98: {  	s19 =	sld [smem:$0x3FDB];
	_ =	sdelay $0x1  }
0x99: {  	s4 =	simm.s32 $_scs_section_size  }
0x9a: {  	s5 =	simm.s32 $_size__tile_overlayer_lowered;
	s6 =	simm.s32 $_tile_overlayer_lowered  }
0x9b: {  	s22 =	simm.s32 $0x1BFF;
	s21 =	sshll.u32 s6, $0x1;
	s3 =	sadd.s32 s4, s19  }
0x9c: {  	s7 =	simm.s32 $0x0;
	s20 =	sshll.u32 s5, $0x1;
	s5 =	sadd.s32 s21, s3  }
0x9d: {  	[timem:s7], [sflag:s22] =	dma.local [hbm:s5], s20  }
0x9e: {  	_ =	swait.ge [sflag:s22], s20  }
0x9f: {  	s4 =	ssub.s32 $0x0, s20;
	[sflag:s22] =	ssyncset.done $0x0  }
0xa0: {  	[sflag:s22] =	ssyncadd.s32 s4;
	_ =	sdelay $0x1  }
0xa1: {  	s23 =	simm.s32 $0x1B8B  }
0xa2: {  	_ =	swait.ge [sflag:s23], $0x1  }
0xa3: {  	[sflag:s23] =	ssyncset.done $0x0  }
0xa4: {  	s25 =	simm.s32 $0x1B8E;
	s24 =	sld [smem:$0x3FFE];
	[sflag:s23] =	ssyncadd.s32 $0xFFFFFFFF  }
0xa5: {  	s26 =	simm.s32 $execute0_lowered;
	[smem:$0x3FD2] =	sst s25  }
0xa6: {  	s5 =	sshll.u32 s26, $0x1;
	_ =	strace $0x80000046;
	[dreg:$0x1] =	wrdreg $0xFFFFFFFF  }
0xa7: {  	s28 =	simm.s32 $_size_execute0_lowered;
	s3 =	sadd.s32 s3, s5;
	[dreg:$0x0] =	wrdreg $0x0  }
0xa8: {  	s5 =	sshll.u32 s28, $0x1;
	[dreg:$0x2] =	wrdreg s3  }
0xa9: {  	[dreg:$0x3] =	wrdreg s5  }
0xaa: {  	[dreg:$0x4] =	wrdreg $0xC0  }
0xab: {  	_ =	task [dreg:s7], $0x5FFFF  }
0xac: {  	[dreg:$0x1] =	wrdreg $0xFFFFFFFF  }
0xad: {  	[dreg:$0x0] =	wrdreg $0x60  }
0xae: {  	[dreg:$0x2] =	wrdreg s24  }
0xaf: {  	[dreg:$0x3] =	wrdreg s2  }
0xb0: {  	[dreg:$0x4] =	wrdreg $0x9  }
0xb1: {  	_ =	task.clear_ibuf [dreg:s7], $0x5FFFF;
	_ =	strace $0x90000046  }
0xb2: {  	s29 =	simm.s32 $0x9;
	_ =	strace $0x80000048  }
0xb3: {  	_ =	swait.ge [sflag:s29], $0x1  }
0xb4: {  	[sflag:s29] =	ssyncadd.s32 $0xFFFFFFFF  }
0xb5: {  	_ =	strace $0x90000048  }
0xb6: {  	_ =	sfence  }
0xb7: {  	s30 =	sld [smem:$0x0];
	_ =	sdelay $0x2  }
0xb8: {  	s31 =	sshll.u32 s1, $0xD;
	s1 =	sshrl.u32 s1, $0x2  }
0xb9: {  	s3 =	sand.u32 $0x4000, s31;
	s1 =	sadd.s32 s1, s30  }
0xba: {  	s0 =	sor.u32 s3, s0;
	s1 =	sshll.u32 s1, $0x11  }
0xbb: {  	s0 =	sor.u32 s1, s0  }
0xbc: {  	s0 =	sadd.s32 $0x8F2B, s0  }
0xbd: {  	[sflag:s0] =	ssyncadd.remote.s32 $0x1  }
0xbe: {  	_ =	sfence.sel $0xFFFF  }
0xbf: {  	[dreg:$0x0] =	wrdreg $0xFFFFFFFF;
	(pc) =	sbr.abs _section_cstart, $3  }
0xc0: {  	[dreg:$0x1] =	wrdreg $0xFFFFFFFF  }
0xc1: {  	_ =	task.clear_ibuf [dreg:s7], $0x2FFFF;
	_ =	strace $0x9FFFFFFF  }
0xc2: {  	(tm) =	ssettm $0x7FFFFFFF  }
0xc3: {  	_ =	shalt  }
tec
execute0_lowered:
.L_overlay_start_1:
0x0: {  	(tag) =	ssettag $0x1  }
0x1: {  	v16 =	vlaneseq.u32  }
0x2: {  	v18 =	vimm.s32 $0x0;
	vm13 =	vcmask $0x3F3C;
	v27 =	vimm.s32 $0x381  }
0x3: {  	vm0 =	vcmask $0x300;
	vm6 =	vcmask $0x704;
	vm7 =	vcmask $0xB08  }
0x4: {  	vm8 =	vcmask $0xF0C;
	vm9 =	vcmask $0x1310;
	vm10 =	vcmask $0x1714  }
0x5: {  	vm11 =	vcmask $0x1B18;
	vm4 =	vcmask $0x1F1C;
	vm5 =	vcmask $0x2320  }
0x6: {  	vm12 =	vcmask $0x3F0C;
	v62 =	vadd.s32 $0x1, v16;
	v63 =	vadd.s32 $0x2, v16  }
0x7: {  	s0 =	srdreg.scid;
	v22 =	vadd.s32 $0x3, v16;
	v23 =	vadd.s32 $0x4, v16;
	v61 =	vadd.s32 $0x5, v16  }
0x8: {  	s1 =	stileid.u32;
	s5 =	sand.u32 $0x1, s0;
	v24 =	vadd.s32 $0x6, v16;
	v25 =	vadd.s32 $0x7, v16;
	v27 =	vsel vm0, $0x0, v27  }
0x9: {  	s6 =	rddreg [dreg:$0x0];
	s8 =	sshll.u32 s1, $0x12;
	v26 =	vadd.s32 $0x8, v16;
	s0 =	sshll.u32 s5, $0x11;
	v28 =	vsel vm6, $0x80, v27;
	v27 =	vadd.s32 $0x9, v16  }
0xa: {  	s9 =	rddreg [dreg:$0x1];
	vm6 =	vcmask $0x2724;
	s1 =	sor.u32 s0, s8;
	v28 =	vsel vm7, $0x100, v28;
	vm7 =	vcmask $0x2B28  }
0xb: {  	s13 =	simm.s32 $0x1;
	s14 =	simm.s32 $0x2;
	s2 =	sadd.s32 $0x20000, s1;
	v0 =	vmov s1;
	v29 =	vsel vm8, $0x180, v28;
	v28 =	vadd.s32 $0xA, v16  }
0xc: {  	s22 =	sor.u32 $0x4000, s1;
	s3 =	sor.u32 $0x8000, s1;
	vm8 =	vcmask $0x2F2C;
	v1 =	vmov s2;
	v2 =	vor.u32 $0x4000, v0;
	s2 =	simm.s32 $0x0  }
0xd: {  	s23 =	sor.u32 $0xC000, s1;
	s24 =	sor.u32 $0x10000, s1;
	v3 =	vmov s22;
	v4 =	vmov s3;
	v29 =	vsel vm9, $0x200, v29;
	[smem:$0x7FF] =	sst s2  }
0xe: {  	s25 =	sor.u32 $0x14000, s1;
	s26 =	sor.u32 $0x18000, s1;
	v7 =	vmov s23;
	v9 =	vmov s24;
	v30 =	vsel vm10, $0x280, v29;
	_ =	strace $0x80000047;
	[tilespmem:$0x1FF60] =	vst v24  }
0xf: {  	s15 =	simm.s32 $0x5000;
	s16 =	simm.s32 $0x7000;
	s28 =	sor.u32 $0x1C000, s1;
	v10 =	vmov s25;
	v13 =	vmov s26;
	v30 =	vsel vm11, $0x300, v30;
	[tilespmem:$0x1FF70] =	vst v25  }
0x10: {  	s17 =	simm.s32 $0xD000;
	s18 =	simm.s32 $0x800;
	s19 =	simm.s32 $0x9000;
	v15 =	vmov s28;
	vm9 =	vcmask $0x3330;
	[tilespmem:$0x1FF80] =	vst v26;
	v31 =	vsel vm4, $0x380, v30  }
0x11: {  	s4 =	sadd.s32 $0x103400, s6;
	s29 =	sadd.s32 $0x1400, s6;
	s3 =	sadd.s32 $0x101400, s6;
	v5 =	vadd.s32 $0x4000, v3;
	v6 =	vor.u32 $0x4000, v4;
	[tilespmem:$0x1FF90] =	vst v27;
	v31 =	vsel vm5, $0x1, v31  }
0x12: {  	s20 =	simm.s32 $0x3;
	s7 =	ssub.s32 $0x2, s5;
	s6 =	sadd.s32 $0x113400, s6;
	v8 =	vadd.s32 $0x4000, v7;
	v29 =	vadd.s32 $0xB, v16;
	[tilespmem:$0x1FFA0] =	vst v28;
	v32 =	vsel vm6, $0x81, v31  }
0x13: {  	s10 =	sshrl.u32 s7, $0x1;
	v11 =	vor.u32 $0x4000, v9;
	v12 =	vadd.s32 $0x4000, v10;
	s30 =	sadd.s32 s6, s1;
	[dreg:$0x4] =	wrdreg s29;
	[tilespmem:$0x1FFB0] =	vst v29;
	v32 =	vsel vm7, $0x101, v32  }
0x14: {  	s10 =	ssub.s32 s7, s10;
	v14 =	vor.u32 $0x4000, v13;
	v17 =	vadd.s32 $0x4000, v15;
	s1 =	sadd.s32 s9, s1;
	[dreg:$0x5] =	wrdreg s30;
	[tilespmem:$0x1FFD0] =	vst v2;
	v33 =	vsel vm8, $0x181, v32  }
0x15: {  	s21 =	simm.s32 $0x4;
	s31 =	smax.u32 s10, $0x1;
	vm10 =	vcmask $0x3734;
	[dreg:$0x6] =	wrdreg s1;
	vm11 =	vcmask $0x3B38;
	[tilespmem:$0x1FFE0] =	vst v5;
	v33 =	vsel vm9, $0x201, v33  }
0x16: {  	s5 =	simm.s32 $0x0;
	s11 =	sadd.s32 s8, s6;
	[dreg:$0x7] =	wrdreg s31;
	[tilespmem:$0x1FFF0] =	vst v6;
	v30 =	vadd.s32 $0xC, v16;
	v31 =	vadd.s32 $0xD, v16;
	v34 =	vsel vm10, $0x281, v33  }
0x17: {  	s23 =	simm.s32 $0x5;
	s10 =	sadd.s32 s0, s11;
	[dreg:$0x3] =	wrdreg s3;
	[tilespmem:$0x1FFC0] =	vst v30;
	v32 =	vadd.s32 $0xE, v16;
	v33 =	vadd.s32 $0xF, v16;
	v34 =	vsel vm11, $0x301, v34  }
.LBB2_1:
0x18: {  	s0 =	rddreg [dreg:$0x4];
	s31 =	simm.s32 $0x7  }
0x19: {  	[tilespmem:s2], [sflag:$0x7] =	stream.linear.gather [hbm4b:s0+s2], $0x1000, $0x38;
	[tilespmem:$0x1B000] =	vst v63  }
0x1a: {  	_ =	swait.ge [sflag:s31], $0x1000  }
0x1b: {  	[sflag:s31] =	ssyncset.done $0x0  }
0x1c: {  	s1 =	sadd.s32 $0x0, s10;
	s0 =	simm.s32 $0x200;
	[sflag:s31] =	ssyncadd.s32 $0xFFFFF000  }
.LBB2_2:
0x1d: {  	[hbm4b:s1+s2] =	stream.linear.scatter [tilespmem:s2], [sflag:$0x1], $0x1000, $0x38;
	[tilespmem:$0x1B000] =	vst v63  }
0x1e: {  	s1 =	smov.u32 s0;
	p0 =	sne.s32 s0, $0x1FE00  }
.Ltmp0:
0x1f: {  	s0 =	sadd.s32 $0x200, s0;
	(pc) =	sbr.rel @p0 .LBB2_2-.Ltmp0, $2  }
0x20: {  	_ =	sdelay $0x2  }
0x21: {  	s1 =	sadd.s32 s1, s10  }
0x22: {  	[hbm4b:s1+s2] =	stream.linear.scatter [tilespmem:s2], [sflag:$0x1], $0x1000, $0x38;
	[tilespmem:$0x1B000] =	vst v63  }
0x23: {  	s29 =	simm.s32 $0x0;
	s0 =	simm.s32 $0x1000  }
0x24: {  	s28 =	simm.s32 $0x30;
	p0 =	por $0x0, $0x0;
	s26 =	simm.s32 $0x0  }
0x25: {  	[tilespmem:s0], [sflag:$0x2] =	stream.linear.gather [hbm4b:s3+s29], $0x2000, $0x38;
	[tilespmem:$0x1B000] =	vst v63  }
.LBB2_5:
0x26: {  	s0 =	simm.s32 $0x1  }
0x27: {  	s1 =	smov.u32 s29;
	_ =	swait.ge [sflag:s14], $0x2000;
	s29 =	sadd.s32 $0x1, s29  }
0x28: {  	s0 =	simm.s32 @!p0 $0x0;
	p1 =	seq.s32 s1, $0x7;
	[sflag:s14] =	ssyncset.done $0x0  }
0x29: {  	s0 =	sshll.u32 s0, $0xD;
	s1 =	sshll.u32 @!p1 s29, $0xD;
	[sflag:s14] =	ssyncadd.s32 $0xFFFFE000  }
0x2a: {  	s12 =	sshll.u32 @!p1 s29, $0xA;
	s30 =	simm.s32 @!p1 $0x0;
	s1 =	sand.u32 @!p1 $0x2000, s1  }
0x2b: {  	s0 =	sor.u32 $0x1020, s0;
	s12 =	sadd.s32 @!p1 s3, s12;
	s1 =	sor.u32 @!p1 $0x1000, s1  }
0x2c: {  	[tilespmem:s1], [sflag:$0x2] =	stream.linear.gather @!p1 [hbm4b:s12+s30], $0x2000, $0x38;
	[tilespmem:$0x1B000] =	vst v63  }
0x2d: {  	v50 =	vld [tilespmem:s0+$0xFFFFFFE0];
	_ =	sdelay $0x3  }
0x2e: {  	v48 =	vld [tilespmem:s0+$0xFFFFFFF0]  }
0x2f: {  	vm0 =	vge.s32 v50, v0;
	vm1 =	vlt.s32 v50, v1  }
0x30: {  	vm0 =	vmand vm0, vm1  }
0x31: {  	v37 =	vld [tilespmem:s0+$0x0];
	v35 =	vsel vm0, $0x1, v18  }
0x32: {  	(xrf0) =	vadd.scan.msk.s32 $0xffff, v35  }
0x33: {  	vm2 =	vlt.s32 v48, v1;
	vm1 =	vge.s32 v48, v0  }
0x34: {  	vm1 =	vmand vm1, vm2  }
0x35: {  	v36 =	vsel vm1, $0x1, v18;
	v35 =	vld [tilespmem:s0+$0x10]  }
0x36: {  	vm3 =	vlt.s32 v37, v1;
	vm2 =	vge.s32 v37, v0;
	(xrf0) =	vadd.scan.msk.s32 $0xffff, v36  }
0x37: {  	vm2 =	vmand vm2, vm3  }
0x38: {  	v60 =	vsel vm2, $0x1, v18;
	v41, _, _ =	vpop (xrf0)  }
0x39: {  	(xrf0) =	vadd.scan.msk.s32 $0xffff, v60;
	v38 =	vxor.u32 $0x80000000, v41  }
0x3a: {  	vm3 =	vge.s32 v35, v0;
	vm4 =	vlt.s32 v35, v1;
	(xrf0) =	vmax.scan.msk.u32 $0xffff, v38  }
0x3b: {  	vm3 =	vmand vm3, vm4  }
0x3c: {  	v42 =	vsel vm3, $0x1, v18;
	v47, _, _ =	vpop (xrf0)  }
0x3d: {  	v43 =	vxor.u32 $0x80000000, v47;
	(xrf0) =	vadd.scan.msk.s32 $0xffff, v42  }
0x3e: {  	s0 =	sadd.s32 $0x40, s0;
	(xrf0) =	vmax.scan.msk.u32 $0xffff, v43  }
0x3f: {  	v40 =	vld [tilespmem:s0+$0xFFFFFFE0];
	v51, _, _ =	vpop (xrf0)  }
0x40: {  	v44, _, _ =	vpop (xrf0)  }
0x41: {  	v45 =	vxor.u32 $0x80000000, v51;
	(v2sf) =	vpush v44, $0xF  }
0x42: {  	(xrf0) =	vmax.scan.msk.u32 $0xffff, v45  }
0x43: {  	v38 =	vld [tilespmem:s0+$0xFFFFFFF0];
	v43, _, _ =	vpop (xrf0)  }
0x44: {  	vm4 =	vge.s32 v40, v0;
	v46, _, _ =	vpop (xrf0)  }
0x45: {  	vm5 =	vlt.s32 v40, v1;
	v39 =	vxor.u32 $0x80000000, v43;
	(v2sf) =	vpush v46, $0xF  }
0x46: {  	vm5 =	vmand vm4, vm5;
	(xrf0) =	vmax.scan.msk.u32 $0xffff, v39  }
0x47: {  	v36 =	vld [tilespmem:s0+$0x0];
	v49 =	vsel vm5, $0x1, v18  }
0x48: {  	vm4 =	vge.s32 v38, v0;
	vm6 =	vlt.s32 v38, v1;
	v42, _, _ =	vpop (xrf0);
	(xrf0) =	vadd.scan.msk.s32 $0xffff, v49  }
0x49: {  	vm7 =	vmand vm4, vm6;
	(v2sf) =	vpush v42, $0xF  }
0x4a: {  	v52 =	vsel vm7, $0x1, v18;
	v39 =	vld [tilespmem:s0+$0x10]  }
0x4b: {  	(xrf0) =	vadd.scan.msk.s32 $0xffff, v52  }
0x4c: {  	vm4 =	vge.s32 v36, v0;
	vm6 =	vlt.s32 v36, v1;
	v53, _, _ =	vpop (xrf0)  }
0x4d: {  	vm9 =	vmand vm4, vm6;
	(v2sf) =	vpush v53, $0xF  }
0x4e: {  	v44 =	vmov s26;
	v55 =	vsel vm9, $0x1, v18;
	v45, _, _ =	vpop (xrf0)  }
0x4f: {  	(xrf0) =	vadd.scan.msk.s32 $0xffff, v55;
	vm4 =	vge.s32 v39, v0;
	vm6 =	vlt.s32 v39, v1;
	v46 =	vxor.u32 $0x80000000, v45  }
0x50: {  	vm4 =	vmand vm4, vm6;
	(xrf0) =	vmax.scan.msk.u32 $0xffff, v46;
	s12 =	spop (v2sf)  }
0x51: {  	v54 =	vadd.s32 $0xFFFFFFFF, v44;
	v56 =	vsel vm4, $0x1, v18;
	v44, _, _ =	vpop (xrf0);
	s1 =	sadd.s32 s12, s26  }
0x52: {  	vm0 =	vmmov vm0;
	vm8 =	vmmov vm1;
	v57 =	vxor.u32 $0x80000000, v44;
	(xrf0) =	vadd.scan.msk.s32 $0xffff, v56;
	s12 =	sadd.s32 $0x80000000, s1  }
0x53: {  	vm10 =	vmmov vm2;
	vm11 =	vmmov vm3;
	v42 =	vbroadcast v54, $0x0;
	(xrf0) =	vmax.scan.msk.u32 $0xffff, v57;
	p1 =	slt.s32 s12, $0x2000  }
0x54: {  	vm8 =	vmmov vm8;
	vm15 =	vmmov vm11;
	vm2 =	vmmov vm7;
	s1 =	sadd.s32 $0x40, s0;
	s22 =	spop (v2sf);
	s12 =	simm.s32 @!p1 $0x2000  }
0x55: {  	vm3 =	vmmov vm9;
	v41 =	vadd.s32 v41, v42;
	vm6 =	vmmov vm0;
	v46, _, _ =	vpop (xrf0);
	v42 =	vld [tilespmem:s1+$0xFFFFFFE0];
	s0 =	sadd.s32 s22, s12  }
0x56: {  	vm1 =	vlt.s32 v41, $0x1FFF;
	v53 =	vxor.u32 $0x80000000, v46;
	v49, _, _ =	vpop (xrf0);
	v58 =	vmov s12;
	s0 =	sadd.s32 $0x80000000, s0  }
0x57: {  	v52 =	vnsel vm1, $0x1FFF, v41;
	(xrf0) =	vmax.scan.msk.u32 $0xffff, v53;
	(v2sf) =	vpush v49, $0xF;
	v41 =	vadd.s32 $0xFFFFFFFF, v58;
	p1 =	slt.s32 s0, $0x2000  }
0x58: {  	vm0 =	vmmov vm10;
	vm4 =	vmmov vm4;
	v49, _, _ =	vpop (xrf0);
	s25 =	spop (v2sf);
	v41 =	vbroadcast v41, $0x0;
	s0 =	simm.s32 @!p1 $0x2000  }
0x59: {  	vm1 =	vmmov vm5;
	v55, _, _ =	vpop (xrf0);
	v59 =	vxor.u32 $0x80000000, v49;
	v54 =	vmov s0;
	s0 =	sadd.s32 s25, s0  }
0x5a: {  	(v2sf) =	vpush v55, $0xF;
	vm5 =	vge.s32 v42, v0;
	v47 =	vadd.s32 v47, v41;
	v41 =	vld [tilespmem:s1+$0xFFFFFFF0];
	s0 =	sadd.s32 $0x80000000, s0  }
0x5b: {  	vm9 =	vlt.s32 v42, v1;
	vm7 =	vlt.s32 v47, $0x1FFF;
	v54 =	vadd.s32 $0xFFFFFFFF, v54;
	p1 =	slt.s32 s0, $0x2000  }
0x5c: {  	s24 =	sadd.s32 $0xFFFFFFD0, s28;
	(xrf0) =	vmax.scan.msk.u32 $0xffff, v59;
	vm5 =	vmand vm5, vm9;
	s26 =	spop (v2sf);
	v55 =	vnsel vm7, $0x1FFF, v47;
	v54 =	vbroadcast v54, $0x0;
	s0 =	simm.s32 @!p1 $0x2000  }
0x5d: {  	s31 =	sadd.s32 $0xFFFFFFE0, s28;
	[tilespmem:v52+s15+$0x0] =	vst.idx.msk vm6, v50;
	v53 =	vor.u32 s24, v16;
	v56 =	vsel vm5, $0x1, v18;
	v50, _, _ =	vpop (xrf0);
	v47 =	vld [tilespmem:s1+$0x0];
	v57 =	vmov s0;
	s0 =	sadd.s32 s26, s0  }
0x5e: {  	v58 =	vor.u32 s31, v16;
	(v2sf) =	vpush v50, $0xF;
	(xrf0) =	vadd.scan.msk.s32 $0xffff, v56;
	v54 =	vadd.s32 v51, v54;
	s30 =	sadd.s32 $0x80000000, s0  }
0x5f: {  	[tilespmem:v52+s16+$0x0] =	vst.idx.msk vm6, v53;
	v60 =	vadd.s32 $0xFFFFFFFF, v57;
	vm6 =	vge.s32 v41, v0;
	vm7 =	vlt.s32 v41, v1;
	p1 =	slt.s32 s30, $0x2000  }
0x60: {  	vm6 =	vmand vm6, vm7;
	vm7 =	vlt.s32 v54, $0x1FFF;
	v51 =	vbroadcast v60, $0x0;
	s30 =	simm.s32 @!p1 $0x2000  }
0x61: {  	v56 =	vsel vm6, $0x1, v18;
	[tilespmem:v55+s15+$0x0] =	vst.idx.msk vm8, v48;
	v50 =	vnsel vm7, $0x1FFF, v54;
	v48 =	vld [tilespmem:s1+$0x10];
	v57 =	vmov s30  }
0x62: {  	vm7 =	vge.s32 v47, v0;
	vm9 =	vlt.s32 v47, v1;
	(xrf0) =	vadd.scan.msk.s32 $0xffff, v56;
	v60, _, _ =	vpop (xrf0);
	v59 =	vadd.s32 $0xFFFFFFFF, v57  }
0x63: {  	s12 =	sadd.s32 $0xFFFFFFF0, s28;
	s26 =	simm.s32 $0x8;
	s0 =	smov.u32 s28;
	vm7 =	vmand vm7, vm9;
	[tilespmem:v55+s16+$0x0] =	vst.idx.msk vm8, v58;
	(v2sf) =	vpush v60, $0xF;
	v52 =	vbroadcast v59, $0x0  }
.LBB2_6:
0x64: {  	s26 =	sadd.s32 $0x4, s26;
	v53 =	vsel vm7, $0x1, v18;
	v54, _, _ =	vpop (xrf0);
	v55 =	vor.u32 s12, v16;
	v51 =	vadd.s32 v43, v51  }
0x65: {  	p1 =	slt.u32 s26, $0x1FC;
	v2 =	vxor.u32 $0x80000000, v54;
	(xrf0) =	vadd.scan.msk.s32 $0xffff, v53;
	v52 =	vadd.s32 v45, v52;
	vm8 =	vlt.s32 v51, $0x1FFF;
	v45 =	vmovc v54  }
0x66: {  	v43 =	vmovc v49;
	vm9 =	vge.s32 v48, v0;
	vm10 =	vlt.s32 v48, v1;
	(xrf0) =	vmax.scan.msk.u32 $0xffff, v2;
	vm11 =	vlt.s32 v52, $0x1FFF;
	s12 =	spop (v2sf)  }
0x67: {  	v49 =	vnsel vm8, $0x1FFF, v51;
	vm9 =	vmand vm9, vm10;
	v52 =	vnsel vm11, $0x1FFF, v52;
	s12 =	sadd.s32 s12, s30;
	[tilespmem:v50+s15+$0x0] =	vst.idx.msk vm0, v37;
	v37 =	vmovc v36;
	v36 =	vmovc v47  }
0x68: {  	vm10 =	vmmov vm1;
	vm1 =	vmmov vm5;
	v47 =	vsel vm9, $0x1, v18;
	v51, _, _ =	vpop (xrf0);
	s12 =	sadd.s32 $0x80000000, s12;
	[tilespmem:v50+s16+$0x0] =	vst.idx.msk vm0, v55  }
0x69: {  	vm8 =	vmmov vm2;
	vm2 =	vmmov vm6;
	v2 =	vxor.u32 $0x80000000, v51;
	(xrf0) =	vadd.scan.msk.s32 $0xffff, v47;
	p2 =	slt.s32 s12, $0x2000  }
0x6a: {  	s1 =	sadd.s32 $0x40, s1;
	vm0 =	vmmov vm3;
	vm3 =	vmmov vm7;
	(xrf0) =	vmax.scan.msk.u32 $0xffff, v2;
	s12 =	simm.s32 @!p2 $0x2000;
	s30 =	spop (v2sf)  }
0x6b: {  	v47 =	vld [tilespmem:s1+$0xFFFFFFE0];
	v50, _, _ =	vpop (xrf0);
	v53 =	vmov s12;
	s12 =	sadd.s32 s30, s12  }
0x6c: {  	v55 =	vor.u32 s0, v16;
	s0 =	sadd.s32 $0x40, s0;
	v54, _, _ =	vpop (xrf0);
	v53 =	vadd.s32 $0xFFFFFFFF, v53;
	s12 =	sadd.s32 $0x80000000, s12;
	[tilespmem:v49+s15+$0x0] =	vst.idx.msk vm15, v35;
	v35 =	vmov v39  }
0x6d: {  	s30 =	sadd.s32 $0xFFFFFFD0, s0;
	v56 =	vxor.u32 $0x80000000, v50;
	v39 =	vmovc v48;
	(v2sf) =	vpush v54, $0xF;
	v53 =	vbroadcast v53, $0x0;
	p2 =	slt.s32 s12, $0x2000;
	[tilespmem:v49+s16+$0x0] =	vst.idx.msk vm15, v55  }
0x6e: {  	v48 =	vor.u32 s30, v16;
	vm15 =	vmmov vm4;
	(xrf0) =	vmax.scan.msk.u32 $0xffff, v56;
	[tilespmem:v52+s15+$0x0] =	vst.idx.msk vm10, v40;
	s12 =	simm.s32 @!p2 $0x2000;
	s30 =	spop (v2sf);
	v40 =	vmovc v42  }
0x6f: {  	v49, _, _ =	vpop (xrf0);
	[tilespmem:v52+s16+$0x0] =	vst.idx.msk vm10, v48;
	v48 =	vadd.s32 v44, v53;
	v2 =	vmov s12;
	s12 =	sadd.s32 s30, s12;
	v44 =	vmov v51  }
0x70: {  	vm4 =	vge.s32 v47, v0;
	v52 =	vld [tilespmem:s1+$0xFFFFFFF0];
	v51, _, _ =	vpop (xrf0);
	vm6 =	vlt.s32 v48, $0x1FFF;
	v53 =	vadd.s32 $0xFFFFFFFF, v2;
	s12 =	sadd.s32 $0x80000000, s12  }
0x71: {  	vm5 =	vlt.s32 v47, v1;
	v54 =	vxor.u32 $0x80000000, v49;
	v42 =	vmovc v47;
	(v2sf) =	vpush v51, $0xF;
	p2 =	slt.s32 s12, $0x2000  }
0x72: {  	vm5 =	vmand vm4, vm5;
	(xrf0) =	vmax.scan.msk.u32 $0xffff, v54;
	v54 =	vnsel vm6, $0x1FFF, v48;
	v48 =	vbroadcast v53, $0x0;
	s12 =	simm.s32 @!p2 $0x2000;
	s30 =	spop (v2sf)  }
0x73: {  	s31 =	sadd.s32 $0xFFFFFFE0, s0;
	vm4 =	vmmov vm9;
	v2 =	vsel vm5, $0x1, v18;
	v47 =	vld [tilespmem:s1+$0x0];
	v53 =	vmov s12;
	s12 =	sadd.s32 s30, s12  }
0x74: {  	v55 =	vor.u32 s31, v16;
	(xrf0) =	vadd.scan.msk.s32 $0xffff, v2;
	v51, _, _ =	vpop (xrf0);
	v56 =	vadd.s32 v46, v48;
	v48 =	vadd.s32 $0xFFFFFFFF, v53;
	s30 =	sadd.s32 $0x80000000, s12  }
.Ltmp1:
0x75: {  	v46 =	vmovc v50;
	vm6 =	vge.s32 v52, v0;
	vm7 =	vlt.s32 v52, v1;
	(v2sf) =	vpush v51, $0xF;
	p2 =	slt.s32 s30, $0x2000;
	(pc) =	sbr.rel @p1 .LBB2_6-.Ltmp1, $4  }
0x76: {  	v51 =	vbroadcast v48, $0x0;
	vm6 =	vmand vm6, vm7;
	vm7 =	vlt.s32 v56, $0x1FFF;
	s30 =	simm.s32 @!p2 $0x2000  }
0x77: {  	v2 =	vsel vm6, $0x1, v18;
	v48 =	vld [tilespmem:s1+$0x10];
	v57 =	vmov s30;
	[tilespmem:v54+s15+$0x0] =	vst.idx.msk vm8, v38;
	v50 =	vnsel vm7, $0x1FFF, v56;
	v38 =	vmovc v41;
	v41 =	vmovc v52  }
0x78: {  	vm7 =	vge.s32 v47, v0;
	vm9 =	vlt.s32 v47, v1;
	(xrf0) =	vadd.scan.msk.s32 $0xffff, v2;
	v52 =	vadd.s32 $0xFFFFFFFF, v57;
	v53, _, _ =	vpop (xrf0)  }
0x79: {  	s12 =	sadd.s32 $0xFFFFFFF0, s0;
	vm7 =	vmand vm7, vm9;
	v52 =	vbroadcast v52, $0x0;
	(v2sf) =	vpush v53, $0xF;
	[tilespmem:v54+s16+$0x0] =	vst.idx.msk vm8, v55  }
0x7a: {  	v53 =	vsel vm7, $0x1, v18;
	v54, _, _ =	vpop (xrf0)  }
0x7b: {  	v55 =	vxor.u32 $0x80000000, v54;
	(xrf0) =	vadd.scan.msk.s32 $0xffff, v53  }
0x7c: {  	vm8 =	vge.s32 v48, v0;
	vm9 =	vlt.s32 v48, v1;
	(xrf0) =	vmax.scan.msk.u32 $0xffff, v55  }
0x7d: {  	vm8 =	vmand vm8, vm9  }
0x7e: {  	v60 =	vsel vm8, $0x1, v18;
	v55, _, _ =	vpop (xrf0)  }
0x7f: {  	v56 =	vxor.u32 $0x80000000, v55;
	(xrf0) =	vadd.scan.msk.s32 $0xffff, v60  }
0x80: {  	(xrf0) =	vmax.scan.msk.u32 $0xffff, v56  }
0x81: {  	v53, _, _ =	vpop (xrf0)  }
0x82: {  	s1 =	spop (v2sf);
	v60, _, _ =	vpop (xrf0)  }
0x83: {  	s1 =	sadd.s32 s1, s30;
	v57 =	vxor.u32 $0x80000000, v53;
	(v2sf) =	vpush v60, $0xF  }
0x84: {  	s1 =	sadd.s32 $0x80000000, s1;
	(xrf0) =	vmax.scan.msk.u32 $0xffff, v57  }
0x85: {  	p1 =	slt.s32 s1, $0x2000;
	v56, _, _ =	vpop (xrf0)  }
0x86: {  	s1 =	simm.s32 @!p1 $0x2000;
	s26 =	spop (v2sf);
	v60, _, _ =	vpop (xrf0)  }
0x87: {  	s26 =	sadd.s32 s26, s1;
	(v2sf) =	vpush v60, $0xF  }
0x88: {  	s26 =	sadd.s32 $0x80000000, s26  }
0x89: {  	p1 =	slt.s32 s26, $0x2000  }
0x8a: {  	s26 =	simm.s32 @!p1 $0x2000;
	s24 =	spop (v2sf);
	v60, _, _ =	vpop (xrf0)  }
0x8b: {  	s30 =	sadd.s32 s24, s26;
	(v2sf) =	vpush v60, $0xF  }
0x8c: {  	s30 =	sadd.s32 $0x80000000, s30  }
0x8d: {  	p1 =	slt.s32 s30, $0x2000  }
0x8e: {  	v43 =	vadd.s32 v43, v51;
	vm10 =	vmmov vm1;
	s30 =	simm.s32 @!p1 $0x2000;
	s25 =	spop (v2sf)  }
0x8f: {  	vm5 =	vmmov vm5;
	v45 =	vadd.s32 v45, v52;
	v57 =	vor.u32 s12, v16;
	s12 =	sadd.s32 s25, s30  }
0x90: {  	v52 =	vor.u32 s0, v16;
	v58 =	vmov s1;
	s1 =	sadd.s32 $0x40, s0;
	v59 =	vxor.u32 $0x80000000, v56;
	s0 =	sadd.s32 $0x80000000, s12  }
0x91: {  	vm1 =	vmmov vm3;
	vm3 =	vmmov vm7;
	vm9 =	vlt.s32 v45, $0x1FFF;
	(xrf0) =	vmax.scan.msk.u32 $0xffff, v59;
	p1 =	slt.s32 s0, $0x2000  }
0x92: {  	v45 =	vnsel vm9, $0x1FFF, v45;
	vm9 =	vlt.s32 v43, $0x1FFF;
	v58 =	vadd.s32 $0xFFFFFFFF, v58;
	s0 =	simm.s32 @!p1 $0x2000;
	s7 =	spop (v2sf)  }
0x93: {  	v43 =	vnsel vm9, $0x1FFF, v43;
	v51 =	vbroadcast v58, $0x0;
	v58 =	vmov s26;
	s12 =	sadd.s32 s7, s0  }
0x94: {  	vm9 =	vmmov vm2;
	vm2 =	vmmov vm6;
	v58 =	vadd.s32 $0xFFFFFFFF, v58;
	s12 =	sadd.s32 $0x80000000, s12  }
0x95: {  	[tilespmem:v50+s15+$0x0] =	vst.idx.msk vm0, v37;
	vm2 =	vmmov vm2;
	v44 =	vadd.s32 v44, v51;
	v51 =	vbroadcast v58, $0x0;
	p1 =	slt.s32 s12, $0x2000  }
0x96: {  	[tilespmem:v50+s16+$0x0] =	vst.idx.msk vm0, v57;
	vm0 =	vmmov vm4;
	vm6 =	vlt.s32 v44, $0x1FFF;
	v58 =	vmov s30;
	s12 =	simm.s32 @!p1 $0x2000;
	s8 =	spop (v2sf)  }
0x97: {  	v46 =	vadd.s32 v46, v51;
	v58 =	vadd.s32 $0xFFFFFFFF, v58;
	v51 =	vmov s0;
	v59, _, _ =	vpop (xrf0);
	s26 =	sadd.s32 s8, s12  }
0x98: {  	v58 =	vbroadcast v58, $0x0;
	v51 =	vadd.s32 $0xFFFFFFFF, v51;
	(v2sf) =	vpush v59, $0xF;
	s0 =	sadd.s32 $0x80000000, s26  }
0x99: {  	s31 =	sadd.s32 $0xFFFFFFD0, s1;
	v44 =	vnsel vm6, $0x1FFF, v44;
	vm11 =	vlt.s32 v46, $0x1FFF;
	v51 =	vbroadcast v51, $0x0;
	p1 =	slt.s32 s0, $0x2000  }
0x9a: {  	[tilespmem:v43+s15+$0x0] =	vst.idx.msk vm15, v35;
	v60 =	vor.u32 s31, v16;
	v35 =	vnsel vm11, $0x1FFF, v46;
	v59 =	vadd.s32 v49, v58;
	s22 =	spop (v2sf);
	s0 =	simm.s32 @!p1 $0x2000  }
0x9b: {  	[tilespmem:v43+s16+$0x0] =	vst.idx.msk vm15, v52;
	v52 =	vadd.s32 v54, v51;
	vm4 =	vlt.s32 v59, $0x1FFF;
	v54 =	vmov s12;
	s24 =	sadd.s32 s22, s0  }
0x9c: {  	[tilespmem:v45+s15+$0x0] =	vst.idx.msk vm10, v40;
	vm11 =	vlt.s32 v52, $0x1FFF;
	v43 =	vnsel vm4, $0x1FFF, v59;
	v57 =	vadd.s32 $0xFFFFFFFF, v54;
	s12 =	sadd.s32 $0x80000000, s24  }
0x9d: {  	s9 =	sadd.s32 $0xFFFFFFE0, s1;
	[tilespmem:v45+s16+$0x0] =	vst.idx.msk vm10, v60;
	vm4 =	vmmov vm5;
	v40 =	vbroadcast v57, $0x0;
	v58 =	vmov s0;
	p1 =	slt.s32 s12, $0x2000  }
0x9e: {  	v37 =	vor.u32 s9, v16;
	[tilespmem:v44+s15+$0x0] =	vst.idx.msk vm9, v38;
	v59 =	vnsel vm11, $0x1FFF, v52;
	v45 =	vadd.s32 $0xFFFFFFFF, v58;
	s12 =	simm.s32 @!p1 $0x2000  }
0x9f: {  	s11 =	sadd.s32 $0xFFFFFFF0, s1;
	[tilespmem:v44+s16+$0x0] =	vst.idx.msk vm9, v37;
	v60 =	vadd.s32 v55, v40;
	v49 =	vbroadcast v45, $0x0;
	v50 =	vmov s12  }
0xa0: {  	v46 =	vor.u32 s11, v16;
	[tilespmem:v35+s15+$0x0] =	vst.idx.msk vm1, v36;
	vm10 =	vlt.s32 v60, $0x1FFF;
	v51 =	vadd.s32 $0xFFFFFFFF, v50  }
0xa1: {  	[tilespmem:v35+s16+$0x0] =	vst.idx.msk vm1, v46;
	v52 =	vnsel vm10, $0x1FFF, v60;
	v54 =	vadd.s32 v53, v49;
	v36 =	vbroadcast v51, $0x0  }
0xa2: {  	s25 =	sadd.s32 $0x40, s1;
	vm1 =	vmmov vm3;
	[tilespmem:v43+s15+$0x0] =	vst.idx.msk vm0, v39;
	vm11 =	vlt.s32 v54, $0x1FFF  }
0xa3: {  	[tilespmem:v59+s15+$0x0] =	vst.idx.msk vm4, v42;
	v55 =	vor.u32 s1, v16;
	s1 =	sadd.s32 $0xFFFFFFD0, s25;
	v37 =	vnsel vm11, $0x1FFF, v54;
	v36 =	vadd.s32 v56, v36  }
0xa4: {  	vm9 =	vmmov vm8;
	[tilespmem:v43+s16+$0x0] =	vst.idx.msk vm0, v55;
	v57 =	vor.u32 s1, v16;
	vm11 =	vlt.s32 v36, $0x1FFF  }
0xa5: {  	s26 =	sadd.s32 $0xFFFFFFE0, s25;
	[tilespmem:v59+s16+$0x0] =	vst.idx.msk vm4, v57;
	v36 =	vnsel vm11, $0x1FFF, v36  }
0xa6: {  	v58 =	vor.u32 s26, v16;
	[tilespmem:v52+s15+$0x0] =	vst.idx.msk vm2, v41  }
0xa7: {  	s31 =	sadd.s32 $0xFFFFFFF0, s25;
	s30 =	spop (v2sf);
	[tilespmem:v52+s16+$0x0] =	vst.idx.msk vm2, v58  }
0xa8: {  	v59 =	vor.u32 s31, v16;
	s1 =	sadd.s32 s30, s12;
	[tilespmem:v37+s15+$0x0] =	vst.idx.msk vm1, v47  }
0xa9: {  	s26 =	sadd.s32 $0x80000000, s1;
	[tilespmem:v37+s16+$0x0] =	vst.idx.msk vm1, v59  }
0xaa: {  	v60 =	vor.u32 s25, v16;
	p1 =	slt.s32 s26, $0x2000;
	[tilespmem:v36+s15+$0x0] =	vst.idx.msk vm9, v48  }
0xab: {  	vm10 =	vmmov vm9;
	s26 =	simm.s32 @!p1 $0x2000;
	[tilespmem:v36+s16+$0x0] =	vst.idx.msk vm9, v60  }
0xac: {  	p1 =	seq.s32 s29, $0x8  }
.Ltmp2:
0xad: {  	_ = 	snop;
	(pc) =	sbr.rel @!p1 .LBB2_5-.Ltmp2, $2  }
0xae: {  	_ =	sdelay $0x2  }
0xaf: {  	s28 =	sadd.s32 $0x2000, s28;
	p0 =	por !p0, !p0  }
0xb0: {  	s0 =	sadd.s32 $0xFFFFFFFF, s26;
	s1 =	sadd.s32 $0xF, s26  }
0xb1: {  	p0 =	sgt.s32 s0, $0x0;
	s28 =	sshra.s32 s1, $0x4  }
0xb2: {  	s0 =	simm.s32 @!p0 $0x0;
	p0 =	slt.s32 s28, $0x1  }
.Ltmp3:
0xb3: {  	_ = 	snop;
	(pc) =	sbr.rel @p0 .LBB2_72-.Ltmp3, $4  }
0xb4: {  	_ = 	snop  }
0xb5: {  	vm5 =	vcmask $0x3F30;
	vm6 =	vcmask $0x3F2C;
	vm9 =	vcmask $0x3F28  }
0xb6: {  	vm7 =	vcmask $0x3F24;
	vm8 =	vcmask $0x3F20;
	vm10 =	vcmask $0x3F1C  }
0xb7: {  	s30 =	simm.s32 $0x11000;
	s29 =	simm.s32 $0x0;
	vm11 =	vcmask $0x3F18;
	vm15 =	vcmask $0x3F14;
	v35 =	vmov s0  }
0xb8: {  	v36 =	vadd.s32 s29, v33;
	v39 =	vor.u32 s29, v16;
	v37 =	vadd.s32 s29, v32  }
0xb9: {  	v38 =	vadd.s32 s29, v30;
	v40 =	vadd.s32 s29, v31;
	vm14 =	vle.s32 v39, v35  }
0xba: {  	v44 =	vadd.s32 s29, v28;
	v43 =	vadd.s32 s29, v26;
	v50 =	vsel vm14, v39, v35  }
0xbb: {  	v41 =	vadd.s32 s29, v27;
	v47 =	vadd.s32 s29, v25;
	v42 =	vadd.s32 $0xF, v50  }
0xbc: {  	v39 =	vadd.s32 s29, v29;
	v45 =	vadd.s32 $0xE, v50;
	vm0 =	vlt.s32 v42, v35  }
0xbd: {  	v46 =	vadd.s32 $0xD, v50;
	vm1 =	vlt.s32 v45, v35;
	v42 =	vsel vm0, v42, v35  }
0xbe: {  	v48 =	vadd.s32 $0xC, v50;
	vm0 =	vlt.s32 v46, v35;
	v45 =	vsel vm1, v45, v35  }
0xbf: {  	v49 =	vadd.s32 $0xB, v50;
	vm1 =	vlt.s32 v48, v35;
	v46 =	vsel vm0, v46, v35  }
0xc0: {  	p0 =	sne.s32 s28, $0x1;
	v51 =	vadd.s32 $0xA, v50;
	v55 =	vadd.s32 $0x7, v50;
	v48 =	vsel vm1, v48, v35  }
.Ltmp4:
0xc1: {  	v52 =	vadd.s32 $0x9, v50;
	v54 =	vadd.s32 $0x8, v50;
	vm2 =	vlt.s32 v55, v35;
	(pc) =	sbr.rel @!p0 .LBB2_10-.Ltmp4, $4  }
0xc2: {  	v56 =	vadd.s32 $0x6, v50;
	v55 =	vsel vm2, v55, v35;
	vm0 =	vlt.s32 v49, v35;
	v42 =	vld.idx.msk [tilespmem:v42+s15+$0x0], $0xffff  }
0xc3: {  	vm1 =	vlt.s32 v51, v35;
	v49 =	vsel vm0, v49, v35;
	vm0 =	vlt.s32 v52, v35;
	v45 =	vld.idx.msk [tilespmem:v45+s15+$0x0], $0xffff  }
0xc4: {  	v51 =	vsel vm1, v51, v35;
	vm1 =	vlt.s32 v54, v35;
	v53 =	vsel vm0, v52, v35;
	v46 =	vld.idx.msk [tilespmem:v46+s15+$0x0], $0xffff  }
0xc5: {  	s0 =	sadd.s32 $0xFFFFFFFF, s28;
	p1 =	por $0x0, $0x0;
	v54 =	vsel vm1, v54, v35;
	v52 =	vadd.s32 s29, v24;
	vm0 =	vlt.s32 v56, v35;
	v48 =	vld.idx.msk [tilespmem:v48+s15+$0x0], $0xffff  }
0xc6: {  	v57 =	vadd.s32 $0x1, v50  }
0xc7: {  	v58 =	vadd.s32 $0x2, v50;
	vm1 =	vlt.s32 v57, v35  }
0xc8: {  	v57 =	vsel vm1, v57, v35;
	vm1 =	vlt.s32 v58, v35  }
0xc9: {  	v59 =	vadd.s32 $0x3, v50;
	v58 =	vsel vm1, v58, v35  }
0xca: {  	vm1 =	vlt.s32 v59, v35  }
0xcb: {  	v60 =	vadd.s32 $0x4, v50;
	v59 =	vsel vm1, v59, v35  }
0xcc: {  	v5 =	vmovc v26;
	v26 =	vmov v61;
	v61 =	vadd.s32 $0x5, v50;
	v50 =	vld.idx.msk [tilespmem:v50+s15+$0x0], $0xffff;
	vm2 =	vlt.s32 v60, v35  }
0xcd: {  	v6 =	vmovc v24;
	v24 =	vmov v22;
	v22 =	vmov v62;
	v60 =	vsel vm2, v60, v35;
	v62 =	vld.idx.msk [tilespmem:v57+s15+$0x0], $0xffff  }
0xce: {  	v21 =	vld.idx.msk [tilespmem:v58+s15+$0x0], $0xffff  }
0xcf: {  	v2 =	vmovc v25;
	v25 =	vmovc v23;
	v20 =	vsel vm0, v56, v35;
	vm12 =	vcmask $0x3F38;
	vm1 =	vlt.s32 v61, v35  }
0xd0: {  	v23 =	vmovc v63;
	v63 =	vadd.s32 s29, v25;
	v56 =	vadd.s32 s29, v22;
	v61 =	vsel vm1, v61, v35;
	v59 =	vld.idx.msk [tilespmem:v59+s15+$0x0], $0xffff  }
0xd1: {  	v19 =	vadd.s32 s29, v26;
	vm0 =	vgt.s32 v63, v35;
	vm1 =	vgt.s32 v56, v35  }
0xd2: {  	v57 =	vadd.s32 s29, v23;
	v60 =	vld.idx.msk [tilespmem:v60+s15+$0x0], $0xffff;
	v58 =	vadd.s32 s29, v24;
	vm2 =	vne.s32 v62, v50  }
0xd3: {  	s1 =	sadd.s32 $0x10, s29;
	vm3 =	vgt.s32 v57, v35;
	vm1 =	vmor vm1, vm2;
	vm2 =	vne.s32 v21, v50  }
0xd4: {  	v57 =	vor.u32 s1, v16;
	vm2 =	vmor vm3, vm2;
	vm3 =	vgt.s32 v58, v35  }
0xd5: {  	v63 =	vld.idx.msk [tilespmem:v61+s15+$0x0], $0xffff;
	vm1 =	vmor vm1, vm13;
	vm4 =	vne.s32 v59, v50;
	vm13 =	vgt.s32 v40, v35  }
0xd6: {  	v40 =	vadd.s32 s1, v31;
	vm1 =	vmand vm14, vm1;
	vm2 =	vmor vm2, vm12  }
0xd7: {  	v61 =	vld.idx.msk [tilespmem:v20+s15+$0x0], $0xffff;
	vm3 =	vmor vm3, vm4;
	vm4 =	vne.s32 v60, v50;
	vm12 =	vcmask $0x3F34  }
0xd8: {  	v55 =	vld.idx.msk [tilespmem:v55+s15+$0x0], $0xffff;
	vm1 =	vmand vm1, vm2;
	vm2 =	vgt.s32 v47, v35;
	vm3 =	vmor vm3, vm12  }
0xd9: {  	vm0 =	vmor vm0, vm4;
	vm4 =	vgt.s32 v19, v35;
	vm12 =	vcmask $0x3F0C  }
0xda: {  	v47 =	vadd.s32 s1, v2;
	vm1 =	vmand vm1, vm3;
	vm3 =	vne.s32 v63, v50  }
0xdb: {  	v62 =	vld.idx.msk [tilespmem:v54+s15+$0x0], $0xffff;
	vm0 =	vmor vm0, vm5;
	vm3 =	vmor vm4, vm3;
	vm4 =	vgt.s32 v52, v35  }
0xdc: {  	vm0 =	vmand vm1, vm0;
	vm1 =	vne.s32 v61, v50;
	v52 =	vadd.s32 s1, v6  }
0xdd: {  	v63 =	vld.idx.msk [tilespmem:v53+s15+$0x0], $0xffff;
	vm3 =	vmor vm3, vm6;
	vm1 =	vmor vm4, vm1;
	vm4 =	vne.s32 v55, v50  }
0xde: {  	v51 =	vld.idx.msk [tilespmem:v51+s15+$0x0], $0xffff;
	vm0 =	vmand vm0, vm3;
	vm3 =	vgt.s32 v44, v35;
	vm1 =	vmor vm1, vm9  }
0xdf: {  	vm2 =	vmor vm2, vm4;
	vm4 =	vgt.s32 v43, v35;
	v44 =	vadd.s32 s1, v28  }
0xe0: {  	v56 =	vld.idx.msk [tilespmem:v49+s15+$0x0], $0xffff;
	v43 =	vadd.s32 s1, v5;
	vm0 =	vmand vm0, vm1;
	vm1 =	vne.s32 v62, v50  }
0xe1: {  	vm2 =	vmor vm2, vm7;
	vm1 =	vmor vm4, vm1;
	vm4 =	vgt.s32 v41, v35  }
0xe2: {  	vm0 =	vmand vm0, vm2;
	vm2 =	vne.s32 v63, v50;
	vm1 =	vmor vm1, vm8  }
0xe3: {  	vm2 =	vmor vm4, vm2;
	vm4 =	vne.s32 v51, v50;
	vm0 =	vmand vm0, vm1  }
0xe4: {  	vm2 =	vmor vm2, vm10;
	vm3 =	vmor vm3, vm4;
	vm4 =	vgt.s32 v39, v35  }
0xe5: {  	vm1 =	vcmask $0x3F10;
	vm0 =	vmand vm0, vm2;
	vm2 =	vne.s32 v56, v50  }
0xe6: {  	vm3 =	vmor vm3, vm11;
	vm2 =	vmor vm4, vm2;
	vm4 =	vgt.s32 v38, v35  }
0xe7: {  	vm0 =	vmand vm0, vm3;
	vm3 =	vne.s32 v48, v50;
	vm2 =	vmor vm2, vm15  }
0xe8: {  	vm3 =	vmor vm4, vm3;
	vm4 =	vne.s32 v46, v50;
	vm0 =	vmand vm0, vm2  }
0xe9: {  	vm2 =	vgt.s32 v37, v35;
	vm3 =	vmor vm3, vm1;
	vm1 =	vmor vm13, vm4  }
0xea: {  	vm4 =	vgt.s32 v36, v35;
	vm0 =	vmand vm0, vm3;
	vm3 =	vne.s32 v45, v50  }
0xeb: {  	vm1 =	vmor vm1, vm12;
	vm2 =	vmor vm2, vm3;
	vm3 =	vne.s32 v42, v50  }
0xec: {  	vm0 =	vmand vm0, vm1;
	vm1 =	vmor vm4, vm3;
	vm3 =	vcmask $0x3F08  }
0xed: {  	v41 =	vadd.s32 s1, v27;
	v39 =	vadd.s32 s1, v29;
	vm2 =	vmor vm2, vm3  }
0xee: {  	vm13 =	vle.s32 v57, v35;
	vm0 =	vmand vm0, vm2;
	vm2 =	vcmask $0x3F04  }
0xef: {  	v38 =	vadd.s32 s1, v30;
	v50 =	vsel vm13, v57, v35;
	vm1 =	vmor vm1, vm2  }
0xf0: {  	v36 =	vadd.s32 s1, v33;
	v58 =	vadd.s32 $0xF, v50;
	vm0 =	vmand vm0, vm1  }
0xf1: {  	v59 =	vadd.s32 $0xE, v50;
	v42 =	vsel vm0, $0x1, v18;
	vm0 =	vlt.s32 v58, v35  }
0xf2: {  	v60 =	vadd.s32 $0xD, v50;
	v45 =	vsel vm0, v58, v35;
	vm0 =	vlt.s32 v59, v35  }
0xf3: {  	v61 =	vadd.s32 $0xC, v50;
	v46 =	vsel vm0, v59, v35;
	vm0 =	vlt.s32 v60, v35  }
0xf4: {  	v62 =	vadd.s32 $0xB, v50;
	v48 =	vsel vm0, v60, v35;
	vm0 =	vlt.s32 v61, v35  }
0xf5: {  	p2 =	sne.s32 s0, $0x1;
	v63 =	vadd.s32 $0xA, v50;
	v60 =	vsel vm0, v61, v35;
	vm0 =	vlt.s32 v62, v35  }
.Ltmp5:
0xf6: {  	[tilespmem:s30+$0x0] =	vst v42;
	v61 =	vadd.s32 $0x9, v50;
	v49 =	vsel vm0, v62, v35;
	vm0 =	vlt.s32 v63, v35;
	(pc) =	sbr.rel @!p2 .LBB2_12-.Ltmp5, $4  }
0xf7: {  	v62 =	vadd.s32 $0x8, v50;
	v51 =	vsel vm0, v63, v35;
	vm0 =	vlt.s32 v61, v35;
	v42 =	vld.idx.msk [tilespmem:v45+s15+$0x0], $0xffff  }
0xf8: {  	v63 =	vadd.s32 $0x7, v50;
	v53 =	vsel vm0, v61, v35;
	vm0 =	vlt.s32 v62, v35;
	v45 =	vld.idx.msk [tilespmem:v46+s15+$0x0], $0xffff  }
0xf9: {  	v56 =	vadd.s32 $0x6, v50;
	v54 =	vsel vm0, v62, v35;
	vm0 =	vlt.s32 v63, v35;
	v46 =	vld.idx.msk [tilespmem:v48+s15+$0x0], $0xffff  }
0xfa: {  	s0 =	sadd.s32 $0xFFFFFFFF, s0;
	p0 =	por $0x1, $0x1;
	s31 =	simm.s32 $0x11000;
	v37 =	vadd.s32 s1, v32;
	v55 =	vsel vm0, v63, v35;
	vm0 =	vlt.s32 v56, v35;
	v48 =	vld.idx.msk [tilespmem:v60+s15+$0x0], $0xffff  }
.LBB2_13:
0xfb: {  	v57 =	vadd.s32 s1, v26;
	v58 =	vadd.s32 $0x5, v50;
	v56 =	vsel vm0, v56, v35  }
0xfc: {  	v60 =	vadd.s32 $0x4, v50;
	v61 =	vadd.s32 $0x1, v50;
	vm0 =	vlt.s32 v58, v35  }
0xfd: {  	v62 =	vadd.s32 $0x2, v50;
	v58 =	vsel vm0, v58, v35;
	vm0 =	vlt.s32 v61, v35  }
0xfe: {  	v63 =	vadd.s32 $0x3, v50;
	v61 =	vsel vm0, v61, v35;
	vm0 =	vlt.s32 v62, v35  }
0xff: {  	vm1 =	vlt.s32 v60, v35;
	v62 =	vsel vm0, v62, v35;
	vm0 =	vlt.s32 v63, v35  }
0x100: {  	v63 =	vsel vm0, v63, v35;
	vm0 =	vgt.s32 v40, v35;
	v40 =	vimm.s32 $0x0  }
0x101: {  	v20 =	vadd.s32 s1, v22;
	v60 =	vsel vm1, v60, v35;
	v40 =	vsel vm0, $0xFFFFFFFF, v40  }
0x102: {  	vm1 =	vgt.s32 v20, v35;
	vm0 =	vgt.s32 v37, v35;
	[tilespmem:$0x1FF00] =	vst v40;
	v40 =	vimm.s32 $0x0  }
0x103: {  	v37 =	vsel vm0, $0xFFFFFFFF, v40;
	vm0 =	vgt.s32 v36, v35;
	v40 =	vimm.s32 $0x0  }
0x104: {  	[tilespmem:$0x1FF20] =	vst v37;
	v36 =	vsel vm0, $0xFFFFFFFF, v40;
	vm0 =	vgt.s32 v44, v35;
	v40 =	vimm.s32 $0x0  }
0x105: {  	v50 =	vld.idx.msk [tilespmem:v50+s15+$0x0], $0xffff;
	v44 =	vimm.s32 $0x0;
	[tilespmem:$0x1FF40] =	vst v36;
	v37 =	vsel vm0, $0xFFFFFFFF, v40;
	vm0 =	vgt.s32 v39, v35  }
0x106: {  	v36 =	vld.idx.msk [tilespmem:v60+s15+$0x0], $0xffff;
	v60 =	vimm.s32 $0x0;
	[tilespmem:$0x1FEB0] =	vst v37;
	v37 =	vsel vm0, $0xFFFFFFFF, v44;
	vm0 =	vgt.s32 v38, v35  }
0x107: {  	v40 =	vimm.s32 $0x0;
	[tilespmem:$0x1FEC0] =	vst v37;
	v37 =	vsel vm0, $0xFFFFFFFF, v60;
	vm0 =	vgt.s32 v47, v35  }
0x108: {  	v38 =	vsel vm0, $0xFFFFFFFF, v40;
	vm0 =	vgt.s32 v43, v35;
	v43 =	vimm.s32 $0x0  }
0x109: {  	v44 =	vimm.s32 $0x0;
	[tilespmem:$0x1FE80] =	vst v38;
	v38 =	vsel vm0, $0xFFFFFFFF, v43;
	vm0 =	vgt.s32 v41, v35  }
0x10a: {  	v49 =	vld.idx.msk [tilespmem:v49+s15+$0x0], $0xffff;
	v20 =	vimm.s32 $0x0;
	[tilespmem:$0x1FE90] =	vst v38;
	v38 =	vsel vm0, $0xFFFFFFFF, v44;
	vm0 =	vne.s32 v46, v50  }
0x10b: {  	v59 =	vadd.s32 s1, v25;
	v19 =	vadd.s32 s1, v24;
	v56 =	vld.idx.msk [tilespmem:v56+s15+$0x0], $0xffff;
	v20 =	vsel vm0, $0xFFFFFFFF, v20  }
0x10c: {  	v21 =	vadd.s32 s1, v23;
	v58 =	vld.idx.msk [tilespmem:v58+s15+$0x0], $0xffff;
	vm0 =	vne.s32 v45, v50;
	[tilespmem:$0x1FF10] =	vst v20;
	v20 =	vimm.s32 $0x0  }
0x10d: {  	vm15 =	vgt.s32 v52, v35;
	vm12 =	vcmask $0x3F3C;
	v20 =	vsel vm0, $0xFFFFFFFF, v20  }
0x10e: {  	vm9 =	vgt.s32 v59, v35;
	v61 =	vld.idx.msk [tilespmem:v61+s15+$0x0], $0xffff;
	vm0 =	vne.s32 v42, v50;
	[tilespmem:$0x1FF30] =	vst v20;
	v20 =	vimm.s32 $0x0  }
0x10f: {  	vm11 =	vgt.s32 v57, v35;
	vm5 =	vgt.s32 v21, v35;
	v47 =	vld.idx.msk [tilespmem:v62+s15+$0x0], $0xffff;
	v20 =	vsel vm0, $0xFFFFFFFF, v20  }
0x110: {  	vm6 =	vgt.s32 v19, v35;
	vm0 =	vne.s32 v49, v50;
	[tilespmem:$0x1FF50] =	vst v20;
	v20 =	vimm.s32 $0x0  }
0x111: {  	v19 =	vld.idx.msk [tilespmem:v63+s15+$0x0], $0xffff;
	vm4 =	vne.s32 v56, v50;
	vm3 =	vne.s32 v58, v50;
	v20 =	vsel vm0, $0xFFFFFFFF, v20  }
0x112: {  	vm2 =	vne.s32 v36, v50;
	vm0 =	vne.s32 v48, v50;
	[tilespmem:$0x1FED0] =	vst v20;
	v20 =	vimm.s32 $0x0  }
0x113: {  	vm2 =	vmor vm9, vm2;
	v20 =	vsel vm0, $0xFFFFFFFF, v20;
	vm0 =	vne.s32 v61, v50  }
0x114: {  	vm9 =	vcmask $0x3F28;
	vm0 =	vmor vm1, vm0;
	vm1 =	vne.s32 v47, v50  }
0x115: {  	vm0 =	vmor vm0, vm12;
	vm1 =	vmor vm5, vm1;
	vm12 =	vcmask $0x3F38  }
0x116: {  	vm5 =	vne.s32 v19, v50;
	v19 =	vld [tilespmem:$0x1FE80];
	vm0 =	vmand vm13, vm0;
	vm1 =	vmor vm1, vm12  }
0x117: {  	vm5 =	vmor vm6, vm5;
	vm0 =	vmand vm0, vm1;
	vm1 =	vcmask $0x3F34  }
0x118: {  	vm6 =	vcmask $0x3F2C;
	vm1 =	vmor vm5, vm1;
	vm5 =	vcmask $0x3F30  }
0x119: {  	v55 =	vld.idx.msk [tilespmem:v55+s15+$0x0], $0xffff;
	vm0 =	vmand vm0, vm1;
	vm1 =	vmor vm2, vm5;
	vm2 =	vmor vm11, vm3  }
0x11a: {  	vm0 =	vmand vm0, vm1;
	vm1 =	vmor vm2, vm6;
	vm2 =	vmor vm15, vm4  }
0x11b: {  	vm0 =	vmand vm0, vm1;
	vm1 =	vmor vm2, vm9;
	vm2 =	vnez.u8 v19;
	v19 =	vld [tilespmem:$0x1FE90];
	_ =	sdelay $0x2  }
0x11c: {  	v54 =	vld.idx.msk [tilespmem:v54+s15+$0x0], $0xffff;
	vm7 =	vne.s32 v55, v50  }
0x11d: {  	[tilespmem:$0x1FEA0] =	vst v38;
	vm2 =	vmor vm2, vm7;
	vm7 =	vcmask $0x3F24  }
0x11e: {  	vm0 =	vmand vm0, vm1;
	vm1 =	vmor vm2, vm7;
	vm2 =	vnez.u8 v19;
	v19 =	vld [tilespmem:$0x1FEA0];
	_ =	sdelay $0x2  }
0x11f: {  	v53 =	vld.idx.msk [tilespmem:v53+s15+$0x0], $0xffff;
	vm8 =	vne.s32 v54, v50  }
0x120: {  	vm2 =	vmor vm2, vm8;
	vm8 =	vcmask $0x3F20  }
0x121: {  	vm0 =	vmand vm0, vm1;
	vm1 =	vmor vm2, vm8;
	vm2 =	vnez.u8 v19;
	v19 =	vld [tilespmem:$0x1FEB0];
	_ =	sdelay $0x2  }
0x122: {  	v51 =	vld.idx.msk [tilespmem:v51+s15+$0x0], $0xffff;
	vm10 =	vne.s32 v53, v50  }
0x123: {  	vm2 =	vmor vm2, vm10;
	vm10 =	vcmask $0x3F1C  }
0x124: {  	vm0 =	vmand vm0, vm1;
	vm1 =	vmor vm2, vm10;
	vm2 =	vnez.u8 v19;
	v19 =	vld [tilespmem:$0x1FEC0];
	_ =	sdelay $0x2  }
0x125: {  	vm14 =	vne.s32 v51, v50  }
0x126: {  	vm11 =	vcmask $0x3F18;
	vm2 =	vmor vm2, vm14  }
0x127: {  	vm0 =	vmand vm0, vm1;
	vm1 =	vmor vm2, vm11;
	vm2 =	vnez.u8 v19;
	v19 =	vld [tilespmem:$0x1FED0];
	_ =	sdelay $0x3  }
0x128: {  	[tilespmem:$0x1FEE0] =	vst v37  }
0x129: {  	vm3 =	vnez.u8 v19;
	v19 =	vld [tilespmem:$0x1FEE0];
	_ =	sdelay $0x3  }
0x12a: {  	[tilespmem:$0x1FEF0] =	vst v20;
	vm15 =	vcmask $0x3F14;
	vm2 =	vmor vm2, vm3  }
0x12b: {  	vm0 =	vmand vm0, vm1;
	vm1 =	vmor vm2, vm15;
	vm2 =	vnez.u8 v19;
	v19 =	vld [tilespmem:$0x1FEF0];
	_ =	sdelay $0x4  }
0x12c: {  	vm3 =	vnez.u8 v19;
	v19 =	vld [tilespmem:$0x1FF00];
	_ =	sdelay $0x3  }
0x12d: {  	vm0 =	vmand vm0, vm1;
	vm1 =	vcmask $0x3F10;
	vm2 =	vmor vm2, vm3  }
0x12e: {  	vm1 =	vmor vm2, vm1;
	vm2 =	vnez.u8 v19;
	v19 =	vld [tilespmem:$0x1FF10];
	_ =	sdelay $0x4  }
0x12f: {  	vm3 =	vnez.u8 v19;
	v19 =	vld [tilespmem:$0x1FF20];
	_ =	sdelay $0x3  }
0x130: {  	vm12 =	vcmask $0x3F0C;
	vm2 =	vmor vm2, vm3  }
0x131: {  	vm0 =	vmand vm0, vm1;
	vm1 =	vmor vm2, vm12;
	vm2 =	vnez.u8 v19;
	v19 =	vld [tilespmem:$0x1FF30];
	_ =	sdelay $0x4  }
0x132: {  	vm3 =	vnez.u8 v19;
	v19 =	vld [tilespmem:$0x1FF40];
	_ =	sdelay $0x3  }
0x133: {  	vm0 =	vmand vm0, vm1;
	vm1 =	vcmask $0x3F08;
	vm2 =	vmor vm2, vm3  }
0x134: {  	vm1 =	vmor vm2, vm1;
	vm2 =	vnez.u8 v19;
	v19 =	vld [tilespmem:$0x1FF50]  }
0x135: {  	s1 =	sadd.s32 $0x10, s1  }
0x136: {  	v52 =	vadd.s32 s1, v6  }
0x137: {  	v39 =	vadd.s32 s1, v29;
	v37 =	vadd.s32 s1, v32;
	v40 =	vadd.s32 s1, v31  }
0x138: {  	v43 =	vadd.s32 s1, v5;
	v41 =	vadd.s32 s1, v27;
	v36 =	vadd.s32 s1, v33  }
0x139: {  	vm0 =	vmand vm0, vm1;
	vm3 =	vnez.u8 v19;
	v19 =	vor.u32 s1, v16  }
0x13a: {  	vm1 =	vcmask $0x3F04;
	vm2 =	vmor vm2, vm3;
	vm13 =	vle.s32 v19, v35  }
0x13b: {  	v44 =	vadd.s32 s1, v28;
	vm1 =	vmor vm2, vm1;
	v50 =	vsel vm13, v19, v35  }
0x13c: {  	v38 =	vadd.s32 s1, v30;
	vm0 =	vmand vm0, vm1;
	v19 =	vadd.s32 $0xF, v50  }
0x13d: {  	s31 =	sadd.s32 $0x10, s31;
	v21 =	vadd.s32 $0xD, v50;
	v20 =	vsel vm0, $0x1, v18;
	vm0 =	vlt.s32 v19, v35  }
0x13e: {  	[tilespmem:s31+$0x0] =	vst v20;
	v20 =	vadd.s32 $0xE, v50;
	v19 =	vsel vm0, v19, v35;
	vm0 =	vlt.s32 v21, v35  }
0x13f: {  	v58 =	vadd.s32 $0xC, v50;
	vm1 =	vlt.s32 v20, v35;
	v21 =	vsel vm0, v21, v35  }
0x140: {  	v47 =	vadd.s32 s1, v2;
	v20 =	vsel vm1, v20, v35;
	vm1 =	vlt.s32 v58, v35  }
0x141: {  	p2 =	sne.s32 s0, $0x1;
	v59 =	vadd.s32 $0xB, v50;
	v60 =	vadd.s32 $0xA, v50;
	v61 =	vsel vm1, v58, v35  }
.Ltmp6:
0x142: {  	v62 =	vadd.s32 $0x9, v50;
	v63 =	vadd.s32 $0x8, v50;
	vm0 =	vlt.s32 v59, v35;
	(pc) =	sbr.rel @p2 .LBB2_13-.Ltmp6, $4  }
0x143: {  	v56 =	vadd.s32 $0x6, v50;
	v49 =	vsel vm0, v59, v35;
	vm0 =	vlt.s32 v62, v35;
	v42 =	vld.idx.msk [tilespmem:v19+s15+$0x0], $0xffff  }
0x144: {  	vm1 =	vlt.s32 v60, v35;
	v53 =	vsel vm0, v62, v35;
	v19 =	vadd.s32 $0x7, v50;
	v46 =	vld.idx.msk [tilespmem:v21+s15+$0x0], $0xffff  }
0x145: {  	v51 =	vsel vm1, v60, v35;
	vm1 =	vlt.s32 v63, v35;
	vm2 =	vlt.s32 v19, v35;
	v45 =	vld.idx.msk [tilespmem:v20+s15+$0x0], $0xffff  }
0x146: {  	s0 =	sadd.s32 $0xFFFFFFFF, s0;
	vm0 =	vlt.s32 v56, v35;
	v54 =	vsel vm1, v63, v35;
	v55 =	vsel vm2, v19, v35;
	v48 =	vld.idx.msk [tilespmem:v61+s15+$0x0], $0xffff  }
0x147: {  	v62 =	vmov v22;
	vm4 =	vcmask $0x3F3C  }
0x148: {  	v63 =	vmovc v23;
	vm14 =	vcmask $0x3F38;
	v22 =	vmovc v24;
	v23 =	vmov v25;
	v61 =	vmov v26  }
.LBB2_15:
0x149: {  	v19 =	vadd.s32 $0x1, v50  }
0x14a: {  	v20 =	vadd.s32 $0x2, v50;
	vm1 =	vlt.s32 v19, v35  }
0x14b: {  	v19 =	vsel vm1, v19, v35;
	vm1 =	vlt.s32 v20, v35  }
0x14c: {  	v21 =	vadd.s32 $0x3, v50;
	v20 =	vsel vm1, v20, v35  }
0x14d: {  	vm1 =	vlt.s32 v21, v35  }
0x14e: {  	v57 =	vadd.s32 $0x4, v50;
	v21 =	vsel vm1, v21, v35  }
0x14f: {  	v58 =	vadd.s32 $0x5, v50;
	v50 =	vld.idx.msk [tilespmem:v50+s15+$0x0], $0xffff;
	vm2 =	vlt.s32 v57, v35  }
0x150: {  	v57 =	vsel vm2, v57, v35;
	v19 =	vld.idx.msk [tilespmem:v19+s15+$0x0], $0xffff  }
0x151: {  	vm1 =	vlt.s32 v58, v35;
	v20 =	vld.idx.msk [tilespmem:v20+s15+$0x0], $0xffff  }
0x152: {  	v58 =	vsel vm1, v58, v35  }
0x153: {  	v26 =	vmovc v61;
	v59 =	vadd.s32 s1, v61;
	v56 =	vsel vm0, v56, v35;
	v25 =	vmov v23;
	v21 =	vld.idx.msk [tilespmem:v21+s15+$0x0], $0xffff  }
0x154: {  	v60 =	vadd.s32 s1, v23;
	v24 =	vmovc v22;
	v61 =	vadd.s32 s1, v22;
	v22 =	vmovc v62;
	v62 =	vadd.s32 s1, v62  }
0x155: {  	v23 =	vmovc v63;
	v63 =	vadd.s32 s1, v63;
	vm1 =	vgt.s32 v62, v35;
	v57 =	vld.idx.msk [tilespmem:v57+s15+$0x0], $0xffff;
	vm2 =	vne.s32 v19, v50  }
0x156: {  	vm3 =	vgt.s32 v63, v35;
	vm1 =	vmor vm1, vm2;
	vm2 =	vne.s32 v20, v50  }
0x157: {  	vm0 =	vgt.s32 v60, v35;
	v19 =	vld.idx.msk [tilespmem:v58+s15+$0x0], $0xffff;
	vm2 =	vmor vm3, vm2  }
0x158: {  	v63 =	vld.idx.msk [tilespmem:v54+s15+$0x0], $0xffff;
	vm3 =	vgt.s32 v61, v35;
	vm1 =	vmor vm1, vm4;
	vm4 =	vne.s32 v21, v50  }
0x159: {  	v20 =	vld.idx.msk [tilespmem:v56+s15+$0x0], $0xffff;
	vm1 =	vmand vm13, vm1;
	vm2 =	vmor vm2, vm14;
	vm3 =	vmor vm3, vm4  }
0x15a: {  	v21 =	vld.idx.msk [tilespmem:v55+s15+$0x0], $0xffff;
	vm4 =	vne.s32 v57, v50;
	vm13 =	vcmask $0x3F34;
	vm1 =	vmand vm1, vm2  }
0x15b: {  	vm2 =	vgt.s32 v47, v35;
	vm3 =	vmor vm3, vm13;
	vm0 =	vmor vm0, vm4  }
0x15c: {  	vm4 =	vgt.s32 v59, v35;
	vm1 =	vmand vm1, vm3;
	vm3 =	vne.s32 v19, v50  }
0x15d: {  	vm0 =	vmor vm0, vm5;
	vm3 =	vmor vm4, vm3;
	vm4 =	vgt.s32 v52, v35  }
0x15e: {  	v19 =	vld.idx.msk [tilespmem:v53+s15+$0x0], $0xffff;
	vm0 =	vmand vm1, vm0;
	vm1 =	vne.s32 v20, v50;
	vm3 =	vmor vm3, vm6  }
0x15f: {  	v20 =	vld.idx.msk [tilespmem:v51+s15+$0x0], $0xffff;
	vm1 =	vmor vm4, vm1;
	vm4 =	vne.s32 v21, v50;
	vm6 =	vne.s32 v63, v50  }
0x160: {  	vm0 =	vmand vm0, vm3;
	vm3 =	vgt.s32 v44, v35;
	vm1 =	vmor vm1, vm9  }
0x161: {  	v21 =	vld.idx.msk [tilespmem:v49+s15+$0x0], $0xffff;
	vm2 =	vmor vm2, vm4;
	vm9 =	vgt.s32 v43, v35;
	vm0 =	vmand vm0, vm1  }
0x162: {  	vm1 =	vmor vm9, vm6;
	vm9 =	vgt.s32 v41, v35;
	vm2 =	vmor vm2, vm7  }
0x163: {  	vm0 =	vmand vm0, vm2;
	vm7 =	vne.s32 v19, v50;
	vm1 =	vmor vm1, vm8  }
0x164: {  	vm8 =	vgt.s32 v39, v35;
	vm2 =	vmor vm9, vm7;
	vm9 =	vne.s32 v20, v50  }
0x165: {  	vm0 =	vmand vm0, vm1;
	vm1 =	vgt.s32 v40, v35;
	vm7 =	vne.s32 v48, v50  }
0x166: {  	vm2 =	vmor vm2, vm10;
	vm3 =	vmor vm3, vm9;
	vm9 =	vne.s32 v21, v50  }
0x167: {  	vm10 =	vgt.s32 v38, v35;
	vm0 =	vmand vm0, vm2;
	vm2 =	vmor vm8, vm9  }
0x168: {  	vm3 =	vmor vm3, vm11;
	vm8 =	vne.s32 v46, v50;
	vm9 =	vgt.s32 v37, v35  }
0x169: {  	vm11 =	vgt.s32 v36, v35;
	vm0 =	vmand vm0, vm3;
	vm2 =	vmor vm2, vm15  }
0x16a: {  	vm3 =	vmor vm10, vm7;
	vm10 =	vcmask $0x3F10;
	vm1 =	vmor vm1, vm8  }
0x16b: {  	vm7 =	vne.s32 v45, v50;
	vm8 =	vne.s32 v42, v50;
	vm0 =	vmand vm0, vm2  }
0x16c: {  	s0 =	sadd.s32 @p0 $0x10, s31;
	s1 =	simm.s32 $0x11000;
	v27 =	vld [tilespmem:$0x1FF90];
	vm3 =	vmor vm3, vm10;
	vm2 =	vmor vm9, vm7;
	vm1 =	vmor vm1, vm12  }
0x16d: {  	v28 =	vld [tilespmem:$0x1FFA0];
	s1 =	smov.u32 @p0 s0;
	p0 =	sne.s32 s28, $0x1;
	vm9 =	vmor vm11, vm8;
	vm10 =	vcmask $0x3F08;
	vm0 =	vmand vm0, vm3  }
.Ltmp7:
0x16e: {  	v2 =	vld [tilespmem:$0x1FFD0];
	vm11 =	vcmask $0x3F04;
	vm2 =	vmor vm2, vm10;
	vm0 =	vmand vm0, vm1;
	(pc) =	sbr.rel @!p0 .LBB2_16-.Ltmp7, $4  }
0x16f: {  	v29 =	vld [tilespmem:$0x1FFB0];
	vm1 =	vmor vm9, vm11;
	vm0 =	vmand vm0, vm2  }
0x170: {  	v5 =	vld [tilespmem:$0x1FFE0];
	vm0 =	vmand vm0, vm1  }
0x171: {  	v30 =	vld [tilespmem:$0x1FFC0];
	v19 =	vsel vm0, $0x1, v18  }
0x172: {  	v6 =	vld [tilespmem:$0x1FFF0];
	v36 =	vor.u32 s29, v16;
	s29 =	sadd.s32 $0xFFFFFFFF, s28;
	[tilespmem:s1+$0x0] =	vst v19  }
0x173: {  	vm0 =	vle.s32 v36, v35  }
0x174: {  	v19 =	vsel vm0, v36, v35;
	_ =	sdelay $0x4  }
0x175: {  	v19 =	vld.idx.msk [tilespmem:v19+s15+$0x0], $0xffff;
	_ =	sdelay $0x1  }
0x176: {  	v20 =	vld [tilespmem:s30+$0x0]  }
0x177: {  	p2 =	sne.s32 s29, $0x1  }
.Ltmp8:
0x178: {  	_ = 	snop;
	(pc) =	sbr.rel @!p2 .LBB2_18-.Ltmp8, $4  }
0x179: {  	vm1 =	vge.s32 v19, v0  }
0x17a: {  	vm0 =	vmand vm0, vm1;
	vm1 =	vlt.s32 v19, v2;
	v19 =	vsub.s32 v19, v0  }
0x17b: {  	s1 =	simm.s32 $0x10;
	vm0 =	vmand vm1, vm0;
	vm1 =	vgt.s32 v20, $0x0;
	vm2 =	vgt.s32 v19, $0x0  }
0x17c: {  	s12 =	sadd.s32 $0xFFFFFFFF, s29;
	p1 =	por $0x1, $0x1;
	s0 =	simm.s32 $0x11000;
	v37 =	vor.u32 s1, v16;
	vm0 =	vmand vm1, vm0;
	v38 =	vnsel vm2, $0x0, v19  }
.LBB2_19:
0x17d: {  	p2 =	sne.s32 s12, $0x1;
	vm1 =	vle.s32 v37, v35;
	v19 =	vmin.u32 v38, $0x3FFF  }
0x17e: {  	v20 =	vsel vm1, v37, v35;
	_ =	sdelay $0x3  }
0x17f: {  	[tilespmem:v19+s17+$0x0] =	vst.idx.msk vm0, v36;
	v36 =	vmov v37  }
0x180: {  	v19 =	vld.idx.msk [tilespmem:v20+s15+$0x0], $0xffff;
	_ =	sdelay $0x1  }
0x181: {  	s0 =	sadd.s32 $0x10, s0  }
0x182: {  	v20 =	vld [tilespmem:s0+$0x0];
	_ =	sdelay $0x1  }
.Ltmp9:
0x183: {  	(pc) =	sbr.rel @p2 .LBB2_19-.Ltmp9, $4  }
0x184: {  	vm0 =	vge.s32 v19, v0  }
0x185: {  	vm0 =	vmand vm1, vm0;
	vm1 =	vlt.s32 v19, v2;
	v19 =	vsub.s32 v19, v0  }
0x186: {  	s1 =	sadd.s32 $0x10, s1;
	vm0 =	vmand vm1, vm0;
	vm2 =	vgt.s32 v19, $0x0;
	vm1 =	vgt.s32 v20, $0x0  }
0x187: {  	s12 =	sadd.s32 $0xFFFFFFFF, s12;
	v37 =	vor.u32 s1, v16;
	v38 =	vnsel vm2, $0x0, v19;
	vm0 =	vmand vm1, vm0  }
0x188: {  	v62 =	vmov v22  }
0x189: {  	v63 =	vmovc v23;
	v22 =	vmovc v24;
	v23 =	vmov v25;
	v61 =	vmov v26;
	vm13 =	vcmask $0x3F3C  }
.LBB2_21:
0x18a: {  	vm1 =	vle.s32 v37, v35;
	v19 =	vmin.u32 @p1 v38, $0x3FFF  }
0x18b: {  	v20 =	vsel vm1, v37, v35;
	_ =	sdelay $0x3  }
0x18c: {  	[tilespmem:v19+s17+$0x0] =	vst.idx.msk @p1 vm0, v36  }
0x18d: {  	s0 =	sadd.s32 @p1 $0x10, s0;
	v19 =	vld.idx.msk [tilespmem:v20+s15+$0x0], $0xffff  }
0x18e: {  	s30 =	smov.u32 @p1 s0  }
0x18f: {  	v20 =	vld [tilespmem:s30+$0x0];
	_ =	sdelay $0x2  }
0x190: {  	vm9 =	vge.s32 v19, v0  }
0x191: {  	vm10 =	vlt.s32 v19, v2;
	v19 =	vsub.s32 v19, v0;
	vm0 =	vmand vm1, vm9  }
0x192: {  	vm11 =	vgt.s32 v20, $0x0;
	vm2 =	vgt.s32 v19, $0x0;
	vm0 =	vmand vm10, vm0  }
0x193: {  	v19 =	vnsel vm2, $0x0, v19;
	vm0 =	vmand vm11, vm0  }
0x194: {  	v19 =	vmin.u32 v19, $0x3FFF;
	_ =	sdelay $0x2  }
0x195: {  	v24 =	vld [tilespmem:$0x1FF60]  }
0x196: {  	v25 =	vld [tilespmem:$0x1FF70]  }
0x197: {  	s1 =	simm.s32 $0x0;
	s12 =	smov.u32 s28;
	v26 =	vld [tilespmem:$0x1FF80];
	s0 =	simm.s32 $0x0;
	[tilespmem:v19+s17+$0x0] =	vst.idx.msk vm0, v37  }
.LBB2_22:
0x198: {  	v19 =	vor.u32 s0, v16  }
0x199: {  	vm0 =	vle.s32 v19, v35  }
0x19a: {  	v19 =	vsel vm0, v19, v35;
	_ =	sdelay $0x4  }
0x19b: {  	v20 =	vld.idx.msk [tilespmem:v19+s15+$0x0], $0xffff;
	_ =	sdelay $0x4  }
0x19c: {  	v21 =	vsub.s32 v20, v0  }
0x19d: {  	vm1 =	vgt.s32 v21, $0x0  }
0x19e: {  	v21 =	vnsel vm1, $0x0, v21  }
0x19f: {  	v21 =	vmin.u32 v21, $0x3FFF;
	_ =	sdelay $0x4  }
0x1a0: {  	v21 =	vld.idx.msk [tilespmem:v21+s17+$0x0], $0xffff;
	_ =	sdelay $0x4  }
0x1a1: {  	vm9 =	vgt.s32 v21, $0x0  }
0x1a2: {  	v21 =	vnsel vm9, $0x0, v21  }
0x1a3: {  	vm1 =	vlt.s32 v21, v35  }
0x1a4: {  	v21 =	vsel vm1, v21, v35;
	_ =	sdelay $0x1  }
0x1a5: {  	vm10 =	vge.s32 v20, v0  }
0x1a6: {  	vm11 =	vlt.s32 v20, v2;
	vm0 =	vmand vm0, vm10  }
0x1a7: {  	vm0 =	vmand vm11, vm0  }
0x1a8: {  	p1 =	sne.s32 s12, $0x1;
	v20 =	vld.idx.msk [tilespmem:v21+s16+$0x0], $0xffff  }
.Ltmp10:
0x1a9: {  	_ = 	snop;
	(pc) =	sbr.rel @p1 .LBB2_22-.Ltmp10, $2  }
0x1aa: {  	_ =	sdelay $0x2  }
0x1ab: {  	s0 =	sadd.s32 $0x10, s0;
	s12 =	sadd.s32 $0xFFFFFFFF, s12;
	[tilespmem:v19+s16+$0x0] =	vst.idx.msk vm0, v20  }
.Ltmp11:
0x1ac: {  	(pc) =	sbr.rel @!p0 .LBB2_24-.Ltmp11, $2  }
0x1ad: {  	_ =	sdelay $0x2  }
0x1ae: {  	s0 =	simm.s32 $0x11000;
	v36 =	vor.u32 s1, v16;
	p1 =	por $0x0, $0x0  }
0x1af: {  	vm0 =	vle.s32 v36, v35  }
0x1b0: {  	v19 =	vsel vm0, v36, v35;
	_ =	sdelay $0x4  }
0x1b1: {  	v19 =	vld.idx.msk [tilespmem:v19+s15+$0x0], $0xffff;
	_ =	sdelay $0x1  }
0x1b2: {  	v20 =	vld [tilespmem:s0+$0x0]  }
0x1b3: {  	p2 =	sne.s32 s29, $0x1  }
.Ltmp12:
0x1b4: {  	_ = 	snop;
	(pc) =	sbr.rel @!p2 .LBB2_26-.Ltmp12, $4  }
0x1b5: {  	vm1 =	vge.s32 v19, v3  }
0x1b6: {  	vm0 =	vmand vm0, vm1;
	vm1 =	vlt.s32 v19, v5;
	v19 =	vsub.s32 v19, v3  }
0x1b7: {  	s12 =	simm.s32 $0x10;
	vm0 =	vmand vm1, vm0;
	vm1 =	vgt.s32 v20, $0x0;
	vm2 =	vgt.s32 v19, $0x0  }
0x1b8: {  	s30 =	sadd.s32 $0xFFFFFFFF, s29;
	p1 =	por $0x1, $0x1;
	s1 =	simm.s32 $0x11000;
	v37 =	vor.u32 s12, v16;
	vm0 =	vmand vm1, vm0;
	v38 =	vnsel vm2, $0x0, v19  }
.LBB2_27:
0x1b9: {  	p2 =	sne.s32 s30, $0x1;
	vm1 =	vle.s32 v37, v35;
	v19 =	vmin.u32 v38, $0x3FFF  }
0x1ba: {  	v20 =	vsel vm1, v37, v35;
	_ =	sdelay $0x3  }
0x1bb: {  	[tilespmem:v19+s17+$0x0] =	vst.idx.msk vm0, v36;
	v36 =	vmov v37  }
0x1bc: {  	v19 =	vld.idx.msk [tilespmem:v20+s15+$0x0], $0xffff;
	_ =	sdelay $0x1  }
0x1bd: {  	s1 =	sadd.s32 $0x10, s1  }
0x1be: {  	v20 =	vld [tilespmem:s1+$0x0];
	_ =	sdelay $0x1  }
.Ltmp13:
0x1bf: {  	(pc) =	sbr.rel @p2 .LBB2_27-.Ltmp13, $4  }
0x1c0: {  	vm0 =	vge.s32 v19, v3  }
0x1c1: {  	vm0 =	vmand vm1, vm0;
	vm1 =	vlt.s32 v19, v5;
	v19 =	vsub.s32 v19, v3  }
0x1c2: {  	s12 =	sadd.s32 $0x10, s12;
	vm0 =	vmand vm1, vm0;
	vm2 =	vgt.s32 v19, $0x0;
	vm1 =	vgt.s32 v20, $0x0  }
0x1c3: {  	s30 =	sadd.s32 $0xFFFFFFFF, s30;
	v37 =	vor.u32 s12, v16;
	v38 =	vnsel vm2, $0x0, v19;
	vm0 =	vmand vm1, vm0  }
.LBB2_28:
0x1c4: {  	vm1 =	vle.s32 v37, v35;
	v19 =	vmin.u32 @p1 v38, $0x3FFF  }
0x1c5: {  	v20 =	vsel vm1, v37, v35;
	_ =	sdelay $0x3  }
0x1c6: {  	[tilespmem:v19+s17+$0x0] =	vst.idx.msk @p1 vm0, v36  }
0x1c7: {  	s1 =	sadd.s32 @p1 $0x10, s1;
	v19 =	vld.idx.msk [tilespmem:v20+s15+$0x0], $0xffff  }
0x1c8: {  	s0 =	smov.u32 @p1 s1  }
0x1c9: {  	v20 =	vld [tilespmem:s0+$0x0];
	_ =	sdelay $0x2  }
0x1ca: {  	vm9 =	vge.s32 v19, v3  }
0x1cb: {  	vm10 =	vlt.s32 v19, v5;
	v19 =	vsub.s32 v19, v3;
	vm0 =	vmand vm1, vm9  }
0x1cc: {  	vm11 =	vgt.s32 v20, $0x0;
	vm2 =	vgt.s32 v19, $0x0;
	vm0 =	vmand vm10, vm0  }
0x1cd: {  	v19 =	vnsel vm2, $0x0, v19;
	vm0 =	vmand vm11, vm0  }
0x1ce: {  	v19 =	vmin.u32 v19, $0x3FFF;
	_ =	sdelay $0x4  }
0x1cf: {  	s12 =	smov.u32 s28;
	s1 =	simm.s32 $0x0;
	s0 =	simm.s32 $0x0;
	[tilespmem:v19+s17+$0x0] =	vst.idx.msk vm0, v37  }
.LBB2_29:
0x1d0: {  	v19 =	vor.u32 s0, v16  }
0x1d1: {  	vm0 =	vle.s32 v19, v35  }
0x1d2: {  	v19 =	vsel vm0, v19, v35;
	_ =	sdelay $0x4  }
0x1d3: {  	v20 =	vld.idx.msk [tilespmem:v19+s15+$0x0], $0xffff;
	_ =	sdelay $0x4  }
0x1d4: {  	v21 =	vsub.s32 v20, v3  }
0x1d5: {  	vm1 =	vgt.s32 v21, $0x0  }
0x1d6: {  	v21 =	vnsel vm1, $0x0, v21  }
0x1d7: {  	v21 =	vmin.u32 v21, $0x3FFF;
	_ =	sdelay $0x4  }
0x1d8: {  	v21 =	vld.idx.msk [tilespmem:v21+s17+$0x0], $0xffff;
	_ =	sdelay $0x4  }
0x1d9: {  	vm9 =	vgt.s32 v21, $0x0  }
0x1da: {  	v21 =	vnsel vm9, $0x0, v21  }
0x1db: {  	vm1 =	vlt.s32 v21, v35  }
0x1dc: {  	v21 =	vsel vm1, v21, v35;
	_ =	sdelay $0x1  }
0x1dd: {  	vm10 =	vge.s32 v20, v3  }
0x1de: {  	vm11 =	vlt.s32 v20, v5;
	vm0 =	vmand vm0, vm10  }
0x1df: {  	vm0 =	vmand vm11, vm0  }
0x1e0: {  	p1 =	sne.s32 s12, $0x1;
	v20 =	vld.idx.msk [tilespmem:v21+s16+$0x0], $0xffff  }
.Ltmp14:
0x1e1: {  	_ = 	snop;
	(pc) =	sbr.rel @p1 .LBB2_29-.Ltmp14, $2  }
0x1e2: {  	_ =	sdelay $0x2  }
0x1e3: {  	s0 =	sadd.s32 $0x10, s0;
	s12 =	sadd.s32 $0xFFFFFFFF, s12;
	[tilespmem:v19+s16+$0x0] =	vst.idx.msk vm0, v20  }
.Ltmp15:
0x1e4: {  	(pc) =	sbr.rel @!p0 .LBB2_31-.Ltmp15, $2  }
0x1e5: {  	_ =	sdelay $0x2  }
0x1e6: {  	s0 =	simm.s32 $0x11000;
	v36 =	vor.u32 s1, v16;
	p1 =	por $0x0, $0x0  }
0x1e7: {  	vm0 =	vle.s32 v36, v35  }
0x1e8: {  	v19 =	vsel vm0, v36, v35;
	_ =	sdelay $0x4  }
0x1e9: {  	v19 =	vld.idx.msk [tilespmem:v19+s15+$0x0], $0xffff;
	_ =	sdelay $0x1  }
0x1ea: {  	v20 =	vld [tilespmem:s0+$0x0]  }
0x1eb: {  	p2 =	sne.s32 s29, $0x1  }
.Ltmp16:
0x1ec: {  	_ = 	snop;
	(pc) =	sbr.rel @!p2 .LBB2_33-.Ltmp16, $4  }
0x1ed: {  	vm1 =	vge.s32 v19, v4  }
0x1ee: {  	vm0 =	vmand vm0, vm1;
	vm1 =	vlt.s32 v19, v6;
	v19 =	vsub.s32 v19, v4  }
0x1ef: {  	s12 =	simm.s32 $0x10;
	vm0 =	vmand vm1, vm0;
	vm1 =	vgt.s32 v20, $0x0;
	vm2 =	vgt.s32 v19, $0x0  }
0x1f0: {  	s30 =	sadd.s32 $0xFFFFFFFF, s29;
	p1 =	por $0x1, $0x1;
	s1 =	simm.s32 $0x11000;
	v37 =	vor.u32 s12, v16;
	vm0 =	vmand vm1, vm0;
	v38 =	vnsel vm2, $0x0, v19  }
.LBB2_34:
0x1f1: {  	p2 =	sne.s32 s30, $0x1;
	vm1 =	vle.s32 v37, v35;
	v19 =	vmin.u32 v38, $0x3FFF  }
0x1f2: {  	v20 =	vsel vm1, v37, v35;
	_ =	sdelay $0x3  }
0x1f3: {  	[tilespmem:v19+s17+$0x0] =	vst.idx.msk vm0, v36;
	v36 =	vmov v37  }
0x1f4: {  	v19 =	vld.idx.msk [tilespmem:v20+s15+$0x0], $0xffff;
	_ =	sdelay $0x1  }
0x1f5: {  	s1 =	sadd.s32 $0x10, s1  }
0x1f6: {  	v20 =	vld [tilespmem:s1+$0x0];
	_ =	sdelay $0x1  }
.Ltmp17:
0x1f7: {  	(pc) =	sbr.rel @p2 .LBB2_34-.Ltmp17, $4  }
0x1f8: {  	vm0 =	vge.s32 v19, v4  }
0x1f9: {  	vm0 =	vmand vm1, vm0;
	vm1 =	vlt.s32 v19, v6;
	v19 =	vsub.s32 v19, v4  }
0x1fa: {  	s12 =	sadd.s32 $0x10, s12;
	vm0 =	vmand vm1, vm0;
	vm2 =	vgt.s32 v19, $0x0;
	vm1 =	vgt.s32 v20, $0x0  }
0x1fb: {  	s30 =	sadd.s32 $0xFFFFFFFF, s30;
	v37 =	vor.u32 s12, v16;
	v38 =	vnsel vm2, $0x0, v19;
	vm0 =	vmand vm1, vm0  }
.LBB2_35:
0x1fc: {  	vm1 =	vle.s32 v37, v35;
	v19 =	vmin.u32 @p1 v38, $0x3FFF  }
0x1fd: {  	v20 =	vsel vm1, v37, v35;
	_ =	sdelay $0x3  }
0x1fe: {  	[tilespmem:v19+s17+$0x0] =	vst.idx.msk @p1 vm0, v36  }
0x1ff: {  	s1 =	sadd.s32 @p1 $0x10, s1;
	v19 =	vld.idx.msk [tilespmem:v20+s15+$0x0], $0xffff  }
0x200: {  	s0 =	smov.u32 @p1 s1  }
0x201: {  	v20 =	vld [tilespmem:s0+$0x0];
	_ =	sdelay $0x2  }
0x202: {  	vm9 =	vge.s32 v19, v4  }
0x203: {  	vm10 =	vlt.s32 v19, v6;
	v19 =	vsub.s32 v19, v4;
	vm0 =	vmand vm1, vm9  }
0x204: {  	vm11 =	vgt.s32 v20, $0x0;
	vm2 =	vgt.s32 v19, $0x0;
	vm0 =	vmand vm10, vm0  }
0x205: {  	v19 =	vnsel vm2, $0x0, v19;
	vm0 =	vmand vm11, vm0  }
0x206: {  	v19 =	vmin.u32 v19, $0x3FFF;
	_ =	sdelay $0x4  }
0x207: {  	s12 =	smov.u32 s28;
	s1 =	simm.s32 $0x0;
	s0 =	simm.s32 $0x0;
	[tilespmem:v19+s17+$0x0] =	vst.idx.msk vm0, v37  }
.LBB2_36:
0x208: {  	v19 =	vor.u32 s0, v16  }
0x209: {  	vm0 =	vle.s32 v19, v35  }
0x20a: {  	v19 =	vsel vm0, v19, v35;
	_ =	sdelay $0x4  }
0x20b: {  	v20 =	vld.idx.msk [tilespmem:v19+s15+$0x0], $0xffff;
	_ =	sdelay $0x4  }
0x20c: {  	v21 =	vsub.s32 v20, v4  }
0x20d: {  	vm1 =	vgt.s32 v21, $0x0  }
0x20e: {  	v21 =	vnsel vm1, $0x0, v21  }
0x20f: {  	v21 =	vmin.u32 v21, $0x3FFF;
	_ =	sdelay $0x4  }
0x210: {  	v21 =	vld.idx.msk [tilespmem:v21+s17+$0x0], $0xffff;
	_ =	sdelay $0x4  }
0x211: {  	vm9 =	vgt.s32 v21, $0x0  }
0x212: {  	v21 =	vnsel vm9, $0x0, v21  }
0x213: {  	vm1 =	vlt.s32 v21, v35  }
0x214: {  	v21 =	vsel vm1, v21, v35;
	_ =	sdelay $0x1  }
0x215: {  	vm10 =	vge.s32 v20, v4  }
0x216: {  	vm11 =	vlt.s32 v20, v6;
	vm0 =	vmand vm0, vm10  }
0x217: {  	vm0 =	vmand vm11, vm0  }
0x218: {  	p1 =	sne.s32 s12, $0x1;
	v20 =	vld.idx.msk [tilespmem:v21+s16+$0x0], $0xffff  }
.Ltmp18:
0x219: {  	_ = 	snop;
	(pc) =	sbr.rel @p1 .LBB2_36-.Ltmp18, $2  }
0x21a: {  	_ =	sdelay $0x2  }
0x21b: {  	s0 =	sadd.s32 $0x10, s0;
	s12 =	sadd.s32 $0xFFFFFFFF, s12;
	[tilespmem:v19+s16+$0x0] =	vst.idx.msk vm0, v20  }
.Ltmp19:
0x21c: {  	(pc) =	sbr.rel @!p0 .LBB2_38-.Ltmp19, $2  }
0x21d: {  	_ =	sdelay $0x2  }
0x21e: {  	s0 =	simm.s32 $0x11000;
	v36 =	vor.u32 s1, v16;
	p1 =	por $0x0, $0x0  }
0x21f: {  	vm0 =	vle.s32 v36, v35  }
0x220: {  	v19 =	vsel vm0, v36, v35;
	_ =	sdelay $0x4  }
0x221: {  	v19 =	vld.idx.msk [tilespmem:v19+s15+$0x0], $0xffff;
	_ =	sdelay $0x1  }
0x222: {  	v20 =	vld [tilespmem:s0+$0x0]  }
0x223: {  	p2 =	sne.s32 s29, $0x1  }
.Ltmp20:
0x224: {  	_ = 	snop;
	(pc) =	sbr.rel @!p2 .LBB2_40-.Ltmp20, $4  }
0x225: {  	vm1 =	vge.s32 v19, v7  }
0x226: {  	vm0 =	vmand vm0, vm1;
	vm1 =	vlt.s32 v19, v8;
	v19 =	vsub.s32 v19, v7  }
0x227: {  	s12 =	simm.s32 $0x10;
	vm0 =	vmand vm1, vm0;
	vm1 =	vgt.s32 v20, $0x0;
	vm2 =	vgt.s32 v19, $0x0  }
0x228: {  	s30 =	sadd.s32 $0xFFFFFFFF, s29;
	p1 =	por $0x1, $0x1;
	s1 =	simm.s32 $0x11000;
	v37 =	vor.u32 s12, v16;
	vm0 =	vmand vm1, vm0;
	v38 =	vnsel vm2, $0x0, v19  }
.LBB2_41:
0x229: {  	p2 =	sne.s32 s30, $0x1;
	vm1 =	vle.s32 v37, v35;
	v19 =	vmin.u32 v38, $0x3FFF  }
0x22a: {  	v20 =	vsel vm1, v37, v35;
	_ =	sdelay $0x3  }
0x22b: {  	[tilespmem:v19+s17+$0x0] =	vst.idx.msk vm0, v36;
	v36 =	vmov v37  }
0x22c: {  	v19 =	vld.idx.msk [tilespmem:v20+s15+$0x0], $0xffff;
	_ =	sdelay $0x1  }
0x22d: {  	s1 =	sadd.s32 $0x10, s1  }
0x22e: {  	v20 =	vld [tilespmem:s1+$0x0];
	_ =	sdelay $0x1  }
.Ltmp21:
0x22f: {  	(pc) =	sbr.rel @p2 .LBB2_41-.Ltmp21, $4  }
0x230: {  	vm0 =	vge.s32 v19, v7  }
0x231: {  	vm0 =	vmand vm1, vm0;
	vm1 =	vlt.s32 v19, v8;
	v19 =	vsub.s32 v19, v7  }
0x232: {  	s12 =	sadd.s32 $0x10, s12;
	vm0 =	vmand vm1, vm0;
	vm2 =	vgt.s32 v19, $0x0;
	vm1 =	vgt.s32 v20, $0x0  }
0x233: {  	s30 =	sadd.s32 $0xFFFFFFFF, s30;
	v37 =	vor.u32 s12, v16;
	v38 =	vnsel vm2, $0x0, v19;
	vm0 =	vmand vm1, vm0  }
.LBB2_42:
0x234: {  	vm1 =	vle.s32 v37, v35;
	v19 =	vmin.u32 @p1 v38, $0x3FFF  }
0x235: {  	v20 =	vsel vm1, v37, v35;
	_ =	sdelay $0x3  }
0x236: {  	[tilespmem:v19+s17+$0x0] =	vst.idx.msk @p1 vm0, v36  }
0x237: {  	s1 =	sadd.s32 @p1 $0x10, s1;
	v19 =	vld.idx.msk [tilespmem:v20+s15+$0x0], $0xffff  }
0x238: {  	s0 =	smov.u32 @p1 s1  }
0x239: {  	v20 =	vld [tilespmem:s0+$0x0];
	_ =	sdelay $0x2  }
0x23a: {  	vm9 =	vge.s32 v19, v7  }
0x23b: {  	vm10 =	vlt.s32 v19, v8;
	v19 =	vsub.s32 v19, v7;
	vm0 =	vmand vm1, vm9  }
0x23c: {  	vm11 =	vgt.s32 v20, $0x0;
	vm2 =	vgt.s32 v19, $0x0;
	vm0 =	vmand vm10, vm0  }
0x23d: {  	v19 =	vnsel vm2, $0x0, v19;
	vm0 =	vmand vm11, vm0  }
0x23e: {  	v19 =	vmin.u32 v19, $0x3FFF;
	_ =	sdelay $0x4  }
0x23f: {  	s12 =	smov.u32 s28;
	s1 =	simm.s32 $0x0;
	s0 =	simm.s32 $0x0;
	[tilespmem:v19+s17+$0x0] =	vst.idx.msk vm0, v37  }
.LBB2_43:
0x240: {  	v19 =	vor.u32 s0, v16  }
0x241: {  	vm0 =	vle.s32 v19, v35  }
0x242: {  	v19 =	vsel vm0, v19, v35;
	_ =	sdelay $0x4  }
0x243: {  	v20 =	vld.idx.msk [tilespmem:v19+s15+$0x0], $0xffff;
	_ =	sdelay $0x4  }
0x244: {  	v21 =	vsub.s32 v20, v7  }
0x245: {  	vm1 =	vgt.s32 v21, $0x0  }
0x246: {  	v21 =	vnsel vm1, $0x0, v21  }
0x247: {  	v21 =	vmin.u32 v21, $0x3FFF;
	_ =	sdelay $0x4  }
0x248: {  	v21 =	vld.idx.msk [tilespmem:v21+s17+$0x0], $0xffff;
	_ =	sdelay $0x4  }
0x249: {  	vm9 =	vgt.s32 v21, $0x0  }
0x24a: {  	v21 =	vnsel vm9, $0x0, v21  }
0x24b: {  	vm1 =	vlt.s32 v21, v35  }
0x24c: {  	v21 =	vsel vm1, v21, v35;
	_ =	sdelay $0x1  }
0x24d: {  	vm10 =	vge.s32 v20, v7  }
0x24e: {  	vm11 =	vlt.s32 v20, v8;
	vm0 =	vmand vm0, vm10  }
0x24f: {  	vm0 =	vmand vm11, vm0  }
0x250: {  	p1 =	sne.s32 s12, $0x1;
	v20 =	vld.idx.msk [tilespmem:v21+s16+$0x0], $0xffff  }
.Ltmp22:
0x251: {  	_ = 	snop;
	(pc) =	sbr.rel @p1 .LBB2_43-.Ltmp22, $2  }
0x252: {  	_ =	sdelay $0x2  }
0x253: {  	s0 =	sadd.s32 $0x10, s0;
	s12 =	sadd.s32 $0xFFFFFFFF, s12;
	[tilespmem:v19+s16+$0x0] =	vst.idx.msk vm0, v20  }
.Ltmp23:
0x254: {  	(pc) =	sbr.rel @!p0 .LBB2_45-.Ltmp23, $2  }
0x255: {  	_ =	sdelay $0x2  }
0x256: {  	s0 =	simm.s32 $0x11000;
	v36 =	vor.u32 s1, v16;
	p1 =	por $0x0, $0x0  }
0x257: {  	vm0 =	vle.s32 v36, v35  }
0x258: {  	v19 =	vsel vm0, v36, v35;
	_ =	sdelay $0x4  }
0x259: {  	v19 =	vld.idx.msk [tilespmem:v19+s15+$0x0], $0xffff;
	_ =	sdelay $0x1  }
0x25a: {  	v20 =	vld [tilespmem:s0+$0x0]  }
0x25b: {  	p2 =	sne.s32 s29, $0x1  }
.Ltmp24:
0x25c: {  	_ = 	snop;
	(pc) =	sbr.rel @!p2 .LBB2_47-.Ltmp24, $4  }
0x25d: {  	vm1 =	vge.s32 v19, v9  }
0x25e: {  	vm0 =	vmand vm0, vm1;
	vm1 =	vlt.s32 v19, v11;
	v19 =	vsub.s32 v19, v9  }
0x25f: {  	s12 =	simm.s32 $0x10;
	vm0 =	vmand vm1, vm0;
	vm1 =	vgt.s32 v20, $0x0;
	vm2 =	vgt.s32 v19, $0x0  }
0x260: {  	s30 =	sadd.s32 $0xFFFFFFFF, s29;
	p1 =	por $0x1, $0x1;
	s1 =	simm.s32 $0x11000;
	v37 =	vor.u32 s12, v16;
	vm0 =	vmand vm1, vm0;
	v38 =	vnsel vm2, $0x0, v19  }
.LBB2_48:
0x261: {  	p2 =	sne.s32 s30, $0x1;
	vm1 =	vle.s32 v37, v35;
	v19 =	vmin.u32 v38, $0x3FFF  }
0x262: {  	v20 =	vsel vm1, v37, v35;
	_ =	sdelay $0x3  }
0x263: {  	[tilespmem:v19+s17+$0x0] =	vst.idx.msk vm0, v36;
	v36 =	vmov v37  }
0x264: {  	v19 =	vld.idx.msk [tilespmem:v20+s15+$0x0], $0xffff;
	_ =	sdelay $0x1  }
0x265: {  	s1 =	sadd.s32 $0x10, s1  }
0x266: {  	v20 =	vld [tilespmem:s1+$0x0];
	_ =	sdelay $0x1  }
.Ltmp25:
0x267: {  	(pc) =	sbr.rel @p2 .LBB2_48-.Ltmp25, $4  }
0x268: {  	vm0 =	vge.s32 v19, v9  }
0x269: {  	vm0 =	vmand vm1, vm0;
	vm1 =	vlt.s32 v19, v11;
	v19 =	vsub.s32 v19, v9  }
0x26a: {  	s12 =	sadd.s32 $0x10, s12;
	vm0 =	vmand vm1, vm0;
	vm2 =	vgt.s32 v19, $0x0;
	vm1 =	vgt.s32 v20, $0x0  }
0x26b: {  	s30 =	sadd.s32 $0xFFFFFFFF, s30;
	v37 =	vor.u32 s12, v16;
	v38 =	vnsel vm2, $0x0, v19;
	vm0 =	vmand vm1, vm0  }
.LBB2_49:
0x26c: {  	vm1 =	vle.s32 v37, v35;
	v19 =	vmin.u32 @p1 v38, $0x3FFF  }
0x26d: {  	v20 =	vsel vm1, v37, v35;
	_ =	sdelay $0x3  }
0x26e: {  	[tilespmem:v19+s17+$0x0] =	vst.idx.msk @p1 vm0, v36  }
0x26f: {  	s1 =	sadd.s32 @p1 $0x10, s1;
	v19 =	vld.idx.msk [tilespmem:v20+s15+$0x0], $0xffff  }
0x270: {  	s0 =	smov.u32 @p1 s1  }
0x271: {  	v20 =	vld [tilespmem:s0+$0x0];
	_ =	sdelay $0x2  }
0x272: {  	vm9 =	vge.s32 v19, v9  }
0x273: {  	vm10 =	vlt.s32 v19, v11;
	v19 =	vsub.s32 v19, v9;
	vm0 =	vmand vm1, vm9  }
0x274: {  	vm11 =	vgt.s32 v20, $0x0;
	vm2 =	vgt.s32 v19, $0x0;
	vm0 =	vmand vm10, vm0  }
0x275: {  	v19 =	vnsel vm2, $0x0, v19;
	vm0 =	vmand vm11, vm0  }
0x276: {  	v19 =	vmin.u32 v19, $0x3FFF;
	_ =	sdelay $0x4  }
0x277: {  	s12 =	smov.u32 s28;
	s1 =	simm.s32 $0x0;
	s0 =	simm.s32 $0x0;
	[tilespmem:v19+s17+$0x0] =	vst.idx.msk vm0, v37  }
.LBB2_50:
0x278: {  	v19 =	vor.u32 s0, v16  }
0x279: {  	vm0 =	vle.s32 v19, v35  }
0x27a: {  	v19 =	vsel vm0, v19, v35;
	_ =	sdelay $0x4  }
0x27b: {  	v20 =	vld.idx.msk [tilespmem:v19+s15+$0x0], $0xffff;
	_ =	sdelay $0x4  }
0x27c: {  	v21 =	vsub.s32 v20, v9  }
0x27d: {  	vm1 =	vgt.s32 v21, $0x0  }
0x27e: {  	v21 =	vnsel vm1, $0x0, v21  }
0x27f: {  	v21 =	vmin.u32 v21, $0x3FFF;
	_ =	sdelay $0x4  }
0x280: {  	v21 =	vld.idx.msk [tilespmem:v21+s17+$0x0], $0xffff;
	_ =	sdelay $0x4  }
0x281: {  	vm9 =	vgt.s32 v21, $0x0  }
0x282: {  	v21 =	vnsel vm9, $0x0, v21  }
0x283: {  	vm1 =	vlt.s32 v21, v35  }
0x284: {  	v21 =	vsel vm1, v21, v35;
	_ =	sdelay $0x1  }
0x285: {  	vm10 =	vge.s32 v20, v9  }
0x286: {  	vm11 =	vlt.s32 v20, v11;
	vm0 =	vmand vm0, vm10  }
0x287: {  	vm0 =	vmand vm11, vm0  }
0x288: {  	p1 =	sne.s32 s12, $0x1;
	v20 =	vld.idx.msk [tilespmem:v21+s16+$0x0], $0xffff  }
.Ltmp26:
0x289: {  	_ = 	snop;
	(pc) =	sbr.rel @p1 .LBB2_50-.Ltmp26, $2  }
0x28a: {  	_ =	sdelay $0x2  }
0x28b: {  	s0 =	sadd.s32 $0x10, s0;
	s12 =	sadd.s32 $0xFFFFFFFF, s12;
	[tilespmem:v19+s16+$0x0] =	vst.idx.msk vm0, v20  }
.Ltmp27:
0x28c: {  	(pc) =	sbr.rel @!p0 .LBB2_52-.Ltmp27, $2  }
0x28d: {  	_ =	sdelay $0x2  }
0x28e: {  	s0 =	simm.s32 $0x11000;
	v36 =	vor.u32 s1, v16;
	p1 =	por $0x0, $0x0  }
0x28f: {  	vm0 =	vle.s32 v36, v35  }
0x290: {  	v19 =	vsel vm0, v36, v35;
	_ =	sdelay $0x4  }
0x291: {  	v19 =	vld.idx.msk [tilespmem:v19+s15+$0x0], $0xffff;
	_ =	sdelay $0x1  }
0x292: {  	v20 =	vld [tilespmem:s0+$0x0]  }
0x293: {  	p2 =	sne.s32 s29, $0x1  }
.Ltmp28:
0x294: {  	_ = 	snop;
	(pc) =	sbr.rel @!p2 .LBB2_54-.Ltmp28, $4  }
0x295: {  	vm1 =	vge.s32 v19, v10  }
0x296: {  	vm0 =	vmand vm0, vm1;
	vm1 =	vlt.s32 v19, v12;
	v19 =	vsub.s32 v19, v10  }
0x297: {  	s12 =	simm.s32 $0x10;
	vm0 =	vmand vm1, vm0;
	vm1 =	vgt.s32 v20, $0x0;
	vm2 =	vgt.s32 v19, $0x0  }
0x298: {  	s30 =	sadd.s32 $0xFFFFFFFF, s29;
	p1 =	por $0x1, $0x1;
	s1 =	simm.s32 $0x11000;
	v37 =	vor.u32 s12, v16;
	vm0 =	vmand vm1, vm0;
	v38 =	vnsel vm2, $0x0, v19  }
.LBB2_55:
0x299: {  	p2 =	sne.s32 s30, $0x1;
	vm1 =	vle.s32 v37, v35;
	v19 =	vmin.u32 v38, $0x3FFF  }
0x29a: {  	v20 =	vsel vm1, v37, v35;
	_ =	sdelay $0x3  }
0x29b: {  	[tilespmem:v19+s17+$0x0] =	vst.idx.msk vm0, v36;
	v36 =	vmov v37  }
0x29c: {  	v19 =	vld.idx.msk [tilespmem:v20+s15+$0x0], $0xffff;
	_ =	sdelay $0x1  }
0x29d: {  	s1 =	sadd.s32 $0x10, s1  }
0x29e: {  	v20 =	vld [tilespmem:s1+$0x0];
	_ =	sdelay $0x1  }
.Ltmp29:
0x29f: {  	(pc) =	sbr.rel @p2 .LBB2_55-.Ltmp29, $4  }
0x2a0: {  	vm0 =	vge.s32 v19, v10  }
0x2a1: {  	vm0 =	vmand vm1, vm0;
	vm1 =	vlt.s32 v19, v12;
	v19 =	vsub.s32 v19, v10  }
0x2a2: {  	s12 =	sadd.s32 $0x10, s12;
	vm0 =	vmand vm1, vm0;
	vm2 =	vgt.s32 v19, $0x0;
	vm1 =	vgt.s32 v20, $0x0  }
0x2a3: {  	s30 =	sadd.s32 $0xFFFFFFFF, s30;
	v37 =	vor.u32 s12, v16;
	v38 =	vnsel vm2, $0x0, v19;
	vm0 =	vmand vm1, vm0  }
.LBB2_56:
0x2a4: {  	vm1 =	vle.s32 v37, v35;
	v19 =	vmin.u32 @p1 v38, $0x3FFF  }
0x2a5: {  	v20 =	vsel vm1, v37, v35;
	_ =	sdelay $0x3  }
0x2a6: {  	[tilespmem:v19+s17+$0x0] =	vst.idx.msk @p1 vm0, v36  }
0x2a7: {  	s1 =	sadd.s32 @p1 $0x10, s1;
	v19 =	vld.idx.msk [tilespmem:v20+s15+$0x0], $0xffff  }
0x2a8: {  	s0 =	smov.u32 @p1 s1  }
0x2a9: {  	v20 =	vld [tilespmem:s0+$0x0];
	_ =	sdelay $0x2  }
0x2aa: {  	vm9 =	vge.s32 v19, v10  }
0x2ab: {  	vm10 =	vlt.s32 v19, v12;
	v19 =	vsub.s32 v19, v10;
	vm0 =	vmand vm1, vm9  }
0x2ac: {  	vm11 =	vgt.s32 v20, $0x0;
	vm2 =	vgt.s32 v19, $0x0;
	vm0 =	vmand vm10, vm0  }
0x2ad: {  	v19 =	vnsel vm2, $0x0, v19;
	vm0 =	vmand vm11, vm0  }
0x2ae: {  	v19 =	vmin.u32 v19, $0x3FFF;
	_ =	sdelay $0x4  }
0x2af: {  	s12 =	smov.u32 s28;
	s1 =	simm.s32 $0x0;
	s0 =	simm.s32 $0x0;
	[tilespmem:v19+s17+$0x0] =	vst.idx.msk vm0, v37  }
.LBB2_57:
0x2b0: {  	v19 =	vor.u32 s0, v16  }
0x2b1: {  	vm0 =	vle.s32 v19, v35  }
0x2b2: {  	v19 =	vsel vm0, v19, v35;
	_ =	sdelay $0x4  }
0x2b3: {  	v20 =	vld.idx.msk [tilespmem:v19+s15+$0x0], $0xffff;
	_ =	sdelay $0x4  }
0x2b4: {  	v21 =	vsub.s32 v20, v10  }
0x2b5: {  	vm1 =	vgt.s32 v21, $0x0  }
0x2b6: {  	v21 =	vnsel vm1, $0x0, v21  }
0x2b7: {  	v21 =	vmin.u32 v21, $0x3FFF;
	_ =	sdelay $0x4  }
0x2b8: {  	v21 =	vld.idx.msk [tilespmem:v21+s17+$0x0], $0xffff;
	_ =	sdelay $0x4  }
0x2b9: {  	vm9 =	vgt.s32 v21, $0x0  }
0x2ba: {  	v21 =	vnsel vm9, $0x0, v21  }
0x2bb: {  	vm1 =	vlt.s32 v21, v35  }
0x2bc: {  	v21 =	vsel vm1, v21, v35;
	_ =	sdelay $0x1  }
0x2bd: {  	vm10 =	vge.s32 v20, v10  }
0x2be: {  	vm11 =	vlt.s32 v20, v12;
	vm0 =	vmand vm0, vm10  }
0x2bf: {  	vm0 =	vmand vm11, vm0  }
0x2c0: {  	p1 =	sne.s32 s12, $0x1;
	v20 =	vld.idx.msk [tilespmem:v21+s16+$0x0], $0xffff  }
.Ltmp30:
0x2c1: {  	_ = 	snop;
	(pc) =	sbr.rel @p1 .LBB2_57-.Ltmp30, $2  }
0x2c2: {  	_ =	sdelay $0x2  }
0x2c3: {  	s0 =	sadd.s32 $0x10, s0;
	s12 =	sadd.s32 $0xFFFFFFFF, s12;
	[tilespmem:v19+s16+$0x0] =	vst.idx.msk vm0, v20  }
.Ltmp31:
0x2c4: {  	(pc) =	sbr.rel @!p0 .LBB2_59-.Ltmp31, $2  }
0x2c5: {  	_ =	sdelay $0x2  }
0x2c6: {  	s0 =	simm.s32 $0x11000;
	v36 =	vor.u32 s1, v16;
	p1 =	por $0x0, $0x0  }
0x2c7: {  	vm0 =	vle.s32 v36, v35  }
0x2c8: {  	v19 =	vsel vm0, v36, v35;
	_ =	sdelay $0x4  }
0x2c9: {  	v19 =	vld.idx.msk [tilespmem:v19+s15+$0x0], $0xffff;
	_ =	sdelay $0x1  }
0x2ca: {  	v20 =	vld [tilespmem:s0+$0x0]  }
0x2cb: {  	p2 =	sne.s32 s29, $0x1  }
.Ltmp32:
0x2cc: {  	_ = 	snop;
	(pc) =	sbr.rel @!p2 .LBB2_61-.Ltmp32, $4  }
0x2cd: {  	vm1 =	vge.s32 v19, v13  }
0x2ce: {  	vm0 =	vmand vm0, vm1;
	vm1 =	vlt.s32 v19, v14;
	v19 =	vsub.s32 v19, v13  }
0x2cf: {  	s12 =	simm.s32 $0x10;
	vm0 =	vmand vm1, vm0;
	vm1 =	vgt.s32 v20, $0x0;
	vm2 =	vgt.s32 v19, $0x0  }
0x2d0: {  	s30 =	sadd.s32 $0xFFFFFFFF, s29;
	p1 =	por $0x1, $0x1;
	s1 =	simm.s32 $0x11000;
	v37 =	vor.u32 s12, v16;
	vm0 =	vmand vm1, vm0;
	v38 =	vnsel vm2, $0x0, v19  }
.LBB2_62:
0x2d1: {  	p2 =	sne.s32 s30, $0x1;
	vm1 =	vle.s32 v37, v35;
	v19 =	vmin.u32 v38, $0x3FFF  }
0x2d2: {  	v20 =	vsel vm1, v37, v35;
	_ =	sdelay $0x3  }
0x2d3: {  	[tilespmem:v19+s17+$0x0] =	vst.idx.msk vm0, v36;
	v36 =	vmov v37  }
0x2d4: {  	v19 =	vld.idx.msk [tilespmem:v20+s15+$0x0], $0xffff;
	_ =	sdelay $0x1  }
0x2d5: {  	s1 =	sadd.s32 $0x10, s1  }
0x2d6: {  	v20 =	vld [tilespmem:s1+$0x0];
	_ =	sdelay $0x1  }
.Ltmp33:
0x2d7: {  	(pc) =	sbr.rel @p2 .LBB2_62-.Ltmp33, $4  }
0x2d8: {  	vm0 =	vge.s32 v19, v13  }
0x2d9: {  	vm0 =	vmand vm1, vm0;
	vm1 =	vlt.s32 v19, v14;
	v19 =	vsub.s32 v19, v13  }
0x2da: {  	s12 =	sadd.s32 $0x10, s12;
	vm0 =	vmand vm1, vm0;
	vm2 =	vgt.s32 v19, $0x0;
	vm1 =	vgt.s32 v20, $0x0  }
0x2db: {  	s30 =	sadd.s32 $0xFFFFFFFF, s30;
	v37 =	vor.u32 s12, v16;
	v38 =	vnsel vm2, $0x0, v19;
	vm0 =	vmand vm1, vm0  }
.LBB2_63:
0x2dc: {  	vm1 =	vle.s32 v37, v35;
	v19 =	vmin.u32 @p1 v38, $0x3FFF  }
0x2dd: {  	v20 =	vsel vm1, v37, v35;
	_ =	sdelay $0x3  }
0x2de: {  	[tilespmem:v19+s17+$0x0] =	vst.idx.msk @p1 vm0, v36  }
0x2df: {  	s1 =	sadd.s32 @p1 $0x10, s1;
	v19 =	vld.idx.msk [tilespmem:v20+s15+$0x0], $0xffff  }
0x2e0: {  	s0 =	smov.u32 @p1 s1  }
0x2e1: {  	v20 =	vld [tilespmem:s0+$0x0];
	_ =	sdelay $0x2  }
0x2e2: {  	vm9 =	vge.s32 v19, v13  }
0x2e3: {  	vm10 =	vlt.s32 v19, v14;
	v19 =	vsub.s32 v19, v13;
	vm0 =	vmand vm1, vm9  }
0x2e4: {  	vm11 =	vgt.s32 v20, $0x0;
	vm2 =	vgt.s32 v19, $0x0;
	vm0 =	vmand vm10, vm0  }
0x2e5: {  	v19 =	vnsel vm2, $0x0, v19;
	vm0 =	vmand vm11, vm0  }
0x2e6: {  	v19 =	vmin.u32 v19, $0x3FFF;
	_ =	sdelay $0x4  }
0x2e7: {  	s12 =	smov.u32 s28;
	s1 =	simm.s32 $0x0;
	s0 =	simm.s32 $0x0;
	[tilespmem:v19+s17+$0x0] =	vst.idx.msk vm0, v37  }
.LBB2_64:
0x2e8: {  	v19 =	vor.u32 s1, v16  }
0x2e9: {  	vm0 =	vle.s32 v19, v35  }
0x2ea: {  	v19 =	vsel vm0, v19, v35;
	_ =	sdelay $0x4  }
0x2eb: {  	v20 =	vld.idx.msk [tilespmem:v19+s15+$0x0], $0xffff;
	_ =	sdelay $0x4  }
0x2ec: {  	v21 =	vsub.s32 v20, v13  }
0x2ed: {  	vm1 =	vgt.s32 v21, $0x0  }
0x2ee: {  	v21 =	vnsel vm1, $0x0, v21  }
0x2ef: {  	v21 =	vmin.u32 v21, $0x3FFF;
	_ =	sdelay $0x4  }
0x2f0: {  	v21 =	vld.idx.msk [tilespmem:v21+s17+$0x0], $0xffff;
	_ =	sdelay $0x4  }
0x2f1: {  	vm9 =	vgt.s32 v21, $0x0  }
0x2f2: {  	v21 =	vnsel vm9, $0x0, v21  }
0x2f3: {  	vm1 =	vlt.s32 v21, v35  }
0x2f4: {  	v21 =	vsel vm1, v21, v35;
	_ =	sdelay $0x1  }
0x2f5: {  	vm10 =	vge.s32 v20, v13  }
0x2f6: {  	vm11 =	vlt.s32 v20, v14;
	vm0 =	vmand vm0, vm10  }
0x2f7: {  	vm0 =	vmand vm11, vm0  }
0x2f8: {  	p1 =	sne.s32 s12, $0x1;
	v20 =	vld.idx.msk [tilespmem:v21+s16+$0x0], $0xffff  }
.Ltmp34:
0x2f9: {  	_ = 	snop;
	(pc) =	sbr.rel @p1 .LBB2_64-.Ltmp34, $2  }
0x2fa: {  	_ =	sdelay $0x2  }
0x2fb: {  	s1 =	sadd.s32 $0x10, s1;
	s12 =	sadd.s32 $0xFFFFFFFF, s12;
	[tilespmem:v19+s16+$0x0] =	vst.idx.msk vm0, v20  }
0x2fc: {  	s1 =	simm.s32 $0x11000  }
.LBB2_66:
0x2fd: {  	v19 =	vor.u32 s0, v16  }
0x2fe: {  	vm0 =	vle.s32 v19, v35  }
0x2ff: {  	v20 =	vsel vm0, v19, v35;
	_ =	sdelay $0x4  }
0x300: {  	v20 =	vld.idx.msk [tilespmem:v20+s15+$0x0], $0xffff;
	_ =	sdelay $0x1  }
0x301: {  	v21 =	vld [tilespmem:s1+$0x0];
	_ =	sdelay $0x2  }
0x302: {  	vm1 =	vge.s32 v20, v15  }
0x303: {  	vm10 =	vlt.s32 v20, v17;
	v20 =	vsub.s32 v20, v15;
	vm0 =	vmand vm0, vm1  }
0x304: {  	vm11 =	vgt.s32 v21, $0x0;
	vm2 =	vgt.s32 v20, $0x0;
	vm0 =	vmand vm10, vm0  }
0x305: {  	v20 =	vnsel vm2, $0x0, v20;
	vm0 =	vmand vm11, vm0  }
0x306: {  	p1 =	sne.s32 s28, $0x1;
	v20 =	vmin.u32 v20, $0x3FFF  }
.Ltmp35:
0x307: {  	_ = 	snop;
	(pc) =	sbr.rel @p1 .LBB2_66-.Ltmp35, $2  }
0x308: {  	_ =	sdelay $0x2  }
0x309: {  	s1 =	sadd.s32 $0x10, s1;
	s0 =	sadd.s32 $0x10, s0;
	s28 =	sadd.s32 $0xFFFFFFFF, s28;
	[tilespmem:v20+s17+$0x0] =	vst.idx.msk vm0, v19  }
.Ltmp36:
0x30a: {  	(pc) =	sbr.rel @!p0 .LBB2_68-.Ltmp36, $3  }
0x30b: {  	_ =	sdelay $0x1  }
0x30c: {  	s0 =	simm.s32 $0x0  }
0x30d: {  	p1 =	por $0x0, $0x0;
	v37 =	vor.u32 s0, v16  }
0x30e: {  	vm0 =	vle.s32 v37, v35  }
0x30f: {  	v36 =	vsel vm0, v37, v35;
	_ =	sdelay $0x4  }
0x310: {  	v19 =	vld.idx.msk [tilespmem:v36+s15+$0x0], $0xffff;
	_ =	sdelay $0x4  }
0x311: {  	v20 =	vsub.s32 v19, v15  }
0x312: {  	vm1 =	vgt.s32 v20, $0x0  }
0x313: {  	v20 =	vnsel vm1, $0x0, v20  }
0x314: {  	v20 =	vmin.u32 v20, $0x3FFF;
	_ =	sdelay $0x4  }
0x315: {  	v20 =	vld.idx.msk [tilespmem:v20+s17+$0x0], $0xffff;
	_ =	sdelay $0x4  }
0x316: {  	vm1 =	vgt.s32 v20, $0x0  }
0x317: {  	v20 =	vnsel vm1, $0x0, v20  }
0x318: {  	vm1 =	vlt.s32 v20, v35  }
0x319: {  	p0 =	sne.s32 s29, $0x1;
	v20 =	vsel vm1, v20, v35  }
.Ltmp37:
0x31a: {  	_ = 	snop;
	(pc) =	sbr.rel @!p0 .LBB2_71-.Ltmp37, $4  }
0x31b: {  	_ = 	snop  }
0x31c: {  	vm1 =	vge.s32 v19, v15  }
0x31d: {  	s0 =	simm.s32 $0x10;
	vm0 =	vmand vm0, vm1;
	vm1 =	vlt.s32 v19, v17  }
0x31e: {  	s1 =	sadd.s32 $0xFFFFFFFF, s29;
	p1 =	por $0x1, $0x1;
	v37 =	vor.u32 s0, v16;
	vm1 =	vmand vm1, vm0;
	v38 =	vld.idx.msk [tilespmem:v20+s16+$0x0], $0xffff  }
.LBB2_70:
0x31f: {  	p0 =	sne.s32 s1, $0x1;
	vm0 =	vle.s32 v37, v35  }
0x320: {  	v19 =	vsel vm0, v37, v35;
	_ =	sdelay $0x3  }
0x321: {  	[tilespmem:v36+s16+$0x0] =	vst.idx.msk vm1, v38;
	v36 =	vmov v19  }
0x322: {  	v19 =	vld.idx.msk [tilespmem:v19+s15+$0x0], $0xffff;
	_ =	sdelay $0x5  }
0x323: {  	v20 =	vsub.s32 v19, v15  }
0x324: {  	vm1 =	vgt.s32 v20, $0x0  }
0x325: {  	v20 =	vnsel vm1, $0x0, v20  }
0x326: {  	v20 =	vmin.u32 v20, $0x3FFF;
	_ =	sdelay $0x4  }
0x327: {  	v20 =	vld.idx.msk [tilespmem:v20+s17+$0x0], $0xffff;
	_ =	sdelay $0x5  }
0x328: {  	vm1 =	vgt.s32 v20, $0x0  }
0x329: {  	v20 =	vnsel vm1, $0x0, v20  }
0x32a: {  	vm1 =	vlt.s32 v20, v35  }
0x32b: {  	v20 =	vsel vm1, v20, v35  }
.Ltmp38:
0x32c: {  	(pc) =	sbr.rel @p0 .LBB2_70-.Ltmp38, $4  }
0x32d: {  	_ = 	snop  }
0x32e: {  	vm1 =	vge.s32 v19, v15  }
0x32f: {  	s0 =	sadd.s32 $0x10, s0;
	vm0 =	vmand vm0, vm1;
	vm1 =	vlt.s32 v19, v17  }
0x330: {  	s1 =	sadd.s32 $0xFFFFFFFF, s1;
	v37 =	vor.u32 s0, v16;
	vm1 =	vmand vm1, vm0;
	v38 =	vld.idx.msk [tilespmem:v20+s16+$0x0], $0xffff  }
.LBB2_71:
0x331: {  	vm0 =	vle.s32 v37, v35  }
0x332: {  	v19 =	vsel vm0, v37, v35;
	_ =	sdelay $0x3  }
0x333: {  	[tilespmem:v36+s16+$0x0] =	vst.idx.msk @p1 vm1, v38  }
0x334: {  	v20 =	vld.idx.msk [tilespmem:v19+s15+$0x0], $0xffff;
	_ =	sdelay $0x4  }
0x335: {  	v21 =	vsub.s32 v20, v15  }
0x336: {  	vm8 =	vgt.s32 v21, $0x0  }
0x337: {  	v21 =	vnsel vm8, $0x0, v21  }
0x338: {  	v21 =	vmin.u32 v21, $0x3FFF;
	_ =	sdelay $0x4  }
0x339: {  	v21 =	vld.idx.msk [tilespmem:v21+s17+$0x0], $0xffff;
	_ =	sdelay $0x4  }
0x33a: {  	vm9 =	vgt.s32 v21, $0x0  }
0x33b: {  	v21 =	vnsel vm9, $0x0, v21  }
0x33c: {  	vm1 =	vlt.s32 v21, v35  }
0x33d: {  	v21 =	vsel vm1, v21, v35;
	_ =	sdelay $0x1  }
0x33e: {  	vm10 =	vge.s32 v20, v15  }
0x33f: {  	vm11 =	vlt.s32 v20, v17;
	vm0 =	vmand vm0, vm10  }
0x340: {  	vm0 =	vmand vm11, vm0  }
0x341: {  	v20 =	vld.idx.msk [tilespmem:v21+s16+$0x0], $0xffff;
	_ =	sdelay $0x4  }
0x342: {  	[tilespmem:v19+s16+$0x0] =	vst.idx.msk vm0, v20  }
.LBB2_72:
0x343: {  	s0 =	sadd.s32 $0x7FF, s26  }
0x344: {  	s0 =	sshra.s32 s0, $0xB  }
0x345: {  	s12 =	sshra.s32 s26, $0x4;
	s28 =	sshll.u32 s0, $0x7  }
0x346: {  	p0 =	sgt.s32 s28, s12  }
.Ltmp39:
0x347: {  	_ = 	snop;
	(pc) =	sbr.rel @!p0 .LBB2_76-.Ltmp39, $1  }
0x348: {  	_ =	sdelay $0x3  }
0x349: {  	s31 =	ssub.s32 s28, s12  }
0x34a: {  	p0 =	seq.s32 s31, $0x1  }
.Ltmp40:
0x34b: {  	s1 =	sshll.u32 s12, $0x4;
	v19 =	vshrl.u32 v16, $0x3;
	(pc) =	sbr.rel @p0 .LBB2_75-.Ltmp40, $4  }
0x34c: {  	v20 =	vmov s1;
	v36 =	vmul.u32 $0x8, v19  }
0x34d: {  	v37 =	vmov s26;
	v19 =	vor.u32 s1, v16;
	v20 =	vand.u32 $0xFFFFFFF8, v20  }
0x34e: {  	v38 =	vld.idx.msk [tilespmem:v35+s15+$0x0], $0xffff;
	v39 =	vand.u32 $0x7, v16;
	vm0 =	vge.s32 v19, v37;
	v19 =	vor.u32 v36, v20  }
0x34f: {  	v35 =	vld.idx.msk [tilespmem:v35+s16+$0x0], $0xffff;
	s12 =	sadd.s32 $0xFFFFFFFF, s31;
	vm1 =	vmmov vm0;
	v40 =	vor.u32 v39, v19  }
.LBB2_74:
0x350: {  	p0 =	seq.s32 s12, $0x1  }
.Ltmp41:
0x351: {  	s1 =	sadd.s32 $0x10, s1;
	(pc) =	sbr.rel @!p0 .LBB2_74-.Ltmp41, $4  }
0x352: {  	s12 =	sadd.s32 $0xFFFFFFFF, s12;
	v19 =	vmov s1  }
0x353: {  	v20 =	vor.u32 s1, v16;
	v19 =	vand.u32 $0xFFFFFFF8, v19  }
0x354: {  	v19 =	vor.u32 v36, v19;
	[tilespmem:v40+s15+$0x0] =	vst.idx.msk vm0, v38;
	vm0 =	vge.s32 v20, v37  }
0x355: {  	[tilespmem:v40+s16+$0x0] =	vst.idx.msk vm1, v35;
	v40 =	vor.u32 v39, v19;
	vm1 =	vmmov vm0  }
.LBB2_75:
0x356: {  	_ =	sdelay $0x4  }
0x357: {  	[tilespmem:v40+s15+$0x0] =	vst.idx.msk vm0, v38  }
0x358: {  	[tilespmem:v40+s16+$0x0] =	vst.idx.msk vm1, v35  }
.LBB2_76:
0x359: {  	_ =	swait.ge [sflag:s13], $0x1000  }
0x35a: {  	s1 =	simm.s32 $0xFF;
	[sflag:s13] =	ssyncset.done $0x0  }
.LBB2_77:
0x35b: {  	p0 =	seq.s32 s1, $0x1;
	s1 =	sadd.s32 $0xFFFFFFFF, s1;
	[sflag:s13] =	ssyncadd.s32 $0xFFFFF000  }
.Ltmp42:
0x35c: {  	(pc) =	sbr.rel @!p0 .LBB2_77-.Ltmp42, $3  }
0x35d: {  	_ =	sdelay $0x1  }
0x35e: {  	_ =	swait.ge [sflag:s13], $0x1000  }
0x35f: {  	[sflag:s13] =	ssyncset.done $0x0  }
0x360: {  	p0 =	sgt.s32 s0, $0x0  }
.Ltmp43:
0x361: {  	_ = 	snop;
	(pc) =	sbr.rel @!p0 .LBB2_82-.Ltmp43, $2  }
0x362: {  	_ =	sdelay $0x2  }
0x363: {  	[sflag:s13] =	ssyncadd.s32 $0xFFFFF000  }
0x364: {  	s1 =	simm.s32 $0x7000  }
0x365: {  	[tilespmem:s19], [sflag:$0x3] =	stream.indirect.gather [hbm4b:s4+s18], $0x8, s1, s18, $0xb8;
	[tilespmem:$0x1B000] =	vst v63  }
0x366: {  	p0 =	sne.s32 s0, $0x1;
	_ =	swait.ge [sflag:s20], $0x4000  }
.Ltmp44:
0x367: {  	[sflag:s20] =	ssyncset.done $0x0;
	(pc) =	sbr.rel @!p0 .LBB2_81-.Ltmp44, $4  }
0x368: {  	s12 =	simm.s32 $0x5000;
	[sflag:s20] =	ssyncadd.s32 $0xFFFFC000  }
0x369: {  	[hbm4b:s6+s18] =	stream.indirect.scatter [tilespmem:s19], [sflag:$0x4], $0x8, s12, s18, $0xb8;
	[tilespmem:$0x1B000] =	vst v63  }
0x36a: {  	_ =	swait.ge [sflag:s21], $0x4000  }
0x36b: {  	s0 =	sadd.s32 $0xFFFFFFFF, s0;
	[sflag:s21] =	ssyncset.done $0x0  }
.LBB2_80:
0x36c: {  	[sflag:s21] =	ssyncadd.s32 $0xFFFFC000;
	s1 =	sadd.s32 $0x800, s1;
	s12 =	sadd.s32 $0x800, s12  }
0x36d: {  	[tilespmem:s19], [sflag:$0x3] =	stream.indirect.gather [hbm4b:s4+s18], $0x8, s1, s18, $0xb8;
	[tilespmem:$0x1B000] =	vst v63  }
0x36e: {  	p0 =	sne.s32 s0, $0x1;
	s0 =	sadd.s32 $0xFFFFFFFF, s0;
	_ =	swait.ge [sflag:s20], $0x4000  }
.Ltmp45:
0x36f: {  	[sflag:s20] =	ssyncset.done $0x0;
	(pc) =	sbr.rel @p0 .LBB2_80-.Ltmp45, $4  }
0x370: {  	[sflag:s20] =	ssyncadd.s32 $0xFFFFC000  }
0x371: {  	[hbm4b:s6+s18] =	stream.indirect.scatter [tilespmem:s19], [sflag:$0x4], $0x8, s12, s18, $0xb8;
	[tilespmem:$0x1B000] =	vst v63  }
0x372: {  	_ =	swait.ge [sflag:s21], $0x4000  }
0x373: {  	[sflag:s21] =	ssyncset.done $0x0  }
.LBB2_81:
0x374: {  	[sflag:s21] =	ssyncadd.s32 $0xFFFFC000  }
.LBB2_82:
0x375: {  	[dreg:$0x8] =	wrdreg s5  }
0x376: {  	s26 =	simm.s32 $0x0;
	s0 =	rddreg [dreg:$0x5];
	s1 =	simm.s32 $0x13000  }
0x377: {  	[tilespmem:s1], [sflag:$0x5] =	stream.linear.gather [hbm4b:s0+s26], $0x2000, $0x38;
	[tilespmem:$0x1B000] =	vst v63  }
.LBB2_83:
0x378: {  	_ =	swait.ge [sflag:s23], $0x2000;
	s28 =	sadd.s32 $0x1, s26  }
0x379: {  	p0 =	seq.s32 s26, $0x7F;
	s24 =	simm.s32 $0xE;
	s29 =	simm.s32 $0x2  }
0x37a: {  	v35 =	vshrl.u32 v16, $0x3;
	s30 =	simm.s32 $0x4;
	s22 =	simm.s32 $0x6;
	s5 =	simm.s32 $0x8  }
0x37b: {  	s9 =	simm.s32 $0x0;
	v37 =	vand.u32 $0x7, v16;
	s11 =	simm.s32 $0xA;
	s31 =	simm.s32 $0xC;
	v36 =	vmul.u32 $0x8, v35  }
0x37c: {  	s25 =	sshll.u32 s26, $0xD;
	[sflag:s23] =	ssyncset.done $0x0;
	s0 =	sshll.u32 @!p0 s28, $0xD;
	v19 =	vmov s24;
	v20 =	vmov s29;
	v21 =	vmov s30  }
0x37d: {  	s1 =	sshll.u32 @!p0 s28, $0xA;
	s3 =	rddreg [dreg:$0x5];
	s12 =	simm.s32 @!p0 $0x0;
	v38 =	vmov s22;
	v39 =	vmov s9;
	v40 =	vmov s5  }
0x37e: {  	p1 =	slt.u32 @!p0 s26, $0x2;
	v41 =	vmov s11;
	v42 =	vmov s31;
	s25 =	sand.u32 $0x2000, s25;
	s5 =	sand.u32 $0x78, s5;
	v19 =	vshll.u32 v19, $0x3  }
0x37f: {  	s7 =	sand.u32 $0x76, s22;
	s22 =	simm.s32 $0x18;
	s0 =	sand.u32 @!p0 $0x2000, s0;
	v39 =	vshll.u32 v39, $0x3;
	v20 =	vshll.u32 v20, $0x3;
	v21 =	vshll.u32 v21, $0x3  }
0x380: {  	[sflag:s23] =	ssyncadd.s32 $0xFFFFE000;
	s1 =	sadd.s32 @!p0 s1, s3;
	v38 =	vshll.u32 v38, $0x3;
	v40 =	vshll.u32 v40, $0x3;
	v41 =	vshll.u32 v41, $0x3;
	s0 =	sadd.s32 @!p0 $0x13000, s0  }
0x381: {  	v42 =	vshll.u32 v42, $0x3;
	v56 =	vmov s22;
	v19 =	vor.u32 v36, v19;
	[tilespmem:s0], [sflag:$0x5] =	stream.linear.gather @!p0 [hbm4b:s1+s12], $0x2000, $0x38;
	[tilespmem:$0x1B000] =	vst v63  }
0x382: {  	s9 =	sand.u32 $0x70, s9;
	s29 =	sand.u32 $0x72, s29;
	v39 =	vor.u32 v36, v39;
	v20 =	vor.u32 v36, v20;
	v21 =	vor.u32 v36, v21;
	p0 =	por p0, !p1  }
0x383: {  	s30 =	sand.u32 $0x74, s30;
	s3 =	simm.s32 $0x0;
	v38 =	vor.u32 v36, v38;
	v40 =	vor.u32 v36, v40;
	v19 =	vor.u32 v37, v19;
	s0 =	simm.s32 @p0 $0x6  }
0x384: {  	s11 =	sand.u32 $0x7A, s11;
	v41 =	vor.u32 v36, v41;
	v42 =	vor.u32 v36, v42;
	s12 =	sand.u32 $0x1C00, s3;
	v39 =	vor.u32 v37, v39;
	_ =	swait.ge @p0 [sflag:s0], $0x2000  }
0x385: {  	s1 =	sadd.s32 $0x13000, s25;
	v20 =	vor.u32 v37, v20;
	v21 =	vor.u32 v37, v21;
	v44 =	vor.u32 v37, v38;
	s8 =	sor.u32 s12, s29;
	[sflag:s0] =	ssyncset.done @p0 $0x0  }
0x386: {  	v40 =	vor.u32 v37, v40;
	v38 =	vmul.u32 $0x80, v37;
	v41 =	vor.u32 v37, v41;
	s29 =	sor.u32 s12, s30;
	[sflag:s0] =	ssyncadd.s32 @p0 $0xFFFFE000;
	s0 =	sand.u32 $0x7E, s24  }
0x387: {  	v42 =	vor.u32 v37, v42;
	s9 =	sor.u32 s9, s12;
	s5 =	sor.u32 s12, s5;
	v45 =	vor.u32 s8, v34;
	v46 =	vor.u32 s29, v34;
	s0 =	sor.u32 s12, s0  }
0x388: {  	s11 =	sor.u32 s12, s11;
	v48 =	vor.u32 s9, v38;
	v50 =	vor.u32 s5, v38;
	v19 =	vld.idx.msk [tilespmem:v19+s1+$0x0], $0xffff;
	v43 =	vor.u32 s0, v34  }
0x389: {  	v49 =	vor.u32 s11, v34;
	s29 =	simm.s32 $0x1E;
	s5 =	simm.s32 $0x12;
	s9 =	simm.s32 $0x14;
	v48 =	vor.u32 v35, v48;
	v52 =	vor.u32 v35, v50  }
0x38a: {  	s11 =	simm.s32 $0x16;
	s8 =	simm.s32 $0x1C;
	v58 =	vmov s29;
	v51 =	vmov s5;
	v53 =	vmov s9;
	v39 =	vld.idx.msk [tilespmem:v39+s1+$0x0], $0xffff  }
0x38b: {  	v54 =	vmov s11;
	v60 =	vmov s8;
	v50 =	vshll.u32 v58, $0x3;
	v20 =	vld.idx.msk [tilespmem:v20+s1+$0x0], $0xffff;
	s0 =	sor.u32 s12, s7  }
0x38c: {  	v57 =	vshll.u32 v53, $0x3;
	v21 =	vld.idx.msk [tilespmem:v21+s1+$0x0], $0xffff;
	v50 =	vor.u32 v36, v50;
	v47 =	vor.u32 s0, v34;
	s0 =	sadd.s32 $0x17000, s25  }
0x38d: {  	s24 =	simm.s32 $0x10;
	v58 =	vshll.u32 v54, $0x3;
	v60 =	vshll.u32 v60, $0x3;
	s25 =	simm.s32 $0x1A;
	[tilespmem:v43+s0+$0x0] =	vst.idx.msk $0xffff, v19;
	v19 =	vor.u32 v37, v50  }
0x38e: {  	v55 =	vmov s24;
	v40 =	vld.idx.msk [tilespmem:v40+s1+$0x0], $0xffff;
	v57 =	vor.u32 v36, v57;
	v59 =	vmov s25  }
0x38f: {  	s30 =	simm.s32 $0x80;
	v58 =	vor.u32 v36, v58;
	v60 =	vor.u32 v36, v60;
	v59 =	vshll.u32 v59, $0x3;
	[tilespmem:v48+s0+$0x0] =	vst.idx.msk $0xffff, v39  }
0x390: {  	s3 =	sand.u32 $0x1C00, s30;
	v44 =	vld.idx.msk [tilespmem:v44+s1+$0x0], $0xffff;
	s7 =	sand.u32 $0x7E, s29;
	v39 =	vshll.u32 v51, $0x3;
	[tilespmem:v45+s0+$0x0] =	vst.idx.msk $0xffff, v20;
	v20 =	vshll.u32 v56, $0x3;
	v43 =	vshll.u32 v55, $0x3  }
0x391: {  	s31 =	sand.u32 $0x7C, s31;
	s8 =	sand.u32 $0x7C, s8;
	s7 =	sor.u32 s3, s7;
	[tilespmem:v46+s0+$0x0] =	vst.idx.msk $0xffff, v21;
	v46 =	vld.idx.msk [tilespmem:v41+s1+$0x0], $0xffff;
	v45 =	vor.u32 v36, v59;
	v21 =	vor.u32 v36, v43  }
0x392: {  	s22 =	sand.u32 $0x78, s22;
	s5 =	sand.u32 $0x72, s5;
	s8 =	sor.u32 s3, s8;
	v59 =	vor.u32 s7, v34;
	v43 =	vor.u32 v36, v39;
	v21 =	vor.u32 v37, v21;
	v19 =	vld.idx.msk [tilespmem:v19+s1+$0x0], $0xffff  }
0x393: {  	s9 =	sand.u32 $0x74, s9;
	s11 =	sand.u32 $0x76, s11;
	s12 =	sor.u32 s12, s31;
	v48 =	vor.u32 v37, v58;
	[tilespmem:v52+s0+$0x0] =	vst.idx.msk $0xffff, v40;
	v52 =	vor.u32 s8, v34;
	v51 =	vor.u32 v37, v43  }
0x394: {  	s24 =	sand.u32 $0x70, s24;
	v42 =	vld.idx.msk [tilespmem:v42+s1+$0x0], $0xffff;
	s7 =	sor.u32 s3, s9;
	s9 =	sor.u32 s3, s11;
	v20 =	vor.u32 v36, v20;
	v50 =	vor.u32 v37, v57;
	v39 =	vor.u32 s12, v34  }
0x395: {  	s5 =	sor.u32 s3, s5;
	v45 =	vor.u32 v37, v45;
	v41 =	vor.u32 s9, v34;
	s12 =	sand.u32 $0x7A, s25;
	[tilespmem:v47+s0+$0x0] =	vst.idx.msk $0xffff, v44;
	v47 =	vor.u32 v37, v20;
	s25 =	sor.u32 s24, s3  }
0x396: {  	v44 =	vor.u32 s5, v34;
	s11 =	sor.u32 s3, s12;
	v43 =	vor.u32 s7, v34;
	s3 =	sor.u32 s3, s22;
	v54 =	vor.u32 s25, v38;
	[tilespmem:v49+s0+$0x0] =	vst.idx.msk $0xffff, v46  }
0x397: {  	s31 =	simm.s32 $0x8;
	v40 =	vor.u32 s11, v34;
	v53 =	vor.u32 s3, v38;
	v46 =	vor.u32 v37, v60;
	v49 =	vld.idx.msk [tilespmem:v21+s1+$0x0], $0xffff;
	[tilespmem:v59+s0+$0x0] =	vst.idx.msk $0xffff, v19  }
.LBB2_84:
0x398: {  	s31 =	sadd.s32 $0x8, s31;
	v19 =	vor.u32 v35, v54;
	v20 =	vld.idx.msk [tilespmem:v51+s1+$0x0], $0xffff;
	v21 =	vor.u32 v35, v53;
	s29 =	sadd.s32 $0x10, s29  }
0x399: {  	s3 =	sadd.s32 $0xFFFFFFF4, s29;
	s5 =	sadd.s32 $0xFFFFFFF6, s29;
	v51 =	vmov s29;
	p0 =	slt.u32 s31, $0x1F8;
	v50 =	vld.idx.msk [tilespmem:v50+s1+$0x0], $0xffff;
	[tilespmem:v39+s0+$0x0] =	vst.idx.msk $0xffff, v42;
	v39 =	vmov v52  }
0x39a: {  	s7 =	sadd.s32 $0xFFFFFFF8, s29;
	s8 =	sadd.s32 $0xFFFFFFFA, s29;
	s9 =	sadd.s32 $0xFFFFFFFC, s29;
	v52 =	vmov s3;
	v53 =	vmov s5;
	v42 =	vshll.u32 v51, $0x3;
	v48 =	vld.idx.msk [tilespmem:v48+s1+$0x0], $0xffff  }
0x39b: {  	s11 =	sadd.s32 $0xFFFFFFF2, s29;
	s22 =	sadd.s32 $0xFFFFFFFE, s29;
	v51 =	vmov s7;
	s12 =	sand.u32 $0x78, s8;
	v42 =	vor.u32 v36, v42;
	v54 =	vld.idx.msk [tilespmem:v47+s1+$0x0], $0xffff  }
0x39c: {  	s3 =	sand.u32 $0x72, s3;
	s5 =	sand.u32 $0x74, s5;
	v55 =	vmov s8;
	v47 =	vmov s11;
	s11 =	sand.u32 $0x70, s11;
	v56 =	vor.u32 v37, v42;
	v57 =	vld.idx.msk [tilespmem:v45+s1+$0x0], $0xffff  }
0x39d: {  	s7 =	sand.u32 $0x76, s7;
	s8 =	sand.u32 $0x7A, s9;
	v58 =	vmov s22;
	v45 =	vshll.u32 v47, $0x3;
	v47 =	vmov s9;
	s9 =	sand.u32 $0x7C, s22;
	[tilespmem:v19+s0+$0x0] =	vst.idx.msk $0xffff, v49;
	v42 =	vld.idx.msk [tilespmem:v46+s1+$0x0], $0xffff  }
0x39e: {  	v19 =	vshll.u32 v52, $0x3;
	v46 =	vshll.u32 v53, $0x3;
	v49 =	vshll.u32 v51, $0x3;
	[tilespmem:v44+s0+$0x0] =	vst.idx.msk $0xffff, v20  }
0x39f: {  	s30 =	sadd.s32 $0x80, s30;
	v20 =	vshll.u32 v55, $0x3;
	v44 =	vshll.u32 v47, $0x3;
	v47 =	vshll.u32 v58, $0x3;
	[tilespmem:v43+s0+$0x0] =	vst.idx.msk $0xffff, v50  }
0x3a0: {  	s24 =	sand.u32 $0x7E, s29;
	s22 =	sand.u32 $0x1C00, s30;
	v19 =	vor.u32 v36, v19;
	v43 =	vor.u32 v36, v45;
	v45 =	vor.u32 v36, v46  }
0x3a1: {  	s11 =	sor.u32 s11, s22;
	s12 =	sor.u32 s22, s12;
	s24 =	sor.u32 s22, s24;
	v46 =	vor.u32 v36, v49;
	v20 =	vor.u32 v36, v20;
	v44 =	vor.u32 v36, v44;
	v55 =	vld.idx.msk [tilespmem:v56+s1+$0x0], $0xffff  }
0x3a2: {  	s3 =	sor.u32 s22, s3;
	s5 =	sor.u32 s22, s5;
	s7 =	sor.u32 s22, s7;
	v49 =	vor.u32 v37, v43;
	v43 =	vor.u32 v36, v47;
	v56 =	vor.u32 s24, v34;
	[tilespmem:v41+s0+$0x0] =	vst.idx.msk $0xffff, v48  }
.Ltmp46:
0x3a3: {  	s8 =	sor.u32 s22, s8;
	s9 =	sor.u32 s22, s9;
	v51 =	vor.u32 v37, v19;
	v50 =	vor.u32 v37, v45;
	v48 =	vor.u32 v37, v46;
	(pc) =	sbr.rel @p0 .LBB2_84-.Ltmp46, $4  }
0x3a4: {  	v47 =	vor.u32 v37, v20;
	v45 =	vor.u32 v37, v44;
	v46 =	vor.u32 v37, v43  }
0x3a5: {  	v44 =	vor.u32 s3, v34;
	v43 =	vor.u32 s5, v34;
	[tilespmem:v21+s0+$0x0] =	vst.idx.msk $0xffff, v54  }
0x3a6: {  	v52 =	vor.u32 s9, v34;
	v41 =	vor.u32 s7, v34;
	[tilespmem:v40+s0+$0x0] =	vst.idx.msk $0xffff, v57;
	v40 =	vor.u32 s8, v34  }
0x3a7: {  	v53 =	vor.u32 s12, v38;
	v54 =	vor.u32 s11, v38;
	v49 =	vld.idx.msk [tilespmem:v49+s1+$0x0], $0xffff;
	[tilespmem:v56+s0+$0x0] =	vst.idx.msk $0xffff, v55  }
0x3a8: {  	_ =	sdelay $0x2  }
0x3a9: {  	v19 =	vor.u32 v35, v54  }
0x3aa: {  	v20 =	vld.idx.msk [tilespmem:v51+s1+$0x0], $0xffff  }
0x3ab: {  	v21 =	vld.idx.msk [tilespmem:v50+s1+$0x0], $0xffff  }
0x3ac: {  	v36 =	vld.idx.msk [tilespmem:v48+s1+$0x0], $0xffff  }
0x3ad: {  	v60 =	vor.u32 v35, v53;
	[tilespmem:v39+s0+$0x0] =	vst.idx.msk $0xffff, v42;
	v37 =	vld.idx.msk [tilespmem:v47+s1+$0x0], $0xffff  }
0x3ae: {  	v38 =	vld.idx.msk [tilespmem:v45+s1+$0x0], $0xffff;
	[tilespmem:v19+s0+$0x0] =	vst.idx.msk $0xffff, v49  }
0x3af: {  	v19 =	vld.idx.msk [tilespmem:v46+s1+$0x0], $0xffff;
	[tilespmem:v44+s0+$0x0] =	vst.idx.msk $0xffff, v20  }
0x3b0: {  	[tilespmem:v43+s0+$0x0] =	vst.idx.msk $0xffff, v21  }
0x3b1: {  	[tilespmem:v41+s0+$0x0] =	vst.idx.msk $0xffff, v36  }
0x3b2: {  	p0 =	sne.s32 s28, $0x80;
	[tilespmem:v60+s0+$0x0] =	vst.idx.msk $0xffff, v37  }
.Ltmp47:
0x3b3: {  	[tilespmem:v40+s0+$0x0] =	vst.idx.msk $0xffff, v38;
	(pc) =	sbr.rel @p0 .LBB2_83-.Ltmp47, $4  }
0x3b4: {  	[tilespmem:v52+s0+$0x0] =	vst.idx.msk $0xffff, v19  }
0x3b5: {  	s31 =	sshll.u32 s26, $0xA;
	s3 =	rddreg [dreg:$0x6]  }
0x3b6: {  	s26 =	smov.u32 s28;
	s1 =	sadd.s32 s31, s3  }
0x3b7: {  	[hbm4b:s1+s2] =	stream.linear.scatter [tilespmem:s0], [sflag:$0x6], $0x2000, $0x38;
	[tilespmem:$0x1B000] =	vst v63  }
0x3b8: {  	s1 =	simm.s32 $0x6  }
0x3b9: {  	_ =	swait.ge [sflag:s1], $0x2000  }
0x3ba: {  	[sflag:s1] =	ssyncset.done $0x0  }
0x3bb: {  	[sflag:s1] =	ssyncadd.s32 $0xFFFFE000  }
0x3bc: {  	_ =	swait.ge [sflag:s1], $0x2000  }
0x3bd: {  	s5 =	rddreg [dreg:$0x8]  }
0x3be: {  	s0 =	rddreg [dreg:$0x7];
	s5 =	sadd.s32 $0x1, s5  }
0x3bf: {  	p0 =	sne.s32 s5, s0  }
.Ltmp48:
0x3c0: {  	_ = 	snop;
	(pc) =	sbr.rel @p0 .LBB2_1-.Ltmp48, $4  }
.Ltmp49:
0x3c1: {  	_ = 	snop;
	(pc) =	sbr.rel @!p0 .LBB2_87-.Ltmp49, $4  }
0x3c2: {  	_ = 	snop  }
0x3c3: {  	[sflag:s1] =	ssyncset.done $0x0  }
0x3c4: {  	s3 =	rddreg [dreg:$0x3];
	[sflag:s1] =	ssyncadd.s32 $0xFFFFE000  }
0x3c5: {  	_ = 	snop  }
.LBB2_10:
.Ltmp50:
0x3c6: {  	(pc) =	sbr.rel .LBB2_15-.Ltmp50, $2  }
0x3c7: {  	_ =	sdelay $0x2  }
0x3c8: {  	vm4 =	vmmov vm13;
	vm13 =	vmmov vm14;
	s1 =	simm.s32 $0x0;
	s31 =	simm.s32 $0x11000;
	p0 =	por $0x0, $0x0;
	vm14 =	vcmask $0x3F38  }
.LBB2_16:
.Ltmp51:
0x3c9: {  	(pc) =	sbr.rel .LBB2_21-.Ltmp51, $3  }
0x3ca: {  	_ =	sdelay $0x1  }
0x3cb: {  	v37 =	vmov v36;
	v62 =	vmov v22  }
0x3cc: {  	s0 =	simm.s32 $0x11000;
	v63 =	vmovc v23;
	v22 =	vmovc v24;
	v23 =	vmov v25;
	v61 =	vmov v26;
	vm13 =	vcmask $0x3F3C  }
.LBB2_24:
.Ltmp52:
0x3cd: {  	(pc) =	sbr.rel .LBB2_28-.Ltmp52, $2  }
0x3ce: {  	_ =	sdelay $0x2  }
0x3cf: {  	v37 =	vmov v36;
	s1 =	simm.s32 $0x11000  }
.LBB2_31:
.Ltmp53:
0x3d0: {  	(pc) =	sbr.rel .LBB2_35-.Ltmp53, $2  }
0x3d1: {  	_ =	sdelay $0x2  }
0x3d2: {  	v37 =	vmov v36;
	s1 =	simm.s32 $0x11000  }
.LBB2_38:
.Ltmp54:
0x3d3: {  	(pc) =	sbr.rel .LBB2_42-.Ltmp54, $2  }
0x3d4: {  	_ =	sdelay $0x2  }
0x3d5: {  	v37 =	vmov v36;
	s1 =	simm.s32 $0x11000  }
.LBB2_45:
.Ltmp55:
0x3d6: {  	(pc) =	sbr.rel .LBB2_49-.Ltmp55, $2  }
0x3d7: {  	_ =	sdelay $0x2  }
0x3d8: {  	v37 =	vmov v36;
	s1 =	simm.s32 $0x11000  }
.LBB2_52:
.Ltmp56:
0x3d9: {  	(pc) =	sbr.rel .LBB2_56-.Ltmp56, $2  }
0x3da: {  	_ =	sdelay $0x2  }
0x3db: {  	v37 =	vmov v36;
	s1 =	simm.s32 $0x11000  }
.LBB2_59:
.Ltmp57:
0x3dc: {  	(pc) =	sbr.rel .LBB2_63-.Ltmp57, $2  }
0x3dd: {  	_ =	sdelay $0x2  }
0x3de: {  	v37 =	vmov v36;
	s1 =	simm.s32 $0x11000  }
.LBB2_68:
.Ltmp58:
0x3df: {  	(pc) =	sbr.rel .LBB2_71-.Ltmp58, $2  }
0x3e0: {  	_ =	sdelay $0x2  }
0x3e1: {  	_ = 	snop  }
.LBB2_12:
.Ltmp59:
0x3e2: {  	(pc) =	sbr.rel .LBB2_15-.Ltmp59, $3  }
0x3e3: {  	_ =	sdelay $0x1  }
0x3e4: {  	v62 =	vmov v22;
	vm4 =	vcmask $0x3F3C  }
0x3e5: {  	s31 =	simm.s32 $0x11000;
	v63 =	vmovc v23;
	vm14 =	vcmask $0x3F38;
	v22 =	vmovc v24;
	v23 =	vmov v25;
	v61 =	vmov v26  }
.LBB2_18:
.Ltmp60:
0x3e6: {  	(pc) =	sbr.rel .LBB2_21-.Ltmp60, $3  }
0x3e7: {  	_ =	sdelay $0x1  }
0x3e8: {  	v62 =	vmov v22  }
0x3e9: {  	s0 =	simm.s32 $0x11000;
	v63 =	vmovc v23;
	v22 =	vmovc v24;
	v23 =	vmov v25;
	v61 =	vmov v26;
	vm13 =	vcmask $0x3F3C  }
.LBB2_26:
.Ltmp61:
0x3ea: {  	(pc) =	sbr.rel .LBB2_28-.Ltmp61, $2  }
0x3eb: {  	_ =	sdelay $0x2  }
0x3ec: {  	s1 =	simm.s32 $0x11000  }
.LBB2_33:
.Ltmp62:
0x3ed: {  	(pc) =	sbr.rel .LBB2_35-.Ltmp62, $2  }
0x3ee: {  	_ =	sdelay $0x2  }
0x3ef: {  	s1 =	simm.s32 $0x11000  }
.LBB2_40:
.Ltmp63:
0x3f0: {  	(pc) =	sbr.rel .LBB2_42-.Ltmp63, $2  }
0x3f1: {  	_ =	sdelay $0x2  }
0x3f2: {  	s1 =	simm.s32 $0x11000  }
.LBB2_47:
.Ltmp64:
0x3f3: {  	(pc) =	sbr.rel .LBB2_49-.Ltmp64, $2  }
0x3f4: {  	_ =	sdelay $0x2  }
0x3f5: {  	s1 =	simm.s32 $0x11000  }
.LBB2_54:
.Ltmp65:
0x3f6: {  	(pc) =	sbr.rel .LBB2_56-.Ltmp65, $2  }
0x3f7: {  	_ =	sdelay $0x2  }
0x3f8: {  	s1 =	simm.s32 $0x11000  }
.LBB2_61:
.Ltmp66:
0x3f9: {  	(pc) =	sbr.rel .LBB2_63-.Ltmp66, $2  }
0x3fa: {  	_ =	sdelay $0x2  }
0x3fb: {  	s1 =	simm.s32 $0x11000  }
.LBB2_87:
0x3fc: {  	_ =	sfence.sel $0x180000  }
0x3fd: {  	[bflag:$0x0] =	sbarrier.arrive $0xFFFF  }
0x3fe: {  	_ =	strace $0x90000047  }
0x3ff: {  	s0 =	stileid.u32;
	[bflag:$0x2] =	sbarrier.arrive $0xFFFF  }
0x400: {  	p0 =	sne.s32 s0, $0x0;
	s0 =	rddreg [dreg:$0x2]  }
0x401: {  	s0 =	sadd.s32 @!p0 $0x100000, s0  }
0x402: {  	[sflag:s0] =	ssyncadd.tile.s32 @!p0 $0x1;
	_ =	shalt  }
.Lfunc_end2:
_tile_overlayer_lowered:
.L_overlay_start_2:
0x403: {  	(tag) =	ssettag $0x2  }
0x404: {  	s0 =	rddreg [dreg:$0x0];
	s2 =	stileid.u32  }
0x405: {  	s1 =	rddreg [dreg:$0x1];
	p0 =	sne.s32 s2, $0x0  }
0x406: {  	s3 =	rddreg [dreg:$0x2];
	[bflag:$0x3] =	sbarrier.arrive $0xFFFF;
	s2 =	simm.s32 @!p0 $0x1C07  }
0x407: {  	[timem:s3], [sflag:s2] =	dma.local @!p0 [hbm:s0], s1  }
0x408: {  	s0 =	simm.s32 @!p0 $0x7  }
0x409: {  	_ =	swait.ge @!p0 [sflag:s0], s1  }
0x40a: {  	s1 =	ssub.s32 @!p0 $0x0, s1;
	[sflag:s0] =	ssyncset.done @!p0 $0x0  }
0x40b: {  	[sflag:s0] =	ssyncadd.s32 @!p0 s1  }
0x40c: {  	[bflag:$0x3] =	sbarrier.arrive $0xFFFF  }
0x40d: {  	_ =	shalt  }

</sc_bundles>
